<compile_context>
chip_gen: v7x
topology: tpu7x:2x2x1
jax: 0.10.2.dev20260603
libtpu: 0.0.44.dev20260713+nightly
codegen_flags: <defaults>
</compile_context>

<pallas_src>
import functools

import jax
import jax.numpy as jnp
from jax import lax
from jax.experimental import pallas as pl
from jax.experimental.pallas import tpu as pltpu
from jax.experimental.pallas import tpu_sc as plsc

B, P, V = 128, 16, 1024
N = P * P
K = 32
NEG_INF = float("-inf")


def _dense_body(logits_ref, mask_ref, u_sample_ref, u_conf_ref,
                conf_ref, pred_ref):
    x = logits_ref[...]
    u = u_sample_ref[...]
    maskv = mask_ref[0]
    uc = u_conf_ref[0]

    m = jnp.max(x, axis=-1, keepdims=True)
    e = jnp.exp(x - m)
    s = jnp.sum(e, axis=-1, keepdims=True)

    den = -jnp.log(u + 1e-9) + 1e-9
    r = (e + 1e-12 * s) / den
    pred = jnp.argmax(r, axis=-1).astype(jnp.int32)

    col = jax.lax.broadcasted_iota(jnp.int32, x.shape, 1)
    e_pred = jnp.sum(jnp.where(col == pred[:, None], e, 0.0), axis=-1)
    conf_p = e_pred / s[:, 0]

    gc = -jnp.log(-jnp.log(uc + 1e-9) + 1e-9)
    conf = jnp.log(conf_p + 1e-12)[None, :] + 4.5 * gc
    conf = jnp.where(maskv != 0.0, conf, NEG_INF)

    conf_ref[0] = conf
    pred_ref[0] = pred[None, :]



_SC_INFO = plsc.get_sparse_core_info()
NW = _SC_INFO.num_cores * _SC_INFO.num_subcores
RPW = B // NW
NB = N // 16


def _select_sc_body(conf_hbm, mask_hbm, pred_hbm, code_hbm,
                    code_out, mask_out, tresh_out,
                    conf_v, mask_v, pred_v, code_v,
                    pad_v, nmask_v, ncode_v, tresh_v, sem):
    wid = lax.axis_index("s") * _SC_INFO.num_cores + lax.axis_index("c")
    base = wid * RPW
    copies = [
        pltpu.async_copy(conf_hbm.at[pl.ds(base, RPW)], conf_v, sem),
        pltpu.async_copy(mask_hbm.at[pl.ds(base, RPW)], mask_v, sem),
        pltpu.async_copy(pred_hbm.at[pl.ds(base, RPW)], pred_v, sem),
        pltpu.async_copy(code_hbm.at[pl.ds(base, RPW)], code_v, sem),
    ]
    for c in copies:
        c.wait()

    lanes = lax.iota(jnp.int32, 16)
    neg = jnp.full((16,), NEG_INF, jnp.float32)
    for strip in (0, 48):
        pad_v[pl.ds(strip, 16)] = neg
        pad_v[pl.ds(strip + 32, 16)] = neg

    def splat_max(v, strip):
        v = jnp.maximum(v, lax.rev(v, (0,)))
        for sft in (1, 2, 4):
            pad_v[pl.ds(strip + 16, 16)] = v
            lo = pad_v[pl.ds(strip + 16 - sft, 16)]
            hi = pad_v[pl.ds(strip + 16 + sft, 16)]
            v = jnp.maximum(jnp.maximum(v, lo), hi)
        return v

    for rp in range(RPW // 2):
        ra, rb = 2 * rp, 2 * rp + 1
        wa = [conf_v[ra, pl.ds(16 * j, 16)] for j in range(NB)]
        wb = [conf_v[rb, pl.ds(16 * j, 16)] for j in range(NB)]
        zf = jnp.zeros((16,), jnp.float32)

        def step(t, carry):
            wa, wb, ta0, ta1, tb0, tb1 = carry
            ma = wa[0]
            mb = wb[0]
            for j in range(1, NB):
                ma = jnp.maximum(ma, wa[j])
                mb = jnp.maximum(mb, wb[j])
            ga = splat_max(ma, 0)
            gb = splat_max(mb, 48)
            wa = [jnp.where(w == ga, NEG_INF, w) for w in wa]
            wb = [jnp.where(w == gb, NEG_INF, w) for w in wb]
            ta0 = jnp.where(lanes == t, ga, ta0)
            ta1 = jnp.where(lanes == (t - 16), ga, ta1)
            tb0 = jnp.where(lanes == t, gb, tb0)
            tb1 = jnp.where(lanes == (t - 16), gb, tb1)
            return wa, wb, ta0, ta1, tb0, tb1

        wa, wb, ta0, ta1, tb0, tb1 = lax.fori_loop(
            0, K, step, (wa, wb, zf, zf, zf, zf))

        for rr, work, tv0, tv1 in ((ra, wa, ta0, ta1), (rb, wb, tb0, tb1)):
            tresh = splat_max(jnp.where(lanes == 15, tv1, NEG_INF), 0)
            for j in range(NB):
                ds = pl.ds(16 * j, 16)
                c = conf_v[rr, ds]
                mk = mask_v[rr, ds]
                sel = (c >= tresh) & (mk != 0.0)
                ncode_v[rr, ds] = jnp.where(sel, pred_v[rr, ds],
                                            code_v[rr, ds])
                nmask_v[rr, ds] = jnp.where(work[j] == NEG_INF, 0.0, mk)
            tresh_v[rr, pl.ds(0, 16)] = tv0
            tresh_v[rr, pl.ds(16, 16)] = tv1

    pltpu.sync_copy(ncode_v, code_out.at[pl.ds(base, RPW)])
    pltpu.sync_copy(nmask_v, mask_out.at[pl.ds(base, RPW)])
    pltpu.sync_copy(tresh_v, tresh_out.at[pl.ds(base, RPW)])


_select_sc = functools.partial(
    pl.kernel,
    mesh=plsc.VectorSubcoreMesh(core_axis_name="c", subcore_axis_name="s"),
    out_type=(
        jax.ShapeDtypeStruct((B, N), jnp.int32),
        jax.ShapeDtypeStruct((B, N), jnp.float32),
        jax.ShapeDtypeStruct((B, K), jnp.float32),
    ),
    scratch_types=[
        pltpu.VMEM((RPW, N), jnp.float32),
        pltpu.VMEM((RPW, N), jnp.float32),
        pltpu.VMEM((RPW, N), jnp.int32),
        pltpu.VMEM((RPW, N), jnp.int32),
        pltpu.VMEM((96,), jnp.float32),
        pltpu.VMEM((RPW, N), jnp.float32),
        pltpu.VMEM((RPW, N), jnp.int32),
        pltpu.VMEM((RPW, K), jnp.float32),
        pltpu.SemaphoreType.DMA,
    ],
)(_select_sc_body)


G = 32
RB = (B * N) // G


def kernel(logits, mask, u_sample, u_conf, code, k):
    del k
    logits2 = logits.reshape(B * N, V)
    u_sample2 = u_sample.reshape(B * N, V)
    mask3 = mask.reshape(G, 1, RB)
    u_conf3 = u_conf.reshape(G, 1, RB)

    conf, pred = pl.pallas_call(
        _dense_body,
        grid=(G,),
        in_specs=[
            pl.BlockSpec((RB, V), lambda b: (b, 0)),
            pl.BlockSpec((1, 1, RB), lambda b: (b, 0, 0)),
            pl.BlockSpec((RB, V), lambda b: (b, 0)),
            pl.BlockSpec((1, 1, RB), lambda b: (b, 0, 0)),
        ],
        out_specs=(
            pl.BlockSpec((1, 1, RB), lambda b: (b, 0, 0)),
            pl.BlockSpec((1, 1, RB), lambda b: (b, 0, 0)),
        ),
        out_shape=(
            jax.ShapeDtypeStruct((G, 1, RB), jnp.float32),
            jax.ShapeDtypeStruct((G, 1, RB), jnp.int32),
        ),
        compiler_params=pltpu.CompilerParams(
            dimension_semantics=("parallel",)),
    )(logits2, mask3, u_sample2, u_conf3)

    new_code, new_mask, tresh_conf = _select_sc(
        conf.reshape(B, N), mask, pred.reshape(B, N), code.reshape(B, N))

    return (new_code.reshape(B, P, P), new_mask, tresh_conf)

# --- scband reference (transcript-rebuilt; emitter-appended) ---
"""Pipeline reference for scband-mask-git-14018773254172 (READ-ONLY COPY).

The authoritative reference and input builder live on the scoring server;
editing this copy changes nothing except your own understanding.
"""

import jax, jax.numpy as jnp
import numpy as np

B, P, V = 128, 16, 1024
N = P * P


def _gumbel(u):
    eps = 1e-9
    return -jnp.log(-jnp.log(u + eps) + eps)


def setup_inputs(seed: int = 0) -> dict:
    key = jax.random.key(seed)
    k1, k2, k3, k4 = jax.random.split(key, 4)
    return {
        "logits": jax.random.normal(k1, (B, N, V), dtype=jnp.float32),
        "mask": jnp.ones((B, N), dtype=jnp.float32),
        "u_sample": jax.random.uniform(k3, (B, N, V), dtype=jnp.float32),
        "u_conf": jax.random.uniform(k4, (B, N), dtype=jnp.float32),
        "code": jax.random.randint(k2, (B, P, P), 0, 1024).astype(jnp.int32),
        "k": 32,
    }


def reference(logits, mask, u_sample, u_conf, code, k):
    # One MaskGIT confidence-based decoding step (randomize='linear', indice=0).
    sm_temp = 1.0
    r_temp = 4.5
    ratio = 0.0  # indice / len(scheduler) at step 0
    # prob = softmax(logit * sm_temp)
    prob = jax.nn.softmax(logits * sm_temp, axis=-1)
    # Categorical sampling via Gumbel-max trick (deterministic given u_sample)
    pred_code = jnp.argmax(jnp.log(prob + 1e-12) + _gumbel(u_sample), axis=-1)  # [B, N]
    # conf = gather(prob, pred_code)
    conf = jnp.take_along_axis(prob, pred_code[..., None], axis=2)[..., 0]  # [B, N]
    # randomize == 'linear': log-conf plus scaled Gumbel noise
    conf = jnp.log(conf + 1e-12) + r_temp * _gumbel(u_conf) * (1.0 - ratio)
    # conf[~mask] = -inf
    conf = jnp.where(mask.astype(bool), conf, -jnp.inf)
    # top-k over tokens
    tresh_conf, indice_mask = jax.lax.top_k(conf, 32)  # [B, k], [B, k]
    tresh = jnp.take(tresh_conf, k - 1, axis=1)
    conf_sel = conf >= tresh[:, None]
    f_mask = mask.astype(bool).reshape(B, P, P) & conf_sel.reshape(B, P, P)
    # code[f_mask] = pred_code[f_mask]
    new_code = jnp.where(f_mask, pred_code.reshape(B, P, P), code)
    # mask[i, indice_mask[i]] = 0
    new_mask = mask.at[jnp.arange(B)[:, None], indice_mask].set(0.0)
    return new_code, new_mask, tresh_conf

if __name__ == "__main__":
    import jax
    _d = setup_inputs()
    print(jax.jit(kernel)(*tuple(_d.values())))

</pallas_src>

<mosaic_0001>
#map = affine_map<(d0, d1) -> (0, 0)>
module attributes {stable_mosaic.version = 14 : i64} {
  func.func @_select_sc_body(%arg0: i32, %arg1: i32, %arg2: memref<128x256xf32, #tpu.memory_space<hbm>>, %arg3: memref<128x256xf32, #tpu.memory_space<hbm>>, %arg4: memref<128x256xi32, #tpu.memory_space<hbm>>, %arg5: memref<128x256xi32, #tpu.memory_space<hbm>>, %arg6: memref<128x256xi32, #tpu.memory_space<hbm>>, %arg7: memref<128x256xf32, #tpu.memory_space<hbm>>, %arg8: memref<128x32xf32, #tpu.memory_space<hbm>>, %arg9: memref<4x256xf32, #tpu.memory_space<vmem>>, %arg10: memref<4x256xf32, #tpu.memory_space<vmem>>, %arg11: memref<4x256xi32, #tpu.memory_space<vmem>>, %arg12: memref<4x256xi32, #tpu.memory_space<vmem>>, %arg13: memref<96xf32, #tpu.memory_space<vmem>>, %arg14: memref<4x256xf32, #tpu.memory_space<vmem>>, %arg15: memref<4x256xi32, #tpu.memory_space<vmem>>, %arg16: memref<4x32xf32, #tpu.memory_space<vmem>>, %arg17: memref<!tpu.dma_semaphore, #tpu.memory_space<semaphore_mem>>) attributes {dimension_semantics = [#tpu.dimension_semantics<core_parallel>, #tpu.dimension_semantics<subcore_parallel>], iteration_bounds = array<i64: 2, 16>, scalar_prefetch = 0 : i64, scratch_operands = 9 : i64, tpu.core_type = #tpu.core_type<sc_vector_subcore>, window_params = [{transform_indices = #map}, {transform_indices = #map}, {transform_indices = #map}, {transform_indices = #map}, {transform_indices = #map}, {transform_indices = #map}, {transform_indices = #map}]} {
    %mul3A = arith.constant 2 : i32
    %mul3A_0 = arith.muli %arg1, %mul3A : i32
    %add3A = arith.addi %mul3A_0, %arg0 : i32
    %mul3A_1 = arith.constant 4 : i32
    %mul3A_2 = arith.muli %add3A, %mul3A_1 : i32
    %dma_start3A = arith.constant 0 : i32
    %dma_start3A_3 = tpu.memref_slice %arg2[%mul3A_2, %dma_start3A] : memref<128x256xf32, #tpu.memory_space<hbm>> -> memref<4x256xf32, #tpu.memory_space<hbm>>
    %dma_start3A_4 = arith.constant 0 : i32
    %dma_start3A_5 = tpu.memref_slice %arg2[%mul3A_2, %dma_start3A_4] : memref<128x256xf32, #tpu.memory_space<hbm>> -> memref<4x256xf32, #tpu.memory_space<hbm>>
    tpu.enqueue_dma source(%dma_start3A_5 : memref<4x256xf32, #tpu.memory_space<hbm>>) target(%arg9 : memref<4x256xf32, #tpu.memory_space<vmem>>) target_semaphore(%arg17 : memref<!tpu.dma_semaphore, #tpu.memory_space<semaphore_mem>>)
    %dma_start3A_6 = arith.constant 0 : i32
    %dma_start3A_7 = tpu.memref_slice %arg3[%mul3A_2, %dma_start3A_6] : memref<128x256xf32, #tpu.memory_space<hbm>> -> memref<4x256xf32, #tpu.memory_space<hbm>>
    %dma_start3A_8 = arith.constant 0 : i32
    %dma_start3A_9 = tpu.memref_slice %arg3[%mul3A_2, %dma_start3A_8] : memref<128x256xf32, #tpu.memory_space<hbm>> -> memref<4x256xf32, #tpu.memory_space<hbm>>
    tpu.enqueue_dma source(%dma_start3A_9 : memref<4x256xf32, #tpu.memory_space<hbm>>) target(%arg10 : memref<4x256xf32, #tpu.memory_space<vmem>>) target_semaphore(%arg17 : memref<!tpu.dma_semaphore, #tpu.memory_space<semaphore_mem>>)
    %dma_start3A_10 = arith.constant 0 : i32
    %dma_start3A_11 = tpu.memref_slice %arg4[%mul3A_2, %dma_start3A_10] : memref<128x256xi32, #tpu.memory_space<hbm>> -> memref<4x256xi32, #tpu.memory_space<hbm>>
    %dma_start3A_12 = arith.constant 0 : i32
    %dma_start3A_13 = tpu.memref_slice %arg4[%mul3A_2, %dma_start3A_12] : memref<128x256xi32, #tpu.memory_space<hbm>> -> memref<4x256xi32, #tpu.memory_space<hbm>>
    tpu.enqueue_dma source(%dma_start3A_13 : memref<4x256xi32, #tpu.memory_space<hbm>>) target(%arg11 : memref<4x256xi32, #tpu.memory_space<vmem>>) target_semaphore(%arg17 : memref<!tpu.dma_semaphore, #tpu.memory_space<semaphore_mem>>)
    %dma_start3A_14 = arith.constant 0 : i32
    %dma_start3A_15 = tpu.memref_slice %arg5[%mul3A_2, %dma_start3A_14] : memref<128x256xi32, #tpu.memory_space<hbm>> -> memref<4x256xi32, #tpu.memory_space<hbm>>
    %dma_start3A_16 = arith.constant 0 : i32
    %dma_start3A_17 = tpu.memref_slice %arg5[%mul3A_2, %dma_start3A_16] : memref<128x256xi32, #tpu.memory_space<hbm>> -> memref<4x256xi32, #tpu.memory_space<hbm>>
    tpu.enqueue_dma source(%dma_start3A_17 : memref<4x256xi32, #tpu.memory_space<hbm>>) target(%arg12 : memref<4x256xi32, #tpu.memory_space<vmem>>) target_semaphore(%arg17 : memref<!tpu.dma_semaphore, #tpu.memory_space<semaphore_mem>>)
    %dma_wait3A = arith.constant 0 : i32
    %dma_wait3A_18 = tpu.memref_slice %arg2[%mul3A_2, %dma_wait3A] : memref<128x256xf32, #tpu.memory_space<hbm>> -> memref<4x256xf32, #tpu.memory_space<hbm>>
    %dma_wait3A_19 = arith.constant 0 : i32
    %dma_wait3A_20 = tpu.memref_slice %arg2[%mul3A_2, %dma_wait3A_19] : memref<128x256xf32, #tpu.memory_space<hbm>> -> memref<4x256xf32, #tpu.memory_space<hbm>>
    tpu.wait_dma2 semaphore(%arg17 : memref<!tpu.dma_semaphore, #tpu.memory_space<semaphore_mem>>) src(%dma_wait3A_20 : memref<4x256xf32, #tpu.memory_space<hbm>>) dst(%arg9 : memref<4x256xf32, #tpu.memory_space<vmem>>)
    %dma_wait3A_21 = arith.constant 0 : i32
    %dma_wait3A_22 = tpu.memref_slice %arg3[%mul3A_2, %dma_wait3A_21] : memref<128x256xf32, #tpu.memory_space<hbm>> -> memref<4x256xf32, #tpu.memory_space<hbm>>
    %dma_wait3A_23 = arith.constant 0 : i32
    %dma_wait3A_24 = tpu.memref_slice %arg3[%mul3A_2, %dma_wait3A_23] : memref<128x256xf32, #tpu.memory_space<hbm>> -> memref<4x256xf32, #tpu.memory_space<hbm>>
    tpu.wait_dma2 semaphore(%arg17 : memref<!tpu.dma_semaphore, #tpu.memory_space<semaphore_mem>>) src(%dma_wait3A_24 : memref<4x256xf32, #tpu.memory_space<hbm>>) dst(%arg10 : memref<4x256xf32, #tpu.memory_space<vmem>>)
    %dma_wait3A_25 = arith.constant 0 : i32
    %dma_wait3A_26 = tpu.memref_slice %arg4[%mul3A_2, %dma_wait3A_25] : memref<128x256xi32, #tpu.memory_space<hbm>> -> memref<4x256xi32, #tpu.memory_space<hbm>>
    %dma_wait3A_27 = arith.constant 0 : i32
    %dma_wait3A_28 = tpu.memref_slice %arg4[%mul3A_2, %dma_wait3A_27] : memref<128x256xi32, #tpu.memory_space<hbm>> -> memref<4x256xi32, #tpu.memory_space<hbm>>
    tpu.wait_dma2 semaphore(%arg17 : memref<!tpu.dma_semaphore, #tpu.memory_space<semaphore_mem>>) src(%dma_wait3A_28 : memref<4x256xi32, #tpu.memory_space<hbm>>) dst(%arg11 : memref<4x256xi32, #tpu.memory_space<vmem>>)
    %dma_wait3A_29 = arith.constant 0 : i32
    %dma_wait3A_30 = tpu.memref_slice %arg5[%mul3A_2, %dma_wait3A_29] : memref<128x256xi32, #tpu.memory_space<hbm>> -> memref<4x256xi32, #tpu.memory_space<hbm>>
    %dma_wait3A_31 = arith.constant 0 : i32
    %dma_wait3A_32 = tpu.memref_slice %arg5[%mul3A_2, %dma_wait3A_31] : memref<128x256xi32, #tpu.memory_space<hbm>> -> memref<4x256xi32, #tpu.memory_space<hbm>>
    tpu.wait_dma2 semaphore(%arg17 : memref<!tpu.dma_semaphore, #tpu.memory_space<semaphore_mem>>) src(%dma_wait3A_32 : memref<4x256xi32, #tpu.memory_space<hbm>>) dst(%arg12 : memref<4x256xi32, #tpu.memory_space<vmem>>)
    %iota3A = tpu.iota {dimensions = array<i32: 0>} : vector<16xi32>
    %broadcast_in_dim3A = arith.constant 0xFF800000 : f32
    %broadcast_in_dim3A_33 = vector.broadcast %broadcast_in_dim3A : f32 to vector<16xf32>
    %swap3A = arith.constant 0 : index
    %swap3A_34 = tpu.vector_load %arg13[%swap3A] {strides = array<i32>} : memref<96xf32, #tpu.memory_space<vmem>>, vector<16xf32>,
    %swap3A_35 = vector.shape_cast %swap3A_34 : vector<16xf32> to vector<16xf32>
    %swap3A_36 = vector.shape_cast %broadcast_in_dim3A_33 : vector<16xf32> to vector<16xf32>
    tpu.vector_store %arg13[%swap3A], %swap3A_36 {strides = array<i32>} : memref<96xf32, #tpu.memory_space<vmem>>, vector<16xf32>,
    %swap3A_37 = arith.constant 32 : index
    %swap3A_38 = tpu.vector_load %arg13[%swap3A_37] {strides = array<i32>} : memref<96xf32, #tpu.memory_space<vmem>>, vector<16xf32>,
    %swap3A_39 = vector.shape_cast %swap3A_38 : vector<16xf32> to vector<16xf32>
    %swap3A_40 = vector.shape_cast %broadcast_in_dim3A_33 : vector<16xf32> to vector<16xf32>
    tpu.vector_store %arg13[%swap3A_37], %swap3A_40 {strides = array<i32>} : memref<96xf32, #tpu.memory_space<vmem>>, vector<16xf32>,
    %swap3A_41 = arith.constant 48 : index
    %swap3A_42 = tpu.vector_load %arg13[%swap3A_41] {strides = array<i32>} : memref<96xf32, #tpu.memory_space<vmem>>, vector<16xf32>,
    %swap3A_43 = vector.shape_cast %swap3A_42 : vector<16xf32> to vector<16xf32>
    %swap3A_44 = vector.shape_cast %broadcast_in_dim3A_33 : vector<16xf32> to vector<16xf32>
    tpu.vector_store %arg13[%swap3A_41], %swap3A_44 {strides = array<i32>} : memref<96xf32, #tpu.memory_space<vmem>>, vector<16xf32>,
    %swap3A_45 = arith.constant 80 : index
    %swap3A_46 = tpu.vector_load %arg13[%swap3A_45] {strides = array<i32>} : memref<96xf32, #tpu.memory_space<vmem>>, vector<16xf32>,
    %swap3A_47 = vector.shape_cast %swap3A_46 : vector<16xf32> to vector<16xf32>
    %swap3A_48 = vector.shape_cast %broadcast_in_dim3A_33 : vector<16xf32> to vector<16xf32>
    tpu.vector_store %arg13[%swap3A_45], %swap3A_48 {strides = array<i32>} : memref<96xf32, #tpu.memory_space<vmem>>, vector<16xf32>,
    %get3A = arith.constant 0 : i32
    %get3A_49 = arith.index_cast %get3A : i32 to index
    %get3A_50 = arith.constant 0 : index
    %get3A_51 = tpu.vector_load %arg9[%get3A_49, %get3A_50] {strides = array<i32>} : memref<4x256xf32, #tpu.memory_space<vmem>>, vector<1x16xf32>,
    %get3A_52 = vector.shape_cast %get3A_51 : vector<1x16xf32> to vector<16xf32>
    %get3A_53 = arith.constant 0 : i32
    %get3A_54 = arith.index_cast %get3A_53 : i32 to index
    %get3A_55 = arith.constant 16 : index
    %get3A_56 = tpu.vector_load %arg9[%get3A_54, %get3A_55] {strides = array<i32>} : memref<4x256xf32, #tpu.memory_space<vmem>>, vector<1x16xf32>,
    %get3A_57 = vector.shape_cast %get3A_56 : vector<1x16xf32> to vector<16xf32>
    %get3A_58 = arith.constant 0 : i32
    %get3A_59 = arith.index_cast %get3A_58 : i32 to index
    %get3A_60 = arith.constant 32 : index
    %get3A_61 = tpu.vector_load %arg9[%get3A_59, %get3A_60] {strides = array<i32>} : memref<4x256xf32, #tpu.memory_space<vmem>>, vector<1x16xf32>,
    %get3A_62 = vector.shape_cast %get3A_61 : vector<1x16xf32> to vector<16xf32>
    %get3A_63 = arith.constant 0 : i32
    %get3A_64 = arith.index_cast %get3A_63 : i32 to index
    %get3A_65 = arith.constant 48 : index
    %get3A_66 = tpu.vector_load %arg9[%get3A_64, %get3A_65] {strides = array<i32>} : memref<4x256xf32, #tpu.memory_space<vmem>>, vector<1x16xf32>,
    %get3A_67 = vector.shape_cast %get3A_66 : vector<1x16xf32> to vector<16xf32>
    %get3A_68 = arith.constant 0 : i32
    %get3A_69 = arith.index_cast %get3A_68 : i32 to index
    %get3A_70 = arith.constant 64 : index
    %get3A_71 = tpu.vector_load %arg9[%get3A_69, %get3A_70] {strides = array<i32>} : memref<4x256xf32, #tpu.memory_space<vmem>>, vector<1x16xf32>,
    %get3A_72 = vector.shape_cast %get3A_71 : vector<1x16xf32> to vector<16xf32>
    %get3A_73 = arith.constant 0 : i32
    %get3A_74 = arith.index_cast %get3A_73 : i32 to index
    %get3A_75 = arith.constant 80 : index
    %get3A_76 = tpu.vector_load %arg9[%get3A_74, %get3A_75] {strides = array<i32>} : memref<4x256xf32, #tpu.memory_space<vmem>>, vector<1x16xf32>,
    %get3A_77 = vector.shape_cast %get3A_76 : vector<1x16xf32> to vector<16xf32>
    %get3A_78 = arith.constant 0 : i32
    %get3A_79 = arith.index_cast %get3A_78 : i32 to index
    %get3A_80 = arith.constant 96 : index
    %get3A_81 = tpu.vector_load %arg9[%get3A_79, %get3A_80] {strides = array<i32>} : memref<4x256xf32, #tpu.memory_space<vmem>>, vector<1x16xf32>,
    %get3A_82 = vector.shape_cast %get3A_81 : vector<1x16xf32> to vector<16xf32>
    %get3A_83 = arith.constant 0 : i32
    %get3A_84 = arith.index_cast %get3A_83 : i32 to index
    %get3A_85 = arith.constant 112 : index
    %get3A_86 = tpu.vector_load %arg9[%get3A_84, %get3A_85] {strides = array<i32>} : memref<4x256xf32, #tpu.memory_space<vmem>>, vector<1x16xf32>,
    %get3A_87 = vector.shape_cast %get3A_86 : vector<1x16xf32> to vector<16xf32>
    %get3A_88 = arith.constant 0 : i32
    %get3A_89 = arith.index_cast %get3A_88 : i32 to index
    %get3A_90 = arith.constant 128 : index
    %get3A_91 = tpu.vector_load %arg9[%get3A_89, %get3A_90] {strides = array<i32>} : memref<4x256xf32, #tpu.memory_space<vmem>>, vector<1x16xf32>,
    %get3A_92 = vector.shape_cast %get3A_91 : vector<1x16xf32> to vector<16xf32>
    %get3A_93 = arith.constant 0 : i32
    %get3A_94 = arith.index_cast %get3A_93 : i32 to index
    %get3A_95 = arith.constant 144 : index
    %get3A_96 = tpu.vector_load %arg9[%get3A_94, %get3A_95] {strides = array<i32>} : memref<4x256xf32, #tpu.memory_space<vmem>>, vector<1x16xf32>,
    %get3A_97 = vector.shape_cast %get3A_96 : vector<1x16xf32> to vector<16xf32>
    %get3A_98 = arith.constant 0 : i32
    %get3A_99 = arith.index_cast %get3A_98 : i32 to index
    %get3A_100 = arith.constant 160 : index
    %get3A_101 = tpu.vector_load %arg9[%get3A_99, %get3A_100] {strides = array<i32>} : memref<4x256xf32, #tpu.memory_space<vmem>>, vector<1x16xf32>,
    %get3A_102 = vector.shape_cast %get3A_101 : vector<1x16xf32> to vector<16xf32>
    %get3A_103 = arith.constant 0 : i32
    %get3A_104 = arith.index_cast %get3A_103 : i32 to index
    %get3A_105 = arith.constant 176 : index
    %get3A_106 = tpu.vector_load %arg9[%get3A_104, %get3A_105] {strides = array<i32>} : memref<4x256xf32, #tpu.memory_space<vmem>>, vector<1x16xf32>,
    %get3A_107 = vector.shape_cast %get3A_106 : vector<1x16xf32> to vector<16xf32>
    %get3A_108 = arith.constant 0 : i32
    %get3A_109 = arith.index_cast %get3A_108 : i32 to index
    %get3A_110 = arith.constant 192 : index
    %get3A_111 = tpu.vector_load %arg9[%get3A_109, %get3A_110] {strides = array<i32>} : memref<4x256xf32, #tpu.memory_space<vmem>>, vector<1x16xf32>,
    %get3A_112 = vector.shape_cast %get3A_111 : vector<1x16xf32> to vector<16xf32>
    %get3A_113 = arith.constant 0 : i32
    %get3A_114 = arith.index_cast %get3A_113 : i32 to index
    %get3A_115 = arith.constant 208 : index
    %get3A_116 = tpu.vector_load %arg9[%get3A_114, %get3A_115] {strides = array<i32>} : memref<4x256xf32, #tpu.memory_space<vmem>>, vector<1x16xf32>,
    %get3A_117 = vector.shape_cast %get3A_116 : vector<1x16xf32> to vector<16xf32>
    %get3A_118 = arith.constant 0 : i32
    %get3A_119 = arith.index_cast %get3A_118 : i32 to index
    %get3A_120 = arith.constant 224 : index
    %get3A_121 = tpu.vector_load %arg9[%get3A_119, %get3A_120] {strides = array<i32>} : memref<4x256xf32, #tpu.memory_space<vmem>>, vector<1x16xf32>,
    %get3A_122 = vector.shape_cast %get3A_121 : vector<1x16xf32> to vector<16xf32>
    %get3A_123 = arith.constant 0 : i32
    %get3A_124 = arith.index_cast %get3A_123 : i32 to index
    %get3A_125 = arith.constant 240 : index
    %get3A_126 = tpu.vector_load %arg9[%get3A_124, %get3A_125] {strides = array<i32>} : memref<4x256xf32, #tpu.memory_space<vmem>>, vector<1x16xf32>,
    %get3A_127 = vector.shape_cast %get3A_126 : vector<1x16xf32> to vector<16xf32>
    %get3A_128 = arith.constant 1 : i32
    %get3A_129 = arith.index_cast %get3A_128 : i32 to index
    %get3A_130 = arith.constant 0 : index
    %get3A_131 = tpu.vector_load %arg9[%get3A_129, %get3A_130] {strides = array<i32>} : memref<4x256xf32, #tpu.memory_space<vmem>>, vector<1x16xf32>,
    %get3A_132 = vector.shape_cast %get3A_131 : vector<1x16xf32> to vector<16xf32>
    %get3A_133 = arith.constant 1 : i32
    %get3A_134 = arith.index_cast %get3A_133 : i32 to index
    %get3A_135 = arith.constant 16 : index
    %get3A_136 = tpu.vector_load %arg9[%get3A_134, %get3A_135] {strides = array<i32>} : memref<4x256xf32, #tpu.memory_space<vmem>>, vector<1x16xf32>,
    %get3A_137 = vector.shape_cast %get3A_136 : vector<1x16xf32> to vector<16xf32>
    %get3A_138 = arith.constant 1 : i32
    %get3A_139 = arith.index_cast %get3A_138 : i32 to index
    %get3A_140 = arith.constant 32 : index
    %get3A_141 = tpu.vector_load %arg9[%get3A_139, %get3A_140] {strides = array<i32>} : memref<4x256xf32, #tpu.memory_space<vmem>>, vector<1x16xf32>,
    %get3A_142 = vector.shape_cast %get3A_141 : vector<1x16xf32> to vector<16xf32>
    %get3A_143 = arith.constant 1 : i32
    %get3A_144 = arith.index_cast %get3A_143 : i32 to index
    %get3A_145 = arith.constant 48 : index
    %get3A_146 = tpu.vector_load %arg9[%get3A_144, %get3A_145] {strides = array<i32>} : memref<4x256xf32, #tpu.memory_space<vmem>>, vector<1x16xf32>,
    %get3A_147 = vector.shape_cast %get3A_146 : vector<1x16xf32> to vector<16xf32>
    %get3A_148 = arith.constant 1 : i32
    %get3A_149 = arith.index_cast %get3A_148 : i32 to index
    %get3A_150 = arith.constant 64 : index
    %get3A_151 = tpu.vector_load %arg9[%get3A_149, %get3A_150] {strides = array<i32>} : memref<4x256xf32, #tpu.memory_space<vmem>>, vector<1x16xf32>,
    %get3A_152 = vector.shape_cast %get3A_151 : vector<1x16xf32> to vector<16xf32>
    %get3A_153 = arith.constant 1 : i32
    %get3A_154 = arith.index_cast %get3A_153 : i32 to index
    %get3A_155 = arith.constant 80 : index
    %get3A_156 = tpu.vector_load %arg9[%get3A_154, %get3A_155] {strides = array<i32>} : memref<4x256xf32, #tpu.memory_space<vmem>>, vector<1x16xf32>,
    %get3A_157 = vector.shape_cast %get3A_156 : vector<1x16xf32> to vector<16xf32>
    %get3A_158 = arith.constant 1 : i32
    %get3A_159 = arith.index_cast %get3A_158 : i32 to index
    %get3A_160 = arith.constant 96 : index
    %get3A_161 = tpu.vector_load %arg9[%get3A_159, %get3A_160] {strides = array<i32>} : memref<4x256xf32, #tpu.memory_space<vmem>>, vector<1x16xf32>,
    %get3A_162 = vector.shape_cast %get3A_161 : vector<1x16xf32> to vector<16xf32>
    %get3A_163 = arith.constant 1 : i32
    %get3A_164 = arith.index_cast %get3A_163 : i32 to index
    %get3A_165 = arith.constant 112 : index
    %get3A_166 = tpu.vector_load %arg9[%get3A_164, %get3A_165] {strides = array<i32>} : memref<4x256xf32, #tpu.memory_space<vmem>>, vector<1x16xf32>,
    %get3A_167 = vector.shape_cast %get3A_166 : vector<1x16xf32> to vector<16xf32>
    %get3A_168 = arith.constant 1 : i32
    %get3A_169 = arith.index_cast %get3A_168 : i32 to index
    %get3A_170 = arith.constant 128 : index
    %get3A_171 = tpu.vector_load %arg9[%get3A_169, %get3A_170] {strides = array<i32>} : memref<4x256xf32, #tpu.memory_space<vmem>>, vector<1x16xf32>,
    %get3A_172 = vector.shape_cast %get3A_171 : vector<1x16xf32> to vector<16xf32>
    %get3A_173 = arith.constant 1 : i32
    %get3A_174 = arith.index_cast %get3A_173 : i32 to index
    %get3A_175 = arith.constant 144 : index
    %get3A_176 = tpu.vector_load %arg9[%get3A_174, %get3A_175] {strides = array<i32>} : memref<4x256xf32, #tpu.memory_space<vmem>>, vector<1x16xf32>,
    %get3A_177 = vector.shape_cast %get3A_176 : vector<1x16xf32> to vector<16xf32>
    %get3A_178 = arith.constant 1 : i32
    %get3A_179 = arith.index_cast %get3A_178 : i32 to index
    %get3A_180 = arith.constant 160 : index
    %get3A_181 = tpu.vector_load %arg9[%get3A_179, %get3A_180] {strides = array<i32>} : memref<4x256xf32, #tpu.memory_space<vmem>>, vector<1x16xf32>,
    %get3A_182 = vector.shape_cast %get3A_181 : vector<1x16xf32> to vector<16xf32>
    %get3A_183 = arith.constant 1 : i32
    %get3A_184 = arith.index_cast %get3A_183 : i32 to index
    %get3A_185 = arith.constant 176 : index
    %get3A_186 = tpu.vector_load %arg9[%get3A_184, %get3A_185] {strides = array<i32>} : memref<4x256xf32, #tpu.memory_space<vmem>>, vector<1x16xf32>,
    %get3A_187 = vector.shape_cast %get3A_186 : vector<1x16xf32> to vector<16xf32>
    %get3A_188 = arith.constant 1 : i32
    %get3A_189 = arith.index_cast %get3A_188 : i32 to index
    %get3A_190 = arith.constant 192 : index
    %get3A_191 = tpu.vector_load %arg9[%get3A_189, %get3A_190] {strides = array<i32>} : memref<4x256xf32, #tpu.memory_space<vmem>>, vector<1x16xf32>,
    %get3A_192 = vector.shape_cast %get3A_191 : vector<1x16xf32> to vector<16xf32>
    %get3A_193 = arith.constant 1 : i32
    %get3A_194 = arith.index_cast %get3A_193 : i32 to index
    %get3A_195 = arith.constant 208 : index
    %get3A_196 = tpu.vector_load %arg9[%get3A_194, %get3A_195] {strides = array<i32>} : memref<4x256xf32, #tpu.memory_space<vmem>>, vector<1x16xf32>,
    %get3A_197 = vector.shape_cast %get3A_196 : vector<1x16xf32> to vector<16xf32>
    %get3A_198 = arith.constant 1 : i32
    %get3A_199 = arith.index_cast %get3A_198 : i32 to index
    %get3A_200 = arith.constant 224 : index
    %get3A_201 = tpu.vector_load %arg9[%get3A_199, %get3A_200] {strides = array<i32>} : memref<4x256xf32, #tpu.memory_space<vmem>>, vector<1x16xf32>,
    %get3A_202 = vector.shape_cast %get3A_201 : vector<1x16xf32> to vector<16xf32>
    %get3A_203 = arith.constant 1 : i32
    %get3A_204 = arith.index_cast %get3A_203 : i32 to index
    %get3A_205 = arith.constant 240 : index
    %get3A_206 = tpu.vector_load %arg9[%get3A_204, %get3A_205] {strides = array<i32>} : memref<4x256xf32, #tpu.memory_space<vmem>>, vector<1x16xf32>,
    %get3A_207 = vector.shape_cast %get3A_206 : vector<1x16xf32> to vector<16xf32>
    %broadcast_in_dim3A_208 = arith.constant 0.000000e+00 : f32
    %broadcast_in_dim3A_209 = vector.broadcast %broadcast_in_dim3A_208 : f32 to vector<16xf32>
    %scan3A = arith.constant 0 : i32
    %scan3A_210 = arith.constant 32 : i32
    %scan3A_211 = arith.addi %scan3A, %scan3A_210 : i32
    %scan3A_212 = arith.constant 1 : i32
    %scan3A_213:36 = scf.for %scan3A_3431 = %scan3A to %scan3A_211 step %scan3A_212 iter_args(%scan3A_3432 = %get3A_52, %scan3A_3433 = %get3A_57, %scan3A_3434 = %get3A_62, %scan3A_3435 = %get3A_67, %scan3A_3436 = %get3A_72, %scan3A_3437 = %get3A_77, %scan3A_3438 = %get3A_82, %scan3A_3439 = %get3A_87, %scan3A_3440 = %get3A_92, %scan3A_3441 = %get3A_97, %scan3A_3442 = %get3A_102, %scan3A_3443 = %get3A_107, %scan3A_3444 = %get3A_112, %scan3A_3445 = %get3A_117, %scan3A_3446 = %get3A_122, %scan3A_3447 = %get3A_127, %scan3A_3448 = %get3A_132, %scan3A_3449 = %get3A_137, %scan3A_3450 = %get3A_142, %scan3A_3451 = %get3A_147, %scan3A_3452 = %get3A_152, %scan3A_3453 = %get3A_157, %scan3A_3454 = %get3A_162, %scan3A_3455 = %get3A_167, %scan3A_3456 = %get3A_172, %scan3A_3457 = %get3A_177, %scan3A_3458 = %get3A_182, %scan3A_3459 = %get3A_187, %scan3A_3460 = %get3A_192, %scan3A_3461 = %get3A_197, %scan3A_3462 = %get3A_202, %scan3A_3463 = %get3A_207, %scan3A_3464 = %broadcast_in_dim3A_209, %scan3A_3465 = %broadcast_in_dim3A_209, %scan3A_3466 = %broadcast_in_dim3A_209, %scan3A_3467 = %broadcast_in_dim3A_209) -> (vector<16xf32>, vector<16xf32>, vector<16xf32>, vector<16xf32>, vector<16xf32>, vector<16xf32>, vector<16xf32>, vector<16xf32>, vector<16xf32>, vector<16xf32>, vector<16xf32>, vector<16xf32>, vector<16xf32>, vector<16xf32>, vector<16xf32>, vector<16xf32>, vector<16xf32>, vector<16xf32>, vector<16xf32>, vector<16xf32>, vector<16xf32>, vector<16xf32>, vector<16xf32>, vector<16xf32>, vector<16xf32>, vector<16xf32>, vector<16xf32>, vector<16xf32>, vector<16xf32>, vector<16xf32>, vector<16xf32>, vector<16xf32>, vector<16xf32>, vector<16xf32>, vector<16xf32>, vector<16xf32>)  : i32 {
      %max3A_3468 = arith.maximumf %scan3A_3432, %scan3A_3433 : vector<16xf32>
      %max3A_3469 = arith.maximumf %scan3A_3448, %scan3A_3449 : vector<16xf32>
      %max3A_3470 = arith.maximumf %max3A_3468, %scan3A_3434 : vector<16xf32>
      %max3A_3471 = arith.maximumf %max3A_3469, %scan3A_3450 : vector<16xf32>
      %max3A_3472 = arith.maximumf %max3A_3470, %scan3A_3435 : vector<16xf32>
      %max3A_3473 = arith.maximumf %max3A_3471, %scan3A_3451 : vector<16xf32>
      %max3A_3474 = arith.maximumf %max3A_3472, %scan3A_3436 : vector<16xf32>
      %max3A_3475 = arith.maximumf %max3A_3473, %scan3A_3452 : vector<16xf32>
      %max3A_3476 = arith.maximumf %max3A_3474, %scan3A_3437 : vector<16xf32>
      %max3A_3477 = arith.maximumf %max3A_3475, %scan3A_3453 : vector<16xf32>
      %max3A_3478 = arith.maximumf %max3A_3476, %scan3A_3438 : vector<16xf32>
      %max3A_3479 = arith.maximumf %max3A_3477, %scan3A_3454 : vector<16xf32>
      %max3A_3480 = arith.maximumf %max3A_3478, %scan3A_3439 : vector<16xf32>
      %max3A_3481 = arith.maximumf %max3A_3479, %scan3A_3455 : vector<16xf32>
      %max3A_3482 = arith.maximumf %max3A_3480, %scan3A_3440 : vector<16xf32>
      %max3A_3483 = arith.maximumf %max3A_3481, %scan3A_3456 : vector<16xf32>
      %max3A_3484 = arith.maximumf %max3A_3482, %scan3A_3441 : vector<16xf32>
      %max3A_3485 = arith.maximumf %max3A_3483, %scan3A_3457 : vector<16xf32>
      %max3A_3486 = arith.maximumf %max3A_3484, %scan3A_3442 : vector<16xf32>
      %max3A_3487 = arith.maximumf %max3A_3485, %scan3A_3458 : vector<16xf32>
      %max3A_3488 = arith.maximumf %max3A_3486, %scan3A_3443 : vector<16xf32>
      %max3A_3489 = arith.maximumf %max3A_3487, %scan3A_3459 : vector<16xf32>
      %max3A_3490 = arith.maximumf %max3A_3488, %scan3A_3444 : vector<16xf32>
      %max3A_3491 = arith.maximumf %max3A_3489, %scan3A_3460 : vector<16xf32>
      %max3A_3492 = arith.maximumf %max3A_3490, %scan3A_3445 : vector<16xf32>
      %max3A_3493 = arith.maximumf %max3A_3491, %scan3A_3461 : vector<16xf32>
      %max3A_3494 = arith.maximumf %max3A_3492, %scan3A_3446 : vector<16xf32>
      %max3A_3495 = arith.maximumf %max3A_3493, %scan3A_3462 : vector<16xf32>
      %max3A_3496 = arith.maximumf %max3A_3494, %scan3A_3447 : vector<16xf32>
      %max3A_3497 = arith.maximumf %max3A_3495, %scan3A_3463 : vector<16xf32>
      %rev3A_3498 = arith.constant 15 : i32
      %rev3A_3499 = vector.broadcast %rev3A_3498 : i32 to vector<16xi32>
      %rev3A_3500 = tpu.iota {dimensions = array<i32: 0>} : vector<16xi32>
      %rev3A_3501 = arith.subi %rev3A_3499, %rev3A_3500 : vector<16xi32>
      %rev3A_3502 = tpu.dynamic_gather %max3A_3496[%rev3A_3501] in [0] : vector<16xf32>, vector<16xi32> -> vector<16xf32>
      %max3A_3503 = arith.maximumf %max3A_3496, %rev3A_3502 : vector<16xf32>
      %swap3A_3504 = arith.constant 16 : index
      %swap3A_3505 = tpu.vector_load %arg13[%swap3A_3504] {strides = array<i32>} : memref<96xf32, #tpu.memory_space<vmem>>, vector<16xf32>,
      %swap3A_3506 = vector.shape_cast %swap3A_3505 : vector<16xf32> to vector<16xf32>
      %swap3A_3507 = vector.shape_cast %max3A_3503 : vector<16xf32> to vector<16xf32>
      tpu.vector_store %arg13[%swap3A_3504], %swap3A_3507 {strides = array<i32>} : memref<96xf32, #tpu.memory_space<vmem>>, vector<16xf32>,
      %get3A_3508 = arith.constant 15 : index
      %get3A_3509 = tpu.vector_load %arg13[%get3A_3508] {strides = array<i32>} : memref<96xf32, #tpu.memory_space<vmem>>, vector<16xf32>,
      %get3A_3510 = vector.shape_cast %get3A_3509 : vector<16xf32> to vector<16xf32>
      %get3A_3511 = arith.constant 17 : index
      %get3A_3512 = tpu.vector_load %arg13[%get3A_3511] {strides = array<i32>} : memref<96xf32, #tpu.memory_space<vmem>>, vector<16xf32>,
      %get3A_3513 = vector.shape_cast %get3A_3512 : vector<16xf32> to vector<16xf32>
      %max3A_3514 = arith.maximumf %max3A_3503, %get3A_3510 : vector<16xf32>
      %max3A_3515 = arith.maximumf %max3A_3514, %get3A_3513 : vector<16xf32>
      %swap3A_3516 = arith.constant 16 : index
      %swap3A_3517 = tpu.vector_load %arg13[%swap3A_3516] {strides = array<i32>} : memref<96xf32, #tpu.memory_space<vmem>>, vector<16xf32>,
      %swap3A_3518 = vector.shape_cast %swap3A_3517 : vector<16xf32> to vector<16xf32>
      %swap3A_3519 = vector.shape_cast %max3A_3515 : vector<16xf32> to vector<16xf32>
      tpu.vector_store %arg13[%swap3A_3516], %swap3A_3519 {strides = array<i32>} : memref<96xf32, #tpu.memory_space<vmem>>, vector<16xf32>,
      %get3A_3520 = arith.constant 14 : index
      %get3A_3521 = tpu.vector_load %arg13[%get3A_3520] {strides = array<i32>} : memref<96xf32, #tpu.memory_space<vmem>>, vector<16xf32>,
      %get3A_3522 = vector.shape_cast %get3A_3521 : vector<16xf32> to vector<16xf32>
      %get3A_3523 = arith.constant 18 : index
      %get3A_3524 = tpu.vector_load %arg13[%get3A_3523] {strides = array<i32>} : memref<96xf32, #tpu.memory_space<vmem>>, vector<16xf32>,
      %get3A_3525 = vector.shape_cast %get3A_3524 : vector<16xf32> to vector<16xf32>
      %max3A_3526 = arith.maximumf %max3A_3515, %get3A_3522 : vector<16xf32>
      %max3A_3527 = arith.maximumf %max3A_3526, %get3A_3525 : vector<16xf32>
      %swap3A_3528 = arith.constant 16 : index
      %swap3A_3529 = tpu.vector_load %arg13[%swap3A_3528] {strides = array<i32>} : memref<96xf32, #tpu.memory_space<vmem>>, vector<16xf32>,
      %swap3A_3530 = vector.shape_cast %swap3A_3529 : vector<16xf32> to vector<16xf32>
      %swap3A_3531 = vector.shape_cast %max3A_3527 : vector<16xf32> to vector<16xf32>
      tpu.vector_store %arg13[%swap3A_3528], %swap3A_3531 {strides = array<i32>} : memref<96xf32, #tpu.memory_space<vmem>>, vector<16xf32>,
      %get3A_3532 = arith.constant 12 : index
      %get3A_3533 = tpu.vector_load %arg13[%get3A_3532] {strides = array<i32>} : memref<96xf32, #tpu.memory_space<vmem>>, vector<16xf32>,
      %get3A_3534 = vector.shape_cast %get3A_3533 : vector<16xf32> to vector<16xf32>
      %get3A_3535 = arith.constant 20 : index
      %get3A_3536 = tpu.vector_load %arg13[%get3A_3535] {strides = array<i32>} : memref<96xf32, #tpu.memory_space<vmem>>, vector<16xf32>,
      %get3A_3537 = vector.shape_cast %get3A_3536 : vector<16xf32> to vector<16xf32>
      %max3A_3538 = arith.maximumf %max3A_3527, %get3A_3534 : vector<16xf32>
      %max3A_3539 = arith.maximumf %max3A_3538, %get3A_3537 : vector<16xf32>
      %rev3A_3540 = arith.constant 15 : i32
      %rev3A_3541 = vector.broadcast %rev3A_3540 : i32 to vector<16xi32>
      %rev3A_3542 = tpu.iota {dimensions = array<i32: 0>} : vector<16xi32>
      %rev3A_3543 = arith.subi %rev3A_3541, %rev3A_3542 : vector<16xi32>
      %rev3A_3544 = tpu.dynamic_gather %max3A_3497[%rev3A_3543] in [0] : vector<16xf32>, vector<16xi32> -> vector<16xf32>
      %max3A_3545 = arith.maximumf %max3A_3497, %rev3A_3544 : vector<16xf32>
      %swap3A_3546 = arith.constant 64 : index
      %swap3A_3547 = tpu.vector_load %arg13[%swap3A_3546] {strides = array<i32>} : memref<96xf32, #tpu.memory_space<vmem>>, vector<16xf32>,
      %swap3A_3548 = vector.shape_cast %swap3A_3547 : vector<16xf32> to vector<16xf32>
      %swap3A_3549 = vector.shape_cast %max3A_3545 : vector<16xf32> to vector<16xf32>
      tpu.vector_store %arg13[%swap3A_3546], %swap3A_3549 {strides = array<i32>} : memref<96xf32, #tpu.memory_space<vmem>>, vector<16xf32>,
      %get3A_3550 = arith.constant 63 : index
      %get3A_3551 = tpu.vector_load %arg13[%get3A_3550] {strides = array<i32>} : memref<96xf32, #tpu.memory_space<vmem>>, vector<16xf32>,
      %get3A_3552 = vector.shape_cast %get3A_3551 : vector<16xf32> to vector<16xf32>
      %get3A_3553 = arith.constant 65 : index
      %get3A_3554 = tpu.vector_load %arg13[%get3A_3553] {strides = array<i32>} : memref<96xf32, #tpu.memory_space<vmem>>, vector<16xf32>,
      %get3A_3555 = vector.shape_cast %get3A_3554 : vector<16xf32> to vector<16xf32>
      %max3A_3556 = arith.maximumf %max3A_3545, %get3A_3552 : vector<16xf32>
      %max3A_3557 = arith.maximumf %max3A_3556, %get3A_3555 : vector<16xf32>
      %swap3A_3558 = arith.constant 64 : index
      %swap3A_3559 = tpu.vector_load %arg13[%swap3A_3558] {strides = array<i32>} : memref<96xf32, #tpu.memory_space<vmem>>, vector<16xf32>,
      %swap3A_3560 = vector.shape_cast %swap3A_3559 : vector<16xf32> to vector<16xf32>
      %swap3A_3561 = vector.shape_cast %max3A_3557 : vector<16xf32> to vector<16xf32>
      tpu.vector_store %arg13[%swap3A_3558], %swap3A_3561 {strides = array<i32>} : memref<96xf32, #tpu.memory_space<vmem>>, vector<16xf32>,
      %get3A_3562 = arith.constant 62 : index
      %get3A_3563 = tpu.vector_load %arg13[%get3A_3562] {strides = array<i32>} : memref<96xf32, #tpu.memory_space<vmem>>, vector<16xf32>,
      %get3A_3564 = vector.shape_cast %get3A_3563 : vector<16xf32> to vector<16xf32>
      %get3A_3565 = arith.constant 66 : index
      %get3A_3566 = tpu.vector_load %arg13[%get3A_3565] {strides = array<i32>} : memref<96xf32, #tpu.memory_space<vmem>>, vector<16xf32>,
      %get3A_3567 = vector.shape_cast %get3A_3566 : vector<16xf32> to vector<16xf32>
      %max3A_3568 = arith.maximumf %max3A_3557, %get3A_3564 : vector<16xf32>
      %max3A_3569 = arith.maximumf %max3A_3568, %get3A_3567 : vector<16xf32>
      %swap3A_3570 = arith.constant 64 : index
      %swap3A_3571 = tpu.vector_load %arg13[%swap3A_3570] {strides = array<i32>} : memref<96xf32, #tpu.memory_space<vmem>>, vector<16xf32>,
      %swap3A_3572 = vector.shape_cast %swap3A_3571 : vector<16xf32> to vector<16xf32>
      %swap3A_3573 = vector.shape_cast %max3A_3569 : vector<16xf32> to vector<16xf32>
      tpu.vector_store %arg13[%swap3A_3570], %swap3A_3573 {strides = array<i32>} : memref<96xf32, #tpu.memory_space<vmem>>, vector<16xf32>,
      %get3A_3574 = arith.constant 60 : index
      %get3A_3575 = tpu.vector_load %arg13[%get3A_3574] {strides = array<i32>} : memref<96xf32, #tpu.memory_space<vmem>>, vector<16xf32>,
      %get3A_3576 = vector.shape_cast %get3A_3575 : vector<16xf32> to vector<16xf32>
      %get3A_3577 = arith.constant 68 : index
      %get3A_3578 = tpu.vector_load %arg13[%get3A_3577] {strides = array<i32>} : memref<96xf32, #tpu.memory_space<vmem>>, vector<16xf32>,
      %get3A_3579 = vector.shape_cast %get3A_3578 : vector<16xf32> to vector<16xf32>
      %max3A_3580 = arith.maximumf %max3A_3569, %get3A_3576 : vector<16xf32>
      %max3A_3581 = arith.maximumf %max3A_3580, %get3A_3579 : vector<16xf32>
      %eq3A_3582 = arith.cmpf oeq, %scan3A_3432, %max3A_3539 : vector<16xf32>
      %jit3A_3583 = arith.constant 0xFF800000 : f32
      %broadcast_in_dim3A_3584 = vector.broadcast %jit3A_3583 : f32 to vector<16xf32>
      %select_n3A_3585 = arith.select %eq3A_3582, %broadcast_in_dim3A_3584, %scan3A_3432 : vector<16xi1>, vector<16xf32>
      %eq3A_3586 = arith.cmpf oeq, %scan3A_3433, %max3A_3539 : vector<16xf32>
      %jit3A_3587 = arith.constant 0xFF800000 : f32
      %broadcast_in_dim3A_3588 = vector.broadcast %jit3A_3587 : f32 to vector<16xf32>
      %select_n3A_3589 = arith.select %eq3A_3586, %broadcast_in_dim3A_3588, %scan3A_3433 : vector<16xi1>, vector<16xf32>
      %eq3A_3590 = arith.cmpf oeq, %scan3A_3434, %max3A_3539 : vector<16xf32>
      %jit3A_3591 = arith.constant 0xFF800000 : f32
      %broadcast_in_dim3A_3592 = vector.broadcast %jit3A_3591 : f32 to vector<16xf32>
      %select_n3A_3593 = arith.select %eq3A_3590, %broadcast_in_dim3A_3592, %scan3A_3434 : vector<16xi1>, vector<16xf32>
      %eq3A_3594 = arith.cmpf oeq, %scan3A_3435, %max3A_3539 : vector<16xf32>
      %jit3A_3595 = arith.constant 0xFF800000 : f32
      %broadcast_in_dim3A_3596 = vector.broadcast %jit3A_3595 : f32 to vector<16xf32>
      %select_n3A_3597 = arith.select %eq3A_3594, %broadcast_in_dim3A_3596, %scan3A_3435 : vector<16xi1>, vector<16xf32>
      %eq3A_3598 = arith.cmpf oeq, %scan3A_3436, %max3A_3539 : vector<16xf32>
      %jit3A_3599 = arith.constant 0xFF800000 : f32
      %broadcast_in_dim3A_3600 = vector.broadcast %jit3A_3599 : f32 to vector<16xf32>
      %select_n3A_3601 = arith.select %eq3A_3598, %broadcast_in_dim3A_3600, %scan3A_3436 : vector<16xi1>, vector<16xf32>
      %eq3A_3602 = arith.cmpf oeq, %scan3A_3437, %max3A_3539 : vector<16xf32>
      %jit3A_3603 = arith.constant 0xFF800000 : f32
      %broadcast_in_dim3A_3604 = vector.broadcast %jit3A_3603 : f32 to vector<16xf32>
      %select_n3A_3605 = arith.select %eq3A_3602, %broadcast_in_dim3A_3604, %scan3A_3437 : vector<16xi1>, vector<16xf32>
      %eq3A_3606 = arith.cmpf oeq, %scan3A_3438, %max3A_3539 : vector<16xf32>
      %jit3A_3607 = arith.constant 0xFF800000 : f32
      %broadcast_in_dim3A_3608 = vector.broadcast %jit3A_3607 : f32 to vector<16xf32>
      %select_n3A_3609 = arith.select %eq3A_3606, %broadcast_in_dim3A_3608, %scan3A_3438 : vector<16xi1>, vector<16xf32>
      %eq3A_3610 = arith.cmpf oeq, %scan3A_3439, %max3A_3539 : vector<16xf32>
      %jit3A_3611 = arith.constant 0xFF800000 : f32
      %broadcast_in_dim3A_3612 = vector.broadcast %jit3A_3611 : f32 to vector<16xf32>
      %select_n3A_3613 = arith.select %eq3A_3610, %broadcast_in_dim3A_3612, %scan3A_3439 : vector<16xi1>, vector<16xf32>
      %eq3A_3614 = arith.cmpf oeq, %scan3A_3440, %max3A_3539 : vector<16xf32>
      %jit3A_3615 = arith.constant 0xFF800000 : f32
      %broadcast_in_dim3A_3616 = vector.broadcast %jit3A_3615 : f32 to vector<16xf32>
      %select_n3A_3617 = arith.select %eq3A_3614, %broadcast_in_dim3A_3616, %scan3A_3440 : vector<16xi1>, vector<16xf32>
      %eq3A_3618 = arith.cmpf oeq, %scan3A_3441, %max3A_3539 : vector<16xf32>
      %jit3A_3619 = arith.constant 0xFF800000 : f32
      %broadcast_in_dim3A_3620 = vector.broadcast %jit3A_3619 : f32 to vector<16xf32>
      %select_n3A_3621 = arith.select %eq3A_3618, %broadcast_in_dim3A_3620, %scan3A_3441 : vector<16xi1>, vector<16xf32>
      %eq3A_3622 = arith.cmpf oeq, %scan3A_3442, %max3A_3539 : vector<16xf32>
      %jit3A_3623 = arith.constant 0xFF800000 : f32
      %broadcast_in_dim3A_3624 = vector.broadcast %jit3A_3623 : f32 to vector<16xf32>
      %select_n3A_3625 = arith.select %eq3A_3622, %broadcast_in_dim3A_3624, %scan3A_3442 : vector<16xi1>, vector<16xf32>
      %eq3A_3626 = arith.cmpf oeq, %scan3A_3443, %max3A_3539 : vector<16xf32>
      %jit3A_3627 = arith.constant 0xFF800000 : f32
      %broadcast_in_dim3A_3628 = vector.broadcast %jit3A_3627 : f32 to vector<16xf32>
      %select_n3A_3629 = arith.select %eq3A_3626, %broadcast_in_dim3A_3628, %scan3A_3443 : vector<16xi1>, vector<16xf32>
      %eq3A_3630 = arith.cmpf oeq, %scan3A_3444, %max3A_3539 : vector<16xf32>
      %jit3A_3631 = arith.constant 0xFF800000 : f32
      %broadcast_in_dim3A_3632 = vector.broadcast %jit3A_3631 : f32 to vector<16xf32>
      %select_n3A_3633 = arith.select %eq3A_3630, %broadcast_in_dim3A_3632, %scan3A_3444 : vector<16xi1>, vector<16xf32>
      %eq3A_3634 = arith.cmpf oeq, %scan3A_3445, %max3A_3539 : vector<16xf32>
      %jit3A_3635 = arith.constant 0xFF800000 : f32
      %broadcast_in_dim3A_3636 = vector.broadcast %jit3A_3635 : f32 to vector<16xf32>
      %select_n3A_3637 = arith.select %eq3A_3634, %broadcast_in_dim3A_3636, %scan3A_3445 : vector<16xi1>, vector<16xf32>
      %eq3A_3638 = arith.cmpf oeq, %scan3A_3446, %max3A_3539 : vector<16xf32>
      %jit3A_3639 = arith.constant 0xFF800000 : f32
      %broadcast_in_dim3A_3640 = vector.broadcast %jit3A_3639 : f32 to vector<16xf32>
      %select_n3A_3641 = arith.select %eq3A_3638, %broadcast_in_dim3A_3640, %scan3A_3446 : vector<16xi1>, vector<16xf32>
      %eq3A_3642 = arith.cmpf oeq, %scan3A_3447, %max3A_3539 : vector<16xf32>
      %jit3A_3643 = arith.constant 0xFF800000 : f32
      %broadcast_in_dim3A_3644 = vector.broadcast %jit3A_3643 : f32 to vector<16xf32>
      %select_n3A_3645 = arith.select %eq3A_3642, %broadcast_in_dim3A_3644, %scan3A_3447 : vector<16xi1>, vector<16xf32>
      %eq3A_3646 = arith.cmpf oeq, %scan3A_3448, %max3A_3581 : vector<16xf32>
      %jit3A_3647 = arith.constant 0xFF800000 : f32
      %broadcast_in_dim3A_3648 = vector.broadcast %jit3A_3647 : f32 to vector<16xf32>
      %select_n3A_3649 = arith.select %eq3A_3646, %broadcast_in_dim3A_3648, %scan3A_3448 : vector<16xi1>, vector<16xf32>
      %eq3A_3650 = arith.cmpf oeq, %scan3A_3449, %max3A_3581 : vector<16xf32>
      %jit3A_3651 = arith.constant 0xFF800000 : f32
      %broadcast_in_dim3A_3652 = vector.broadcast %jit3A_3651 : f32 to vector<16xf32>
      %select_n3A_3653 = arith.select %eq3A_3650, %broadcast_in_dim3A_3652, %scan3A_3449 : vector<16xi1>, vector<16xf32>
      %eq3A_3654 = arith.cmpf oeq, %scan3A_3450, %max3A_3581 : vector<16xf32>
      %jit3A_3655 = arith.constant 0xFF800000 : f32
      %broadcast_in_dim3A_3656 = vector.broadcast %jit3A_3655 : f32 to vector<16xf32>
      %select_n3A_3657 = arith.select %eq3A_3654, %broadcast_in_dim3A_3656, %scan3A_3450 : vector<16xi1>, vector<16xf32>
      %eq3A_3658 = arith.cmpf oeq, %scan3A_3451, %max3A_3581 : vector<16xf32>
      %jit3A_3659 = arith.constant 0xFF800000 : f32
      %broadcast_in_dim3A_3660 = vector.broadcast %jit3A_3659 : f32 to vector<16xf32>
      %select_n3A_3661 = arith.select %eq3A_3658, %broadcast_in_dim3A_3660, %scan3A_3451 : vector<16xi1>, vector<16xf32>
      %eq3A_3662 = arith.cmpf oeq, %scan3A_3452, %max3A_3581 : vector<16xf32>
      %jit3A_3663 = arith.constant 0xFF800000 : f32
      %broadcast_in_dim3A_3664 = vector.broadcast %jit3A_3663 : f32 to vector<16xf32>
      %select_n3A_3665 = arith.select %eq3A_3662, %broadcast_in_dim3A_3664, %scan3A_3452 : vector<16xi1>, vector<16xf32>
      %eq3A_3666 = arith.cmpf oeq, %scan3A_3453, %max3A_3581 : vector<16xf32>
      %jit3A_3667 = arith.constant 0xFF800000 : f32
      %broadcast_in_dim3A_3668 = vector.broadcast %jit3A_3667 : f32 to vector<16xf32>
      %select_n3A_3669 = arith.select %eq3A_3666, %broadcast_in_dim3A_3668, %scan3A_3453 : vector<16xi1>, vector<16xf32>
      %eq3A_3670 = arith.cmpf oeq, %scan3A_3454, %max3A_3581 : vector<16xf32>
      %jit3A_3671 = arith.constant 0xFF800000 : f32
      %broadcast_in_dim3A_3672 = vector.broadcast %jit3A_3671 : f32 to vector<16xf32>
      %select_n3A_3673 = arith.select %eq3A_3670, %broadcast_in_dim3A_3672, %scan3A_3454 : vector<16xi1>, vector<16xf32>
      %eq3A_3674 = arith.cmpf oeq, %scan3A_3455, %max3A_3581 : vector<16xf32>
      %jit3A_3675 = arith.constant 0xFF800000 : f32
      %broadcast_in_dim3A_3676 = vector.broadcast %jit3A_3675 : f32 to vector<16xf32>
      %select_n3A_3677 = arith.select %eq3A_3674, %broadcast_in_dim3A_3676, %scan3A_3455 : vector<16xi1>, vector<16xf32>
      %eq3A_3678 = arith.cmpf oeq, %scan3A_3456, %max3A_3581 : vector<16xf32>
      %jit3A_3679 = arith.constant 0xFF800000 : f32
      %broadcast_in_dim3A_3680 = vector.broadcast %jit3A_3679 : f32 to vector<16xf32>
      %select_n3A_3681 = arith.select %eq3A_3678, %broadcast_in_dim3A_3680, %scan3A_3456 : vector<16xi1>, vector<16xf32>
      %eq3A_3682 = arith.cmpf oeq, %scan3A_3457, %max3A_3581 : vector<16xf32>
      %jit3A_3683 = arith.constant 0xFF800000 : f32
      %broadcast_in_dim3A_3684 = vector.broadcast %jit3A_3683 : f32 to vector<16xf32>
      %select_n3A_3685 = arith.select %eq3A_3682, %broadcast_in_dim3A_3684, %scan3A_3457 : vector<16xi1>, vector<16xf32>
      %eq3A_3686 = arith.cmpf oeq, %scan3A_3458, %max3A_3581 : vector<16xf32>
      %jit3A_3687 = arith.constant 0xFF800000 : f32
      %broadcast_in_dim3A_3688 = vector.broadcast %jit3A_3687 : f32 to vector<16xf32>
      %select_n3A_3689 = arith.select %eq3A_3686, %broadcast_in_dim3A_3688, %scan3A_3458 : vector<16xi1>, vector<16xf32>
      %eq3A_3690 = arith.cmpf oeq, %scan3A_3459, %max3A_3581 : vector<16xf32>
      %jit3A_3691 = arith.constant 0xFF800000 : f32
      %broadcast_in_dim3A_3692 = vector.broadcast %jit3A_3691 : f32 to vector<16xf32>
      %select_n3A_3693 = arith.select %eq3A_3690, %broadcast_in_dim3A_3692, %scan3A_3459 : vector<16xi1>, vector<16xf32>
      %eq3A_3694 = arith.cmpf oeq, %scan3A_3460, %max3A_3581 : vector<16xf32>
      %jit3A_3695 = arith.constant 0xFF800000 : f32
      %broadcast_in_dim3A_3696 = vector.broadcast %jit3A_3695 : f32 to vector<16xf32>
      %select_n3A_3697 = arith.select %eq3A_3694, %broadcast_in_dim3A_3696, %scan3A_3460 : vector<16xi1>, vector<16xf32>
      %eq3A_3698 = arith.cmpf oeq, %scan3A_3461, %max3A_3581 : vector<16xf32>
      %jit3A_3699 = arith.constant 0xFF800000 : f32
      %broadcast_in_dim3A_3700 = vector.broadcast %jit3A_3699 : f32 to vector<16xf32>
      %select_n3A_3701 = arith.select %eq3A_3698, %broadcast_in_dim3A_3700, %scan3A_3461 : vector<16xi1>, vector<16xf32>
      %eq3A_3702 = arith.cmpf oeq, %scan3A_3462, %max3A_3581 : vector<16xf32>
      %jit3A_3703 = arith.constant 0xFF800000 : f32
      %broadcast_in_dim3A_3704 = vector.broadcast %jit3A_3703 : f32 to vector<16xf32>
      %select_n3A_3705 = arith.select %eq3A_3702, %broadcast_in_dim3A_3704, %scan3A_3462 : vector<16xi1>, vector<16xf32>
      %eq3A_3706 = arith.cmpf oeq, %scan3A_3463, %max3A_3581 : vector<16xf32>
      %jit3A_3707 = arith.constant 0xFF800000 : f32
      %broadcast_in_dim3A_3708 = vector.broadcast %jit3A_3707 : f32 to vector<16xf32>
      %select_n3A_3709 = arith.select %eq3A_3706, %broadcast_in_dim3A_3708, %scan3A_3463 : vector<16xi1>, vector<16xf32>
      %eq3A_3710 = vector.broadcast %scan3A_3431 : i32 to vector<16xi32>
      %eq3A_3711 = arith.cmpi eq, %iota3A, %eq3A_3710 : vector<16xi32>
      %select_n3A_3712 = arith.select %eq3A_3711, %max3A_3539, %scan3A_3464 : vector<16xi1>, vector<16xf32>
      %sub3A = arith.constant 16 : i32
      %sub3A_3713 = arith.subi %scan3A_3431, %sub3A : i32
      %eq3A_3714 = vector.broadcast %sub3A_3713 : i32 to vector<16xi32>
      %eq3A_3715 = arith.cmpi eq, %iota3A, %eq3A_3714 : vector<16xi32>
      %select_n3A_3716 = arith.select %eq3A_3715, %max3A_3539, %scan3A_3465 : vector<16xi1>, vector<16xf32>
      %eq3A_3717 = vector.broadcast %scan3A_3431 : i32 to vector<16xi32>
      %eq3A_3718 = arith.cmpi eq, %iota3A, %eq3A_3717 : vector<16xi32>
      %select_n3A_3719 = arith.select %eq3A_3718, %max3A_3581, %scan3A_3466 : vector<16xi1>, vector<16xf32>
      %sub3A_3720 = arith.constant 16 : i32
      %sub3A_3721 = arith.subi %scan3A_3431, %sub3A_3720 : i32
      %eq3A_3722 = vector.broadcast %sub3A_3721 : i32 to vector<16xi32>
      %eq3A_3723 = arith.cmpi eq, %iota3A, %eq3A_3722 : vector<16xi32>
      %select_n3A_3724 = arith.select %eq3A_3723, %max3A_3581, %scan3A_3467 : vector<16xi1>, vector<16xf32>
      scf.yield %select_n3A_3585, %select_n3A_3589, %select_n3A_3593, %select_n3A_3597, %select_n3A_3601, %select_n3A_3605, %select_n3A_3609, %select_n3A_3613, %select_n3A_3617, %select_n3A_3621, %select_n3A_3625, %select_n3A_3629, %select_n3A_3633, %select_n3A_3637, %select_n3A_3641, %select_n3A_3645, %select_n3A_3649, %select_n3A_3653, %select_n3A_3657, %select_n3A_3661, %select_n3A_3665, %select_n3A_3669, %select_n3A_3673, %select_n3A_3677, %select_n3A_3681, %select_n3A_3685, %select_n3A_3689, %select_n3A_3693, %select_n3A_3697, %select_n3A_3701, %select_n3A_3705, %select_n3A_3709, %select_n3A_3712, %select_n3A_3716, %select_n3A_3719, %select_n3A_3724 : vector<16xf32>, vector<16xf32>, vector<16xf32>, vector<16xf32>, vector<16xf32>, vector<16xf32>, vector<16xf32>, vector<16xf32>, vector<16xf32>, vector<16xf32>, vector<16xf32>, vector<16xf32>, vector<16xf32>, vector<16xf32>, vector<16xf32>, vector<16xf32>, vector<16xf32>, vector<16xf32>, vector<16xf32>, vector<16xf32>, vector<16xf32>, vector<16xf32>, vector<16xf32>, vector<16xf32>, vector<16xf32>, vector<16xf32>, vector<16xf32>, vector<16xf32>, vector<16xf32>, vector<16xf32>, vector<16xf32>, vector<16xf32>, vector<16xf32>, vector<16xf32>, vector<16xf32>, vector<16xf32>
    }
    %scan3A_214 = arith.constant 32 : i32
    %eq3A = arith.constant 15 : i32
    %eq3A_215 = vector.broadcast %eq3A : i32 to vector<16xi32>
    %eq3A_216 = arith.cmpi eq, %iota3A, %eq3A_215 : vector<16xi32>
    %jit3A = arith.constant 0xFF800000 : f32
    %broadcast_in_dim3A_217 = vector.broadcast %jit3A : f32 to vector<16xf32>
    %select_n3A = arith.select %eq3A_216, %scan3A_213#33, %broadcast_in_dim3A_217 : vector<16xi1>, vector<16xf32>
    %rev3A = arith.constant 15 : i32
    %rev3A_218 = vector.broadcast %rev3A : i32 to vector<16xi32>
    %rev3A_219 = tpu.iota {dimensions = array<i32: 0>} : vector<16xi32>
    %rev3A_220 = arith.subi %rev3A_218, %rev3A_219 : vector<16xi32>
    %rev3A_221 = tpu.dynamic_gather %select_n3A[%rev3A_220] in [0] : vector<16xf32>, vector<16xi32> -> vector<16xf32>
    %max3A = arith.maximumf %select_n3A, %rev3A_221 : vector<16xf32>
    %swap3A_222 = arith.constant 16 : index
    %swap3A_223 = tpu.vector_load %arg13[%swap3A_222] {strides = array<i32>} : memref<96xf32, #tpu.memory_space<vmem>>, vector<16xf32>,
    %swap3A_224 = vector.shape_cast %swap3A_223 : vector<16xf32> to vector<16xf32>
    %swap3A_225 = vector.shape_cast %max3A : vector<16xf32> to vector<16xf32>
    tpu.vector_store %arg13[%swap3A_222], %swap3A_225 {strides = array<i32>} : memref<96xf32, #tpu.memory_space<vmem>>, vector<16xf32>,
    %get3A_226 = arith.constant 15 : index
    %get3A_227 = tpu.vector_load %arg13[%get3A_226] {strides = array<i32>} : memref<96xf32, #tpu.memory_space<vmem>>, vector<16xf32>,
    %get3A_228 = vector.shape_cast %get3A_227 : vector<16xf32> to vector<16xf32>
    %get3A_229 = arith.constant 17 : index
    %get3A_230 = tpu.vector_load %arg13[%get3A_229] {strides = array<i32>} : memref<96xf32, #tpu.memory_space<vmem>>, vector<16xf32>,
    %get3A_231 = vector.shape_cast %get3A_230 : vector<16xf32> to vector<16xf32>
    %max3A_232 = arith.maximumf %max3A, %get3A_228 : vector<16xf32>
    %max3A_233 = arith.maximumf %max3A_232, %get3A_231 : vector<16xf32>
    %swap3A_234 = arith.constant 16 : index
    %swap3A_235 = tpu.vector_load %arg13[%swap3A_234] {strides = array<i32>} : memref<96xf32, #tpu.memory_space<vmem>>, vector<16xf32>,
    %swap3A_236 = vector.shape_cast %swap3A_235 : vector<16xf32> to vector<16xf32>
    %swap3A_237 = vector.shape_cast %max3A_233 : vector<16xf32> to vector<16xf32>
    tpu.vector_store %arg13[%swap3A_234], %swap3A_237 {strides = array<i32>} : memref<96xf32, #tpu.memory_space<vmem>>, vector<16xf32>,
    %get3A_238 = arith.constant 14 : index
    %get3A_239 = tpu.vector_load %arg13[%get3A_238] {strides = array<i32>} : memref<96xf32, #tpu.memory_space<vmem>>, vector<16xf32>,
    %get3A_240 = vector.shape_cast %get3A_239 : vector<16xf32> to vector<16xf32>
    %get3A_241 = arith.constant 18 : index
    %get3A_242 = tpu.vector_load %arg13[%get3A_241] {strides = array<i32>} : memref<96xf32, #tpu.memory_space<vmem>>, vector<16xf32>,
    %get3A_243 = vector.shape_cast %get3A_242 : vector<16xf32> to vector<16xf32>
    %max3A_244 = arith.maximumf %max3A_233, %get3A_240 : vector<16xf32>
    %max3A_245 = arith.maximumf %max3A_244, %get3A_243 : vector<16xf32>
    %swap3A_246 = arith.constant 16 : index
    %swap3A_247 = tpu.vector_load %arg13[%swap3A_246] {strides = array<i32>} : memref<96xf32, #tpu.memory_space<vmem>>, vector<16xf32>,
    %swap3A_248 = vector.shape_cast %swap3A_247 : vector<16xf32> to vector<16xf32>
    %swap3A_249 = vector.shape_cast %max3A_245 : vector<16xf32> to vector<16xf32>
    tpu.vector_store %arg13[%swap3A_246], %swap3A_249 {strides = array<i32>} : memref<96xf32, #tpu.memory_space<vmem>>, vector<16xf32>,
    %get3A_250 = arith.constant 12 : index
    %get3A_251 = tpu.vector_load %arg13[%get3A_250] {strides = array<i32>} : memref<96xf32, #tpu.memory_space<vmem>>, vector<16xf32>,
    %get3A_252 = vector.shape_cast %get3A_251 : vector<16xf32> to vector<16xf32>
    %get3A_253 = arith.constant 20 : index
    %get3A_254 = tpu.vector_load %arg13[%get3A_253] {strides = array<i32>} : memref<96xf32, #tpu.memory_space<vmem>>, vector<16xf32>,
    %get3A_255 = vector.shape_cast %get3A_254 : vector<16xf32> to vector<16xf32>
    %max3A_256 = arith.maximumf %max3A_245, %get3A_252 : vector<16xf32>
    %max3A_257 = arith.maximumf %max3A_256, %get3A_255 : vector<16xf32>
    %get3A_258 = arith.constant 0 : i32
    %get3A_259 = arith.index_cast %get3A_258 : i32 to index
    %get3A_260 = arith.constant 0 : index
    %get3A_261 = tpu.vector_load %arg9[%get3A_259, %get3A_260] {strides = array<i32>} : memref<4x256xf32, #tpu.memory_space<vmem>>, vector<1x16xf32>,
    %get3A_262 = vector.shape_cast %get3A_261 : vector<1x16xf32> to vector<16xf32>
    %get3A_263 = arith.constant 0 : i32
    %get3A_264 = arith.index_cast %get3A_263 : i32 to index
    %get3A_265 = arith.constant 0 : index
    %get3A_266 = tpu.vector_load %arg10[%get3A_264, %get3A_265] {strides = array<i32>} : memref<4x256xf32, #tpu.memory_space<vmem>>, vector<1x16xf32>,
    %get3A_267 = vector.shape_cast %get3A_266 : vector<1x16xf32> to vector<16xf32>
    %ge3A = arith.cmpf oge, %get3A_262, %max3A_257 : vector<16xf32>
    %ne3A = arith.constant 0.000000e+00 : f32
    %ne3A_268 = vector.broadcast %ne3A : f32 to vector<16xf32>
    %ne3A_269 = arith.cmpf one, %get3A_267, %ne3A_268 : vector<16xf32>
    %and3A = arith.andi %ge3A, %ne3A_269 : vector<16xi1>
    %get3A_270 = arith.constant 0 : i32
    %get3A_271 = arith.index_cast %get3A_270 : i32 to index
    %get3A_272 = arith.constant 0 : index
    %get3A_273 = tpu.vector_load %arg11[%get3A_271, %get3A_272] {strides = array<i32>} : memref<4x256xi32, #tpu.memory_space<vmem>>, vector<1x16xi32>,
    %get3A_274 = vector.shape_cast %get3A_273 : vector<1x16xi32> to vector<16xi32>
    %get3A_275 = arith.constant 0 : i32
    %get3A_276 = arith.index_cast %get3A_275 : i32 to index
    %get3A_277 = arith.constant 0 : index
    %get3A_278 = tpu.vector_load %arg12[%get3A_276, %get3A_277] {strides = array<i32>} : memref<4x256xi32, #tpu.memory_space<vmem>>, vector<1x16xi32>,
    %get3A_279 = vector.shape_cast %get3A_278 : vector<1x16xi32> to vector<16xi32>
    %select_n3A_280 = arith.select %and3A, %get3A_274, %get3A_279 : vector<16xi1>, vector<16xi32>
    %swap3A_281 = arith.constant 0 : i32
    %swap3A_282 = arith.index_cast %swap3A_281 : i32 to index
    %swap3A_283 = arith.constant 0 : index
    %swap3A_284 = tpu.vector_load %arg15[%swap3A_282, %swap3A_283] {strides = array<i32>} : memref<4x256xi32, #tpu.memory_space<vmem>>, vector<1x16xi32>,
    %swap3A_285 = vector.shape_cast %swap3A_284 : vector<1x16xi32> to vector<16xi32>
    %swap3A_286 = vector.shape_cast %select_n3A_280 : vector<16xi32> to vector<1x16xi32>
    tpu.vector_store %arg15[%swap3A_282, %swap3A_283], %swap3A_286 {strides = array<i32>} : memref<4x256xi32, #tpu.memory_space<vmem>>, vector<1x16xi32>,
    %eq3A_287 = arith.constant 0xFF800000 : f32
    %eq3A_288 = vector.broadcast %eq3A_287 : f32 to vector<16xf32>
    %eq3A_289 = arith.cmpf oeq, %scan3A_213#0, %eq3A_288 : vector<16xf32>
    %jit3A_290 = arith.constant 0.000000e+00 : f32
    %broadcast_in_dim3A_291 = vector.broadcast %jit3A_290 : f32 to vector<16xf32>
    %select_n3A_292 = arith.select %eq3A_289, %broadcast_in_dim3A_291, %get3A_267 : vector<16xi1>, vector<16xf32>
    %swap3A_293 = arith.constant 0 : i32
    %swap3A_294 = arith.index_cast %swap3A_293 : i32 to index
    %swap3A_295 = arith.constant 0 : index
    %swap3A_296 = tpu.vector_load %arg14[%swap3A_294, %swap3A_295] {strides = array<i32>} : memref<4x256xf32, #tpu.memory_space<vmem>>, vector<1x16xf32>,
    %swap3A_297 = vector.shape_cast %swap3A_296 : vector<1x16xf32> to vector<16xf32>
    %swap3A_298 = vector.shape_cast %select_n3A_292 : vector<16xf32> to vector<1x16xf32>
    tpu.vector_store %arg14[%swap3A_294, %swap3A_295], %swap3A_298 {strides = array<i32>} : memref<4x256xf32, #tpu.memory_space<vmem>>, vector<1x16xf32>,
    %get3A_299 = arith.constant 0 : i32
    %get3A_300 = arith.index_cast %get3A_299 : i32 to index
    %get3A_301 = arith.constant 16 : index
    %get3A_302 = tpu.vector_load %arg9[%get3A_300, %get3A_301] {strides = array<i32>} : memref<4x256xf32, #tpu.memory_space<vmem>>, vector<1x16xf32>,
    %get3A_303 = vector.shape_cast %get3A_302 : vector<1x16xf32> to vector<16xf32>
    %get3A_304 = arith.constant 0 : i32
    %get3A_305 = arith.index_cast %get3A_304 : i32 to index
    %get3A_306 = arith.constant 16 : index
    %get3A_307 = tpu.vector_load %arg10[%get3A_305, %get3A_306] {strides = array<i32>} : memref<4x256xf32, #tpu.memory_space<vmem>>, vector<1x16xf32>,
    %get3A_308 = vector.shape_cast %get3A_307 : vector<1x16xf32> to vector<16xf32>
    %ge3A_309 = arith.cmpf oge, %get3A_303, %max3A_257 : vector<16xf32>
    %ne3A_310 = arith.constant 0.000000e+00 : f32
    %ne3A_311 = vector.broadcast %ne3A_310 : f32 to vector<16xf32>
    %ne3A_312 = arith.cmpf one, %get3A_308, %ne3A_311 : vector<16xf32>
    %and3A_313 = arith.andi %ge3A_309, %ne3A_312 : vector<16xi1>
    %get3A_314 = arith.constant 0 : i32
    %get3A_315 = arith.index_cast %get3A_314 : i32 to index
    %get3A_316 = arith.constant 16 : index
    %get3A_317 = tpu.vector_load %arg11[%get3A_315, %get3A_316] {strides = array<i32>} : memref<4x256xi32, #tpu.memory_space<vmem>>, vector<1x16xi32>,
    %get3A_318 = vector.shape_cast %get3A_317 : vector<1x16xi32> to vector<16xi32>
    %get3A_319 = arith.constant 0 : i32
    %get3A_320 = arith.index_cast %get3A_319 : i32 to index
    %get3A_321 = arith.constant 16 : index
    %get3A_322 = tpu.vector_load %arg12[%get3A_320, %get3A_321] {strides = array<i32>} : memref<4x256xi32, #tpu.memory_space<vmem>>, vector<1x16xi32>,
    %get3A_323 = vector.shape_cast %get3A_322 : vector<1x16xi32> to vector<16xi32>
    %select_n3A_324 = arith.select %and3A_313, %get3A_318, %get3A_323 : vector<16xi1>, vector<16xi32>
    %swap3A_325 = arith.constant 0 : i32
    %swap3A_326 = arith.index_cast %swap3A_325 : i32 to index
    %swap3A_327 = arith.constant 16 : index
    %swap3A_328 = tpu.vector_load %arg15[%swap3A_326, %swap3A_327] {strides = array<i32>} : memref<4x256xi32, #tpu.memory_space<vmem>>, vector<1x16xi32>,
    %swap3A_329 = vector.shape_cast %swap3A_328 : vector<1x16xi32> to vector<16xi32>
    %swap3A_330 = vector.shape_cast %select_n3A_324 : vector<16xi32> to vector<1x16xi32>
    tpu.vector_store %arg15[%swap3A_326, %swap3A_327], %swap3A_330 {strides = array<i32>} : memref<4x256xi32, #tpu.memory_space<vmem>>, vector<1x16xi32>,
    %eq3A_331 = arith.constant 0xFF800000 : f32
    %eq3A_332 = vector.broadcast %eq3A_331 : f32 to vector<16xf32>
    %eq3A_333 = arith.cmpf oeq, %scan3A_213#1, %eq3A_332 : vector<16xf32>
    %jit3A_334 = arith.constant 0.000000e+00 : f32
    %broadcast_in_dim3A_335 = vector.broadcast %jit3A_334 : f32 to vector<16xf32>
    %select_n3A_336 = arith.select %eq3A_333, %broadcast_in_dim3A_335, %get3A_308 : vector<16xi1>, vector<16xf32>
    %swap3A_337 = arith.constant 0 : i32
    %swap3A_338 = arith.index_cast %swap3A_337 : i32 to index
    %swap3A_339 = arith.constant 16 : index
    %swap3A_340 = tpu.vector_load %arg14[%swap3A_338, %swap3A_339] {strides = array<i32>} : memref<4x256xf32, #tpu.memory_space<vmem>>, vector<1x16xf32>,
    %swap3A_341 = vector.shape_cast %swap3A_340 : vector<1x16xf32> to vector<16xf32>
    %swap3A_342 = vector.shape_cast %select_n3A_336 : vector<16xf32> to vector<1x16xf32>
    tpu.vector_store %arg14[%swap3A_338, %swap3A_339], %swap3A_342 {strides = array<i32>} : memref<4x256xf32, #tpu.memory_space<vmem>>, vector<1x16xf32>,
    %get3A_343 = arith.constant 0 : i32
    %get3A_344 = arith.index_cast %get3A_343 : i32 to index
    %get3A_345 = arith.constant 32 : index
    %get3A_346 = tpu.vector_load %arg9[%get3A_344, %get3A_345] {strides = array<i32>} : memref<4x256xf32, #tpu.memory_space<vmem>>, vector<1x16xf32>,
    %get3A_347 = vector.shape_cast %get3A_346 : vector<1x16xf32> to vector<16xf32>
    %get3A_348 = arith.constant 0 : i32
    %get3A_349 = arith.index_cast %get3A_348 : i32 to index
    %get3A_350 = arith.constant 32 : index
    %get3A_351 = tpu.vector_load %arg10[%get3A_349, %get3A_350] {strides = array<i32>} : memref<4x256xf32, #tpu.memory_space<vmem>>, vector<1x16xf32>,
    %get3A_352 = vector.shape_cast %get3A_351 : vector<1x16xf32> to vector<16xf32>
    %ge3A_353 = arith.cmpf oge, %get3A_347, %max3A_257 : vector<16xf32>
    %ne3A_354 = arith.constant 0.000000e+00 : f32
    %ne3A_355 = vector.broadcast %ne3A_354 : f32 to vector<16xf32>
    %ne3A_356 = arith.cmpf one, %get3A_352, %ne3A_355 : vector<16xf32>
    %and3A_357 = arith.andi %ge3A_353, %ne3A_356 : vector<16xi1>
    %get3A_358 = arith.constant 0 : i32
    %get3A_359 = arith.index_cast %get3A_358 : i32 to index
    %get3A_360 = arith.constant 32 : index
    %get3A_361 = tpu.vector_load %arg11[%get3A_359, %get3A_360] {strides = array<i32>} : memref<4x256xi32, #tpu.memory_space<vmem>>, vector<1x16xi32>,
    %get3A_362 = vector.shape_cast %get3A_361 : vector<1x16xi32> to vector<16xi32>
    %get3A_363 = arith.constant 0 : i32
    %get3A_364 = arith.index_cast %get3A_363 : i32 to index
    %get3A_365 = arith.constant 32 : index
    %get3A_366 = tpu.vector_load %arg12[%get3A_364, %get3A_365] {strides = array<i32>} : memref<4x256xi32, #tpu.memory_space<vmem>>, vector<1x16xi32>,
    %get3A_367 = vector.shape_cast %get3A_366 : vector<1x16xi32> to vector<16xi32>
    %select_n3A_368 = arith.select %and3A_357, %get3A_362, %get3A_367 : vector<16xi1>, vector<16xi32>
    %swap3A_369 = arith.constant 0 : i32
    %swap3A_370 = arith.index_cast %swap3A_369 : i32 to index
    %swap3A_371 = arith.constant 32 : index
    %swap3A_372 = tpu.vector_load %arg15[%swap3A_370, %swap3A_371] {strides = array<i32>} : memref<4x256xi32, #tpu.memory_space<vmem>>, vector<1x16xi32>,
    %swap3A_373 = vector.shape_cast %swap3A_372 : vector<1x16xi32> to vector<16xi32>
    %swap3A_374 = vector.shape_cast %select_n3A_368 : vector<16xi32> to vector<1x16xi32>
    tpu.vector_store %arg15[%swap3A_370, %swap3A_371], %swap3A_374 {strides = array<i32>} : memref<4x256xi32, #tpu.memory_space<vmem>>, vector<1x16xi32>,
    %eq3A_375 = arith.constant 0xFF800000 : f32
    %eq3A_376 = vector.broadcast %eq3A_375 : f32 to vector<16xf32>
    %eq3A_377 = arith.cmpf oeq, %scan3A_213#2, %eq3A_376 : vector<16xf32>
    %jit3A_378 = arith.constant 0.000000e+00 : f32
    %broadcast_in_dim3A_379 = vector.broadcast %jit3A_378 : f32 to vector<16xf32>
    %select_n3A_380 = arith.select %eq3A_377, %broadcast_in_dim3A_379, %get3A_352 : vector<16xi1>, vector<16xf32>
    %swap3A_381 = arith.constant 0 : i32
    %swap3A_382 = arith.index_cast %swap3A_381 : i32 to index
    %swap3A_383 = arith.constant 32 : index
    %swap3A_384 = tpu.vector_load %arg14[%swap3A_382, %swap3A_383] {strides = array<i32>} : memref<4x256xf32, #tpu.memory_space<vmem>>, vector<1x16xf32>,
    %swap3A_385 = vector.shape_cast %swap3A_384 : vector<1x16xf32> to vector<16xf32>
    %swap3A_386 = vector.shape_cast %select_n3A_380 : vector<16xf32> to vector<1x16xf32>
    tpu.vector_store %arg14[%swap3A_382, %swap3A_383], %swap3A_386 {strides = array<i32>} : memref<4x256xf32, #tpu.memory_space<vmem>>, vector<1x16xf32>,
    %get3A_387 = arith.constant 0 : i32
    %get3A_388 = arith.index_cast %get3A_387 : i32 to index
    %get3A_389 = arith.constant 48 : index
    %get3A_390 = tpu.vector_load %arg9[%get3A_388, %get3A_389] {strides = array<i32>} : memref<4x256xf32, #tpu.memory_space<vmem>>, vector<1x16xf32>,
    %get3A_391 = vector.shape_cast %get3A_390 : vector<1x16xf32> to vector<16xf32>
    %get3A_392 = arith.constant 0 : i32
    %get3A_393 = arith.index_cast %get3A_392 : i32 to index
    %get3A_394 = arith.constant 48 : index
    %get3A_395 = tpu.vector_load %arg10[%get3A_393, %get3A_394] {strides = array<i32>} : memref<4x256xf32, #tpu.memory_space<vmem>>, vector<1x16xf32>,
    %get3A_396 = vector.shape_cast %get3A_395 : vector<1x16xf32> to vector<16xf32>
    %ge3A_397 = arith.cmpf oge, %get3A_391, %max3A_257 : vector<16xf32>
    %ne3A_398 = arith.constant 0.000000e+00 : f32
    %ne3A_399 = vector.broadcast %ne3A_398 : f32 to vector<16xf32>
    %ne3A_400 = arith.cmpf one, %get3A_396, %ne3A_399 : vector<16xf32>
    %and3A_401 = arith.andi %ge3A_397, %ne3A_400 : vector<16xi1>
    %get3A_402 = arith.constant 0 : i32
    %get3A_403 = arith.index_cast %get3A_402 : i32 to index
    %get3A_404 = arith.constant 48 : index
    %get3A_405 = tpu.vector_load %arg11[%get3A_403, %get3A_404] {strides = array<i32>} : memref<4x256xi32, #tpu.memory_space<vmem>>, vector<1x16xi32>,
    %get3A_406 = vector.shape_cast %get3A_405 : vector<1x16xi32> to vector<16xi32>
    %get3A_407 = arith.constant 0 : i32
    %get3A_408 = arith.index_cast %get3A_407 : i32 to index
    %get3A_409 = arith.constant 48 : index
    %get3A_410 = tpu.vector_load %arg12[%get3A_408, %get3A_409] {strides = array<i32>} : memref<4x256xi32, #tpu.memory_space<vmem>>, vector<1x16xi32>,
    %get3A_411 = vector.shape_cast %get3A_410 : vector<1x16xi32> to vector<16xi32>
    %select_n3A_412 = arith.select %and3A_401, %get3A_406, %get3A_411 : vector<16xi1>, vector<16xi32>
    %swap3A_413 = arith.constant 0 : i32
    %swap3A_414 = arith.index_cast %swap3A_413 : i32 to index
    %swap3A_415 = arith.constant 48 : index
    %swap3A_416 = tpu.vector_load %arg15[%swap3A_414, %swap3A_415] {strides = array<i32>} : memref<4x256xi32, #tpu.memory_space<vmem>>, vector<1x16xi32>,
    %swap3A_417 = vector.shape_cast %swap3A_416 : vector<1x16xi32> to vector<16xi32>
    %swap3A_418 = vector.shape_cast %select_n3A_412 : vector<16xi32> to vector<1x16xi32>
    tpu.vector_store %arg15[%swap3A_414, %swap3A_415], %swap3A_418 {strides = array<i32>} : memref<4x256xi32, #tpu.memory_space<vmem>>, vector<1x16xi32>,
    %eq3A_419 = arith.constant 0xFF800000 : f32
    %eq3A_420 = vector.broadcast %eq3A_419 : f32 to vector<16xf32>
    %eq3A_421 = arith.cmpf oeq, %scan3A_213#3, %eq3A_420 : vector<16xf32>
    %jit3A_422 = arith.constant 0.000000e+00 : f32
    %broadcast_in_dim3A_423 = vector.broadcast %jit3A_422 : f32 to vector<16xf32>
    %select_n3A_424 = arith.select %eq3A_421, %broadcast_in_dim3A_423, %get3A_396 : vector<16xi1>, vector<16xf32>
    %swap3A_425 = arith.constant 0 : i32
    %swap3A_426 = arith.index_cast %swap3A_425 : i32 to index
    %swap3A_427 = arith.constant 48 : index
    %swap3A_428 = tpu.vector_load %arg14[%swap3A_426, %swap3A_427] {strides = array<i32>} : memref<4x256xf32, #tpu.memory_space<vmem>>, vector<1x16xf32>,
    %swap3A_429 = vector.shape_cast %swap3A_428 : vector<1x16xf32> to vector<16xf32>
    %swap3A_430 = vector.shape_cast %select_n3A_424 : vector<16xf32> to vector<1x16xf32>
    tpu.vector_store %arg14[%swap3A_426, %swap3A_427], %swap3A_430 {strides = array<i32>} : memref<4x256xf32, #tpu.memory_space<vmem>>, vector<1x16xf32>,
    %get3A_431 = arith.constant 0 : i32
    %get3A_432 = arith.index_cast %get3A_431 : i32 to index
    %get3A_433 = arith.constant 64 : index
    %get3A_434 = tpu.vector_load %arg9[%get3A_432, %get3A_433] {strides = array<i32>} : memref<4x256xf32, #tpu.memory_space<vmem>>, vector<1x16xf32>,
    %get3A_435 = vector.shape_cast %get3A_434 : vector<1x16xf32> to vector<16xf32>
    %get3A_436 = arith.constant 0 : i32
    %get3A_437 = arith.index_cast %get3A_436 : i32 to index
    %get3A_438 = arith.constant 64 : index
    %get3A_439 = tpu.vector_load %arg10[%get3A_437, %get3A_438] {strides = array<i32>} : memref<4x256xf32, #tpu.memory_space<vmem>>, vector<1x16xf32>,
    %get3A_440 = vector.shape_cast %get3A_439 : vector<1x16xf32> to vector<16xf32>
    %ge3A_441 = arith.cmpf oge, %get3A_435, %max3A_257 : vector<16xf32>
    %ne3A_442 = arith.constant 0.000000e+00 : f32
    %ne3A_443 = vector.broadcast %ne3A_442 : f32 to vector<16xf32>
    %ne3A_444 = arith.cmpf one, %get3A_440, %ne3A_443 : vector<16xf32>
    %and3A_445 = arith.andi %ge3A_441, %ne3A_444 : vector<16xi1>
    %get3A_446 = arith.constant 0 : i32
    %get3A_447 = arith.index_cast %get3A_446 : i32 to index
    %get3A_448 = arith.constant 64 : index
    %get3A_449 = tpu.vector_load %arg11[%get3A_447, %get3A_448] {strides = array<i32>} : memref<4x256xi32, #tpu.memory_space<vmem>>, vector<1x16xi32>,
    %get3A_450 = vector.shape_cast %get3A_449 : vector<1x16xi32> to vector<16xi32>
    %get3A_451 = arith.constant 0 : i32
    %get3A_452 = arith.index_cast %get3A_451 : i32 to index
    %get3A_453 = arith.constant 64 : index
    %get3A_454 = tpu.vector_load %arg12[%get3A_452, %get3A_453] {strides = array<i32>} : memref<4x256xi32, #tpu.memory_space<vmem>>, vector<1x16xi32>,
    %get3A_455 = vector.shape_cast %get3A_454 : vector<1x16xi32> to vector<16xi32>
    %select_n3A_456 = arith.select %and3A_445, %get3A_450, %get3A_455 : vector<16xi1>, vector<16xi32>
    %swap3A_457 = arith.constant 0 : i32
    %swap3A_458 = arith.index_cast %swap3A_457 : i32 to index
    %swap3A_459 = arith.constant 64 : index
    %swap3A_460 = tpu.vector_load %arg15[%swap3A_458, %swap3A_459] {strides = array<i32>} : memref<4x256xi32, #tpu.memory_space<vmem>>, vector<1x16xi32>,
    %swap3A_461 = vector.shape_cast %swap3A_460 : vector<1x16xi32> to vector<16xi32>
    %swap3A_462 = vector.shape_cast %select_n3A_456 : vector<16xi32> to vector<1x16xi32>
    tpu.vector_store %arg15[%swap3A_458, %swap3A_459], %swap3A_462 {strides = array<i32>} : memref<4x256xi32, #tpu.memory_space<vmem>>, vector<1x16xi32>,
    %eq3A_463 = arith.constant 0xFF800000 : f32
    %eq3A_464 = vector.broadcast %eq3A_463 : f32 to vector<16xf32>
    %eq3A_465 = arith.cmpf oeq, %scan3A_213#4, %eq3A_464 : vector<16xf32>
    %jit3A_466 = arith.constant 0.000000e+00 : f32
    %broadcast_in_dim3A_467 = vector.broadcast %jit3A_466 : f32 to vector<16xf32>
    %select_n3A_468 = arith.select %eq3A_465, %broadcast_in_dim3A_467, %get3A_440 : vector<16xi1>, vector<16xf32>
    %swap3A_469 = arith.constant 0 : i32
    %swap3A_470 = arith.index_cast %swap3A_469 : i32 to index
    %swap3A_471 = arith.constant 64 : index
    %swap3A_472 = tpu.vector_load %arg14[%swap3A_470, %swap3A_471] {strides = array<i32>} : memref<4x256xf32, #tpu.memory_space<vmem>>, vector<1x16xf32>,
    %swap3A_473 = vector.shape_cast %swap3A_472 : vector<1x16xf32> to vector<16xf32>
    %swap3A_474 = vector.shape_cast %select_n3A_468 : vector<16xf32> to vector<1x16xf32>
    tpu.vector_store %arg14[%swap3A_470, %swap3A_471], %swap3A_474 {strides = array<i32>} : memref<4x256xf32, #tpu.memory_space<vmem>>, vector<1x16xf32>,
    %get3A_475 = arith.constant 0 : i32
    %get3A_476 = arith.index_cast %get3A_475 : i32 to index
    %get3A_477 = arith.constant 80 : index
    %get3A_478 = tpu.vector_load %arg9[%get3A_476, %get3A_477] {strides = array<i32>} : memref<4x256xf32, #tpu.memory_space<vmem>>, vector<1x16xf32>,
    %get3A_479 = vector.shape_cast %get3A_478 : vector<1x16xf32> to vector<16xf32>
    %get3A_480 = arith.constant 0 : i32
    %get3A_481 = arith.index_cast %get3A_480 : i32 to index
    %get3A_482 = arith.constant 80 : index
    %get3A_483 = tpu.vector_load %arg10[%get3A_481, %get3A_482] {strides = array<i32>} : memref<4x256xf32, #tpu.memory_space<vmem>>, vector<1x16xf32>,
    %get3A_484 = vector.shape_cast %get3A_483 : vector<1x16xf32> to vector<16xf32>
    %ge3A_485 = arith.cmpf oge, %get3A_479, %max3A_257 : vector<16xf32>
    %ne3A_486 = arith.constant 0.000000e+00 : f32
    %ne3A_487 = vector.broadcast %ne3A_486 : f32 to vector<16xf32>
    %ne3A_488 = arith.cmpf one, %get3A_484, %ne3A_487 : vector<16xf32>
    %and3A_489 = arith.andi %ge3A_485, %ne3A_488 : vector<16xi1>
    %get3A_490 = arith.constant 0 : i32
    %get3A_491 = arith.index_cast %get3A_490 : i32 to index
    %get3A_492 = arith.constant 80 : index
    %get3A_493 = tpu.vector_load %arg11[%get3A_491, %get3A_492] {strides = array<i32>} : memref<4x256xi32, #tpu.memory_space<vmem>>, vector<1x16xi32>,
    %get3A_494 = vector.shape_cast %get3A_493 : vector<1x16xi32> to vector<16xi32>
    %get3A_495 = arith.constant 0 : i32
    %get3A_496 = arith.index_cast %get3A_495 : i32 to index
    %get3A_497 = arith.constant 80 : index
    %get3A_498 = tpu.vector_load %arg12[%get3A_496, %get3A_497] {strides = array<i32>} : memref<4x256xi32, #tpu.memory_space<vmem>>, vector<1x16xi32>,
    %get3A_499 = vector.shape_cast %get3A_498 : vector<1x16xi32> to vector<16xi32>
    %select_n3A_500 = arith.select %and3A_489, %get3A_494, %get3A_499 : vector<16xi1>, vector<16xi32>
    %swap3A_501 = arith.constant 0 : i32
    %swap3A_502 = arith.index_cast %swap3A_501 : i32 to index
    %swap3A_503 = arith.constant 80 : index
    %swap3A_504 = tpu.vector_load %arg15[%swap3A_502, %swap3A_503] {strides = array<i32>} : memref<4x256xi32, #tpu.memory_space<vmem>>, vector<1x16xi32>,
    %swap3A_505 = vector.shape_cast %swap3A_504 : vector<1x16xi32> to vector<16xi32>
    %swap3A_506 = vector.shape_cast %select_n3A_500 : vector<16xi32> to vector<1x16xi32>
    tpu.vector_store %arg15[%swap3A_502, %swap3A_503], %swap3A_506 {strides = array<i32>} : memref<4x256xi32, #tpu.memory_space<vmem>>, vector<1x16xi32>,
    %eq3A_507 = arith.constant 0xFF800000 : f32
    %eq3A_508 = vector.broadcast %eq3A_507 : f32 to vector<16xf32>
    %eq3A_509 = arith.cmpf oeq, %scan3A_213#5, %eq3A_508 : vector<16xf32>
    %jit3A_510 = arith.constant 0.000000e+00 : f32
    %broadcast_in_dim3A_511 = vector.broadcast %jit3A_510 : f32 to vector<16xf32>
    %select_n3A_512 = arith.select %eq3A_509, %broadcast_in_dim3A_511, %get3A_484 : vector<16xi1>, vector<16xf32>
    %swap3A_513 = arith.constant 0 : i32
    %swap3A_514 = arith.index_cast %swap3A_513 : i32 to index
    %swap3A_515 = arith.constant 80 : index
    %swap3A_516 = tpu.vector_load %arg14[%swap3A_514, %swap3A_515] {strides = array<i32>} : memref<4x256xf32, #tpu.memory_space<vmem>>, vector<1x16xf32>,
    %swap3A_517 = vector.shape_cast %swap3A_516 : vector<1x16xf32> to vector<16xf32>
    %swap3A_518 = vector.shape_cast %select_n3A_512 : vector<16xf32> to vector<1x16xf32>
    tpu.vector_store %arg14[%swap3A_514, %swap3A_515], %swap3A_518 {strides = array<i32>} : memref<4x256xf32, #tpu.memory_space<vmem>>, vector<1x16xf32>,
    %get3A_519 = arith.constant 0 : i32
    %get3A_520 = arith.index_cast %get3A_519 : i32 to index
    %get3A_521 = arith.constant 96 : index
    %get3A_522 = tpu.vector_load %arg9[%get3A_520, %get3A_521] {strides = array<i32>} : memref<4x256xf32, #tpu.memory_space<vmem>>, vector<1x16xf32>,
    %get3A_523 = vector.shape_cast %get3A_522 : vector<1x16xf32> to vector<16xf32>
    %get3A_524 = arith.constant 0 : i32
    %get3A_525 = arith.index_cast %get3A_524 : i32 to index
    %get3A_526 = arith.constant 96 : index
    %get3A_527 = tpu.vector_load %arg10[%get3A_525, %get3A_526] {strides = array<i32>} : memref<4x256xf32, #tpu.memory_space<vmem>>, vector<1x16xf32>,
    %get3A_528 = vector.shape_cast %get3A_527 : vector<1x16xf32> to vector<16xf32>
    %ge3A_529 = arith.cmpf oge, %get3A_523, %max3A_257 : vector<16xf32>
    %ne3A_530 = arith.constant 0.000000e+00 : f32
    %ne3A_531 = vector.broadcast %ne3A_530 : f32 to vector<16xf32>
    %ne3A_532 = arith.cmpf one, %get3A_528, %ne3A_531 : vector<16xf32>
    %and3A_533 = arith.andi %ge3A_529, %ne3A_532 : vector<16xi1>
    %get3A_534 = arith.constant 0 : i32
    %get3A_535 = arith.index_cast %get3A_534 : i32 to index
    %get3A_536 = arith.constant 96 : index
    %get3A_537 = tpu.vector_load %arg11[%get3A_535, %get3A_536] {strides = array<i32>} : memref<4x256xi32, #tpu.memory_space<vmem>>, vector<1x16xi32>,
    %get3A_538 = vector.shape_cast %get3A_537 : vector<1x16xi32> to vector<16xi32>
    %get3A_539 = arith.constant 0 : i32
    %get3A_540 = arith.index_cast %get3A_539 : i32 to index
    %get3A_541 = arith.constant 96 : index
    %get3A_542 = tpu.vector_load %arg12[%get3A_540, %get3A_541] {strides = array<i32>} : memref<4x256xi32, #tpu.memory_space<vmem>>, vector<1x16xi32>,
    %get3A_543 = vector.shape_cast %get3A_542 : vector<1x16xi32> to vector<16xi32>
    %select_n3A_544 = arith.select %and3A_533, %get3A_538, %get3A_543 : vector<16xi1>, vector<16xi32>
    %swap3A_545 = arith.constant 0 : i32
    %swap3A_546 = arith.index_cast %swap3A_545 : i32 to index
    %swap3A_547 = arith.constant 96 : index
    %swap3A_548 = tpu.vector_load %arg15[%swap3A_546, %swap3A_547] {strides = array<i32>} : memref<4x256xi32, #tpu.memory_space<vmem>>, vector<1x16xi32>,
    %swap3A_549 = vector.shape_cast %swap3A_548 : vector<1x16xi32> to vector<16xi32>
    %swap3A_550 = vector.shape_cast %select_n3A_544 : vector<16xi32> to vector<1x16xi32>
    tpu.vector_store %arg15[%swap3A_546, %swap3A_547], %swap3A_550 {strides = array<i32>} : memref<4x256xi32, #tpu.memory_space<vmem>>, vector<1x16xi32>,
    %eq3A_551 = arith.constant 0xFF800000 : f32
    %eq3A_552 = vector.broadcast %eq3A_551 : f32 to vector<16xf32>
    %eq3A_553 = arith.cmpf oeq, %scan3A_213#6, %eq3A_552 : vector<16xf32>
    %jit3A_554 = arith.constant 0.000000e+00 : f32
    %broadcast_in_dim3A_555 = vector.broadcast %jit3A_554 : f32 to vector<16xf32>
    %select_n3A_556 = arith.select %eq3A_553, %broadcast_in_dim3A_555, %get3A_528 : vector<16xi1>, vector<16xf32>
    %swap3A_557 = arith.constant 0 : i32
    %swap3A_558 = arith.index_cast %swap3A_557 : i32 to index
    %swap3A_559 = arith.constant 96 : index
    %swap3A_560 = tpu.vector_load %arg14[%swap3A_558, %swap3A_559] {strides = array<i32>} : memref<4x256xf32, #tpu.memory_space<vmem>>, vector<1x16xf32>,
    %swap3A_561 = vector.shape_cast %swap3A_560 : vector<1x16xf32> to vector<16xf32>
    %swap3A_562 = vector.shape_cast %select_n3A_556 : vector<16xf32> to vector<1x16xf32>
    tpu.vector_store %arg14[%swap3A_558, %swap3A_559], %swap3A_562 {strides = array<i32>} : memref<4x256xf32, #tpu.memory_space<vmem>>, vector<1x16xf32>,
    %get3A_563 = arith.constant 0 : i32
    %get3A_564 = arith.index_cast %get3A_563 : i32 to index
    %get3A_565 = arith.constant 112 : index
    %get3A_566 = tpu.vector_load %arg9[%get3A_564, %get3A_565] {strides = array<i32>} : memref<4x256xf32, #tpu.memory_space<vmem>>, vector<1x16xf32>,
    %get3A_567 = vector.shape_cast %get3A_566 : vector<1x16xf32> to vector<16xf32>
    %get3A_568 = arith.constant 0 : i32
    %get3A_569 = arith.index_cast %get3A_568 : i32 to index
    %get3A_570 = arith.constant 112 : index
    %get3A_571 = tpu.vector_load %arg10[%get3A_569, %get3A_570] {strides = array<i32>} : memref<4x256xf32, #tpu.memory_space<vmem>>, vector<1x16xf32>,
    %get3A_572 = vector.shape_cast %get3A_571 : vector<1x16xf32> to vector<16xf32>
    %ge3A_573 = arith.cmpf oge, %get3A_567, %max3A_257 : vector<16xf32>
    %ne3A_574 = arith.constant 0.000000e+00 : f32
    %ne3A_575 = vector.broadcast %ne3A_574 : f32 to vector<16xf32>
    %ne3A_576 = arith.cmpf one, %get3A_572, %ne3A_575 : vector<16xf32>
    %and3A_577 = arith.andi %ge3A_573, %ne3A_576 : vector<16xi1>
    %get3A_578 = arith.constant 0 : i32
    %get3A_579 = arith.index_cast %get3A_578 : i32 to index
    %get3A_580 = arith.constant 112 : index
    %get3A_581 = tpu.vector_load %arg11[%get3A_579, %get3A_580] {strides = array<i32>} : memref<4x256xi32, #tpu.memory_space<vmem>>, vector<1x16xi32>,
    %get3A_582 = vector.shape_cast %get3A_581 : vector<1x16xi32> to vector<16xi32>
    %get3A_583 = arith.constant 0 : i32
    %get3A_584 = arith.index_cast %get3A_583 : i32 to index
    %get3A_585 = arith.constant 112 : index
    %get3A_586 = tpu.vector_load %arg12[%get3A_584, %get3A_585] {strides = array<i32>} : memref<4x256xi32, #tpu.memory_space<vmem>>, vector<1x16xi32>,
    %get3A_587 = vector.shape_cast %get3A_586 : vector<1x16xi32> to vector<16xi32>
    %select_n3A_588 = arith.select %and3A_577, %get3A_582, %get3A_587 : vector<16xi1>, vector<16xi32>
    %swap3A_589 = arith.constant 0 : i32
    %swap3A_590 = arith.index_cast %swap3A_589 : i32 to index
    %swap3A_591 = arith.constant 112 : index
    %swap3A_592 = tpu.vector_load %arg15[%swap3A_590, %swap3A_591] {strides = array<i32>} : memref<4x256xi32, #tpu.memory_space<vmem>>, vector<1x16xi32>,
    %swap3A_593 = vector.shape_cast %swap3A_592 : vector<1x16xi32> to vector<16xi32>
    %swap3A_594 = vector.shape_cast %select_n3A_588 : vector<16xi32> to vector<1x16xi32>
    tpu.vector_store %arg15[%swap3A_590, %swap3A_591], %swap3A_594 {strides = array<i32>} : memref<4x256xi32, #tpu.memory_space<vmem>>, vector<1x16xi32>,
    %eq3A_595 = arith.constant 0xFF800000 : f32
    %eq3A_596 = vector.broadcast %eq3A_595 : f32 to vector<16xf32>
    %eq3A_597 = arith.cmpf oeq, %scan3A_213#7, %eq3A_596 : vector<16xf32>
    %jit3A_598 = arith.constant 0.000000e+00 : f32
    %broadcast_in_dim3A_599 = vector.broadcast %jit3A_598 : f32 to vector<16xf32>
    %select_n3A_600 = arith.select %eq3A_597, %broadcast_in_dim3A_599, %get3A_572 : vector<16xi1>, vector<16xf32>
    %swap3A_601 = arith.constant 0 : i32
    %swap3A_602 = arith.index_cast %swap3A_601 : i32 to index
    %swap3A_603 = arith.constant 112 : index
    %swap3A_604 = tpu.vector_load %arg14[%swap3A_602, %swap3A_603] {strides = array<i32>} : memref<4x256xf32, #tpu.memory_space<vmem>>, vector<1x16xf32>,
    %swap3A_605 = vector.shape_cast %swap3A_604 : vector<1x16xf32> to vector<16xf32>
    %swap3A_606 = vector.shape_cast %select_n3A_600 : vector<16xf32> to vector<1x16xf32>
    tpu.vector_store %arg14[%swap3A_602, %swap3A_603], %swap3A_606 {strides = array<i32>} : memref<4x256xf32, #tpu.memory_space<vmem>>, vector<1x16xf32>,
    %get3A_607 = arith.constant 0 : i32
    %get3A_608 = arith.index_cast %get3A_607 : i32 to index
    %get3A_609 = arith.constant 128 : index
    %get3A_610 = tpu.vector_load %arg9[%get3A_608, %get3A_609] {strides = array<i32>} : memref<4x256xf32, #tpu.memory_space<vmem>>, vector<1x16xf32>,
    %get3A_611 = vector.shape_cast %get3A_610 : vector<1x16xf32> to vector<16xf32>
    %get3A_612 = arith.constant 0 : i32
    %get3A_613 = arith.index_cast %get3A_612 : i32 to index
    %get3A_614 = arith.constant 128 : index
    %get3A_615 = tpu.vector_load %arg10[%get3A_613, %get3A_614] {strides = array<i32>} : memref<4x256xf32, #tpu.memory_space<vmem>>, vector<1x16xf32>,
    %get3A_616 = vector.shape_cast %get3A_615 : vector<1x16xf32> to vector<16xf32>
    %ge3A_617 = arith.cmpf oge, %get3A_611, %max3A_257 : vector<16xf32>
    %ne3A_618 = arith.constant 0.000000e+00 : f32
    %ne3A_619 = vector.broadcast %ne3A_618 : f32 to vector<16xf32>
    %ne3A_620 = arith.cmpf one, %get3A_616, %ne3A_619 : vector<16xf32>
    %and3A_621 = arith.andi %ge3A_617, %ne3A_620 : vector<16xi1>
    %get3A_622 = arith.constant 0 : i32
    %get3A_623 = arith.index_cast %get3A_622 : i32 to index
    %get3A_624 = arith.constant 128 : index
    %get3A_625 = tpu.vector_load %arg11[%get3A_623, %get3A_624] {strides = array<i32>} : memref<4x256xi32, #tpu.memory_space<vmem>>, vector<1x16xi32>,
    %get3A_626 = vector.shape_cast %get3A_625 : vector<1x16xi32> to vector<16xi32>
    %get3A_627 = arith.constant 0 : i32
    %get3A_628 = arith.index_cast %get3A_627 : i32 to index
    %get3A_629 = arith.constant 128 : index
    %get3A_630 = tpu.vector_load %arg12[%get3A_628, %get3A_629] {strides = array<i32>} : memref<4x256xi32, #tpu.memory_space<vmem>>, vector<1x16xi32>,
    %get3A_631 = vector.shape_cast %get3A_630 : vector<1x16xi32> to vector<16xi32>
    %select_n3A_632 = arith.select %and3A_621, %get3A_626, %get3A_631 : vector<16xi1>, vector<16xi32>
    %swap3A_633 = arith.constant 0 : i32
    %swap3A_634 = arith.index_cast %swap3A_633 : i32 to index
    %swap3A_635 = arith.constant 128 : index
    %swap3A_636 = tpu.vector_load %arg15[%swap3A_634, %swap3A_635] {strides = array<i32>} : memref<4x256xi32, #tpu.memory_space<vmem>>, vector<1x16xi32>,
    %swap3A_637 = vector.shape_cast %swap3A_636 : vector<1x16xi32> to vector<16xi32>
    %swap3A_638 = vector.shape_cast %select_n3A_632 : vector<16xi32> to vector<1x16xi32>
    tpu.vector_store %arg15[%swap3A_634, %swap3A_635], %swap3A_638 {strides = array<i32>} : memref<4x256xi32, #tpu.memory_space<vmem>>, vector<1x16xi32>,
    %eq3A_639 = arith.constant 0xFF800000 : f32
    %eq3A_640 = vector.broadcast %eq3A_639 : f32 to vector<16xf32>
    %eq3A_641 = arith.cmpf oeq, %scan3A_213#8, %eq3A_640 : vector<16xf32>
    %jit3A_642 = arith.constant 0.000000e+00 : f32
    %broadcast_in_dim3A_643 = vector.broadcast %jit3A_642 : f32 to vector<16xf32>
    %select_n3A_644 = arith.select %eq3A_641, %broadcast_in_dim3A_643, %get3A_616 : vector<16xi1>, vector<16xf32>
    %swap3A_645 = arith.constant 0 : i32
    %swap3A_646 = arith.index_cast %swap3A_645 : i32 to index
    %swap3A_647 = arith.constant 128 : index
    %swap3A_648 = tpu.vector_load %arg14[%swap3A_646, %swap3A_647] {strides = array<i32>} : memref<4x256xf32, #tpu.memory_space<vmem>>, vector<1x16xf32>,
    %swap3A_649 = vector.shape_cast %swap3A_648 : vector<1x16xf32> to vector<16xf32>
    %swap3A_650 = vector.shape_cast %select_n3A_644 : vector<16xf32> to vector<1x16xf32>
    tpu.vector_store %arg14[%swap3A_646, %swap3A_647], %swap3A_650 {strides = array<i32>} : memref<4x256xf32, #tpu.memory_space<vmem>>, vector<1x16xf32>,
    %get3A_651 = arith.constant 0 : i32
    %get3A_652 = arith.index_cast %get3A_651 : i32 to index
    %get3A_653 = arith.constant 144 : index
    %get3A_654 = tpu.vector_load %arg9[%get3A_652, %get3A_653] {strides = array<i32>} : memref<4x256xf32, #tpu.memory_space<vmem>>, vector<1x16xf32>,
    %get3A_655 = vector.shape_cast %get3A_654 : vector<1x16xf32> to vector<16xf32>
    %get3A_656 = arith.constant 0 : i32
    %get3A_657 = arith.index_cast %get3A_656 : i32 to index
    %get3A_658 = arith.constant 144 : index
    %get3A_659 = tpu.vector_load %arg10[%get3A_657, %get3A_658] {strides = array<i32>} : memref<4x256xf32, #tpu.memory_space<vmem>>, vector<1x16xf32>,
    %get3A_660 = vector.shape_cast %get3A_659 : vector<1x16xf32> to vector<16xf32>
    %ge3A_661 = arith.cmpf oge, %get3A_655, %max3A_257 : vector<16xf32>
    %ne3A_662 = arith.constant 0.000000e+00 : f32
    %ne3A_663 = vector.broadcast %ne3A_662 : f32 to vector<16xf32>
    %ne3A_664 = arith.cmpf one, %get3A_660, %ne3A_663 : vector<16xf32>
    %and3A_665 = arith.andi %ge3A_661, %ne3A_664 : vector<16xi1>
    %get3A_666 = arith.constant 0 : i32
    %get3A_667 = arith.index_cast %get3A_666 : i32 to index
    %get3A_668 = arith.constant 144 : index
    %get3A_669 = tpu.vector_load %arg11[%get3A_667, %get3A_668] {strides = array<i32>} : memref<4x256xi32, #tpu.memory_space<vmem>>, vector<1x16xi32>,
    %get3A_670 = vector.shape_cast %get3A_669 : vector<1x16xi32> to vector<16xi32>
    %get3A_671 = arith.constant 0 : i32
    %get3A_672 = arith.index_cast %get3A_671 : i32 to index
    %get3A_673 = arith.constant 144 : index
    %get3A_674 = tpu.vector_load %arg12[%get3A_672, %get3A_673] {strides = array<i32>} : memref<4x256xi32, #tpu.memory_space<vmem>>, vector<1x16xi32>,
    %get3A_675 = vector.shape_cast %get3A_674 : vector<1x16xi32> to vector<16xi32>
    %select_n3A_676 = arith.select %and3A_665, %get3A_670, %get3A_675 : vector<16xi1>, vector<16xi32>
    %swap3A_677 = arith.constant 0 : i32
    %swap3A_678 = arith.index_cast %swap3A_677 : i32 to index
    %swap3A_679 = arith.constant 144 : index
    %swap3A_680 = tpu.vector_load %arg15[%swap3A_678, %swap3A_679] {strides = array<i32>} : memref<4x256xi32, #tpu.memory_space<vmem>>, vector<1x16xi32>,
    %swap3A_681 = vector.shape_cast %swap3A_680 : vector<1x16xi32> to vector<16xi32>
    %swap3A_682 = vector.shape_cast %select_n3A_676 : vector<16xi32> to vector<1x16xi32>
    tpu.vector_store %arg15[%swap3A_678, %swap3A_679], %swap3A_682 {strides = array<i32>} : memref<4x256xi32, #tpu.memory_space<vmem>>, vector<1x16xi32>,
    %eq3A_683 = arith.constant 0xFF800000 : f32
    %eq3A_684 = vector.broadcast %eq3A_683 : f32 to vector<16xf32>
    %eq3A_685 = arith.cmpf oeq, %scan3A_213#9, %eq3A_684 : vector<16xf32>
    %jit3A_686 = arith.constant 0.000000e+00 : f32
    %broadcast_in_dim3A_687 = vector.broadcast %jit3A_686 : f32 to vector<16xf32>
    %select_n3A_688 = arith.select %eq3A_685, %broadcast_in_dim3A_687, %get3A_660 : vector<16xi1>, vector<16xf32>
    %swap3A_689 = arith.constant 0 : i32
    %swap3A_690 = arith.index_cast %swap3A_689 : i32 to index
    %swap3A_691 = arith.constant 144 : index
    %swap3A_692 = tpu.vector_load %arg14[%swap3A_690, %swap3A_691] {strides = array<i32>} : memref<4x256xf32, #tpu.memory_space<vmem>>, vector<1x16xf32>,
    %swap3A_693 = vector.shape_cast %swap3A_692 : vector<1x16xf32> to vector<16xf32>
    %swap3A_694 = vector.shape_cast %select_n3A_688 : vector<16xf32> to vector<1x16xf32>
    tpu.vector_store %arg14[%swap3A_690, %swap3A_691], %swap3A_694 {strides = array<i32>} : memref<4x256xf32, #tpu.memory_space<vmem>>, vector<1x16xf32>,
    %get3A_695 = arith.constant 0 : i32
    %get3A_696 = arith.index_cast %get3A_695 : i32 to index
    %get3A_697 = arith.constant 160 : index
    %get3A_698 = tpu.vector_load %arg9[%get3A_696, %get3A_697] {strides = array<i32>} : memref<4x256xf32, #tpu.memory_space<vmem>>, vector<1x16xf32>,
    %get3A_699 = vector.shape_cast %get3A_698 : vector<1x16xf32> to vector<16xf32>
    %get3A_700 = arith.constant 0 : i32
    %get3A_701 = arith.index_cast %get3A_700 : i32 to index
    %get3A_702 = arith.constant 160 : index
    %get3A_703 = tpu.vector_load %arg10[%get3A_701, %get3A_702] {strides = array<i32>} : memref<4x256xf32, #tpu.memory_space<vmem>>, vector<1x16xf32>,
    %get3A_704 = vector.shape_cast %get3A_703 : vector<1x16xf32> to vector<16xf32>
    %ge3A_705 = arith.cmpf oge, %get3A_699, %max3A_257 : vector<16xf32>
    %ne3A_706 = arith.constant 0.000000e+00 : f32
    %ne3A_707 = vector.broadcast %ne3A_706 : f32 to vector<16xf32>
    %ne3A_708 = arith.cmpf one, %get3A_704, %ne3A_707 : vector<16xf32>
    %and3A_709 = arith.andi %ge3A_705, %ne3A_708 : vector<16xi1>
    %get3A_710 = arith.constant 0 : i32
    %get3A_711 = arith.index_cast %get3A_710 : i32 to index
    %get3A_712 = arith.constant 160 : index
    %get3A_713 = tpu.vector_load %arg11[%get3A_711, %get3A_712] {strides = array<i32>} : memref<4x256xi32, #tpu.memory_space<vmem>>, vector<1x16xi32>,
    %get3A_714 = vector.shape_cast %get3A_713 : vector<1x16xi32> to vector<16xi32>
    %get3A_715 = arith.constant 0 : i32
    %get3A_716 = arith.index_cast %get3A_715 : i32 to index
    %get3A_717 = arith.constant 160 : index
    %get3A_718 = tpu.vector_load %arg12[%get3A_716, %get3A_717] {strides = array<i32>} : memref<4x256xi32, #tpu.memory_space<vmem>>, vector<1x16xi32>,
    %get3A_719 = vector.shape_cast %get3A_718 : vector<1x16xi32> to vector<16xi32>
    %select_n3A_720 = arith.select %and3A_709, %get3A_714, %get3A_719 : vector<16xi1>, vector<16xi32>
    %swap3A_721 = arith.constant 0 : i32
    %swap3A_722 = arith.index_cast %swap3A_721 : i32 to index
    %swap3A_723 = arith.constant 160 : index
    %swap3A_724 = tpu.vector_load %arg15[%swap3A_722, %swap3A_723] {strides = array<i32>} : memref<4x256xi32, #tpu.memory_space<vmem>>, vector<1x16xi32>,
    %swap3A_725 = vector.shape_cast %swap3A_724 : vector<1x16xi32> to vector<16xi32>
    %swap3A_726 = vector.shape_cast %select_n3A_720 : vector<16xi32> to vector<1x16xi32>
    tpu.vector_store %arg15[%swap3A_722, %swap3A_723], %swap3A_726 {strides = array<i32>} : memref<4x256xi32, #tpu.memory_space<vmem>>, vector<1x16xi32>,
    %eq3A_727 = arith.constant 0xFF800000 : f32
    %eq3A_728 = vector.broadcast %eq3A_727 : f32 to vector<16xf32>
    %eq3A_729 = arith.cmpf oeq, %scan3A_213#10, %eq3A_728 : vector<16xf32>
    %jit3A_730 = arith.constant 0.000000e+00 : f32
    %broadcast_in_dim3A_731 = vector.broadcast %jit3A_730 : f32 to vector<16xf32>
    %select_n3A_732 = arith.select %eq3A_729, %broadcast_in_dim3A_731, %get3A_704 : vector<16xi1>, vector<16xf32>
    %swap3A_733 = arith.constant 0 : i32
    %swap3A_734 = arith.index_cast %swap3A_733 : i32 to index
    %swap3A_735 = arith.constant 160 : index
    %swap3A_736 = tpu.vector_load %arg14[%swap3A_734, %swap3A_735] {strides = array<i32>} : memref<4x256xf32, #tpu.memory_space<vmem>>, vector<1x16xf32>,
    %swap3A_737 = vector.shape_cast %swap3A_736 : vector<1x16xf32> to vector<16xf32>
    %swap3A_738 = vector.shape_cast %select_n3A_732 : vector<16xf32> to vector<1x16xf32>
    tpu.vector_store %arg14[%swap3A_734, %swap3A_735], %swap3A_738 {strides = array<i32>} : memref<4x256xf32, #tpu.memory_space<vmem>>, vector<1x16xf32>,
    %get3A_739 = arith.constant 0 : i32
    %get3A_740 = arith.index_cast %get3A_739 : i32 to index
    %get3A_741 = arith.constant 176 : index
    %get3A_742 = tpu.vector_load %arg9[%get3A_740, %get3A_741] {strides = array<i32>} : memref<4x256xf32, #tpu.memory_space<vmem>>, vector<1x16xf32>,
    %get3A_743 = vector.shape_cast %get3A_742 : vector<1x16xf32> to vector<16xf32>
    %get3A_744 = arith.constant 0 : i32
    %get3A_745 = arith.index_cast %get3A_744 : i32 to index
    %get3A_746 = arith.constant 176 : index
    %get3A_747 = tpu.vector_load %arg10[%get3A_745, %get3A_746] {strides = array<i32>} : memref<4x256xf32, #tpu.memory_space<vmem>>, vector<1x16xf32>,
    %get3A_748 = vector.shape_cast %get3A_747 : vector<1x16xf32> to vector<16xf32>
    %ge3A_749 = arith.cmpf oge, %get3A_743, %max3A_257 : vector<16xf32>
    %ne3A_750 = arith.constant 0.000000e+00 : f32
    %ne3A_751 = vector.broadcast %ne3A_750 : f32 to vector<16xf32>
    %ne3A_752 = arith.cmpf one, %get3A_748, %ne3A_751 : vector<16xf32>
    %and3A_753 = arith.andi %ge3A_749, %ne3A_752 : vector<16xi1>
    %get3A_754 = arith.constant 0 : i32
    %get3A_755 = arith.index_cast %get3A_754 : i32 to index
    %get3A_756 = arith.constant 176 : index
    %get3A_757 = tpu.vector_load %arg11[%get3A_755, %get3A_756] {strides = array<i32>} : memref<4x256xi32, #tpu.memory_space<vmem>>, vector<1x16xi32>,
    %get3A_758 = vector.shape_cast %get3A_757 : vector<1x16xi32> to vector<16xi32>
    %get3A_759 = arith.constant 0 : i32
    %get3A_760 = arith.index_cast %get3A_759 : i32 to index
    %get3A_761 = arith.constant 176 : index
    %get3A_762 = tpu.vector_load %arg12[%get3A_760, %get3A_761] {strides = array<i32>} : memref<4x256xi32, #tpu.memory_space<vmem>>, vector<1x16xi32>,
    %get3A_763 = vector.shape_cast %get3A_762 : vector<1x16xi32> to vector<16xi32>
    %select_n3A_764 = arith.select %and3A_753, %get3A_758, %get3A_763 : vector<16xi1>, vector<16xi32>
    %swap3A_765 = arith.constant 0 : i32
    %swap3A_766 = arith.index_cast %swap3A_765 : i32 to index
    %swap3A_767 = arith.constant 176 : index
    %swap3A_768 = tpu.vector_load %arg15[%swap3A_766, %swap3A_767] {strides = array<i32>} : memref<4x256xi32, #tpu.memory_space<vmem>>, vector<1x16xi32>,
    %swap3A_769 = vector.shape_cast %swap3A_768 : vector<1x16xi32> to vector<16xi32>
    %swap3A_770 = vector.shape_cast %select_n3A_764 : vector<16xi32> to vector<1x16xi32>
    tpu.vector_store %arg15[%swap3A_766, %swap3A_767], %swap3A_770 {strides = array<i32>} : memref<4x256xi32, #tpu.memory_space<vmem>>, vector<1x16xi32>,
    %eq3A_771 = arith.constant 0xFF800000 : f32
    %eq3A_772 = vector.broadcast %eq3A_771 : f32 to vector<16xf32>
    %eq3A_773 = arith.cmpf oeq, %scan3A_213#11, %eq3A_772 : vector<16xf32>
    %jit3A_774 = arith.constant 0.000000e+00 : f32
    %broadcast_in_dim3A_775 = vector.broadcast %jit3A_774 : f32 to vector<16xf32>
    %select_n3A_776 = arith.select %eq3A_773, %broadcast_in_dim3A_775, %get3A_748 : vector<16xi1>, vector<16xf32>
    %swap3A_777 = arith.constant 0 : i32
    %swap3A_778 = arith.index_cast %swap3A_777 : i32 to index
    %swap3A_779 = arith.constant 176 : index
    %swap3A_780 = tpu.vector_load %arg14[%swap3A_778, %swap3A_779] {strides = array<i32>} : memref<4x256xf32, #tpu.memory_space<vmem>>, vector<1x16xf32>,
    %swap3A_781 = vector.shape_cast %swap3A_780 : vector<1x16xf32> to vector<16xf32>
    %swap3A_782 = vector.shape_cast %select_n3A_776 : vector<16xf32> to vector<1x16xf32>
    tpu.vector_store %arg14[%swap3A_778, %swap3A_779], %swap3A_782 {strides = array<i32>} : memref<4x256xf32, #tpu.memory_space<vmem>>, vector<1x16xf32>,
    %get3A_783 = arith.constant 0 : i32
    %get3A_784 = arith.index_cast %get3A_783 : i32 to index
    %get3A_785 = arith.constant 192 : index
    %get3A_786 = tpu.vector_load %arg9[%get3A_784, %get3A_785] {strides = array<i32>} : memref<4x256xf32, #tpu.memory_space<vmem>>, vector<1x16xf32>,
    %get3A_787 = vector.shape_cast %get3A_786 : vector<1x16xf32> to vector<16xf32>
    %get3A_788 = arith.constant 0 : i32
    %get3A_789 = arith.index_cast %get3A_788 : i32 to index
    %get3A_790 = arith.constant 192 : index
    %get3A_791 = tpu.vector_load %arg10[%get3A_789, %get3A_790] {strides = array<i32>} : memref<4x256xf32, #tpu.memory_space<vmem>>, vector<1x16xf32>,
    %get3A_792 = vector.shape_cast %get3A_791 : vector<1x16xf32> to vector<16xf32>
    %ge3A_793 = arith.cmpf oge, %get3A_787, %max3A_257 : vector<16xf32>
    %ne3A_794 = arith.constant 0.000000e+00 : f32
    %ne3A_795 = vector.broadcast %ne3A_794 : f32 to vector<16xf32>
    %ne3A_796 = arith.cmpf one, %get3A_792, %ne3A_795 : vector<16xf32>
    %and3A_797 = arith.andi %ge3A_793, %ne3A_796 : vector<16xi1>
    %get3A_798 = arith.constant 0 : i32
    %get3A_799 = arith.index_cast %get3A_798 : i32 to index
    %get3A_800 = arith.constant 192 : index
    %get3A_801 = tpu.vector_load %arg11[%get3A_799, %get3A_800] {strides = array<i32>} : memref<4x256xi32, #tpu.memory_space<vmem>>, vector<1x16xi32>,
    %get3A_802 = vector.shape_cast %get3A_801 : vector<1x16xi32> to vector<16xi32>
    %get3A_803 = arith.constant 0 : i32
    %get3A_804 = arith.index_cast %get3A_803 : i32 to index
    %get3A_805 = arith.constant 192 : index
    %get3A_806 = tpu.vector_load %arg12[%get3A_804, %get3A_805] {strides = array<i32>} : memref<4x256xi32, #tpu.memory_space<vmem>>, vector<1x16xi32>,
    %get3A_807 = vector.shape_cast %get3A_806 : vector<1x16xi32> to vector<16xi32>
    %select_n3A_808 = arith.select %and3A_797, %get3A_802, %get3A_807 : vector<16xi1>, vector<16xi32>
    %swap3A_809 = arith.constant 0 : i32
    %swap3A_810 = arith.index_cast %swap3A_809 : i32 to index
    %swap3A_811 = arith.constant 192 : index
    %swap3A_812 = tpu.vector_load %arg15[%swap3A_810, %swap3A_811] {strides = array<i32>} : memref<4x256xi32, #tpu.memory_space<vmem>>, vector<1x16xi32>,
    %swap3A_813 = vector.shape_cast %swap3A_812 : vector<1x16xi32> to vector<16xi32>
    %swap3A_814 = vector.shape_cast %select_n3A_808 : vector<16xi32> to vector<1x16xi32>
    tpu.vector_store %arg15[%swap3A_810, %swap3A_811], %swap3A_814 {strides = array<i32>} : memref<4x256xi32, #tpu.memory_space<vmem>>, vector<1x16xi32>,
    %eq3A_815 = arith.constant 0xFF800000 : f32
    %eq3A_816 = vector.broadcast %eq3A_815 : f32 to vector<16xf32>
    %eq3A_817 = arith.cmpf oeq, %scan3A_213#12, %eq3A_816 : vector<16xf32>
    %jit3A_818 = arith.constant 0.000000e+00 : f32
    %broadcast_in_dim3A_819 = vector.broadcast %jit3A_818 : f32 to vector<16xf32>
    %select_n3A_820 = arith.select %eq3A_817, %broadcast_in_dim3A_819, %get3A_792 : vector<16xi1>, vector<16xf32>
    %swap3A_821 = arith.constant 0 : i32
    %swap3A_822 = arith.index_cast %swap3A_821 : i32 to index
    %swap3A_823 = arith.constant 192 : index
    %swap3A_824 = tpu.vector_load %arg14[%swap3A_822, %swap3A_823] {strides = array<i32>} : memref<4x256xf32, #tpu.memory_space<vmem>>, vector<1x16xf32>,
    %swap3A_825 = vector.shape_cast %swap3A_824 : vector<1x16xf32> to vector<16xf32>
    %swap3A_826 = vector.shape_cast %select_n3A_820 : vector<16xf32> to vector<1x16xf32>
    tpu.vector_store %arg14[%swap3A_822, %swap3A_823], %swap3A_826 {strides = array<i32>} : memref<4x256xf32, #tpu.memory_space<vmem>>, vector<1x16xf32>,
    %get3A_827 = arith.constant 0 : i32
    %get3A_828 = arith.index_cast %get3A_827 : i32 to index
    %get3A_829 = arith.constant 208 : index
    %get3A_830 = tpu.vector_load %arg9[%get3A_828, %get3A_829] {strides = array<i32>} : memref<4x256xf32, #tpu.memory_space<vmem>>, vector<1x16xf32>,
    %get3A_831 = vector.shape_cast %get3A_830 : vector<1x16xf32> to vector<16xf32>
    %get3A_832 = arith.constant 0 : i32
    %get3A_833 = arith.index_cast %get3A_832 : i32 to index
    %get3A_834 = arith.constant 208 : index
    %get3A_835 = tpu.vector_load %arg10[%get3A_833, %get3A_834] {strides = array<i32>} : memref<4x256xf32, #tpu.memory_space<vmem>>, vector<1x16xf32>,
    %get3A_836 = vector.shape_cast %get3A_835 : vector<1x16xf32> to vector<16xf32>
    %ge3A_837 = arith.cmpf oge, %get3A_831, %max3A_257 : vector<16xf32>
    %ne3A_838 = arith.constant 0.000000e+00 : f32
    %ne3A_839 = vector.broadcast %ne3A_838 : f32 to vector<16xf32>
    %ne3A_840 = arith.cmpf one, %get3A_836, %ne3A_839 : vector<16xf32>
    %and3A_841 = arith.andi %ge3A_837, %ne3A_840 : vector<16xi1>
    %get3A_842 = arith.constant 0 : i32
    %get3A_843 = arith.index_cast %get3A_842 : i32 to index
    %get3A_844 = arith.constant 208 : index
    %get3A_845 = tpu.vector_load %arg11[%get3A_843, %get3A_844] {strides = array<i32>} : memref<4x256xi32, #tpu.memory_space<vmem>>, vector<1x16xi32>,
    %get3A_846 = vector.shape_cast %get3A_845 : vector<1x16xi32> to vector<16xi32>
    %get3A_847 = arith.constant 0 : i32
    %get3A_848 = arith.index_cast %get3A_847 : i32 to index
    %get3A_849 = arith.constant 208 : index
    %get3A_850 = tpu.vector_load %arg12[%get3A_848, %get3A_849] {strides = array<i32>} : memref<4x256xi32, #tpu.memory_space<vmem>>, vector<1x16xi32>,
    %get3A_851 = vector.shape_cast %get3A_850 : vector<1x16xi32> to vector<16xi32>
    %select_n3A_852 = arith.select %and3A_841, %get3A_846, %get3A_851 : vector<16xi1>, vector<16xi32>
    %swap3A_853 = arith.constant 0 : i32
    %swap3A_854 = arith.index_cast %swap3A_853 : i32 to index
    %swap3A_855 = arith.constant 208 : index
    %swap3A_856 = tpu.vector_load %arg15[%swap3A_854, %swap3A_855] {strides = array<i32>} : memref<4x256xi32, #tpu.memory_space<vmem>>, vector<1x16xi32>,
    %swap3A_857 = vector.shape_cast %swap3A_856 : vector<1x16xi32> to vector<16xi32>
    %swap3A_858 = vector.shape_cast %select_n3A_852 : vector<16xi32> to vector<1x16xi32>
    tpu.vector_store %arg15[%swap3A_854, %swap3A_855], %swap3A_858 {strides = array<i32>} : memref<4x256xi32, #tpu.memory_space<vmem>>, vector<1x16xi32>,
    %eq3A_859 = arith.constant 0xFF800000 : f32
    %eq3A_860 = vector.broadcast %eq3A_859 : f32 to vector<16xf32>
    %eq3A_861 = arith.cmpf oeq, %scan3A_213#13, %eq3A_860 : vector<16xf32>
    %jit3A_862 = arith.constant 0.000000e+00 : f32
    %broadcast_in_dim3A_863 = vector.broadcast %jit3A_862 : f32 to vector<16xf32>
    %select_n3A_864 = arith.select %eq3A_861, %broadcast_in_dim3A_863, %get3A_836 : vector<16xi1>, vector<16xf32>
    %swap3A_865 = arith.constant 0 : i32
    %swap3A_866 = arith.index_cast %swap3A_865 : i32 to index
    %swap3A_867 = arith.constant 208 : index
    %swap3A_868 = tpu.vector_load %arg14[%swap3A_866, %swap3A_867] {strides = array<i32>} : memref<4x256xf32, #tpu.memory_space<vmem>>, vector<1x16xf32>,
    %swap3A_869 = vector.shape_cast %swap3A_868 : vector<1x16xf32> to vector<16xf32>
    %swap3A_870 = vector.shape_cast %select_n3A_864 : vector<16xf32> to vector<1x16xf32>
    tpu.vector_store %arg14[%swap3A_866, %swap3A_867], %swap3A_870 {strides = array<i32>} : memref<4x256xf32, #tpu.memory_space<vmem>>, vector<1x16xf32>,
    %get3A_871 = arith.constant 0 : i32
    %get3A_872 = arith.index_cast %get3A_871 : i32 to index
    %get3A_873 = arith.constant 224 : index
    %get3A_874 = tpu.vector_load %arg9[%get3A_872, %get3A_873] {strides = array<i32>} : memref<4x256xf32, #tpu.memory_space<vmem>>, vector<1x16xf32>,
    %get3A_875 = vector.shape_cast %get3A_874 : vector<1x16xf32> to vector<16xf32>
    %get3A_876 = arith.constant 0 : i32
    %get3A_877 = arith.index_cast %get3A_876 : i32 to index
    %get3A_878 = arith.constant 224 : index
    %get3A_879 = tpu.vector_load %arg10[%get3A_877, %get3A_878] {strides = array<i32>} : memref<4x256xf32, #tpu.memory_space<vmem>>, vector<1x16xf32>,
    %get3A_880 = vector.shape_cast %get3A_879 : vector<1x16xf32> to vector<16xf32>
    %ge3A_881 = arith.cmpf oge, %get3A_875, %max3A_257 : vector<16xf32>
    %ne3A_882 = arith.constant 0.000000e+00 : f32
    %ne3A_883 = vector.broadcast %ne3A_882 : f32 to vector<16xf32>
    %ne3A_884 = arith.cmpf one, %get3A_880, %ne3A_883 : vector<16xf32>
    %and3A_885 = arith.andi %ge3A_881, %ne3A_884 : vector<16xi1>
    %get3A_886 = arith.constant 0 : i32
    %get3A_887 = arith.index_cast %get3A_886 : i32 to index
    %get3A_888 = arith.constant 224 : index
    %get3A_889 = tpu.vector_load %arg11[%get3A_887, %get3A_888] {strides = array<i32>} : memref<4x256xi32, #tpu.memory_space<vmem>>, vector<1x16xi32>,
    %get3A_890 = vector.shape_cast %get3A_889 : vector<1x16xi32> to vector<16xi32>
    %get3A_891 = arith.constant 0 : i32
    %get3A_892 = arith.index_cast %get3A_891 : i32 to index
    %get3A_893 = arith.constant 224 : index
    %get3A_894 = tpu.vector_load %arg12[%get3A_892, %get3A_893] {strides = array<i32>} : memref<4x256xi32, #tpu.memory_space<vmem>>, vector<1x16xi32>,
    %get3A_895 = vector.shape_cast %get3A_894 : vector<1x16xi32> to vector<16xi32>
    %select_n3A_896 = arith.select %and3A_885, %get3A_890, %get3A_895 : vector<16xi1>, vector<16xi32>
    %swap3A_897 = arith.constant 0 : i32
    %swap3A_898 = arith.index_cast %swap3A_897 : i32 to index
    %swap3A_899 = arith.constant 224 : index
    %swap3A_900 = tpu.vector_load %arg15[%swap3A_898, %swap3A_899] {strides = array<i32>} : memref<4x256xi32, #tpu.memory_space<vmem>>, vector<1x16xi32>,
    %swap3A_901 = vector.shape_cast %swap3A_900 : vector<1x16xi32> to vector<16xi32>
    %swap3A_902 = vector.shape_cast %select_n3A_896 : vector<16xi32> to vector<1x16xi32>
    tpu.vector_store %arg15[%swap3A_898, %swap3A_899], %swap3A_902 {strides = array<i32>} : memref<4x256xi32, #tpu.memory_space<vmem>>, vector<1x16xi32>,
    %eq3A_903 = arith.constant 0xFF800000 : f32
    %eq3A_904 = vector.broadcast %eq3A_903 : f32 to vector<16xf32>
    %eq3A_905 = arith.cmpf oeq, %scan3A_213#14, %eq3A_904 : vector<16xf32>
    %jit3A_906 = arith.constant 0.000000e+00 : f32
    %broadcast_in_dim3A_907 = vector.broadcast %jit3A_906 : f32 to vector<16xf32>
    %select_n3A_908 = arith.select %eq3A_905, %broadcast_in_dim3A_907, %get3A_880 : vector<16xi1>, vector<16xf32>
    %swap3A_909 = arith.constant 0 : i32
    %swap3A_910 = arith.index_cast %swap3A_909 : i32 to index
    %swap3A_911 = arith.constant 224 : index
    %swap3A_912 = tpu.vector_load %arg14[%swap3A_910, %swap3A_911] {strides = array<i32>} : memref<4x256xf32, #tpu.memory_space<vmem>>, vector<1x16xf32>,
    %swap3A_913 = vector.shape_cast %swap3A_912 : vector<1x16xf32> to vector<16xf32>
    %swap3A_914 = vector.shape_cast %select_n3A_908 : vector<16xf32> to vector<1x16xf32>
    tpu.vector_store %arg14[%swap3A_910, %swap3A_911], %swap3A_914 {strides = array<i32>} : memref<4x256xf32, #tpu.memory_space<vmem>>, vector<1x16xf32>,
    %get3A_915 = arith.constant 0 : i32
    %get3A_916 = arith.index_cast %get3A_915 : i32 to index
    %get3A_917 = arith.constant 240 : index
    %get3A_918 = tpu.vector_load %arg9[%get3A_916, %get3A_917] {strides = array<i32>} : memref<4x256xf32, #tpu.memory_space<vmem>>, vector<1x16xf32>,
    %get3A_919 = vector.shape_cast %get3A_918 : vector<1x16xf32> to vector<16xf32>
    %get3A_920 = arith.constant 0 : i32
    %get3A_921 = arith.index_cast %get3A_920 : i32 to index
    %get3A_922 = arith.constant 240 : index
    %get3A_923 = tpu.vector_load %arg10[%get3A_921, %get3A_922] {strides = array<i32>} : memref<4x256xf32, #tpu.memory_space<vmem>>, vector<1x16xf32>,
    %get3A_924 = vector.shape_cast %get3A_923 : vector<1x16xf32> to vector<16xf32>
    %ge3A_925 = arith.cmpf oge, %get3A_919, %max3A_257 : vector<16xf32>
    %ne3A_926 = arith.constant 0.000000e+00 : f32
    %ne3A_927 = vector.broadcast %ne3A_926 : f32 to vector<16xf32>
    %ne3A_928 = arith.cmpf one, %get3A_924, %ne3A_927 : vector<16xf32>
    %and3A_929 = arith.andi %ge3A_925, %ne3A_928 : vector<16xi1>
    %get3A_930 = arith.constant 0 : i32
    %get3A_931 = arith.index_cast %get3A_930 : i32 to index
    %get3A_932 = arith.constant 240 : index
    %get3A_933 = tpu.vector_load %arg11[%get3A_931, %get3A_932] {strides = array<i32>} : memref<4x256xi32, #tpu.memory_space<vmem>>, vector<1x16xi32>,
    %get3A_934 = vector.shape_cast %get3A_933 : vector<1x16xi32> to vector<16xi32>
    %get3A_935 = arith.constant 0 : i32
    %get3A_936 = arith.index_cast %get3A_935 : i32 to index
    %get3A_937 = arith.constant 240 : index
    %get3A_938 = tpu.vector_load %arg12[%get3A_936, %get3A_937] {strides = array<i32>} : memref<4x256xi32, #tpu.memory_space<vmem>>, vector<1x16xi32>,
    %get3A_939 = vector.shape_cast %get3A_938 : vector<1x16xi32> to vector<16xi32>
    %select_n3A_940 = arith.select %and3A_929, %get3A_934, %get3A_939 : vector<16xi1>, vector<16xi32>
    %swap3A_941 = arith.constant 0 : i32
    %swap3A_942 = arith.index_cast %swap3A_941 : i32 to index
    %swap3A_943 = arith.constant 240 : index
    %swap3A_944 = tpu.vector_load %arg15[%swap3A_942, %swap3A_943] {strides = array<i32>} : memref<4x256xi32, #tpu.memory_space<vmem>>, vector<1x16xi32>,
    %swap3A_945 = vector.shape_cast %swap3A_944 : vector<1x16xi32> to vector<16xi32>
    %swap3A_946 = vector.shape_cast %select_n3A_940 : vector<16xi32> to vector<1x16xi32>
    tpu.vector_store %arg15[%swap3A_942, %swap3A_943], %swap3A_946 {strides = array<i32>} : memref<4x256xi32, #tpu.memory_space<vmem>>, vector<1x16xi32>,
    %eq3A_947 = arith.constant 0xFF800000 : f32
    %eq3A_948 = vector.broadcast %eq3A_947 : f32 to vector<16xf32>
    %eq3A_949 = arith.cmpf oeq, %scan3A_213#15, %eq3A_948 : vector<16xf32>
    %jit3A_950 = arith.constant 0.000000e+00 : f32
    %broadcast_in_dim3A_951 = vector.broadcast %jit3A_950 : f32 to vector<16xf32>
    %select_n3A_952 = arith.select %eq3A_949, %broadcast_in_dim3A_951, %get3A_924 : vector<16xi1>, vector<16xf32>
    %swap3A_953 = arith.constant 0 : i32
    %swap3A_954 = arith.index_cast %swap3A_953 : i32 to index
    %swap3A_955 = arith.constant 240 : index
    %swap3A_956 = tpu.vector_load %arg14[%swap3A_954, %swap3A_955] {strides = array<i32>} : memref<4x256xf32, #tpu.memory_space<vmem>>, vector<1x16xf32>,
    %swap3A_957 = vector.shape_cast %swap3A_956 : vector<1x16xf32> to vector<16xf32>
    %swap3A_958 = vector.shape_cast %select_n3A_952 : vector<16xf32> to vector<1x16xf32>
    tpu.vector_store %arg14[%swap3A_954, %swap3A_955], %swap3A_958 {strides = array<i32>} : memref<4x256xf32, #tpu.memory_space<vmem>>, vector<1x16xf32>,
    %swap3A_959 = arith.constant 0 : i32
    %swap3A_960 = arith.index_cast %swap3A_959 : i32 to index
    %swap3A_961 = arith.constant 0 : index
    %swap3A_962 = tpu.vector_load %arg16[%swap3A_960, %swap3A_961] {strides = array<i32>} : memref<4x32xf32, #tpu.memory_space<vmem>>, vector<1x16xf32>,
    %swap3A_963 = vector.shape_cast %swap3A_962 : vector<1x16xf32> to vector<16xf32>
    %swap3A_964 = vector.shape_cast %scan3A_213#32 : vector<16xf32> to vector<1x16xf32>
    tpu.vector_store %arg16[%swap3A_960, %swap3A_961], %swap3A_964 {strides = array<i32>} : memref<4x32xf32, #tpu.memory_space<vmem>>, vector<1x16xf32>,
    %swap3A_965 = arith.constant 0 : i32
    %swap3A_966 = arith.index_cast %swap3A_965 : i32 to index
    %swap3A_967 = arith.constant 16 : index
    %swap3A_968 = tpu.vector_load %arg16[%swap3A_966, %swap3A_967] {strides = array<i32>} : memref<4x32xf32, #tpu.memory_space<vmem>>, vector<1x16xf32>,
    %swap3A_969 = vector.shape_cast %swap3A_968 : vector<1x16xf32> to vector<16xf32>
    %swap3A_970 = vector.shape_cast %scan3A_213#33 : vector<16xf32> to vector<1x16xf32>
    tpu.vector_store %arg16[%swap3A_966, %swap3A_967], %swap3A_970 {strides = array<i32>} : memref<4x32xf32, #tpu.memory_space<vmem>>, vector<1x16xf32>,
    %eq3A_971 = arith.constant 15 : i32
    %eq3A_972 = vector.broadcast %eq3A_971 : i32 to vector<16xi32>
    %eq3A_973 = arith.cmpi eq, %iota3A, %eq3A_972 : vector<16xi32>
    %jit3A_974 = arith.constant 0xFF800000 : f32
    %broadcast_in_dim3A_975 = vector.broadcast %jit3A_974 : f32 to vector<16xf32>
    %select_n3A_976 = arith.select %eq3A_973, %scan3A_213#35, %broadcast_in_dim3A_975 : vector<16xi1>, vector<16xf32>
    %rev3A_977 = arith.constant 15 : i32
    %rev3A_978 = vector.broadcast %rev3A_977 : i32 to vector<16xi32>
    %rev3A_979 = tpu.iota {dimensions = array<i32: 0>} : vector<16xi32>
    %rev3A_980 = arith.subi %rev3A_978, %rev3A_979 : vector<16xi32>
    %rev3A_981 = tpu.dynamic_gather %select_n3A_976[%rev3A_980] in [0] : vector<16xf32>, vector<16xi32> -> vector<16xf32>
    %max3A_982 = arith.maximumf %select_n3A_976, %rev3A_981 : vector<16xf32>
    %swap3A_983 = arith.constant 16 : index
    %swap3A_984 = tpu.vector_load %arg13[%swap3A_983] {strides = array<i32>} : memref<96xf32, #tpu.memory_space<vmem>>, vector<16xf32>,
    %swap3A_985 = vector.shape_cast %swap3A_984 : vector<16xf32> to vector<16xf32>
    %swap3A_986 = vector.shape_cast %max3A_982 : vector<16xf32> to vector<16xf32>
    tpu.vector_store %arg13[%swap3A_983], %swap3A_986 {strides = array<i32>} : memref<96xf32, #tpu.memory_space<vmem>>, vector<16xf32>,
    %get3A_987 = arith.constant 15 : index
    %get3A_988 = tpu.vector_load %arg13[%get3A_987] {strides = array<i32>} : memref<96xf32, #tpu.memory_space<vmem>>, vector<16xf32>,
    %get3A_989 = vector.shape_cast %get3A_988 : vector<16xf32> to vector<16xf32>
    %get3A_990 = arith.constant 17 : index
    %get3A_991 = tpu.vector_load %arg13[%get3A_990] {strides = array<i32>} : memref<96xf32, #tpu.memory_space<vmem>>, vector<16xf32>,
    %get3A_992 = vector.shape_cast %get3A_991 : vector<16xf32> to vector<16xf32>
    %max3A_993 = arith.maximumf %max3A_982, %get3A_989 : vector<16xf32>
    %max3A_994 = arith.maximumf %max3A_993, %get3A_992 : vector<16xf32>
    %swap3A_995 = arith.constant 16 : index
    %swap3A_996 = tpu.vector_load %arg13[%swap3A_995] {strides = array<i32>} : memref<96xf32, #tpu.memory_space<vmem>>, vector<16xf32>,
    %swap3A_997 = vector.shape_cast %swap3A_996 : vector<16xf32> to vector<16xf32>
    %swap3A_998 = vector.shape_cast %max3A_994 : vector<16xf32> to vector<16xf32>
    tpu.vector_store %arg13[%swap3A_995], %swap3A_998 {strides = array<i32>} : memref<96xf32, #tpu.memory_space<vmem>>, vector<16xf32>,
    %get3A_999 = arith.constant 14 : index
    %get3A_1000 = tpu.vector_load %arg13[%get3A_999] {strides = array<i32>} : memref<96xf32, #tpu.memory_space<vmem>>, vector<16xf32>,
    %get3A_1001 = vector.shape_cast %get3A_1000 : vector<16xf32> to vector<16xf32>
    %get3A_1002 = arith.constant 18 : index
    %get3A_1003 = tpu.vector_load %arg13[%get3A_1002] {strides = array<i32>} : memref<96xf32, #tpu.memory_space<vmem>>, vector<16xf32>,
    %get3A_1004 = vector.shape_cast %get3A_1003 : vector<16xf32> to vector<16xf32>
    %max3A_1005 = arith.maximumf %max3A_994, %get3A_1001 : vector<16xf32>
    %max3A_1006 = arith.maximumf %max3A_1005, %get3A_1004 : vector<16xf32>
    %swap3A_1007 = arith.constant 16 : index
    %swap3A_1008 = tpu.vector_load %arg13[%swap3A_1007] {strides = array<i32>} : memref<96xf32, #tpu.memory_space<vmem>>, vector<16xf32>,
    %swap3A_1009 = vector.shape_cast %swap3A_1008 : vector<16xf32> to vector<16xf32>
    %swap3A_1010 = vector.shape_cast %max3A_1006 : vector<16xf32> to vector<16xf32>
    tpu.vector_store %arg13[%swap3A_1007], %swap3A_1010 {strides = array<i32>} : memref<96xf32, #tpu.memory_space<vmem>>, vector<16xf32>,
    %get3A_1011 = arith.constant 12 : index
    %get3A_1012 = tpu.vector_load %arg13[%get3A_1011] {strides = array<i32>} : memref<96xf32, #tpu.memory_space<vmem>>, vector<16xf32>,
    %get3A_1013 = vector.shape_cast %get3A_1012 : vector<16xf32> to vector<16xf32>
    %get3A_1014 = arith.constant 20 : index
    %get3A_1015 = tpu.vector_load %arg13[%get3A_1014] {strides = array<i32>} : memref<96xf32, #tpu.memory_space<vmem>>, vector<16xf32>,
    %get3A_1016 = vector.shape_cast %get3A_1015 : vector<16xf32> to vector<16xf32>
    %max3A_1017 = arith.maximumf %max3A_1006, %get3A_1013 : vector<16xf32>
    %max3A_1018 = arith.maximumf %max3A_1017, %get3A_1016 : vector<16xf32>
    %get3A_1019 = arith.constant 1 : i32
    %get3A_1020 = arith.index_cast %get3A_1019 : i32 to index
    %get3A_1021 = arith.constant 0 : index
    %get3A_1022 = tpu.vector_load %arg9[%get3A_1020, %get3A_1021] {strides = array<i32>} : memref<4x256xf32, #tpu.memory_space<vmem>>, vector<1x16xf32>,
    %get3A_1023 = vector.shape_cast %get3A_1022 : vector<1x16xf32> to vector<16xf32>
    %get3A_1024 = arith.constant 1 : i32
    %get3A_1025 = arith.index_cast %get3A_1024 : i32 to index
    %get3A_1026 = arith.constant 0 : index
    %get3A_1027 = tpu.vector_load %arg10[%get3A_1025, %get3A_1026] {strides = array<i32>} : memref<4x256xf32, #tpu.memory_space<vmem>>, vector<1x16xf32>,
    %get3A_1028 = vector.shape_cast %get3A_1027 : vector<1x16xf32> to vector<16xf32>
    %ge3A_1029 = arith.cmpf oge, %get3A_1023, %max3A_1018 : vector<16xf32>
    %ne3A_1030 = arith.constant 0.000000e+00 : f32
    %ne3A_1031 = vector.broadcast %ne3A_1030 : f32 to vector<16xf32>
    %ne3A_1032 = arith.cmpf one, %get3A_1028, %ne3A_1031 : vector<16xf32>
    %and3A_1033 = arith.andi %ge3A_1029, %ne3A_1032 : vector<16xi1>
    %get3A_1034 = arith.constant 1 : i32
    %get3A_1035 = arith.index_cast %get3A_1034 : i32 to index
    %get3A_1036 = arith.constant 0 : index
    %get3A_1037 = tpu.vector_load %arg11[%get3A_1035, %get3A_1036] {strides = array<i32>} : memref<4x256xi32, #tpu.memory_space<vmem>>, vector<1x16xi32>,
    %get3A_1038 = vector.shape_cast %get3A_1037 : vector<1x16xi32> to vector<16xi32>
    %get3A_1039 = arith.constant 1 : i32
    %get3A_1040 = arith.index_cast %get3A_1039 : i32 to index
    %get3A_1041 = arith.constant 0 : index
    %get3A_1042 = tpu.vector_load %arg12[%get3A_1040, %get3A_1041] {strides = array<i32>} : memref<4x256xi32, #tpu.memory_space<vmem>>, vector<1x16xi32>,
    %get3A_1043 = vector.shape_cast %get3A_1042 : vector<1x16xi32> to vector<16xi32>
    %select_n3A_1044 = arith.select %and3A_1033, %get3A_1038, %get3A_1043 : vector<16xi1>, vector<16xi32>
    %swap3A_1045 = arith.constant 1 : i32
    %swap3A_1046 = arith.index_cast %swap3A_1045 : i32 to index
    %swap3A_1047 = arith.constant 0 : index
    %swap3A_1048 = tpu.vector_load %arg15[%swap3A_1046, %swap3A_1047] {strides = array<i32>} : memref<4x256xi32, #tpu.memory_space<vmem>>, vector<1x16xi32>,
    %swap3A_1049 = vector.shape_cast %swap3A_1048 : vector<1x16xi32> to vector<16xi32>
    %swap3A_1050 = vector.shape_cast %select_n3A_1044 : vector<16xi32> to vector<1x16xi32>
    tpu.vector_store %arg15[%swap3A_1046, %swap3A_1047], %swap3A_1050 {strides = array<i32>} : memref<4x256xi32, #tpu.memory_space<vmem>>, vector<1x16xi32>,
    %eq3A_1051 = arith.constant 0xFF800000 : f32
    %eq3A_1052 = vector.broadcast %eq3A_1051 : f32 to vector<16xf32>
    %eq3A_1053 = arith.cmpf oeq, %scan3A_213#16, %eq3A_1052 : vector<16xf32>
    %jit3A_1054 = arith.constant 0.000000e+00 : f32
    %broadcast_in_dim3A_1055 = vector.broadcast %jit3A_1054 : f32 to vector<16xf32>
    %select_n3A_1056 = arith.select %eq3A_1053, %broadcast_in_dim3A_1055, %get3A_1028 : vector<16xi1>, vector<16xf32>
    %swap3A_1057 = arith.constant 1 : i32
    %swap3A_1058 = arith.index_cast %swap3A_1057 : i32 to index
    %swap3A_1059 = arith.constant 0 : index
    %swap3A_1060 = tpu.vector_load %arg14[%swap3A_1058, %swap3A_1059] {strides = array<i32>} : memref<4x256xf32, #tpu.memory_space<vmem>>, vector<1x16xf32>,
    %swap3A_1061 = vector.shape_cast %swap3A_1060 : vector<1x16xf32> to vector<16xf32>
    %swap3A_1062 = vector.shape_cast %select_n3A_1056 : vector<16xf32> to vector<1x16xf32>
    tpu.vector_store %arg14[%swap3A_1058, %swap3A_1059], %swap3A_1062 {strides = array<i32>} : memref<4x256xf32, #tpu.memory_space<vmem>>, vector<1x16xf32>,
    %get3A_1063 = arith.constant 1 : i32
    %get3A_1064 = arith.index_cast %get3A_1063 : i32 to index
    %get3A_1065 = arith.constant 16 : index
    %get3A_1066 = tpu.vector_load %arg9[%get3A_1064, %get3A_1065] {strides = array<i32>} : memref<4x256xf32, #tpu.memory_space<vmem>>, vector<1x16xf32>,
    %get3A_1067 = vector.shape_cast %get3A_1066 : vector<1x16xf32> to vector<16xf32>
    %get3A_1068 = arith.constant 1 : i32
    %get3A_1069 = arith.index_cast %get3A_1068 : i32 to index
    %get3A_1070 = arith.constant 16 : index
    %get3A_1071 = tpu.vector_load %arg10[%get3A_1069, %get3A_1070] {strides = array<i32>} : memref<4x256xf32, #tpu.memory_space<vmem>>, vector<1x16xf32>,
    %get3A_1072 = vector.shape_cast %get3A_1071 : vector<1x16xf32> to vector<16xf32>
    %ge3A_1073 = arith.cmpf oge, %get3A_1067, %max3A_1018 : vector<16xf32>
    %ne3A_1074 = arith.constant 0.000000e+00 : f32
    %ne3A_1075 = vector.broadcast %ne3A_1074 : f32 to vector<16xf32>
    %ne3A_1076 = arith.cmpf one, %get3A_1072, %ne3A_1075 : vector<16xf32>
    %and3A_1077 = arith.andi %ge3A_1073, %ne3A_1076 : vector<16xi1>
    %get3A_1078 = arith.constant 1 : i32
    %get3A_1079 = arith.index_cast %get3A_1078 : i32 to index
    %get3A_1080 = arith.constant 16 : index
    %get3A_1081 = tpu.vector_load %arg11[%get3A_1079, %get3A_1080] {strides = array<i32>} : memref<4x256xi32, #tpu.memory_space<vmem>>, vector<1x16xi32>,
    %get3A_1082 = vector.shape_cast %get3A_1081 : vector<1x16xi32> to vector<16xi32>
    %get3A_1083 = arith.constant 1 : i32
    %get3A_1084 = arith.index_cast %get3A_1083 : i32 to index
    %get3A_1085 = arith.constant 16 : index
    %get3A_1086 = tpu.vector_load %arg12[%get3A_1084, %get3A_1085] {strides = array<i32>} : memref<4x256xi32, #tpu.memory_space<vmem>>, vector<1x16xi32>,
    %get3A_1087 = vector.shape_cast %get3A_1086 : vector<1x16xi32> to vector<16xi32>
    %select_n3A_1088 = arith.select %and3A_1077, %get3A_1082, %get3A_1087 : vector<16xi1>, vector<16xi32>
    %swap3A_1089 = arith.constant 1 : i32
    %swap3A_1090 = arith.index_cast %swap3A_1089 : i32 to index
    %swap3A_1091 = arith.constant 16 : index
    %swap3A_1092 = tpu.vector_load %arg15[%swap3A_1090, %swap3A_1091] {strides = array<i32>} : memref<4x256xi32, #tpu.memory_space<vmem>>, vector<1x16xi32>,
    %swap3A_1093 = vector.shape_cast %swap3A_1092 : vector<1x16xi32> to vector<16xi32>
    %swap3A_1094 = vector.shape_cast %select_n3A_1088 : vector<16xi32> to vector<1x16xi32>
    tpu.vector_store %arg15[%swap3A_1090, %swap3A_1091], %swap3A_1094 {strides = array<i32>} : memref<4x256xi32, #tpu.memory_space<vmem>>, vector<1x16xi32>,
    %eq3A_1095 = arith.constant 0xFF800000 : f32
    %eq3A_1096 = vector.broadcast %eq3A_1095 : f32 to vector<16xf32>
    %eq3A_1097 = arith.cmpf oeq, %scan3A_213#17, %eq3A_1096 : vector<16xf32>
    %jit3A_1098 = arith.constant 0.000000e+00 : f32
    %broadcast_in_dim3A_1099 = vector.broadcast %jit3A_1098 : f32 to vector<16xf32>
    %select_n3A_1100 = arith.select %eq3A_1097, %broadcast_in_dim3A_1099, %get3A_1072 : vector<16xi1>, vector<16xf32>
    %swap3A_1101 = arith.constant 1 : i32
    %swap3A_1102 = arith.index_cast %swap3A_1101 : i32 to index
    %swap3A_1103 = arith.constant 16 : index
    %swap3A_1104 = tpu.vector_load %arg14[%swap3A_1102, %swap3A_1103] {strides = array<i32>} : memref<4x256xf32, #tpu.memory_space<vmem>>, vector<1x16xf32>,
    %swap3A_1105 = vector.shape_cast %swap3A_1104 : vector<1x16xf32> to vector<16xf32>
    %swap3A_1106 = vector.shape_cast %select_n3A_1100 : vector<16xf32> to vector<1x16xf32>
    tpu.vector_store %arg14[%swap3A_1102, %swap3A_1103], %swap3A_1106 {strides = array<i32>} : memref<4x256xf32, #tpu.memory_space<vmem>>, vector<1x16xf32>,
    %get3A_1107 = arith.constant 1 : i32
    %get3A_1108 = arith.index_cast %get3A_1107 : i32 to index
    %get3A_1109 = arith.constant 32 : index
    %get3A_1110 = tpu.vector_load %arg9[%get3A_1108, %get3A_1109] {strides = array<i32>} : memref<4x256xf32, #tpu.memory_space<vmem>>, vector<1x16xf32>,
    %get3A_1111 = vector.shape_cast %get3A_1110 : vector<1x16xf32> to vector<16xf32>
    %get3A_1112 = arith.constant 1 : i32
    %get3A_1113 = arith.index_cast %get3A_1112 : i32 to index
    %get3A_1114 = arith.constant 32 : index
    %get3A_1115 = tpu.vector_load %arg10[%get3A_1113, %get3A_1114] {strides = array<i32>} : memref<4x256xf32, #tpu.memory_space<vmem>>, vector<1x16xf32>,
    %get3A_1116 = vector.shape_cast %get3A_1115 : vector<1x16xf32> to vector<16xf32>
    %ge3A_1117 = arith.cmpf oge, %get3A_1111, %max3A_1018 : vector<16xf32>
    %ne3A_1118 = arith.constant 0.000000e+00 : f32
    %ne3A_1119 = vector.broadcast %ne3A_1118 : f32 to vector<16xf32>
    %ne3A_1120 = arith.cmpf one, %get3A_1116, %ne3A_1119 : vector<16xf32>
    %and3A_1121 = arith.andi %ge3A_1117, %ne3A_1120 : vector<16xi1>
    %get3A_1122 = arith.constant 1 : i32
    %get3A_1123 = arith.index_cast %get3A_1122 : i32 to index
    %get3A_1124 = arith.constant 32 : index
    %get3A_1125 = tpu.vector_load %arg11[%get3A_1123, %get3A_1124] {strides = array<i32>} : memref<4x256xi32, #tpu.memory_space<vmem>>, vector<1x16xi32>,
    %get3A_1126 = vector.shape_cast %get3A_1125 : vector<1x16xi32> to vector<16xi32>
    %get3A_1127 = arith.constant 1 : i32
    %get3A_1128 = arith.index_cast %get3A_1127 : i32 to index
    %get3A_1129 = arith.constant 32 : index
    %get3A_1130 = tpu.vector_load %arg12[%get3A_1128, %get3A_1129] {strides = array<i32>} : memref<4x256xi32, #tpu.memory_space<vmem>>, vector<1x16xi32>,
    %get3A_1131 = vector.shape_cast %get3A_1130 : vector<1x16xi32> to vector<16xi32>
    %select_n3A_1132 = arith.select %and3A_1121, %get3A_1126, %get3A_1131 : vector<16xi1>, vector<16xi32>
    %swap3A_1133 = arith.constant 1 : i32
    %swap3A_1134 = arith.index_cast %swap3A_1133 : i32 to index
    %swap3A_1135 = arith.constant 32 : index
    %swap3A_1136 = tpu.vector_load %arg15[%swap3A_1134, %swap3A_1135] {strides = array<i32>} : memref<4x256xi32, #tpu.memory_space<vmem>>, vector<1x16xi32>,
    %swap3A_1137 = vector.shape_cast %swap3A_1136 : vector<1x16xi32> to vector<16xi32>
    %swap3A_1138 = vector.shape_cast %select_n3A_1132 : vector<16xi32> to vector<1x16xi32>
    tpu.vector_store %arg15[%swap3A_1134, %swap3A_1135], %swap3A_1138 {strides = array<i32>} : memref<4x256xi32, #tpu.memory_space<vmem>>, vector<1x16xi32>,
    %eq3A_1139 = arith.constant 0xFF800000 : f32
    %eq3A_1140 = vector.broadcast %eq3A_1139 : f32 to vector<16xf32>
    %eq3A_1141 = arith.cmpf oeq, %scan3A_213#18, %eq3A_1140 : vector<16xf32>
    %jit3A_1142 = arith.constant 0.000000e+00 : f32
    %broadcast_in_dim3A_1143 = vector.broadcast %jit3A_1142 : f32 to vector<16xf32>
    %select_n3A_1144 = arith.select %eq3A_1141, %broadcast_in_dim3A_1143, %get3A_1116 : vector<16xi1>, vector<16xf32>
    %swap3A_1145 = arith.constant 1 : i32
    %swap3A_1146 = arith.index_cast %swap3A_1145 : i32 to index
    %swap3A_1147 = arith.constant 32 : index
    %swap3A_1148 = tpu.vector_load %arg14[%swap3A_1146, %swap3A_1147] {strides = array<i32>} : memref<4x256xf32, #tpu.memory_space<vmem>>, vector<1x16xf32>,
    %swap3A_1149 = vector.shape_cast %swap3A_1148 : vector<1x16xf32> to vector<16xf32>
    %swap3A_1150 = vector.shape_cast %select_n3A_1144 : vector<16xf32> to vector<1x16xf32>
    tpu.vector_store %arg14[%swap3A_1146, %swap3A_1147], %swap3A_1150 {strides = array<i32>} : memref<4x256xf32, #tpu.memory_space<vmem>>, vector<1x16xf32>,
    %get3A_1151 = arith.constant 1 : i32
    %get3A_1152 = arith.index_cast %get3A_1151 : i32 to index
    %get3A_1153 = arith.constant 48 : index
    %get3A_1154 = tpu.vector_load %arg9[%get3A_1152, %get3A_1153] {strides = array<i32>} : memref<4x256xf32, #tpu.memory_space<vmem>>, vector<1x16xf32>,
    %get3A_1155 = vector.shape_cast %get3A_1154 : vector<1x16xf32> to vector<16xf32>
    %get3A_1156 = arith.constant 1 : i32
    %get3A_1157 = arith.index_cast %get3A_1156 : i32 to index
    %get3A_1158 = arith.constant 48 : index
    %get3A_1159 = tpu.vector_load %arg10[%get3A_1157, %get3A_1158] {strides = array<i32>} : memref<4x256xf32, #tpu.memory_space<vmem>>, vector<1x16xf32>,
    %get3A_1160 = vector.shape_cast %get3A_1159 : vector<1x16xf32> to vector<16xf32>
    %ge3A_1161 = arith.cmpf oge, %get3A_1155, %max3A_1018 : vector<16xf32>
    %ne3A_1162 = arith.constant 0.000000e+00 : f32
    %ne3A_1163 = vector.broadcast %ne3A_1162 : f32 to vector<16xf32>
    %ne3A_1164 = arith.cmpf one, %get3A_1160, %ne3A_1163 : vector<16xf32>
    %and3A_1165 = arith.andi %ge3A_1161, %ne3A_1164 : vector<16xi1>
    %get3A_1166 = arith.constant 1 : i32
    %get3A_1167 = arith.index_cast %get3A_1166 : i32 to index
    %get3A_1168 = arith.constant 48 : index
    %get3A_1169 = tpu.vector_load %arg11[%get3A_1167, %get3A_1168] {strides = array<i32>} : memref<4x256xi32, #tpu.memory_space<vmem>>, vector<1x16xi32>,
    %get3A_1170 = vector.shape_cast %get3A_1169 : vector<1x16xi32> to vector<16xi32>
    %get3A_1171 = arith.constant 1 : i32
    %get3A_1172 = arith.index_cast %get3A_1171 : i32 to index
    %get3A_1173 = arith.constant 48 : index
    %get3A_1174 = tpu.vector_load %arg12[%get3A_1172, %get3A_1173] {strides = array<i32>} : memref<4x256xi32, #tpu.memory_space<vmem>>, vector<1x16xi32>,
    %get3A_1175 = vector.shape_cast %get3A_1174 : vector<1x16xi32> to vector<16xi32>
    %select_n3A_1176 = arith.select %and3A_1165, %get3A_1170, %get3A_1175 : vector<16xi1>, vector<16xi32>
    %swap3A_1177 = arith.constant 1 : i32
    %swap3A_1178 = arith.index_cast %swap3A_1177 : i32 to index
    %swap3A_1179 = arith.constant 48 : index
    %swap3A_1180 = tpu.vector_load %arg15[%swap3A_1178, %swap3A_1179] {strides = array<i32>} : memref<4x256xi32, #tpu.memory_space<vmem>>, vector<1x16xi32>,
    %swap3A_1181 = vector.shape_cast %swap3A_1180 : vector<1x16xi32> to vector<16xi32>
    %swap3A_1182 = vector.shape_cast %select_n3A_1176 : vector<16xi32> to vector<1x16xi32>
    tpu.vector_store %arg15[%swap3A_1178, %swap3A_1179], %swap3A_1182 {strides = array<i32>} : memref<4x256xi32, #tpu.memory_space<vmem>>, vector<1x16xi32>,
    %eq3A_1183 = arith.constant 0xFF800000 : f32
    %eq3A_1184 = vector.broadcast %eq3A_1183 : f32 to vector<16xf32>
    %eq3A_1185 = arith.cmpf oeq, %scan3A_213#19, %eq3A_1184 : vector<16xf32>
    %jit3A_1186 = arith.constant 0.000000e+00 : f32
    %broadcast_in_dim3A_1187 = vector.broadcast %jit3A_1186 : f32 to vector<16xf32>
    %select_n3A_1188 = arith.select %eq3A_1185, %broadcast_in_dim3A_1187, %get3A_1160 : vector<16xi1>, vector<16xf32>
    %swap3A_1189 = arith.constant 1 : i32
    %swap3A_1190 = arith.index_cast %swap3A_1189 : i32 to index
    %swap3A_1191 = arith.constant 48 : index
    %swap3A_1192 = tpu.vector_load %arg14[%swap3A_1190, %swap3A_1191] {strides = array<i32>} : memref<4x256xf32, #tpu.memory_space<vmem>>, vector<1x16xf32>,
    %swap3A_1193 = vector.shape_cast %swap3A_1192 : vector<1x16xf32> to vector<16xf32>
    %swap3A_1194 = vector.shape_cast %select_n3A_1188 : vector<16xf32> to vector<1x16xf32>
    tpu.vector_store %arg14[%swap3A_1190, %swap3A_1191], %swap3A_1194 {strides = array<i32>} : memref<4x256xf32, #tpu.memory_space<vmem>>, vector<1x16xf32>,
    %get3A_1195 = arith.constant 1 : i32
    %get3A_1196 = arith.index_cast %get3A_1195 : i32 to index
    %get3A_1197 = arith.constant 64 : index
    %get3A_1198 = tpu.vector_load %arg9[%get3A_1196, %get3A_1197] {strides = array<i32>} : memref<4x256xf32, #tpu.memory_space<vmem>>, vector<1x16xf32>,
    %get3A_1199 = vector.shape_cast %get3A_1198 : vector<1x16xf32> to vector<16xf32>
    %get3A_1200 = arith.constant 1 : i32
    %get3A_1201 = arith.index_cast %get3A_1200 : i32 to index
    %get3A_1202 = arith.constant 64 : index
    %get3A_1203 = tpu.vector_load %arg10[%get3A_1201, %get3A_1202] {strides = array<i32>} : memref<4x256xf32, #tpu.memory_space<vmem>>, vector<1x16xf32>,
    %get3A_1204 = vector.shape_cast %get3A_1203 : vector<1x16xf32> to vector<16xf32>
    %ge3A_1205 = arith.cmpf oge, %get3A_1199, %max3A_1018 : vector<16xf32>
    %ne3A_1206 = arith.constant 0.000000e+00 : f32
    %ne3A_1207 = vector.broadcast %ne3A_1206 : f32 to vector<16xf32>
    %ne3A_1208 = arith.cmpf one, %get3A_1204, %ne3A_1207 : vector<16xf32>
    %and3A_1209 = arith.andi %ge3A_1205, %ne3A_1208 : vector<16xi1>
    %get3A_1210 = arith.constant 1 : i32
    %get3A_1211 = arith.index_cast %get3A_1210 : i32 to index
    %get3A_1212 = arith.constant 64 : index
    %get3A_1213 = tpu.vector_load %arg11[%get3A_1211, %get3A_1212] {strides = array<i32>} : memref<4x256xi32, #tpu.memory_space<vmem>>, vector<1x16xi32>,
    %get3A_1214 = vector.shape_cast %get3A_1213 : vector<1x16xi32> to vector<16xi32>
    %get3A_1215 = arith.constant 1 : i32
    %get3A_1216 = arith.index_cast %get3A_1215 : i32 to index
    %get3A_1217 = arith.constant 64 : index
    %get3A_1218 = tpu.vector_load %arg12[%get3A_1216, %get3A_1217] {strides = array<i32>} : memref<4x256xi32, #tpu.memory_space<vmem>>, vector<1x16xi32>,
    %get3A_1219 = vector.shape_cast %get3A_1218 : vector<1x16xi32> to vector<16xi32>
    %select_n3A_1220 = arith.select %and3A_1209, %get3A_1214, %get3A_1219 : vector<16xi1>, vector<16xi32>
    %swap3A_1221 = arith.constant 1 : i32
    %swap3A_1222 = arith.index_cast %swap3A_1221 : i32 to index
    %swap3A_1223 = arith.constant 64 : index
    %swap3A_1224 = tpu.vector_load %arg15[%swap3A_1222, %swap3A_1223] {strides = array<i32>} : memref<4x256xi32, #tpu.memory_space<vmem>>, vector<1x16xi32>,
    %swap3A_1225 = vector.shape_cast %swap3A_1224 : vector<1x16xi32> to vector<16xi32>
    %swap3A_1226 = vector.shape_cast %select_n3A_1220 : vector<16xi32> to vector<1x16xi32>
    tpu.vector_store %arg15[%swap3A_1222, %swap3A_1223], %swap3A_1226 {strides = array<i32>} : memref<4x256xi32, #tpu.memory_space<vmem>>, vector<1x16xi32>,
    %eq3A_1227 = arith.constant 0xFF800000 : f32
    %eq3A_1228 = vector.broadcast %eq3A_1227 : f32 to vector<16xf32>
    %eq3A_1229 = arith.cmpf oeq, %scan3A_213#20, %eq3A_1228 : vector<16xf32>
    %jit3A_1230 = arith.constant 0.000000e+00 : f32
    %broadcast_in_dim3A_1231 = vector.broadcast %jit3A_1230 : f32 to vector<16xf32>
    %select_n3A_1232 = arith.select %eq3A_1229, %broadcast_in_dim3A_1231, %get3A_1204 : vector<16xi1>, vector<16xf32>
    %swap3A_1233 = arith.constant 1 : i32
    %swap3A_1234 = arith.index_cast %swap3A_1233 : i32 to index
    %swap3A_1235 = arith.constant 64 : index
    %swap3A_1236 = tpu.vector_load %arg14[%swap3A_1234, %swap3A_1235] {strides = array<i32>} : memref<4x256xf32, #tpu.memory_space<vmem>>, vector<1x16xf32>,
    %swap3A_1237 = vector.shape_cast %swap3A_1236 : vector<1x16xf32> to vector<16xf32>
    %swap3A_1238 = vector.shape_cast %select_n3A_1232 : vector<16xf32> to vector<1x16xf32>
    tpu.vector_store %arg14[%swap3A_1234, %swap3A_1235], %swap3A_1238 {strides = array<i32>} : memref<4x256xf32, #tpu.memory_space<vmem>>, vector<1x16xf32>,
    %get3A_1239 = arith.constant 1 : i32
    %get3A_1240 = arith.index_cast %get3A_1239 : i32 to index
    %get3A_1241 = arith.constant 80 : index
    %get3A_1242 = tpu.vector_load %arg9[%get3A_1240, %get3A_1241] {strides = array<i32>} : memref<4x256xf32, #tpu.memory_space<vmem>>, vector<1x16xf32>,
    %get3A_1243 = vector.shape_cast %get3A_1242 : vector<1x16xf32> to vector<16xf32>
    %get3A_1244 = arith.constant 1 : i32
    %get3A_1245 = arith.index_cast %get3A_1244 : i32 to index
    %get3A_1246 = arith.constant 80 : index
    %get3A_1247 = tpu.vector_load %arg10[%get3A_1245, %get3A_1246] {strides = array<i32>} : memref<4x256xf32, #tpu.memory_space<vmem>>, vector<1x16xf32>,
    %get3A_1248 = vector.shape_cast %get3A_1247 : vector<1x16xf32> to vector<16xf32>
    %ge3A_1249 = arith.cmpf oge, %get3A_1243, %max3A_1018 : vector<16xf32>
    %ne3A_1250 = arith.constant 0.000000e+00 : f32
    %ne3A_1251 = vector.broadcast %ne3A_1250 : f32 to vector<16xf32>
    %ne3A_1252 = arith.cmpf one, %get3A_1248, %ne3A_1251 : vector<16xf32>
    %and3A_1253 = arith.andi %ge3A_1249, %ne3A_1252 : vector<16xi1>
    %get3A_1254 = arith.constant 1 : i32
    %get3A_1255 = arith.index_cast %get3A_1254 : i32 to index
    %get3A_1256 = arith.constant 80 : index
    %get3A_1257 = tpu.vector_load %arg11[%get3A_1255, %get3A_1256] {strides = array<i32>} : memref<4x256xi32, #tpu.memory_space<vmem>>, vector<1x16xi32>,
    %get3A_1258 = vector.shape_cast %get3A_1257 : vector<1x16xi32> to vector<16xi32>
    %get3A_1259 = arith.constant 1 : i32
    %get3A_1260 = arith.index_cast %get3A_1259 : i32 to index
    %get3A_1261 = arith.constant 80 : index
    %get3A_1262 = tpu.vector_load %arg12[%get3A_1260, %get3A_1261] {strides = array<i32>} : memref<4x256xi32, #tpu.memory_space<vmem>>, vector<1x16xi32>,
    %get3A_1263 = vector.shape_cast %get3A_1262 : vector<1x16xi32> to vector<16xi32>
    %select_n3A_1264 = arith.select %and3A_1253, %get3A_1258, %get3A_1263 : vector<16xi1>, vector<16xi32>
    %swap3A_1265 = arith.constant 1 : i32
    %swap3A_1266 = arith.index_cast %swap3A_1265 : i32 to index
    %swap3A_1267 = arith.constant 80 : index
    %swap3A_1268 = tpu.vector_load %arg15[%swap3A_1266, %swap3A_1267] {strides = array<i32>} : memref<4x256xi32, #tpu.memory_space<vmem>>, vector<1x16xi32>,
    %swap3A_1269 = vector.shape_cast %swap3A_1268 : vector<1x16xi32> to vector<16xi32>
    %swap3A_1270 = vector.shape_cast %select_n3A_1264 : vector<16xi32> to vector<1x16xi32>
    tpu.vector_store %arg15[%swap3A_1266, %swap3A_1267], %swap3A_1270 {strides = array<i32>} : memref<4x256xi32, #tpu.memory_space<vmem>>, vector<1x16xi32>,
    %eq3A_1271 = arith.constant 0xFF800000 : f32
    %eq3A_1272 = vector.broadcast %eq3A_1271 : f32 to vector<16xf32>
    %eq3A_1273 = arith.cmpf oeq, %scan3A_213#21, %eq3A_1272 : vector<16xf32>
    %jit3A_1274 = arith.constant 0.000000e+00 : f32
    %broadcast_in_dim3A_1275 = vector.broadcast %jit3A_1274 : f32 to vector<16xf32>
    %select_n3A_1276 = arith.select %eq3A_1273, %broadcast_in_dim3A_1275, %get3A_1248 : vector<16xi1>, vector<16xf32>
    %swap3A_1277 = arith.constant 1 : i32
    %swap3A_1278 = arith.index_cast %swap3A_1277 : i32 to index
    %swap3A_1279 = arith.constant 80 : index
    %swap3A_1280 = tpu.vector_load %arg14[%swap3A_1278, %swap3A_1279] {strides = array<i32>} : memref<4x256xf32, #tpu.memory_space<vmem>>, vector<1x16xf32>,
    %swap3A_1281 = vector.shape_cast %swap3A_1280 : vector<1x16xf32> to vector<16xf32>
    %swap3A_1282 = vector.shape_cast %select_n3A_1276 : vector<16xf32> to vector<1x16xf32>
    tpu.vector_store %arg14[%swap3A_1278, %swap3A_1279], %swap3A_1282 {strides = array<i32>} : memref<4x256xf32, #tpu.memory_space<vmem>>, vector<1x16xf32>,
    %get3A_1283 = arith.constant 1 : i32
    %get3A_1284 = arith.index_cast %get3A_1283 : i32 to index
    %get3A_1285 = arith.constant 96 : index
    %get3A_1286 = tpu.vector_load %arg9[%get3A_1284, %get3A_1285] {strides = array<i32>} : memref<4x256xf32, #tpu.memory_space<vmem>>, vector<1x16xf32>,
    %get3A_1287 = vector.shape_cast %get3A_1286 : vector<1x16xf32> to vector<16xf32>
    %get3A_1288 = arith.constant 1 : i32
    %get3A_1289 = arith.index_cast %get3A_1288 : i32 to index
    %get3A_1290 = arith.constant 96 : index
    %get3A_1291 = tpu.vector_load %arg10[%get3A_1289, %get3A_1290] {strides = array<i32>} : memref<4x256xf32, #tpu.memory_space<vmem>>, vector<1x16xf32>,
    %get3A_1292 = vector.shape_cast %get3A_1291 : vector<1x16xf32> to vector<16xf32>
    %ge3A_1293 = arith.cmpf oge, %get3A_1287, %max3A_1018 : vector<16xf32>
    %ne3A_1294 = arith.constant 0.000000e+00 : f32
    %ne3A_1295 = vector.broadcast %ne3A_1294 : f32 to vector<16xf32>
    %ne3A_1296 = arith.cmpf one, %get3A_1292, %ne3A_1295 : vector<16xf32>
    %and3A_1297 = arith.andi %ge3A_1293, %ne3A_1296 : vector<16xi1>
    %get3A_1298 = arith.constant 1 : i32
    %get3A_1299 = arith.index_cast %get3A_1298 : i32 to index
    %get3A_1300 = arith.constant 96 : index
    %get3A_1301 = tpu.vector_load %arg11[%get3A_1299, %get3A_1300] {strides = array<i32>} : memref<4x256xi32, #tpu.memory_space<vmem>>, vector<1x16xi32>,
    %get3A_1302 = vector.shape_cast %get3A_1301 : vector<1x16xi32> to vector<16xi32>
    %get3A_1303 = arith.constant 1 : i32
    %get3A_1304 = arith.index_cast %get3A_1303 : i32 to index
    %get3A_1305 = arith.constant 96 : index
    %get3A_1306 = tpu.vector_load %arg12[%get3A_1304, %get3A_1305] {strides = array<i32>} : memref<4x256xi32, #tpu.memory_space<vmem>>, vector<1x16xi32>,
    %get3A_1307 = vector.shape_cast %get3A_1306 : vector<1x16xi32> to vector<16xi32>
    %select_n3A_1308 = arith.select %and3A_1297, %get3A_1302, %get3A_1307 : vector<16xi1>, vector<16xi32>
    %swap3A_1309 = arith.constant 1 : i32
    %swap3A_1310 = arith.index_cast %swap3A_1309 : i32 to index
    %swap3A_1311 = arith.constant 96 : index
    %swap3A_1312 = tpu.vector_load %arg15[%swap3A_1310, %swap3A_1311] {strides = array<i32>} : memref<4x256xi32, #tpu.memory_space<vmem>>, vector<1x16xi32>,
    %swap3A_1313 = vector.shape_cast %swap3A_1312 : vector<1x16xi32> to vector<16xi32>
    %swap3A_1314 = vector.shape_cast %select_n3A_1308 : vector<16xi32> to vector<1x16xi32>
    tpu.vector_store %arg15[%swap3A_1310, %swap3A_1311], %swap3A_1314 {strides = array<i32>} : memref<4x256xi32, #tpu.memory_space<vmem>>, vector<1x16xi32>,
    %eq3A_1315 = arith.constant 0xFF800000 : f32
    %eq3A_1316 = vector.broadcast %eq3A_1315 : f32 to vector<16xf32>
    %eq3A_1317 = arith.cmpf oeq, %scan3A_213#22, %eq3A_1316 : vector<16xf32>
    %jit3A_1318 = arith.constant 0.000000e+00 : f32
    %broadcast_in_dim3A_1319 = vector.broadcast %jit3A_1318 : f32 to vector<16xf32>
    %select_n3A_1320 = arith.select %eq3A_1317, %broadcast_in_dim3A_1319, %get3A_1292 : vector<16xi1>, vector<16xf32>
    %swap3A_1321 = arith.constant 1 : i32
    %swap3A_1322 = arith.index_cast %swap3A_1321 : i32 to index
    %swap3A_1323 = arith.constant 96 : index
    %swap3A_1324 = tpu.vector_load %arg14[%swap3A_1322, %swap3A_1323] {strides = array<i32>} : memref<4x256xf32, #tpu.memory_space<vmem>>, vector<1x16xf32>,
    %swap3A_1325 = vector.shape_cast %swap3A_1324 : vector<1x16xf32> to vector<16xf32>
    %swap3A_1326 = vector.shape_cast %select_n3A_1320 : vector<16xf32> to vector<1x16xf32>
    tpu.vector_store %arg14[%swap3A_1322, %swap3A_1323], %swap3A_1326 {strides = array<i32>} : memref<4x256xf32, #tpu.memory_space<vmem>>, vector<1x16xf32>,
    %get3A_1327 = arith.constant 1 : i32
    %get3A_1328 = arith.index_cast %get3A_1327 : i32 to index
    %get3A_1329 = arith.constant 112 : index
    %get3A_1330 = tpu.vector_load %arg9[%get3A_1328, %get3A_1329] {strides = array<i32>} : memref<4x256xf32, #tpu.memory_space<vmem>>, vector<1x16xf32>,
    %get3A_1331 = vector.shape_cast %get3A_1330 : vector<1x16xf32> to vector<16xf32>
    %get3A_1332 = arith.constant 1 : i32
    %get3A_1333 = arith.index_cast %get3A_1332 : i32 to index
    %get3A_1334 = arith.constant 112 : index
    %get3A_1335 = tpu.vector_load %arg10[%get3A_1333, %get3A_1334] {strides = array<i32>} : memref<4x256xf32, #tpu.memory_space<vmem>>, vector<1x16xf32>,
    %get3A_1336 = vector.shape_cast %get3A_1335 : vector<1x16xf32> to vector<16xf32>
    %ge3A_1337 = arith.cmpf oge, %get3A_1331, %max3A_1018 : vector<16xf32>
    %ne3A_1338 = arith.constant 0.000000e+00 : f32
    %ne3A_1339 = vector.broadcast %ne3A_1338 : f32 to vector<16xf32>
    %ne3A_1340 = arith.cmpf one, %get3A_1336, %ne3A_1339 : vector<16xf32>
    %and3A_1341 = arith.andi %ge3A_1337, %ne3A_1340 : vector<16xi1>
    %get3A_1342 = arith.constant 1 : i32
    %get3A_1343 = arith.index_cast %get3A_1342 : i32 to index
    %get3A_1344 = arith.constant 112 : index
    %get3A_1345 = tpu.vector_load %arg11[%get3A_1343, %get3A_1344] {strides = array<i32>} : memref<4x256xi32, #tpu.memory_space<vmem>>, vector<1x16xi32>,
    %get3A_1346 = vector.shape_cast %get3A_1345 : vector<1x16xi32> to vector<16xi32>
    %get3A_1347 = arith.constant 1 : i32
    %get3A_1348 = arith.index_cast %get3A_1347 : i32 to index
    %get3A_1349 = arith.constant 112 : index
    %get3A_1350 = tpu.vector_load %arg12[%get3A_1348, %get3A_1349] {strides = array<i32>} : memref<4x256xi32, #tpu.memory_space<vmem>>, vector<1x16xi32>,
    %get3A_1351 = vector.shape_cast %get3A_1350 : vector<1x16xi32> to vector<16xi32>
    %select_n3A_1352 = arith.select %and3A_1341, %get3A_1346, %get3A_1351 : vector<16xi1>, vector<16xi32>
    %swap3A_1353 = arith.constant 1 : i32
    %swap3A_1354 = arith.index_cast %swap3A_1353 : i32 to index
    %swap3A_1355 = arith.constant 112 : index
    %swap3A_1356 = tpu.vector_load %arg15[%swap3A_1354, %swap3A_1355] {strides = array<i32>} : memref<4x256xi32, #tpu.memory_space<vmem>>, vector<1x16xi32>,
    %swap3A_1357 = vector.shape_cast %swap3A_1356 : vector<1x16xi32> to vector<16xi32>
    %swap3A_1358 = vector.shape_cast %select_n3A_1352 : vector<16xi32> to vector<1x16xi32>
    tpu.vector_store %arg15[%swap3A_1354, %swap3A_1355], %swap3A_1358 {strides = array<i32>} : memref<4x256xi32, #tpu.memory_space<vmem>>, vector<1x16xi32>,
    %eq3A_1359 = arith.constant 0xFF800000 : f32
    %eq3A_1360 = vector.broadcast %eq3A_1359 : f32 to vector<16xf32>
    %eq3A_1361 = arith.cmpf oeq, %scan3A_213#23, %eq3A_1360 : vector<16xf32>
    %jit3A_1362 = arith.constant 0.000000e+00 : f32
    %broadcast_in_dim3A_1363 = vector.broadcast %jit3A_1362 : f32 to vector<16xf32>
    %select_n3A_1364 = arith.select %eq3A_1361, %broadcast_in_dim3A_1363, %get3A_1336 : vector<16xi1>, vector<16xf32>
    %swap3A_1365 = arith.constant 1 : i32
    %swap3A_1366 = arith.index_cast %swap3A_1365 : i32 to index
    %swap3A_1367 = arith.constant 112 : index
    %swap3A_1368 = tpu.vector_load %arg14[%swap3A_1366, %swap3A_1367] {strides = array<i32>} : memref<4x256xf32, #tpu.memory_space<vmem>>, vector<1x16xf32>,
    %swap3A_1369 = vector.shape_cast %swap3A_1368 : vector<1x16xf32> to vector<16xf32>
    %swap3A_1370 = vector.shape_cast %select_n3A_1364 : vector<16xf32> to vector<1x16xf32>
    tpu.vector_store %arg14[%swap3A_1366, %swap3A_1367], %swap3A_1370 {strides = array<i32>} : memref<4x256xf32, #tpu.memory_space<vmem>>, vector<1x16xf32>,
    %get3A_1371 = arith.constant 1 : i32
    %get3A_1372 = arith.index_cast %get3A_1371 : i32 to index
    %get3A_1373 = arith.constant 128 : index
    %get3A_1374 = tpu.vector_load %arg9[%get3A_1372, %get3A_1373] {strides = array<i32>} : memref<4x256xf32, #tpu.memory_space<vmem>>, vector<1x16xf32>,
    %get3A_1375 = vector.shape_cast %get3A_1374 : vector<1x16xf32> to vector<16xf32>
    %get3A_1376 = arith.constant 1 : i32
    %get3A_1377 = arith.index_cast %get3A_1376 : i32 to index
    %get3A_1378 = arith.constant 128 : index
    %get3A_1379 = tpu.vector_load %arg10[%get3A_1377, %get3A_1378] {strides = array<i32>} : memref<4x256xf32, #tpu.memory_space<vmem>>, vector<1x16xf32>,
    %get3A_1380 = vector.shape_cast %get3A_1379 : vector<1x16xf32> to vector<16xf32>
    %ge3A_1381 = arith.cmpf oge, %get3A_1375, %max3A_1018 : vector<16xf32>
    %ne3A_1382 = arith.constant 0.000000e+00 : f32
    %ne3A_1383 = vector.broadcast %ne3A_1382 : f32 to vector<16xf32>
    %ne3A_1384 = arith.cmpf one, %get3A_1380, %ne3A_1383 : vector<16xf32>
    %and3A_1385 = arith.andi %ge3A_1381, %ne3A_1384 : vector<16xi1>
    %get3A_1386 = arith.constant 1 : i32
    %get3A_1387 = arith.index_cast %get3A_1386 : i32 to index
    %get3A_1388 = arith.constant 128 : index
    %get3A_1389 = tpu.vector_load %arg11[%get3A_1387, %get3A_1388] {strides = array<i32>} : memref<4x256xi32, #tpu.memory_space<vmem>>, vector<1x16xi32>,
    %get3A_1390 = vector.shape_cast %get3A_1389 : vector<1x16xi32> to vector<16xi32>
    %get3A_1391 = arith.constant 1 : i32
    %get3A_1392 = arith.index_cast %get3A_1391 : i32 to index
    %get3A_1393 = arith.constant 128 : index
    %get3A_1394 = tpu.vector_load %arg12[%get3A_1392, %get3A_1393] {strides = array<i32>} : memref<4x256xi32, #tpu.memory_space<vmem>>, vector<1x16xi32>,
    %get3A_1395 = vector.shape_cast %get3A_1394 : vector<1x16xi32> to vector<16xi32>
    %select_n3A_1396 = arith.select %and3A_1385, %get3A_1390, %get3A_1395 : vector<16xi1>, vector<16xi32>
    %swap3A_1397 = arith.constant 1 : i32
    %swap3A_1398 = arith.index_cast %swap3A_1397 : i32 to index
    %swap3A_1399 = arith.constant 128 : index
    %swap3A_1400 = tpu.vector_load %arg15[%swap3A_1398, %swap3A_1399] {strides = array<i32>} : memref<4x256xi32, #tpu.memory_space<vmem>>, vector<1x16xi32>,
    %swap3A_1401 = vector.shape_cast %swap3A_1400 : vector<1x16xi32> to vector<16xi32>
    %swap3A_1402 = vector.shape_cast %select_n3A_1396 : vector<16xi32> to vector<1x16xi32>
    tpu.vector_store %arg15[%swap3A_1398, %swap3A_1399], %swap3A_1402 {strides = array<i32>} : memref<4x256xi32, #tpu.memory_space<vmem>>, vector<1x16xi32>,
    %eq3A_1403 = arith.constant 0xFF800000 : f32
    %eq3A_1404 = vector.broadcast %eq3A_1403 : f32 to vector<16xf32>
    %eq3A_1405 = arith.cmpf oeq, %scan3A_213#24, %eq3A_1404 : vector<16xf32>
    %jit3A_1406 = arith.constant 0.000000e+00 : f32
    %broadcast_in_dim3A_1407 = vector.broadcast %jit3A_1406 : f32 to vector<16xf32>
    %select_n3A_1408 = arith.select %eq3A_1405, %broadcast_in_dim3A_1407, %get3A_1380 : vector<16xi1>, vector<16xf32>
    %swap3A_1409 = arith.constant 1 : i32
    %swap3A_1410 = arith.index_cast %swap3A_1409 : i32 to index
    %swap3A_1411 = arith.constant 128 : index
    %swap3A_1412 = tpu.vector_load %arg14[%swap3A_1410, %swap3A_1411] {strides = array<i32>} : memref<4x256xf32, #tpu.memory_space<vmem>>, vector<1x16xf32>,
    %swap3A_1413 = vector.shape_cast %swap3A_1412 : vector<1x16xf32> to vector<16xf32>
    %swap3A_1414 = vector.shape_cast %select_n3A_1408 : vector<16xf32> to vector<1x16xf32>
    tpu.vector_store %arg14[%swap3A_1410, %swap3A_1411], %swap3A_1414 {strides = array<i32>} : memref<4x256xf32, #tpu.memory_space<vmem>>, vector<1x16xf32>,
    %get3A_1415 = arith.constant 1 : i32
    %get3A_1416 = arith.index_cast %get3A_1415 : i32 to index
    %get3A_1417 = arith.constant 144 : index
    %get3A_1418 = tpu.vector_load %arg9[%get3A_1416, %get3A_1417] {strides = array<i32>} : memref<4x256xf32, #tpu.memory_space<vmem>>, vector<1x16xf32>,
    %get3A_1419 = vector.shape_cast %get3A_1418 : vector<1x16xf32> to vector<16xf32>
    %get3A_1420 = arith.constant 1 : i32
    %get3A_1421 = arith.index_cast %get3A_1420 : i32 to index
    %get3A_1422 = arith.constant 144 : index
    %get3A_1423 = tpu.vector_load %arg10[%get3A_1421, %get3A_1422] {strides = array<i32>} : memref<4x256xf32, #tpu.memory_space<vmem>>, vector<1x16xf32>,
    %get3A_1424 = vector.shape_cast %get3A_1423 : vector<1x16xf32> to vector<16xf32>
    %ge3A_1425 = arith.cmpf oge, %get3A_1419, %max3A_1018 : vector<16xf32>
    %ne3A_1426 = arith.constant 0.000000e+00 : f32
    %ne3A_1427 = vector.broadcast %ne3A_1426 : f32 to vector<16xf32>
    %ne3A_1428 = arith.cmpf one, %get3A_1424, %ne3A_1427 : vector<16xf32>
    %and3A_1429 = arith.andi %ge3A_1425, %ne3A_1428 : vector<16xi1>
    %get3A_1430 = arith.constant 1 : i32
    %get3A_1431 = arith.index_cast %get3A_1430 : i32 to index
    %get3A_1432 = arith.constant 144 : index
    %get3A_1433 = tpu.vector_load %arg11[%get3A_1431, %get3A_1432] {strides = array<i32>} : memref<4x256xi32, #tpu.memory_space<vmem>>, vector<1x16xi32>,
    %get3A_1434 = vector.shape_cast %get3A_1433 : vector<1x16xi32> to vector<16xi32>
    %get3A_1435 = arith.constant 1 : i32
    %get3A_1436 = arith.index_cast %get3A_1435 : i32 to index
    %get3A_1437 = arith.constant 144 : index
    %get3A_1438 = tpu.vector_load %arg12[%get3A_1436, %get3A_1437] {strides = array<i32>} : memref<4x256xi32, #tpu.memory_space<vmem>>, vector<1x16xi32>,
    %get3A_1439 = vector.shape_cast %get3A_1438 : vector<1x16xi32> to vector<16xi32>
    %select_n3A_1440 = arith.select %and3A_1429, %get3A_1434, %get3A_1439 : vector<16xi1>, vector<16xi32>
    %swap3A_1441 = arith.constant 1 : i32
    %swap3A_1442 = arith.index_cast %swap3A_1441 : i32 to index
    %swap3A_1443 = arith.constant 144 : index
    %swap3A_1444 = tpu.vector_load %arg15[%swap3A_1442, %swap3A_1443] {strides = array<i32>} : memref<4x256xi32, #tpu.memory_space<vmem>>, vector<1x16xi32>,
    %swap3A_1445 = vector.shape_cast %swap3A_1444 : vector<1x16xi32> to vector<16xi32>
    %swap3A_1446 = vector.shape_cast %select_n3A_1440 : vector<16xi32> to vector<1x16xi32>
    tpu.vector_store %arg15[%swap3A_1442, %swap3A_1443], %swap3A_1446 {strides = array<i32>} : memref<4x256xi32, #tpu.memory_space<vmem>>, vector<1x16xi32>,
    %eq3A_1447 = arith.constant 0xFF800000 : f32
    %eq3A_1448 = vector.broadcast %eq3A_1447 : f32 to vector<16xf32>
    %eq3A_1449 = arith.cmpf oeq, %scan3A_213#25, %eq3A_1448 : vector<16xf32>
    %jit3A_1450 = arith.constant 0.000000e+00 : f32
    %broadcast_in_dim3A_1451 = vector.broadcast %jit3A_1450 : f32 to vector<16xf32>
    %select_n3A_1452 = arith.select %eq3A_1449, %broadcast_in_dim3A_1451, %get3A_1424 : vector<16xi1>, vector<16xf32>
    %swap3A_1453 = arith.constant 1 : i32
    %swap3A_1454 = arith.index_cast %swap3A_1453 : i32 to index
    %swap3A_1455 = arith.constant 144 : index
    %swap3A_1456 = tpu.vector_load %arg14[%swap3A_1454, %swap3A_1455] {strides = array<i32>} : memref<4x256xf32, #tpu.memory_space<vmem>>, vector<1x16xf32>,
    %swap3A_1457 = vector.shape_cast %swap3A_1456 : vector<1x16xf32> to vector<16xf32>
    %swap3A_1458 = vector.shape_cast %select_n3A_1452 : vector<16xf32> to vector<1x16xf32>
    tpu.vector_store %arg14[%swap3A_1454, %swap3A_1455], %swap3A_1458 {strides = array<i32>} : memref<4x256xf32, #tpu.memory_space<vmem>>, vector<1x16xf32>,
    %get3A_1459 = arith.constant 1 : i32
    %get3A_1460 = arith.index_cast %get3A_1459 : i32 to index
    %get3A_1461 = arith.constant 160 : index
    %get3A_1462 = tpu.vector_load %arg9[%get3A_1460, %get3A_1461] {strides = array<i32>} : memref<4x256xf32, #tpu.memory_space<vmem>>, vector<1x16xf32>,
    %get3A_1463 = vector.shape_cast %get3A_1462 : vector<1x16xf32> to vector<16xf32>
    %get3A_1464 = arith.constant 1 : i32
    %get3A_1465 = arith.index_cast %get3A_1464 : i32 to index
    %get3A_1466 = arith.constant 160 : index
    %get3A_1467 = tpu.vector_load %arg10[%get3A_1465, %get3A_1466] {strides = array<i32>} : memref<4x256xf32, #tpu.memory_space<vmem>>, vector<1x16xf32>,
    %get3A_1468 = vector.shape_cast %get3A_1467 : vector<1x16xf32> to vector<16xf32>
    %ge3A_1469 = arith.cmpf oge, %get3A_1463, %max3A_1018 : vector<16xf32>
    %ne3A_1470 = arith.constant 0.000000e+00 : f32
    %ne3A_1471 = vector.broadcast %ne3A_1470 : f32 to vector<16xf32>
    %ne3A_1472 = arith.cmpf one, %get3A_1468, %ne3A_1471 : vector<16xf32>
    %and3A_1473 = arith.andi %ge3A_1469, %ne3A_1472 : vector<16xi1>
    %get3A_1474 = arith.constant 1 : i32
    %get3A_1475 = arith.index_cast %get3A_1474 : i32 to index
    %get3A_1476 = arith.constant 160 : index
    %get3A_1477 = tpu.vector_load %arg11[%get3A_1475, %get3A_1476] {strides = array<i32>} : memref<4x256xi32, #tpu.memory_space<vmem>>, vector<1x16xi32>,
    %get3A_1478 = vector.shape_cast %get3A_1477 : vector<1x16xi32> to vector<16xi32>
    %get3A_1479 = arith.constant 1 : i32
    %get3A_1480 = arith.index_cast %get3A_1479 : i32 to index
    %get3A_1481 = arith.constant 160 : index
    %get3A_1482 = tpu.vector_load %arg12[%get3A_1480, %get3A_1481] {strides = array<i32>} : memref<4x256xi32, #tpu.memory_space<vmem>>, vector<1x16xi32>,
    %get3A_1483 = vector.shape_cast %get3A_1482 : vector<1x16xi32> to vector<16xi32>
    %select_n3A_1484 = arith.select %and3A_1473, %get3A_1478, %get3A_1483 : vector<16xi1>, vector<16xi32>
    %swap3A_1485 = arith.constant 1 : i32
    %swap3A_1486 = arith.index_cast %swap3A_1485 : i32 to index
    %swap3A_1487 = arith.constant 160 : index
    %swap3A_1488 = tpu.vector_load %arg15[%swap3A_1486, %swap3A_1487] {strides = array<i32>} : memref<4x256xi32, #tpu.memory_space<vmem>>, vector<1x16xi32>,
    %swap3A_1489 = vector.shape_cast %swap3A_1488 : vector<1x16xi32> to vector<16xi32>
    %swap3A_1490 = vector.shape_cast %select_n3A_1484 : vector<16xi32> to vector<1x16xi32>
    tpu.vector_store %arg15[%swap3A_1486, %swap3A_1487], %swap3A_1490 {strides = array<i32>} : memref<4x256xi32, #tpu.memory_space<vmem>>, vector<1x16xi32>,
    %eq3A_1491 = arith.constant 0xFF800000 : f32
    %eq3A_1492 = vector.broadcast %eq3A_1491 : f32 to vector<16xf32>
    %eq3A_1493 = arith.cmpf oeq, %scan3A_213#26, %eq3A_1492 : vector<16xf32>
    %jit3A_1494 = arith.constant 0.000000e+00 : f32
    %broadcast_in_dim3A_1495 = vector.broadcast %jit3A_1494 : f32 to vector<16xf32>
    %select_n3A_1496 = arith.select %eq3A_1493, %broadcast_in_dim3A_1495, %get3A_1468 : vector<16xi1>, vector<16xf32>
    %swap3A_1497 = arith.constant 1 : i32
    %swap3A_1498 = arith.index_cast %swap3A_1497 : i32 to index
    %swap3A_1499 = arith.constant 160 : index
    %swap3A_1500 = tpu.vector_load %arg14[%swap3A_1498, %swap3A_1499] {strides = array<i32>} : memref<4x256xf32, #tpu.memory_space<vmem>>, vector<1x16xf32>,
    %swap3A_1501 = vector.shape_cast %swap3A_1500 : vector<1x16xf32> to vector<16xf32>
    %swap3A_1502 = vector.shape_cast %select_n3A_1496 : vector<16xf32> to vector<1x16xf32>
    tpu.vector_store %arg14[%swap3A_1498, %swap3A_1499], %swap3A_1502 {strides = array<i32>} : memref<4x256xf32, #tpu.memory_space<vmem>>, vector<1x16xf32>,
    %get3A_1503 = arith.constant 1 : i32
    %get3A_1504 = arith.index_cast %get3A_1503 : i32 to index
    %get3A_1505 = arith.constant 176 : index
    %get3A_1506 = tpu.vector_load %arg9[%get3A_1504, %get3A_1505] {strides = array<i32>} : memref<4x256xf32, #tpu.memory_space<vmem>>, vector<1x16xf32>,
    %get3A_1507 = vector.shape_cast %get3A_1506 : vector<1x16xf32> to vector<16xf32>
    %get3A_1508 = arith.constant 1 : i32
    %get3A_1509 = arith.index_cast %get3A_1508 : i32 to index
    %get3A_1510 = arith.constant 176 : index
    %get3A_1511 = tpu.vector_load %arg10[%get3A_1509, %get3A_1510] {strides = array<i32>} : memref<4x256xf32, #tpu.memory_space<vmem>>, vector<1x16xf32>,
    %get3A_1512 = vector.shape_cast %get3A_1511 : vector<1x16xf32> to vector<16xf32>
    %ge3A_1513 = arith.cmpf oge, %get3A_1507, %max3A_1018 : vector<16xf32>
    %ne3A_1514 = arith.constant 0.000000e+00 : f32
    %ne3A_1515 = vector.broadcast %ne3A_1514 : f32 to vector<16xf32>
    %ne3A_1516 = arith.cmpf one, %get3A_1512, %ne3A_1515 : vector<16xf32>
    %and3A_1517 = arith.andi %ge3A_1513, %ne3A_1516 : vector<16xi1>
    %get3A_1518 = arith.constant 1 : i32
    %get3A_1519 = arith.index_cast %get3A_1518 : i32 to index
    %get3A_1520 = arith.constant 176 : index
    %get3A_1521 = tpu.vector_load %arg11[%get3A_1519, %get3A_1520] {strides = array<i32>} : memref<4x256xi32, #tpu.memory_space<vmem>>, vector<1x16xi32>,
    %get3A_1522 = vector.shape_cast %get3A_1521 : vector<1x16xi32> to vector<16xi32>
    %get3A_1523 = arith.constant 1 : i32
    %get3A_1524 = arith.index_cast %get3A_1523 : i32 to index
    %get3A_1525 = arith.constant 176 : index
    %get3A_1526 = tpu.vector_load %arg12[%get3A_1524, %get3A_1525] {strides = array<i32>} : memref<4x256xi32, #tpu.memory_space<vmem>>, vector<1x16xi32>,
    %get3A_1527 = vector.shape_cast %get3A_1526 : vector<1x16xi32> to vector<16xi32>
    %select_n3A_1528 = arith.select %and3A_1517, %get3A_1522, %get3A_1527 : vector<16xi1>, vector<16xi32>
    %swap3A_1529 = arith.constant 1 : i32
    %swap3A_1530 = arith.index_cast %swap3A_1529 : i32 to index
    %swap3A_1531 = arith.constant 176 : index
    %swap3A_1532 = tpu.vector_load %arg15[%swap3A_1530, %swap3A_1531] {strides = array<i32>} : memref<4x256xi32, #tpu.memory_space<vmem>>, vector<1x16xi32>,
    %swap3A_1533 = vector.shape_cast %swap3A_1532 : vector<1x16xi32> to vector<16xi32>
    %swap3A_1534 = vector.shape_cast %select_n3A_1528 : vector<16xi32> to vector<1x16xi32>
    tpu.vector_store %arg15[%swap3A_1530, %swap3A_1531], %swap3A_1534 {strides = array<i32>} : memref<4x256xi32, #tpu.memory_space<vmem>>, vector<1x16xi32>,
    %eq3A_1535 = arith.constant 0xFF800000 : f32
    %eq3A_1536 = vector.broadcast %eq3A_1535 : f32 to vector<16xf32>
    %eq3A_1537 = arith.cmpf oeq, %scan3A_213#27, %eq3A_1536 : vector<16xf32>
    %jit3A_1538 = arith.constant 0.000000e+00 : f32
    %broadcast_in_dim3A_1539 = vector.broadcast %jit3A_1538 : f32 to vector<16xf32>
    %select_n3A_1540 = arith.select %eq3A_1537, %broadcast_in_dim3A_1539, %get3A_1512 : vector<16xi1>, vector<16xf32>
    %swap3A_1541 = arith.constant 1 : i32
    %swap3A_1542 = arith.index_cast %swap3A_1541 : i32 to index
    %swap3A_1543 = arith.constant 176 : index
    %swap3A_1544 = tpu.vector_load %arg14[%swap3A_1542, %swap3A_1543] {strides = array<i32>} : memref<4x256xf32, #tpu.memory_space<vmem>>, vector<1x16xf32>,
    %swap3A_1545 = vector.shape_cast %swap3A_1544 : vector<1x16xf32> to vector<16xf32>
    %swap3A_1546 = vector.shape_cast %select_n3A_1540 : vector<16xf32> to vector<1x16xf32>
    tpu.vector_store %arg14[%swap3A_1542, %swap3A_1543], %swap3A_1546 {strides = array<i32>} : memref<4x256xf32, #tpu.memory_space<vmem>>, vector<1x16xf32>,
    %get3A_1547 = arith.constant 1 : i32
    %get3A_1548 = arith.index_cast %get3A_1547 : i32 to index
    %get3A_1549 = arith.constant 192 : index
    %get3A_1550 = tpu.vector_load %arg9[%get3A_1548, %get3A_1549] {strides = array<i32>} : memref<4x256xf32, #tpu.memory_space<vmem>>, vector<1x16xf32>,
    %get3A_1551 = vector.shape_cast %get3A_1550 : vector<1x16xf32> to vector<16xf32>
    %get3A_1552 = arith.constant 1 : i32
    %get3A_1553 = arith.index_cast %get3A_1552 : i32 to index
    %get3A_1554 = arith.constant 192 : index
    %get3A_1555 = tpu.vector_load %arg10[%get3A_1553, %get3A_1554] {strides = array<i32>} : memref<4x256xf32, #tpu.memory_space<vmem>>, vector<1x16xf32>,
    %get3A_1556 = vector.shape_cast %get3A_1555 : vector<1x16xf32> to vector<16xf32>
    %ge3A_1557 = arith.cmpf oge, %get3A_1551, %max3A_1018 : vector<16xf32>
    %ne3A_1558 = arith.constant 0.000000e+00 : f32
    %ne3A_1559 = vector.broadcast %ne3A_1558 : f32 to vector<16xf32>
    %ne3A_1560 = arith.cmpf one, %get3A_1556, %ne3A_1559 : vector<16xf32>
    %and3A_1561 = arith.andi %ge3A_1557, %ne3A_1560 : vector<16xi1>
    %get3A_1562 = arith.constant 1 : i32
    %get3A_1563 = arith.index_cast %get3A_1562 : i32 to index
    %get3A_1564 = arith.constant 192 : index
    %get3A_1565 = tpu.vector_load %arg11[%get3A_1563, %get3A_1564] {strides = array<i32>} : memref<4x256xi32, #tpu.memory_space<vmem>>, vector<1x16xi32>,
    %get3A_1566 = vector.shape_cast %get3A_1565 : vector<1x16xi32> to vector<16xi32>
    %get3A_1567 = arith.constant 1 : i32
    %get3A_1568 = arith.index_cast %get3A_1567 : i32 to index
    %get3A_1569 = arith.constant 192 : index
    %get3A_1570 = tpu.vector_load %arg12[%get3A_1568, %get3A_1569] {strides = array<i32>} : memref<4x256xi32, #tpu.memory_space<vmem>>, vector<1x16xi32>,
    %get3A_1571 = vector.shape_cast %get3A_1570 : vector<1x16xi32> to vector<16xi32>
    %select_n3A_1572 = arith.select %and3A_1561, %get3A_1566, %get3A_1571 : vector<16xi1>, vector<16xi32>
    %swap3A_1573 = arith.constant 1 : i32
    %swap3A_1574 = arith.index_cast %swap3A_1573 : i32 to index
    %swap3A_1575 = arith.constant 192 : index
    %swap3A_1576 = tpu.vector_load %arg15[%swap3A_1574, %swap3A_1575] {strides = array<i32>} : memref<4x256xi32, #tpu.memory_space<vmem>>, vector<1x16xi32>,
    %swap3A_1577 = vector.shape_cast %swap3A_1576 : vector<1x16xi32> to vector<16xi32>
    %swap3A_1578 = vector.shape_cast %select_n3A_1572 : vector<16xi32> to vector<1x16xi32>
    tpu.vector_store %arg15[%swap3A_1574, %swap3A_1575], %swap3A_1578 {strides = array<i32>} : memref<4x256xi32, #tpu.memory_space<vmem>>, vector<1x16xi32>,
    %eq3A_1579 = arith.constant 0xFF800000 : f32
    %eq3A_1580 = vector.broadcast %eq3A_1579 : f32 to vector<16xf32>
    %eq3A_1581 = arith.cmpf oeq, %scan3A_213#28, %eq3A_1580 : vector<16xf32>
    %jit3A_1582 = arith.constant 0.000000e+00 : f32
    %broadcast_in_dim3A_1583 = vector.broadcast %jit3A_1582 : f32 to vector<16xf32>
    %select_n3A_1584 = arith.select %eq3A_1581, %broadcast_in_dim3A_1583, %get3A_1556 : vector<16xi1>, vector<16xf32>
    %swap3A_1585 = arith.constant 1 : i32
    %swap3A_1586 = arith.index_cast %swap3A_1585 : i32 to index
    %swap3A_1587 = arith.constant 192 : index
    %swap3A_1588 = tpu.vector_load %arg14[%swap3A_1586, %swap3A_1587] {strides = array<i32>} : memref<4x256xf32, #tpu.memory_space<vmem>>, vector<1x16xf32>,
    %swap3A_1589 = vector.shape_cast %swap3A_1588 : vector<1x16xf32> to vector<16xf32>
    %swap3A_1590 = vector.shape_cast %select_n3A_1584 : vector<16xf32> to vector<1x16xf32>
    tpu.vector_store %arg14[%swap3A_1586, %swap3A_1587], %swap3A_1590 {strides = array<i32>} : memref<4x256xf32, #tpu.memory_space<vmem>>, vector<1x16xf32>,
    %get3A_1591 = arith.constant 1 : i32
    %get3A_1592 = arith.index_cast %get3A_1591 : i32 to index
    %get3A_1593 = arith.constant 208 : index
    %get3A_1594 = tpu.vector_load %arg9[%get3A_1592, %get3A_1593] {strides = array<i32>} : memref<4x256xf32, #tpu.memory_space<vmem>>, vector<1x16xf32>,
    %get3A_1595 = vector.shape_cast %get3A_1594 : vector<1x16xf32> to vector<16xf32>
    %get3A_1596 = arith.constant 1 : i32
    %get3A_1597 = arith.index_cast %get3A_1596 : i32 to index
    %get3A_1598 = arith.constant 208 : index
    %get3A_1599 = tpu.vector_load %arg10[%get3A_1597, %get3A_1598] {strides = array<i32>} : memref<4x256xf32, #tpu.memory_space<vmem>>, vector<1x16xf32>,
    %get3A_1600 = vector.shape_cast %get3A_1599 : vector<1x16xf32> to vector<16xf32>
    %ge3A_1601 = arith.cmpf oge, %get3A_1595, %max3A_1018 : vector<16xf32>
    %ne3A_1602 = arith.constant 0.000000e+00 : f32
    %ne3A_1603 = vector.broadcast %ne3A_1602 : f32 to vector<16xf32>
    %ne3A_1604 = arith.cmpf one, %get3A_1600, %ne3A_1603 : vector<16xf32>
    %and3A_1605 = arith.andi %ge3A_1601, %ne3A_1604 : vector<16xi1>
    %get3A_1606 = arith.constant 1 : i32
    %get3A_1607 = arith.index_cast %get3A_1606 : i32 to index
    %get3A_1608 = arith.constant 208 : index
    %get3A_1609 = tpu.vector_load %arg11[%get3A_1607, %get3A_1608] {strides = array<i32>} : memref<4x256xi32, #tpu.memory_space<vmem>>, vector<1x16xi32>,
    %get3A_1610 = vector.shape_cast %get3A_1609 : vector<1x16xi32> to vector<16xi32>
    %get3A_1611 = arith.constant 1 : i32
    %get3A_1612 = arith.index_cast %get3A_1611 : i32 to index
    %get3A_1613 = arith.constant 208 : index
    %get3A_1614 = tpu.vector_load %arg12[%get3A_1612, %get3A_1613] {strides = array<i32>} : memref<4x256xi32, #tpu.memory_space<vmem>>, vector<1x16xi32>,
    %get3A_1615 = vector.shape_cast %get3A_1614 : vector<1x16xi32> to vector<16xi32>
    %select_n3A_1616 = arith.select %and3A_1605, %get3A_1610, %get3A_1615 : vector<16xi1>, vector<16xi32>
    %swap3A_1617 = arith.constant 1 : i32
    %swap3A_1618 = arith.index_cast %swap3A_1617 : i32 to index
    %swap3A_1619 = arith.constant 208 : index
    %swap3A_1620 = tpu.vector_load %arg15[%swap3A_1618, %swap3A_1619] {strides = array<i32>} : memref<4x256xi32, #tpu.memory_space<vmem>>, vector<1x16xi32>,
    %swap3A_1621 = vector.shape_cast %swap3A_1620 : vector<1x16xi32> to vector<16xi32>
    %swap3A_1622 = vector.shape_cast %select_n3A_1616 : vector<16xi32> to vector<1x16xi32>
    tpu.vector_store %arg15[%swap3A_1618, %swap3A_1619], %swap3A_1622 {strides = array<i32>} : memref<4x256xi32, #tpu.memory_space<vmem>>, vector<1x16xi32>,
    %eq3A_1623 = arith.constant 0xFF800000 : f32
    %eq3A_1624 = vector.broadcast %eq3A_1623 : f32 to vector<16xf32>
    %eq3A_1625 = arith.cmpf oeq, %scan3A_213#29, %eq3A_1624 : vector<16xf32>
    %jit3A_1626 = arith.constant 0.000000e+00 : f32
    %broadcast_in_dim3A_1627 = vector.broadcast %jit3A_1626 : f32 to vector<16xf32>
    %select_n3A_1628 = arith.select %eq3A_1625, %broadcast_in_dim3A_1627, %get3A_1600 : vector<16xi1>, vector<16xf32>
    %swap3A_1629 = arith.constant 1 : i32
    %swap3A_1630 = arith.index_cast %swap3A_1629 : i32 to index
    %swap3A_1631 = arith.constant 208 : index
    %swap3A_1632 = tpu.vector_load %arg14[%swap3A_1630, %swap3A_1631] {strides = array<i32>} : memref<4x256xf32, #tpu.memory_space<vmem>>, vector<1x16xf32>,
    %swap3A_1633 = vector.shape_cast %swap3A_1632 : vector<1x16xf32> to vector<16xf32>
    %swap3A_1634 = vector.shape_cast %select_n3A_1628 : vector<16xf32> to vector<1x16xf32>
    tpu.vector_store %arg14[%swap3A_1630, %swap3A_1631], %swap3A_1634 {strides = array<i32>} : memref<4x256xf32, #tpu.memory_space<vmem>>, vector<1x16xf32>,
    %get3A_1635 = arith.constant 1 : i32
    %get3A_1636 = arith.index_cast %get3A_1635 : i32 to index
    %get3A_1637 = arith.constant 224 : index
    %get3A_1638 = tpu.vector_load %arg9[%get3A_1636, %get3A_1637] {strides = array<i32>} : memref<4x256xf32, #tpu.memory_space<vmem>>, vector<1x16xf32>,
    %get3A_1639 = vector.shape_cast %get3A_1638 : vector<1x16xf32> to vector<16xf32>
    %get3A_1640 = arith.constant 1 : i32
    %get3A_1641 = arith.index_cast %get3A_1640 : i32 to index
    %get3A_1642 = arith.constant 224 : index
    %get3A_1643 = tpu.vector_load %arg10[%get3A_1641, %get3A_1642] {strides = array<i32>} : memref<4x256xf32, #tpu.memory_space<vmem>>, vector<1x16xf32>,
    %get3A_1644 = vector.shape_cast %get3A_1643 : vector<1x16xf32> to vector<16xf32>
    %ge3A_1645 = arith.cmpf oge, %get3A_1639, %max3A_1018 : vector<16xf32>
    %ne3A_1646 = arith.constant 0.000000e+00 : f32
    %ne3A_1647 = vector.broadcast %ne3A_1646 : f32 to vector<16xf32>
    %ne3A_1648 = arith.cmpf one, %get3A_1644, %ne3A_1647 : vector<16xf32>
    %and3A_1649 = arith.andi %ge3A_1645, %ne3A_1648 : vector<16xi1>
    %get3A_1650 = arith.constant 1 : i32
    %get3A_1651 = arith.index_cast %get3A_1650 : i32 to index
    %get3A_1652 = arith.constant 224 : index
    %get3A_1653 = tpu.vector_load %arg11[%get3A_1651, %get3A_1652] {strides = array<i32>} : memref<4x256xi32, #tpu.memory_space<vmem>>, vector<1x16xi32>,
    %get3A_1654 = vector.shape_cast %get3A_1653 : vector<1x16xi32> to vector<16xi32>
    %get3A_1655 = arith.constant 1 : i32
    %get3A_1656 = arith.index_cast %get3A_1655 : i32 to index
    %get3A_1657 = arith.constant 224 : index
    %get3A_1658 = tpu.vector_load %arg12[%get3A_1656, %get3A_1657] {strides = array<i32>} : memref<4x256xi32, #tpu.memory_space<vmem>>, vector<1x16xi32>,
    %get3A_1659 = vector.shape_cast %get3A_1658 : vector<1x16xi32> to vector<16xi32>
    %select_n3A_1660 = arith.select %and3A_1649, %get3A_1654, %get3A_1659 : vector<16xi1>, vector<16xi32>
    %swap3A_1661 = arith.constant 1 : i32
    %swap3A_1662 = arith.index_cast %swap3A_1661 : i32 to index
    %swap3A_1663 = arith.constant 224 : index
    %swap3A_1664 = tpu.vector_load %arg15[%swap3A_1662, %swap3A_1663] {strides = array<i32>} : memref<4x256xi32, #tpu.memory_space<vmem>>, vector<1x16xi32>,
    %swap3A_1665 = vector.shape_cast %swap3A_1664 : vector<1x16xi32> to vector<16xi32>
    %swap3A_1666 = vector.shape_cast %select_n3A_1660 : vector<16xi32> to vector<1x16xi32>
    tpu.vector_store %arg15[%swap3A_1662, %swap3A_1663], %swap3A_1666 {strides = array<i32>} : memref<4x256xi32, #tpu.memory_space<vmem>>, vector<1x16xi32>,
    %eq3A_1667 = arith.constant 0xFF800000 : f32
    %eq3A_1668 = vector.broadcast %eq3A_1667 : f32 to vector<16xf32>
    %eq3A_1669 = arith.cmpf oeq, %scan3A_213#30, %eq3A_1668 : vector<16xf32>
    %jit3A_1670 = arith.constant 0.000000e+00 : f32
    %broadcast_in_dim3A_1671 = vector.broadcast %jit3A_1670 : f32 to vector<16xf32>
    %select_n3A_1672 = arith.select %eq3A_1669, %broadcast_in_dim3A_1671, %get3A_1644 : vector<16xi1>, vector<16xf32>
    %swap3A_1673 = arith.constant 1 : i32
    %swap3A_1674 = arith.index_cast %swap3A_1673 : i32 to index
    %swap3A_1675 = arith.constant 224 : index
    %swap3A_1676 = tpu.vector_load %arg14[%swap3A_1674, %swap3A_1675] {strides = array<i32>} : memref<4x256xf32, #tpu.memory_space<vmem>>, vector<1x16xf32>,
    %swap3A_1677 = vector.shape_cast %swap3A_1676 : vector<1x16xf32> to vector<16xf32>
    %swap3A_1678 = vector.shape_cast %select_n3A_1672 : vector<16xf32> to vector<1x16xf32>
    tpu.vector_store %arg14[%swap3A_1674, %swap3A_1675], %swap3A_1678 {strides = array<i32>} : memref<4x256xf32, #tpu.memory_space<vmem>>, vector<1x16xf32>,
    %get3A_1679 = arith.constant 1 : i32
    %get3A_1680 = arith.index_cast %get3A_1679 : i32 to index
    %get3A_1681 = arith.constant 240 : index
    %get3A_1682 = tpu.vector_load %arg9[%get3A_1680, %get3A_1681] {strides = array<i32>} : memref<4x256xf32, #tpu.memory_space<vmem>>, vector<1x16xf32>,
    %get3A_1683 = vector.shape_cast %get3A_1682 : vector<1x16xf32> to vector<16xf32>
    %get3A_1684 = arith.constant 1 : i32
    %get3A_1685 = arith.index_cast %get3A_1684 : i32 to index
    %get3A_1686 = arith.constant 240 : index
    %get3A_1687 = tpu.vector_load %arg10[%get3A_1685, %get3A_1686] {strides = array<i32>} : memref<4x256xf32, #tpu.memory_space<vmem>>, vector<1x16xf32>,
    %get3A_1688 = vector.shape_cast %get3A_1687 : vector<1x16xf32> to vector<16xf32>
    %ge3A_1689 = arith.cmpf oge, %get3A_1683, %max3A_1018 : vector<16xf32>
    %ne3A_1690 = arith.constant 0.000000e+00 : f32
    %ne3A_1691 = vector.broadcast %ne3A_1690 : f32 to vector<16xf32>
    %ne3A_1692 = arith.cmpf one, %get3A_1688, %ne3A_1691 : vector<16xf32>
    %and3A_1693 = arith.andi %ge3A_1689, %ne3A_1692 : vector<16xi1>
    %get3A_1694 = arith.constant 1 : i32
    %get3A_1695 = arith.index_cast %get3A_1694 : i32 to index
    %get3A_1696 = arith.constant 240 : index
    %get3A_1697 = tpu.vector_load %arg11[%get3A_1695, %get3A_1696] {strides = array<i32>} : memref<4x256xi32, #tpu.memory_space<vmem>>, vector<1x16xi32>,
    %get3A_1698 = vector.shape_cast %get3A_1697 : vector<1x16xi32> to vector<16xi32>
    %get3A_1699 = arith.constant 1 : i32
    %get3A_1700 = arith.index_cast %get3A_1699 : i32 to index
    %get3A_1701 = arith.constant 240 : index
    %get3A_1702 = tpu.vector_load %arg12[%get3A_1700, %get3A_1701] {strides = array<i32>} : memref<4x256xi32, #tpu.memory_space<vmem>>, vector<1x16xi32>,
    %get3A_1703 = vector.shape_cast %get3A_1702 : vector<1x16xi32> to vector<16xi32>
    %select_n3A_1704 = arith.select %and3A_1693, %get3A_1698, %get3A_1703 : vector<16xi1>, vector<16xi32>
    %swap3A_1705 = arith.constant 1 : i32
    %swap3A_1706 = arith.index_cast %swap3A_1705 : i32 to index
    %swap3A_1707 = arith.constant 240 : index
    %swap3A_1708 = tpu.vector_load %arg15[%swap3A_1706, %swap3A_1707] {strides = array<i32>} : memref<4x256xi32, #tpu.memory_space<vmem>>, vector<1x16xi32>,
    %swap3A_1709 = vector.shape_cast %swap3A_1708 : vector<1x16xi32> to vector<16xi32>
    %swap3A_1710 = vector.shape_cast %select_n3A_1704 : vector<16xi32> to vector<1x16xi32>
    tpu.vector_store %arg15[%swap3A_1706, %swap3A_1707], %swap3A_1710 {strides = array<i32>} : memref<4x256xi32, #tpu.memory_space<vmem>>, vector<1x16xi32>,
    %eq3A_1711 = arith.constant 0xFF800000 : f32
    %eq3A_1712 = vector.broadcast %eq3A_1711 : f32 to vector<16xf32>
    %eq3A_1713 = arith.cmpf oeq, %scan3A_213#31, %eq3A_1712 : vector<16xf32>
    %jit3A_1714 = arith.constant 0.000000e+00 : f32
    %broadcast_in_dim3A_1715 = vector.broadcast %jit3A_1714 : f32 to vector<16xf32>
    %select_n3A_1716 = arith.select %eq3A_1713, %broadcast_in_dim3A_1715, %get3A_1688 : vector<16xi1>, vector<16xf32>
    %swap3A_1717 = arith.constant 1 : i32
    %swap3A_1718 = arith.index_cast %swap3A_1717 : i32 to index
    %swap3A_1719 = arith.constant 240 : index
    %swap3A_1720 = tpu.vector_load %arg14[%swap3A_1718, %swap3A_1719] {strides = array<i32>} : memref<4x256xf32, #tpu.memory_space<vmem>>, vector<1x16xf32>,
    %swap3A_1721 = vector.shape_cast %swap3A_1720 : vector<1x16xf32> to vector<16xf32>
    %swap3A_1722 = vector.shape_cast %select_n3A_1716 : vector<16xf32> to vector<1x16xf32>
    tpu.vector_store %arg14[%swap3A_1718, %swap3A_1719], %swap3A_1722 {strides = array<i32>} : memref<4x256xf32, #tpu.memory_space<vmem>>, vector<1x16xf32>,
    %swap3A_1723 = arith.constant 1 : i32
    %swap3A_1724 = arith.index_cast %swap3A_1723 : i32 to index
    %swap3A_1725 = arith.constant 0 : index
    %swap3A_1726 = tpu.vector_load %arg16[%swap3A_1724, %swap3A_1725] {strides = array<i32>} : memref<4x32xf32, #tpu.memory_space<vmem>>, vector<1x16xf32>,
    %swap3A_1727 = vector.shape_cast %swap3A_1726 : vector<1x16xf32> to vector<16xf32>
    %swap3A_1728 = vector.shape_cast %scan3A_213#34 : vector<16xf32> to vector<1x16xf32>
    tpu.vector_store %arg16[%swap3A_1724, %swap3A_1725], %swap3A_1728 {strides = array<i32>} : memref<4x32xf32, #tpu.memory_space<vmem>>, vector<1x16xf32>,
    %swap3A_1729 = arith.constant 1 : i32
    %swap3A_1730 = arith.index_cast %swap3A_1729 : i32 to index
    %swap3A_1731 = arith.constant 16 : index
    %swap3A_1732 = tpu.vector_load %arg16[%swap3A_1730, %swap3A_1731] {strides = array<i32>} : memref<4x32xf32, #tpu.memory_space<vmem>>, vector<1x16xf32>,
    %swap3A_1733 = vector.shape_cast %swap3A_1732 : vector<1x16xf32> to vector<16xf32>
    %swap3A_1734 = vector.shape_cast %scan3A_213#35 : vector<16xf32> to vector<1x16xf32>
    tpu.vector_store %arg16[%swap3A_1730, %swap3A_1731], %swap3A_1734 {strides = array<i32>} : memref<4x32xf32, #tpu.memory_space<vmem>>, vector<1x16xf32>,
    %get3A_1735 = arith.constant 2 : i32
    %get3A_1736 = arith.index_cast %get3A_1735 : i32 to index
    %get3A_1737 = arith.constant 0 : index
    %get3A_1738 = tpu.vector_load %arg9[%get3A_1736, %get3A_1737] {strides = array<i32>} : memref<4x256xf32, #tpu.memory_space<vmem>>, vector<1x16xf32>,
    %get3A_1739 = vector.shape_cast %get3A_1738 : vector<1x16xf32> to vector<16xf32>
    %get3A_1740 = arith.constant 2 : i32
    %get3A_1741 = arith.index_cast %get3A_1740 : i32 to index
    %get3A_1742 = arith.constant 16 : index
    %get3A_1743 = tpu.vector_load %arg9[%get3A_1741, %get3A_1742] {strides = array<i32>} : memref<4x256xf32, #tpu.memory_space<vmem>>, vector<1x16xf32>,
    %get3A_1744 = vector.shape_cast %get3A_1743 : vector<1x16xf32> to vector<16xf32>
    %get3A_1745 = arith.constant 2 : i32
    %get3A_1746 = arith.index_cast %get3A_1745 : i32 to index
    %get3A_1747 = arith.constant 32 : index
    %get3A_1748 = tpu.vector_load %arg9[%get3A_1746, %get3A_1747] {strides = array<i32>} : memref<4x256xf32, #tpu.memory_space<vmem>>, vector<1x16xf32>,
    %get3A_1749 = vector.shape_cast %get3A_1748 : vector<1x16xf32> to vector<16xf32>
    %get3A_1750 = arith.constant 2 : i32
    %get3A_1751 = arith.index_cast %get3A_1750 : i32 to index
    %get3A_1752 = arith.constant 48 : index
    %get3A_1753 = tpu.vector_load %arg9[%get3A_1751, %get3A_1752] {strides = array<i32>} : memref<4x256xf32, #tpu.memory_space<vmem>>, vector<1x16xf32>,
    %get3A_1754 = vector.shape_cast %get3A_1753 : vector<1x16xf32> to vector<16xf32>
    %get3A_1755 = arith.constant 2 : i32
    %get3A_1756 = arith.index_cast %get3A_1755 : i32 to index
    %get3A_1757 = arith.constant 64 : index
    %get3A_1758 = tpu.vector_load %arg9[%get3A_1756, %get3A_1757] {strides = array<i32>} : memref<4x256xf32, #tpu.memory_space<vmem>>, vector<1x16xf32>,
    %get3A_1759 = vector.shape_cast %get3A_1758 : vector<1x16xf32> to vector<16xf32>
    %get3A_1760 = arith.constant 2 : i32
    %get3A_1761 = arith.index_cast %get3A_1760 : i32 to index
    %get3A_1762 = arith.constant 80 : index
    %get3A_1763 = tpu.vector_load %arg9[%get3A_1761, %get3A_1762] {strides = array<i32>} : memref<4x256xf32, #tpu.memory_space<vmem>>, vector<1x16xf32>,
    %get3A_1764 = vector.shape_cast %get3A_1763 : vector<1x16xf32> to vector<16xf32>
    %get3A_1765 = arith.constant 2 : i32
    %get3A_1766 = arith.index_cast %get3A_1765 : i32 to index
    %get3A_1767 = arith.constant 96 : index
    %get3A_1768 = tpu.vector_load %arg9[%get3A_1766, %get3A_1767] {strides = array<i32>} : memref<4x256xf32, #tpu.memory_space<vmem>>, vector<1x16xf32>,
    %get3A_1769 = vector.shape_cast %get3A_1768 : vector<1x16xf32> to vector<16xf32>
    %get3A_1770 = arith.constant 2 : i32
    %get3A_1771 = arith.index_cast %get3A_1770 : i32 to index
    %get3A_1772 = arith.constant 112 : index
    %get3A_1773 = tpu.vector_load %arg9[%get3A_1771, %get3A_1772] {strides = array<i32>} : memref<4x256xf32, #tpu.memory_space<vmem>>, vector<1x16xf32>,
    %get3A_1774 = vector.shape_cast %get3A_1773 : vector<1x16xf32> to vector<16xf32>
    %get3A_1775 = arith.constant 2 : i32
    %get3A_1776 = arith.index_cast %get3A_1775 : i32 to index
    %get3A_1777 = arith.constant 128 : index
    %get3A_1778 = tpu.vector_load %arg9[%get3A_1776, %get3A_1777] {strides = array<i32>} : memref<4x256xf32, #tpu.memory_space<vmem>>, vector<1x16xf32>,
    %get3A_1779 = vector.shape_cast %get3A_1778 : vector<1x16xf32> to vector<16xf32>
    %get3A_1780 = arith.constant 2 : i32
    %get3A_1781 = arith.index_cast %get3A_1780 : i32 to index
    %get3A_1782 = arith.constant 144 : index
    %get3A_1783 = tpu.vector_load %arg9[%get3A_1781, %get3A_1782] {strides = array<i32>} : memref<4x256xf32, #tpu.memory_space<vmem>>, vector<1x16xf32>,
    %get3A_1784 = vector.shape_cast %get3A_1783 : vector<1x16xf32> to vector<16xf32>
    %get3A_1785 = arith.constant 2 : i32
    %get3A_1786 = arith.index_cast %get3A_1785 : i32 to index
    %get3A_1787 = arith.constant 160 : index
    %get3A_1788 = tpu.vector_load %arg9[%get3A_1786, %get3A_1787] {strides = array<i32>} : memref<4x256xf32, #tpu.memory_space<vmem>>, vector<1x16xf32>,
    %get3A_1789 = vector.shape_cast %get3A_1788 : vector<1x16xf32> to vector<16xf32>
    %get3A_1790 = arith.constant 2 : i32
    %get3A_1791 = arith.index_cast %get3A_1790 : i32 to index
    %get3A_1792 = arith.constant 176 : index
    %get3A_1793 = tpu.vector_load %arg9[%get3A_1791, %get3A_1792] {strides = array<i32>} : memref<4x256xf32, #tpu.memory_space<vmem>>, vector<1x16xf32>,
    %get3A_1794 = vector.shape_cast %get3A_1793 : vector<1x16xf32> to vector<16xf32>
    %get3A_1795 = arith.constant 2 : i32
    %get3A_1796 = arith.index_cast %get3A_1795 : i32 to index
    %get3A_1797 = arith.constant 192 : index
    %get3A_1798 = tpu.vector_load %arg9[%get3A_1796, %get3A_1797] {strides = array<i32>} : memref<4x256xf32, #tpu.memory_space<vmem>>, vector<1x16xf32>,
    %get3A_1799 = vector.shape_cast %get3A_1798 : vector<1x16xf32> to vector<16xf32>
    %get3A_1800 = arith.constant 2 : i32
    %get3A_1801 = arith.index_cast %get3A_1800 : i32 to index
    %get3A_1802 = arith.constant 208 : index
    %get3A_1803 = tpu.vector_load %arg9[%get3A_1801, %get3A_1802] {strides = array<i32>} : memref<4x256xf32, #tpu.memory_space<vmem>>, vector<1x16xf32>,
    %get3A_1804 = vector.shape_cast %get3A_1803 : vector<1x16xf32> to vector<16xf32>
    %get3A_1805 = arith.constant 2 : i32
    %get3A_1806 = arith.index_cast %get3A_1805 : i32 to index
    %get3A_1807 = arith.constant 224 : index
    %get3A_1808 = tpu.vector_load %arg9[%get3A_1806, %get3A_1807] {strides = array<i32>} : memref<4x256xf32, #tpu.memory_space<vmem>>, vector<1x16xf32>,
    %get3A_1809 = vector.shape_cast %get3A_1808 : vector<1x16xf32> to vector<16xf32>
    %get3A_1810 = arith.constant 2 : i32
    %get3A_1811 = arith.index_cast %get3A_1810 : i32 to index
    %get3A_1812 = arith.constant 240 : index
    %get3A_1813 = tpu.vector_load %arg9[%get3A_1811, %get3A_1812] {strides = array<i32>} : memref<4x256xf32, #tpu.memory_space<vmem>>, vector<1x16xf32>,
    %get3A_1814 = vector.shape_cast %get3A_1813 : vector<1x16xf32> to vector<16xf32>
    %get3A_1815 = arith.constant 3 : i32
    %get3A_1816 = arith.index_cast %get3A_1815 : i32 to index
    %get3A_1817 = arith.constant 0 : index
    %get3A_1818 = tpu.vector_load %arg9[%get3A_1816, %get3A_1817] {strides = array<i32>} : memref<4x256xf32, #tpu.memory_space<vmem>>, vector<1x16xf32>,
    %get3A_1819 = vector.shape_cast %get3A_1818 : vector<1x16xf32> to vector<16xf32>
    %get3A_1820 = arith.constant 3 : i32
    %get3A_1821 = arith.index_cast %get3A_1820 : i32 to index
    %get3A_1822 = arith.constant 16 : index
    %get3A_1823 = tpu.vector_load %arg9[%get3A_1821, %get3A_1822] {strides = array<i32>} : memref<4x256xf32, #tpu.memory_space<vmem>>, vector<1x16xf32>,
    %get3A_1824 = vector.shape_cast %get3A_1823 : vector<1x16xf32> to vector<16xf32>
    %get3A_1825 = arith.constant 3 : i32
    %get3A_1826 = arith.index_cast %get3A_1825 : i32 to index
    %get3A_1827 = arith.constant 32 : index
    %get3A_1828 = tpu.vector_load %arg9[%get3A_1826, %get3A_1827] {strides = array<i32>} : memref<4x256xf32, #tpu.memory_space<vmem>>, vector<1x16xf32>,
    %get3A_1829 = vector.shape_cast %get3A_1828 : vector<1x16xf32> to vector<16xf32>
    %get3A_1830 = arith.constant 3 : i32
    %get3A_1831 = arith.index_cast %get3A_1830 : i32 to index
    %get3A_1832 = arith.constant 48 : index
    %get3A_1833 = tpu.vector_load %arg9[%get3A_1831, %get3A_1832] {strides = array<i32>} : memref<4x256xf32, #tpu.memory_space<vmem>>, vector<1x16xf32>,
    %get3A_1834 = vector.shape_cast %get3A_1833 : vector<1x16xf32> to vector<16xf32>
    %get3A_1835 = arith.constant 3 : i32
    %get3A_1836 = arith.index_cast %get3A_1835 : i32 to index
    %get3A_1837 = arith.constant 64 : index
    %get3A_1838 = tpu.vector_load %arg9[%get3A_1836, %get3A_1837] {strides = array<i32>} : memref<4x256xf32, #tpu.memory_space<vmem>>, vector<1x16xf32>,
    %get3A_1839 = vector.shape_cast %get3A_1838 : vector<1x16xf32> to vector<16xf32>
    %get3A_1840 = arith.constant 3 : i32
    %get3A_1841 = arith.index_cast %get3A_1840 : i32 to index
    %get3A_1842 = arith.constant 80 : index
    %get3A_1843 = tpu.vector_load %arg9[%get3A_1841, %get3A_1842] {strides = array<i32>} : memref<4x256xf32, #tpu.memory_space<vmem>>, vector<1x16xf32>,
    %get3A_1844 = vector.shape_cast %get3A_1843 : vector<1x16xf32> to vector<16xf32>
    %get3A_1845 = arith.constant 3 : i32
    %get3A_1846 = arith.index_cast %get3A_1845 : i32 to index
    %get3A_1847 = arith.constant 96 : index
    %get3A_1848 = tpu.vector_load %arg9[%get3A_1846, %get3A_1847] {strides = array<i32>} : memref<4x256xf32, #tpu.memory_space<vmem>>, vector<1x16xf32>,
    %get3A_1849 = vector.shape_cast %get3A_1848 : vector<1x16xf32> to vector<16xf32>
    %get3A_1850 = arith.constant 3 : i32
    %get3A_1851 = arith.index_cast %get3A_1850 : i32 to index
    %get3A_1852 = arith.constant 112 : index
    %get3A_1853 = tpu.vector_load %arg9[%get3A_1851, %get3A_1852] {strides = array<i32>} : memref<4x256xf32, #tpu.memory_space<vmem>>, vector<1x16xf32>,
    %get3A_1854 = vector.shape_cast %get3A_1853 : vector<1x16xf32> to vector<16xf32>
    %get3A_1855 = arith.constant 3 : i32
    %get3A_1856 = arith.index_cast %get3A_1855 : i32 to index
    %get3A_1857 = arith.constant 128 : index
    %get3A_1858 = tpu.vector_load %arg9[%get3A_1856, %get3A_1857] {strides = array<i32>} : memref<4x256xf32, #tpu.memory_space<vmem>>, vector<1x16xf32>,
    %get3A_1859 = vector.shape_cast %get3A_1858 : vector<1x16xf32> to vector<16xf32>
    %get3A_1860 = arith.constant 3 : i32
    %get3A_1861 = arith.index_cast %get3A_1860 : i32 to index
    %get3A_1862 = arith.constant 144 : index
    %get3A_1863 = tpu.vector_load %arg9[%get3A_1861, %get3A_1862] {strides = array<i32>} : memref<4x256xf32, #tpu.memory_space<vmem>>, vector<1x16xf32>,
    %get3A_1864 = vector.shape_cast %get3A_1863 : vector<1x16xf32> to vector<16xf32>
    %get3A_1865 = arith.constant 3 : i32
    %get3A_1866 = arith.index_cast %get3A_1865 : i32 to index
    %get3A_1867 = arith.constant 160 : index
    %get3A_1868 = tpu.vector_load %arg9[%get3A_1866, %get3A_1867] {strides = array<i32>} : memref<4x256xf32, #tpu.memory_space<vmem>>, vector<1x16xf32>,
    %get3A_1869 = vector.shape_cast %get3A_1868 : vector<1x16xf32> to vector<16xf32>
    %get3A_1870 = arith.constant 3 : i32
    %get3A_1871 = arith.index_cast %get3A_1870 : i32 to index
    %get3A_1872 = arith.constant 176 : index
    %get3A_1873 = tpu.vector_load %arg9[%get3A_1871, %get3A_1872] {strides = array<i32>} : memref<4x256xf32, #tpu.memory_space<vmem>>, vector<1x16xf32>,
    %get3A_1874 = vector.shape_cast %get3A_1873 : vector<1x16xf32> to vector<16xf32>
    %get3A_1875 = arith.constant 3 : i32
    %get3A_1876 = arith.index_cast %get3A_1875 : i32 to index
    %get3A_1877 = arith.constant 192 : index
    %get3A_1878 = tpu.vector_load %arg9[%get3A_1876, %get3A_1877] {strides = array<i32>} : memref<4x256xf32, #tpu.memory_space<vmem>>, vector<1x16xf32>,
    %get3A_1879 = vector.shape_cast %get3A_1878 : vector<1x16xf32> to vector<16xf32>
    %get3A_1880 = arith.constant 3 : i32
    %get3A_1881 = arith.index_cast %get3A_1880 : i32 to index
    %get3A_1882 = arith.constant 208 : index
    %get3A_1883 = tpu.vector_load %arg9[%get3A_1881, %get3A_1882] {strides = array<i32>} : memref<4x256xf32, #tpu.memory_space<vmem>>, vector<1x16xf32>,
    %get3A_1884 = vector.shape_cast %get3A_1883 : vector<1x16xf32> to vector<16xf32>
    %get3A_1885 = arith.constant 3 : i32
    %get3A_1886 = arith.index_cast %get3A_1885 : i32 to index
    %get3A_1887 = arith.constant 224 : index
    %get3A_1888 = tpu.vector_load %arg9[%get3A_1886, %get3A_1887] {strides = array<i32>} : memref<4x256xf32, #tpu.memory_space<vmem>>, vector<1x16xf32>,
    %get3A_1889 = vector.shape_cast %get3A_1888 : vector<1x16xf32> to vector<16xf32>
    %get3A_1890 = arith.constant 3 : i32
    %get3A_1891 = arith.index_cast %get3A_1890 : i32 to index
    %get3A_1892 = arith.constant 240 : index
    %get3A_1893 = tpu.vector_load %arg9[%get3A_1891, %get3A_1892] {strides = array<i32>} : memref<4x256xf32, #tpu.memory_space<vmem>>, vector<1x16xf32>,
    %get3A_1894 = vector.shape_cast %get3A_1893 : vector<1x16xf32> to vector<16xf32>
    %broadcast_in_dim3A_1895 = arith.constant 0.000000e+00 : f32
    %broadcast_in_dim3A_1896 = vector.broadcast %broadcast_in_dim3A_1895 : f32 to vector<16xf32>
    %scan3A_1897 = arith.constant 0 : i32
    %scan3A_1898 = arith.constant 32 : i32
    %scan3A_1899 = arith.addi %scan3A_1897, %scan3A_1898 : i32
    %scan3A_1900 = arith.constant 1 : i32
    %scan3A_1901:36 = scf.for %scan3A_3431 = %scan3A_1897 to %scan3A_1899 step %scan3A_1900 iter_args(%scan3A_3432 = %get3A_1739, %scan3A_3433 = %get3A_1744, %scan3A_3434 = %get3A_1749, %scan3A_3435 = %get3A_1754, %scan3A_3436 = %get3A_1759, %scan3A_3437 = %get3A_1764, %scan3A_3438 = %get3A_1769, %scan3A_3439 = %get3A_1774, %scan3A_3440 = %get3A_1779, %scan3A_3441 = %get3A_1784, %scan3A_3442 = %get3A_1789, %scan3A_3443 = %get3A_1794, %scan3A_3444 = %get3A_1799, %scan3A_3445 = %get3A_1804, %scan3A_3446 = %get3A_1809, %scan3A_3447 = %get3A_1814, %scan3A_3448 = %get3A_1819, %scan3A_3449 = %get3A_1824, %scan3A_3450 = %get3A_1829, %scan3A_3451 = %get3A_1834, %scan3A_3452 = %get3A_1839, %scan3A_3453 = %get3A_1844, %scan3A_3454 = %get3A_1849, %scan3A_3455 = %get3A_1854, %scan3A_3456 = %get3A_1859, %scan3A_3457 = %get3A_1864, %scan3A_3458 = %get3A_1869, %scan3A_3459 = %get3A_1874, %scan3A_3460 = %get3A_1879, %scan3A_3461 = %get3A_1884, %scan3A_3462 = %get3A_1889, %scan3A_3463 = %get3A_1894, %scan3A_3464 = %broadcast_in_dim3A_1896, %scan3A_3465 = %broadcast_in_dim3A_1896, %scan3A_3466 = %broadcast_in_dim3A_1896, %scan3A_3467 = %broadcast_in_dim3A_1896) -> (vector<16xf32>, vector<16xf32>, vector<16xf32>, vector<16xf32>, vector<16xf32>, vector<16xf32>, vector<16xf32>, vector<16xf32>, vector<16xf32>, vector<16xf32>, vector<16xf32>, vector<16xf32>, vector<16xf32>, vector<16xf32>, vector<16xf32>, vector<16xf32>, vector<16xf32>, vector<16xf32>, vector<16xf32>, vector<16xf32>, vector<16xf32>, vector<16xf32>, vector<16xf32>, vector<16xf32>, vector<16xf32>, vector<16xf32>, vector<16xf32>, vector<16xf32>, vector<16xf32>, vector<16xf32>, vector<16xf32>, vector<16xf32>, vector<16xf32>, vector<16xf32>, vector<16xf32>, vector<16xf32>)  : i32 {
      %max3A_3468 = arith.maximumf %scan3A_3432, %scan3A_3433 : vector<16xf32>
      %max3A_3469 = arith.maximumf %scan3A_3448, %scan3A_3449 : vector<16xf32>
      %max3A_3470 = arith.maximumf %max3A_3468, %scan3A_3434 : vector<16xf32>
      %max3A_3471 = arith.maximumf %max3A_3469, %scan3A_3450 : vector<16xf32>
      %max3A_3472 = arith.maximumf %max3A_3470, %scan3A_3435 : vector<16xf32>
      %max3A_3473 = arith.maximumf %max3A_3471, %scan3A_3451 : vector<16xf32>
      %max3A_3474 = arith.maximumf %max3A_3472, %scan3A_3436 : vector<16xf32>
      %max3A_3475 = arith.maximumf %max3A_3473, %scan3A_3452 : vector<16xf32>
      %max3A_3476 = arith.maximumf %max3A_3474, %scan3A_3437 : vector<16xf32>
      %max3A_3477 = arith.maximumf %max3A_3475, %scan3A_3453 : vector<16xf32>
      %max3A_3478 = arith.maximumf %max3A_3476, %scan3A_3438 : vector<16xf32>
      %max3A_3479 = arith.maximumf %max3A_3477, %scan3A_3454 : vector<16xf32>
      %max3A_3480 = arith.maximumf %max3A_3478, %scan3A_3439 : vector<16xf32>
      %max3A_3481 = arith.maximumf %max3A_3479, %scan3A_3455 : vector<16xf32>
      %max3A_3482 = arith.maximumf %max3A_3480, %scan3A_3440 : vector<16xf32>
      %max3A_3483 = arith.maximumf %max3A_3481, %scan3A_3456 : vector<16xf32>
      %max3A_3484 = arith.maximumf %max3A_3482, %scan3A_3441 : vector<16xf32>
      %max3A_3485 = arith.maximumf %max3A_3483, %scan3A_3457 : vector<16xf32>
      %max3A_3486 = arith.maximumf %max3A_3484, %scan3A_3442 : vector<16xf32>
      %max3A_3487 = arith.maximumf %max3A_3485, %scan3A_3458 : vector<16xf32>
      %max3A_3488 = arith.maximumf %max3A_3486, %scan3A_3443 : vector<16xf32>
      %max3A_3489 = arith.maximumf %max3A_3487, %scan3A_3459 : vector<16xf32>
      %max3A_3490 = arith.maximumf %max3A_3488, %scan3A_3444 : vector<16xf32>
      %max3A_3491 = arith.maximumf %max3A_3489, %scan3A_3460 : vector<16xf32>
      %max3A_3492 = arith.maximumf %max3A_3490, %scan3A_3445 : vector<16xf32>
      %max3A_3493 = arith.maximumf %max3A_3491, %scan3A_3461 : vector<16xf32>
      %max3A_3494 = arith.maximumf %max3A_3492, %scan3A_3446 : vector<16xf32>
      %max3A_3495 = arith.maximumf %max3A_3493, %scan3A_3462 : vector<16xf32>
      %max3A_3496 = arith.maximumf %max3A_3494, %scan3A_3447 : vector<16xf32>
      %max3A_3497 = arith.maximumf %max3A_3495, %scan3A_3463 : vector<16xf32>
      %rev3A_3498 = arith.constant 15 : i32
      %rev3A_3499 = vector.broadcast %rev3A_3498 : i32 to vector<16xi32>
      %rev3A_3500 = tpu.iota {dimensions = array<i32: 0>} : vector<16xi32>
      %rev3A_3501 = arith.subi %rev3A_3499, %rev3A_3500 : vector<16xi32>
      %rev3A_3502 = tpu.dynamic_gather %max3A_3496[%rev3A_3501] in [0] : vector<16xf32>, vector<16xi32> -> vector<16xf32>
      %max3A_3503 = arith.maximumf %max3A_3496, %rev3A_3502 : vector<16xf32>
      %swap3A_3504 = arith.constant 16 : index
      %swap3A_3505 = tpu.vector_load %arg13[%swap3A_3504] {strides = array<i32>} : memref<96xf32, #tpu.memory_space<vmem>>, vector<16xf32>,
      %swap3A_3506 = vector.shape_cast %swap3A_3505 : vector<16xf32> to vector<16xf32>
      %swap3A_3507 = vector.shape_cast %max3A_3503 : vector<16xf32> to vector<16xf32>
      tpu.vector_store %arg13[%swap3A_3504], %swap3A_3507 {strides = array<i32>} : memref<96xf32, #tpu.memory_space<vmem>>, vector<16xf32>,
      %get3A_3508 = arith.constant 15 : index
      %get3A_3509 = tpu.vector_load %arg13[%get3A_3508] {strides = array<i32>} : memref<96xf32, #tpu.memory_space<vmem>>, vector<16xf32>,
      %get3A_3510 = vector.shape_cast %get3A_3509 : vector<16xf32> to vector<16xf32>
      %get3A_3511 = arith.constant 17 : index
      %get3A_3512 = tpu.vector_load %arg13[%get3A_3511] {strides = array<i32>} : memref<96xf32, #tpu.memory_space<vmem>>, vector<16xf32>,
      %get3A_3513 = vector.shape_cast %get3A_3512 : vector<16xf32> to vector<16xf32>
      %max3A_3514 = arith.maximumf %max3A_3503, %get3A_3510 : vector<16xf32>
      %max3A_3515 = arith.maximumf %max3A_3514, %get3A_3513 : vector<16xf32>
      %swap3A_3516 = arith.constant 16 : index
      %swap3A_3517 = tpu.vector_load %arg13[%swap3A_3516] {strides = array<i32>} : memref<96xf32, #tpu.memory_space<vmem>>, vector<16xf32>,
      %swap3A_3518 = vector.shape_cast %swap3A_3517 : vector<16xf32> to vector<16xf32>
      %swap3A_3519 = vector.shape_cast %max3A_3515 : vector<16xf32> to vector<16xf32>
      tpu.vector_store %arg13[%swap3A_3516], %swap3A_3519 {strides = array<i32>} : memref<96xf32, #tpu.memory_space<vmem>>, vector<16xf32>,
      %get3A_3520 = arith.constant 14 : index
      %get3A_3521 = tpu.vector_load %arg13[%get3A_3520] {strides = array<i32>} : memref<96xf32, #tpu.memory_space<vmem>>, vector<16xf32>,
      %get3A_3522 = vector.shape_cast %get3A_3521 : vector<16xf32> to vector<16xf32>
      %get3A_3523 = arith.constant 18 : index
      %get3A_3524 = tpu.vector_load %arg13[%get3A_3523] {strides = array<i32>} : memref<96xf32, #tpu.memory_space<vmem>>, vector<16xf32>,
      %get3A_3525 = vector.shape_cast %get3A_3524 : vector<16xf32> to vector<16xf32>
      %max3A_3526 = arith.maximumf %max3A_3515, %get3A_3522 : vector<16xf32>
      %max3A_3527 = arith.maximumf %max3A_3526, %get3A_3525 : vector<16xf32>
      %swap3A_3528 = arith.constant 16 : index
      %swap3A_3529 = tpu.vector_load %arg13[%swap3A_3528] {strides = array<i32>} : memref<96xf32, #tpu.memory_space<vmem>>, vector<16xf32>,
      %swap3A_3530 = vector.shape_cast %swap3A_3529 : vector<16xf32> to vector<16xf32>
      %swap3A_3531 = vector.shape_cast %max3A_3527 : vector<16xf32> to vector<16xf32>
      tpu.vector_store %arg13[%swap3A_3528], %swap3A_3531 {strides = array<i32>} : memref<96xf32, #tpu.memory_space<vmem>>, vector<16xf32>,
      %get3A_3532 = arith.constant 12 : index
      %get3A_3533 = tpu.vector_load %arg13[%get3A_3532] {strides = array<i32>} : memref<96xf32, #tpu.memory_space<vmem>>, vector<16xf32>,
      %get3A_3534 = vector.shape_cast %get3A_3533 : vector<16xf32> to vector<16xf32>
      %get3A_3535 = arith.constant 20 : index
      %get3A_3536 = tpu.vector_load %arg13[%get3A_3535] {strides = array<i32>} : memref<96xf32, #tpu.memory_space<vmem>>, vector<16xf32>,
      %get3A_3537 = vector.shape_cast %get3A_3536 : vector<16xf32> to vector<16xf32>
      %max3A_3538 = arith.maximumf %max3A_3527, %get3A_3534 : vector<16xf32>
      %max3A_3539 = arith.maximumf %max3A_3538, %get3A_3537 : vector<16xf32>
      %rev3A_3540 = arith.constant 15 : i32
      %rev3A_3541 = vector.broadcast %rev3A_3540 : i32 to vector<16xi32>
      %rev3A_3542 = tpu.iota {dimensions = array<i32: 0>} : vector<16xi32>
      %rev3A_3543 = arith.subi %rev3A_3541, %rev3A_3542 : vector<16xi32>
      %rev3A_3544 = tpu.dynamic_gather %max3A_3497[%rev3A_3543] in [0] : vector<16xf32>, vector<16xi32> -> vector<16xf32>
      %max3A_3545 = arith.maximumf %max3A_3497, %rev3A_3544 : vector<16xf32>
      %swap3A_3546 = arith.constant 64 : index
      %swap3A_3547 = tpu.vector_load %arg13[%swap3A_3546] {strides = array<i32>} : memref<96xf32, #tpu.memory_space<vmem>>, vector<16xf32>,
      %swap3A_3548 = vector.shape_cast %swap3A_3547 : vector<16xf32> to vector<16xf32>
      %swap3A_3549 = vector.shape_cast %max3A_3545 : vector<16xf32> to vector<16xf32>
      tpu.vector_store %arg13[%swap3A_3546], %swap3A_3549 {strides = array<i32>} : memref<96xf32, #tpu.memory_space<vmem>>, vector<16xf32>,
      %get3A_3550 = arith.constant 63 : index
      %get3A_3551 = tpu.vector_load %arg13[%get3A_3550] {strides = array<i32>} : memref<96xf32, #tpu.memory_space<vmem>>, vector<16xf32>,
      %get3A_3552 = vector.shape_cast %get3A_3551 : vector<16xf32> to vector<16xf32>
      %get3A_3553 = arith.constant 65 : index
      %get3A_3554 = tpu.vector_load %arg13[%get3A_3553] {strides = array<i32>} : memref<96xf32, #tpu.memory_space<vmem>>, vector<16xf32>,
      %get3A_3555 = vector.shape_cast %get3A_3554 : vector<16xf32> to vector<16xf32>
      %max3A_3556 = arith.maximumf %max3A_3545, %get3A_3552 : vector<16xf32>
      %max3A_3557 = arith.maximumf %max3A_3556, %get3A_3555 : vector<16xf32>
      %swap3A_3558 = arith.constant 64 : index
      %swap3A_3559 = tpu.vector_load %arg13[%swap3A_3558] {strides = array<i32>} : memref<96xf32, #tpu.memory_space<vmem>>, vector<16xf32>,
      %swap3A_3560 = vector.shape_cast %swap3A_3559 : vector<16xf32> to vector<16xf32>
      %swap3A_3561 = vector.shape_cast %max3A_3557 : vector<16xf32> to vector<16xf32>
      tpu.vector_store %arg13[%swap3A_3558], %swap3A_3561 {strides = array<i32>} : memref<96xf32, #tpu.memory_space<vmem>>, vector<16xf32>,
      %get3A_3562 = arith.constant 62 : index
      %get3A_3563 = tpu.vector_load %arg13[%get3A_3562] {strides = array<i32>} : memref<96xf32, #tpu.memory_space<vmem>>, vector<16xf32>,
      %get3A_3564 = vector.shape_cast %get3A_3563 : vector<16xf32> to vector<16xf32>
      %get3A_3565 = arith.constant 66 : index
      %get3A_3566 = tpu.vector_load %arg13[%get3A_3565] {strides = array<i32>} : memref<96xf32, #tpu.memory_space<vmem>>, vector<16xf32>,
      %get3A_3567 = vector.shape_cast %get3A_3566 : vector<16xf32> to vector<16xf32>
      %max3A_3568 = arith.maximumf %max3A_3557, %get3A_3564 : vector<16xf32>
      %max3A_3569 = arith.maximumf %max3A_3568, %get3A_3567 : vector<16xf32>
      %swap3A_3570 = arith.constant 64 : index
      %swap3A_3571 = tpu.vector_load %arg13[%swap3A_3570] {strides = array<i32>} : memref<96xf32, #tpu.memory_space<vmem>>, vector<16xf32>,
      %swap3A_3572 = vector.shape_cast %swap3A_3571 : vector<16xf32> to vector<16xf32>
      %swap3A_3573 = vector.shape_cast %max3A_3569 : vector<16xf32> to vector<16xf32>
      tpu.vector_store %arg13[%swap3A_3570], %swap3A_3573 {strides = array<i32>} : memref<96xf32, #tpu.memory_space<vmem>>, vector<16xf32>,
      %get3A_3574 = arith.constant 60 : index
      %get3A_3575 = tpu.vector_load %arg13[%get3A_3574] {strides = array<i32>} : memref<96xf32, #tpu.memory_space<vmem>>, vector<16xf32>,
      %get3A_3576 = vector.shape_cast %get3A_3575 : vector<16xf32> to vector<16xf32>
      %get3A_3577 = arith.constant 68 : index
      %get3A_3578 = tpu.vector_load %arg13[%get3A_3577] {strides = array<i32>} : memref<96xf32, #tpu.memory_space<vmem>>, vector<16xf32>,
      %get3A_3579 = vector.shape_cast %get3A_3578 : vector<16xf32> to vector<16xf32>
      %max3A_3580 = arith.maximumf %max3A_3569, %get3A_3576 : vector<16xf32>
      %max3A_3581 = arith.maximumf %max3A_3580, %get3A_3579 : vector<16xf32>
      %eq3A_3582 = arith.cmpf oeq, %scan3A_3432, %max3A_3539 : vector<16xf32>
      %jit3A_3583 = arith.constant 0xFF800000 : f32
      %broadcast_in_dim3A_3584 = vector.broadcast %jit3A_3583 : f32 to vector<16xf32>
      %select_n3A_3585 = arith.select %eq3A_3582, %broadcast_in_dim3A_3584, %scan3A_3432 : vector<16xi1>, vector<16xf32>
      %eq3A_3586 = arith.cmpf oeq, %scan3A_3433, %max3A_3539 : vector<16xf32>
      %jit3A_3587 = arith.constant 0xFF800000 : f32
      %broadcast_in_dim3A_3588 = vector.broadcast %jit3A_3587 : f32 to vector<16xf32>
      %select_n3A_3589 = arith.select %eq3A_3586, %broadcast_in_dim3A_3588, %scan3A_3433 : vector<16xi1>, vector<16xf32>
      %eq3A_3590 = arith.cmpf oeq, %scan3A_3434, %max3A_3539 : vector<16xf32>
      %jit3A_3591 = arith.constant 0xFF800000 : f32
      %broadcast_in_dim3A_3592 = vector.broadcast %jit3A_3591 : f32 to vector<16xf32>
      %select_n3A_3593 = arith.select %eq3A_3590, %broadcast_in_dim3A_3592, %scan3A_3434 : vector<16xi1>, vector<16xf32>
      %eq3A_3594 = arith.cmpf oeq, %scan3A_3435, %max3A_3539 : vector<16xf32>
      %jit3A_3595 = arith.constant 0xFF800000 : f32
      %broadcast_in_dim3A_3596 = vector.broadcast %jit3A_3595 : f32 to vector<16xf32>
      %select_n3A_3597 = arith.select %eq3A_3594, %broadcast_in_dim3A_3596, %scan3A_3435 : vector<16xi1>, vector<16xf32>
      %eq3A_3598 = arith.cmpf oeq, %scan3A_3436, %max3A_3539 : vector<16xf32>
      %jit3A_3599 = arith.constant 0xFF800000 : f32
      %broadcast_in_dim3A_3600 = vector.broadcast %jit3A_3599 : f32 to vector<16xf32>
      %select_n3A_3601 = arith.select %eq3A_3598, %broadcast_in_dim3A_3600, %scan3A_3436 : vector<16xi1>, vector<16xf32>
      %eq3A_3602 = arith.cmpf oeq, %scan3A_3437, %max3A_3539 : vector<16xf32>
      %jit3A_3603 = arith.constant 0xFF800000 : f32
      %broadcast_in_dim3A_3604 = vector.broadcast %jit3A_3603 : f32 to vector<16xf32>
      %select_n3A_3605 = arith.select %eq3A_3602, %broadcast_in_dim3A_3604, %scan3A_3437 : vector<16xi1>, vector<16xf32>
      %eq3A_3606 = arith.cmpf oeq, %scan3A_3438, %max3A_3539 : vector<16xf32>
      %jit3A_3607 = arith.constant 0xFF800000 : f32
      %broadcast_in_dim3A_3608 = vector.broadcast %jit3A_3607 : f32 to vector<16xf32>
      %select_n3A_3609 = arith.select %eq3A_3606, %broadcast_in_dim3A_3608, %scan3A_3438 : vector<16xi1>, vector<16xf32>
      %eq3A_3610 = arith.cmpf oeq, %scan3A_3439, %max3A_3539 : vector<16xf32>
      %jit3A_3611 = arith.constant 0xFF800000 : f32
      %broadcast_in_dim3A_3612 = vector.broadcast %jit3A_3611 : f32 to vector<16xf32>
      %select_n3A_3613 = arith.select %eq3A_3610, %broadcast_in_dim3A_3612, %scan3A_3439 : vector<16xi1>, vector<16xf32>
      %eq3A_3614 = arith.cmpf oeq, %scan3A_3440, %max3A_3539 : vector<16xf32>
      %jit3A_3615 = arith.constant 0xFF800000 : f32
      %broadcast_in_dim3A_3616 = vector.broadcast %jit3A_3615 : f32 to vector<16xf32>
      %select_n3A_3617 = arith.select %eq3A_3614, %broadcast_in_dim3A_3616, %scan3A_3440 : vector<16xi1>, vector<16xf32>
      %eq3A_3618 = arith.cmpf oeq, %scan3A_3441, %max3A_3539 : vector<16xf32>
      %jit3A_3619 = arith.constant 0xFF800000 : f32
      %broadcast_in_dim3A_3620 = vector.broadcast %jit3A_3619 : f32 to vector<16xf32>
      %select_n3A_3621 = arith.select %eq3A_3618, %broadcast_in_dim3A_3620, %scan3A_3441 : vector<16xi1>, vector<16xf32>
      %eq3A_3622 = arith.cmpf oeq, %scan3A_3442, %max3A_3539 : vector<16xf32>
      %jit3A_3623 = arith.constant 0xFF800000 : f32
      %broadcast_in_dim3A_3624 = vector.broadcast %jit3A_3623 : f32 to vector<16xf32>
      %select_n3A_3625 = arith.select %eq3A_3622, %broadcast_in_dim3A_3624, %scan3A_3442 : vector<16xi1>, vector<16xf32>
      %eq3A_3626 = arith.cmpf oeq, %scan3A_3443, %max3A_3539 : vector<16xf32>
      %jit3A_3627 = arith.constant 0xFF800000 : f32
      %broadcast_in_dim3A_3628 = vector.broadcast %jit3A_3627 : f32 to vector<16xf32>
      %select_n3A_3629 = arith.select %eq3A_3626, %broadcast_in_dim3A_3628, %scan3A_3443 : vector<16xi1>, vector<16xf32>
      %eq3A_3630 = arith.cmpf oeq, %scan3A_3444, %max3A_3539 : vector<16xf32>
      %jit3A_3631 = arith.constant 0xFF800000 : f32
      %broadcast_in_dim3A_3632 = vector.broadcast %jit3A_3631 : f32 to vector<16xf32>
      %select_n3A_3633 = arith.select %eq3A_3630, %broadcast_in_dim3A_3632, %scan3A_3444 : vector<16xi1>, vector<16xf32>
      %eq3A_3634 = arith.cmpf oeq, %scan3A_3445, %max3A_3539 : vector<16xf32>
      %jit3A_3635 = arith.constant 0xFF800000 : f32
      %broadcast_in_dim3A_3636 = vector.broadcast %jit3A_3635 : f32 to vector<16xf32>
      %select_n3A_3637 = arith.select %eq3A_3634, %broadcast_in_dim3A_3636, %scan3A_3445 : vector<16xi1>, vector<16xf32>
      %eq3A_3638 = arith.cmpf oeq, %scan3A_3446, %max3A_3539 : vector<16xf32>
      %jit3A_3639 = arith.constant 0xFF800000 : f32
      %broadcast_in_dim3A_3640 = vector.broadcast %jit3A_3639 : f32 to vector<16xf32>
      %select_n3A_3641 = arith.select %eq3A_3638, %broadcast_in_dim3A_3640, %scan3A_3446 : vector<16xi1>, vector<16xf32>
      %eq3A_3642 = arith.cmpf oeq, %scan3A_3447, %max3A_3539 : vector<16xf32>
      %jit3A_3643 = arith.constant 0xFF800000 : f32
      %broadcast_in_dim3A_3644 = vector.broadcast %jit3A_3643 : f32 to vector<16xf32>
      %select_n3A_3645 = arith.select %eq3A_3642, %broadcast_in_dim3A_3644, %scan3A_3447 : vector<16xi1>, vector<16xf32>
      %eq3A_3646 = arith.cmpf oeq, %scan3A_3448, %max3A_3581 : vector<16xf32>
      %jit3A_3647 = arith.constant 0xFF800000 : f32
      %broadcast_in_dim3A_3648 = vector.broadcast %jit3A_3647 : f32 to vector<16xf32>
      %select_n3A_3649 = arith.select %eq3A_3646, %broadcast_in_dim3A_3648, %scan3A_3448 : vector<16xi1>, vector<16xf32>
      %eq3A_3650 = arith.cmpf oeq, %scan3A_3449, %max3A_3581 : vector<16xf32>
      %jit3A_3651 = arith.constant 0xFF800000 : f32
      %broadcast_in_dim3A_3652 = vector.broadcast %jit3A_3651 : f32 to vector<16xf32>
      %select_n3A_3653 = arith.select %eq3A_3650, %broadcast_in_dim3A_3652, %scan3A_3449 : vector<16xi1>, vector<16xf32>
      %eq3A_3654 = arith.cmpf oeq, %scan3A_3450, %max3A_3581 : vector<16xf32>
      %jit3A_3655 = arith.constant 0xFF800000 : f32
      %broadcast_in_dim3A_3656 = vector.broadcast %jit3A_3655 : f32 to vector<16xf32>
      %select_n3A_3657 = arith.select %eq3A_3654, %broadcast_in_dim3A_3656, %scan3A_3450 : vector<16xi1>, vector<16xf32>
      %eq3A_3658 = arith.cmpf oeq, %scan3A_3451, %max3A_3581 : vector<16xf32>
      %jit3A_3659 = arith.constant 0xFF800000 : f32
      %broadcast_in_dim3A_3660 = vector.broadcast %jit3A_3659 : f32 to vector<16xf32>
      %select_n3A_3661 = arith.select %eq3A_3658, %broadcast_in_dim3A_3660, %scan3A_3451 : vector<16xi1>, vector<16xf32>
      %eq3A_3662 = arith.cmpf oeq, %scan3A_3452, %max3A_3581 : vector<16xf32>
      %jit3A_3663 = arith.constant 0xFF800000 : f32
      %broadcast_in_dim3A_3664 = vector.broadcast %jit3A_3663 : f32 to vector<16xf32>
      %select_n3A_3665 = arith.select %eq3A_3662, %broadcast_in_dim3A_3664, %scan3A_3452 : vector<16xi1>, vector<16xf32>
      %eq3A_3666 = arith.cmpf oeq, %scan3A_3453, %max3A_3581 : vector<16xf32>
      %jit3A_3667 = arith.constant 0xFF800000 : f32
      %broadcast_in_dim3A_3668 = vector.broadcast %jit3A_3667 : f32 to vector<16xf32>
      %select_n3A_3669 = arith.select %eq3A_3666, %broadcast_in_dim3A_3668, %scan3A_3453 : vector<16xi1>, vector<16xf32>
      %eq3A_3670 = arith.cmpf oeq, %scan3A_3454, %max3A_3581 : vector<16xf32>
      %jit3A_3671 = arith.constant 0xFF800000 : f32
      %broadcast_in_dim3A_3672 = vector.broadcast %jit3A_3671 : f32 to vector<16xf32>
      %select_n3A_3673 = arith.select %eq3A_3670, %broadcast_in_dim3A_3672, %scan3A_3454 : vector<16xi1>, vector<16xf32>
      %eq3A_3674 = arith.cmpf oeq, %scan3A_3455, %max3A_3581 : vector<16xf32>
      %jit3A_3675 = arith.constant 0xFF800000 : f32
      %broadcast_in_dim3A_3676 = vector.broadcast %jit3A_3675 : f32 to vector<16xf32>
      %select_n3A_3677 = arith.select %eq3A_3674, %broadcast_in_dim3A_3676, %scan3A_3455 : vector<16xi1>, vector<16xf32>
      %eq3A_3678 = arith.cmpf oeq, %scan3A_3456, %max3A_3581 : vector<16xf32>
      %jit3A_3679 = arith.constant 0xFF800000 : f32
      %broadcast_in_dim3A_3680 = vector.broadcast %jit3A_3679 : f32 to vector<16xf32>
      %select_n3A_3681 = arith.select %eq3A_3678, %broadcast_in_dim3A_3680, %scan3A_3456 : vector<16xi1>, vector<16xf32>
      %eq3A_3682 = arith.cmpf oeq, %scan3A_3457, %max3A_3581 : vector<16xf32>
      %jit3A_3683 = arith.constant 0xFF800000 : f32
      %broadcast_in_dim3A_3684 = vector.broadcast %jit3A_3683 : f32 to vector<16xf32>
      %select_n3A_3685 = arith.select %eq3A_3682, %broadcast_in_dim3A_3684, %scan3A_3457 : vector<16xi1>, vector<16xf32>
      %eq3A_3686 = arith.cmpf oeq, %scan3A_3458, %max3A_3581 : vector<16xf32>
      %jit3A_3687 = arith.constant 0xFF800000 : f32
      %broadcast_in_dim3A_3688 = vector.broadcast %jit3A_3687 : f32 to vector<16xf32>
      %select_n3A_3689 = arith.select %eq3A_3686, %broadcast_in_dim3A_3688, %scan3A_3458 : vector<16xi1>, vector<16xf32>
      %eq3A_3690 = arith.cmpf oeq, %scan3A_3459, %max3A_3581 : vector<16xf32>
      %jit3A_3691 = arith.constant 0xFF800000 : f32
      %broadcast_in_dim3A_3692 = vector.broadcast %jit3A_3691 : f32 to vector<16xf32>
      %select_n3A_3693 = arith.select %eq3A_3690, %broadcast_in_dim3A_3692, %scan3A_3459 : vector<16xi1>, vector<16xf32>
      %eq3A_3694 = arith.cmpf oeq, %scan3A_3460, %max3A_3581 : vector<16xf32>
      %jit3A_3695 = arith.constant 0xFF800000 : f32
      %broadcast_in_dim3A_3696 = vector.broadcast %jit3A_3695 : f32 to vector<16xf32>
      %select_n3A_3697 = arith.select %eq3A_3694, %broadcast_in_dim3A_3696, %scan3A_3460 : vector<16xi1>, vector<16xf32>
      %eq3A_3698 = arith.cmpf oeq, %scan3A_3461, %max3A_3581 : vector<16xf32>
      %jit3A_3699 = arith.constant 0xFF800000 : f32
      %broadcast_in_dim3A_3700 = vector.broadcast %jit3A_3699 : f32 to vector<16xf32>
      %select_n3A_3701 = arith.select %eq3A_3698, %broadcast_in_dim3A_3700, %scan3A_3461 : vector<16xi1>, vector<16xf32>
      %eq3A_3702 = arith.cmpf oeq, %scan3A_3462, %max3A_3581 : vector<16xf32>
      %jit3A_3703 = arith.constant 0xFF800000 : f32
      %broadcast_in_dim3A_3704 = vector.broadcast %jit3A_3703 : f32 to vector<16xf32>
      %select_n3A_3705 = arith.select %eq3A_3702, %broadcast_in_dim3A_3704, %scan3A_3462 : vector<16xi1>, vector<16xf32>
      %eq3A_3706 = arith.cmpf oeq, %scan3A_3463, %max3A_3581 : vector<16xf32>
      %jit3A_3707 = arith.constant 0xFF800000 : f32
      %broadcast_in_dim3A_3708 = vector.broadcast %jit3A_3707 : f32 to vector<16xf32>
      %select_n3A_3709 = arith.select %eq3A_3706, %broadcast_in_dim3A_3708, %scan3A_3463 : vector<16xi1>, vector<16xf32>
      %eq3A_3710 = vector.broadcast %scan3A_3431 : i32 to vector<16xi32>
      %eq3A_3711 = arith.cmpi eq, %iota3A, %eq3A_3710 : vector<16xi32>
      %select_n3A_3712 = arith.select %eq3A_3711, %max3A_3539, %scan3A_3464 : vector<16xi1>, vector<16xf32>
      %sub3A = arith.constant 16 : i32
      %sub3A_3713 = arith.subi %scan3A_3431, %sub3A : i32
      %eq3A_3714 = vector.broadcast %sub3A_3713 : i32 to vector<16xi32>
      %eq3A_3715 = arith.cmpi eq, %iota3A, %eq3A_3714 : vector<16xi32>
      %select_n3A_3716 = arith.select %eq3A_3715, %max3A_3539, %scan3A_3465 : vector<16xi1>, vector<16xf32>
      %eq3A_3717 = vector.broadcast %scan3A_3431 : i32 to vector<16xi32>
      %eq3A_3718 = arith.cmpi eq, %iota3A, %eq3A_3717 : vector<16xi32>
      %select_n3A_3719 = arith.select %eq3A_3718, %max3A_3581, %scan3A_3466 : vector<16xi1>, vector<16xf32>
      %sub3A_3720 = arith.constant 16 : i32
      %sub3A_3721 = arith.subi %scan3A_3431, %sub3A_3720 : i32
      %eq3A_3722 = vector.broadcast %sub3A_3721 : i32 to vector<16xi32>
      %eq3A_3723 = arith.cmpi eq, %iota3A, %eq3A_3722 : vector<16xi32>
      %select_n3A_3724 = arith.select %eq3A_3723, %max3A_3581, %scan3A_3467 : vector<16xi1>, vector<16xf32>
      scf.yield %select_n3A_3585, %select_n3A_3589, %select_n3A_3593, %select_n3A_3597, %select_n3A_3601, %select_n3A_3605, %select_n3A_3609, %select_n3A_3613, %select_n3A_3617, %select_n3A_3621, %select_n3A_3625, %select_n3A_3629, %select_n3A_3633, %select_n3A_3637, %select_n3A_3641, %select_n3A_3645, %select_n3A_3649, %select_n3A_3653, %select_n3A_3657, %select_n3A_3661, %select_n3A_3665, %select_n3A_3669, %select_n3A_3673, %select_n3A_3677, %select_n3A_3681, %select_n3A_3685, %select_n3A_3689, %select_n3A_3693, %select_n3A_3697, %select_n3A_3701, %select_n3A_3705, %select_n3A_3709, %select_n3A_3712, %select_n3A_3716, %select_n3A_3719, %select_n3A_3724 : vector<16xf32>, vector<16xf32>, vector<16xf32>, vector<16xf32>, vector<16xf32>, vector<16xf32>, vector<16xf32>, vector<16xf32>, vector<16xf32>, vector<16xf32>, vector<16xf32>, vector<16xf32>, vector<16xf32>, vector<16xf32>, vector<16xf32>, vector<16xf32>, vector<16xf32>, vector<16xf32>, vector<16xf32>, vector<16xf32>, vector<16xf32>, vector<16xf32>, vector<16xf32>, vector<16xf32>, vector<16xf32>, vector<16xf32>, vector<16xf32>, vector<16xf32>, vector<16xf32>, vector<16xf32>, vector<16xf32>, vector<16xf32>, vector<16xf32>, vector<16xf32>, vector<16xf32>, vector<16xf32>
    }
    %scan3A_1902 = arith.constant 32 : i32
    %eq3A_1903 = arith.constant 15 : i32
    %eq3A_1904 = vector.broadcast %eq3A_1903 : i32 to vector<16xi32>
    %eq3A_1905 = arith.cmpi eq, %iota3A, %eq3A_1904 : vector<16xi32>
    %jit3A_1906 = arith.constant 0xFF800000 : f32
    %broadcast_in_dim3A_1907 = vector.broadcast %jit3A_1906 : f32 to vector<16xf32>
    %select_n3A_1908 = arith.select %eq3A_1905, %scan3A_1901#33, %broadcast_in_dim3A_1907 : vector<16xi1>, vector<16xf32>
    %rev3A_1909 = arith.constant 15 : i32
    %rev3A_1910 = vector.broadcast %rev3A_1909 : i32 to vector<16xi32>
    %rev3A_1911 = tpu.iota {dimensions = array<i32: 0>} : vector<16xi32>
    %rev3A_1912 = arith.subi %rev3A_1910, %rev3A_1911 : vector<16xi32>
    %rev3A_1913 = tpu.dynamic_gather %select_n3A_1908[%rev3A_1912] in [0] : vector<16xf32>, vector<16xi32> -> vector<16xf32>
    %max3A_1914 = arith.maximumf %select_n3A_1908, %rev3A_1913 : vector<16xf32>
    %swap3A_1915 = arith.constant 16 : index
    %swap3A_1916 = tpu.vector_load %arg13[%swap3A_1915] {strides = array<i32>} : memref<96xf32, #tpu.memory_space<vmem>>, vector<16xf32>,
    %swap3A_1917 = vector.shape_cast %swap3A_1916 : vector<16xf32> to vector<16xf32>
    %swap3A_1918 = vector.shape_cast %max3A_1914 : vector<16xf32> to vector<16xf32>
    tpu.vector_store %arg13[%swap3A_1915], %swap3A_1918 {strides = array<i32>} : memref<96xf32, #tpu.memory_space<vmem>>, vector<16xf32>,
    %get3A_1919 = arith.constant 15 : index
    %get3A_1920 = tpu.vector_load %arg13[%get3A_1919] {strides = array<i32>} : memref<96xf32, #tpu.memory_space<vmem>>, vector<16xf32>,
    %get3A_1921 = vector.shape_cast %get3A_1920 : vector<16xf32> to vector<16xf32>
    %get3A_1922 = arith.constant 17 : index
    %get3A_1923 = tpu.vector_load %arg13[%get3A_1922] {strides = array<i32>} : memref<96xf32, #tpu.memory_space<vmem>>, vector<16xf32>,
    %get3A_1924 = vector.shape_cast %get3A_1923 : vector<16xf32> to vector<16xf32>
    %max3A_1925 = arith.maximumf %max3A_1914, %get3A_1921 : vector<16xf32>
    %max3A_1926 = arith.maximumf %max3A_1925, %get3A_1924 : vector<16xf32>
    %swap3A_1927 = arith.constant 16 : index
    %swap3A_1928 = tpu.vector_load %arg13[%swap3A_1927] {strides = array<i32>} : memref<96xf32, #tpu.memory_space<vmem>>, vector<16xf32>,
    %swap3A_1929 = vector.shape_cast %swap3A_1928 : vector<16xf32> to vector<16xf32>
    %swap3A_1930 = vector.shape_cast %max3A_1926 : vector<16xf32> to vector<16xf32>
    tpu.vector_store %arg13[%swap3A_1927], %swap3A_1930 {strides = array<i32>} : memref<96xf32, #tpu.memory_space<vmem>>, vector<16xf32>,
    %get3A_1931 = arith.constant 14 : index
    %get3A_1932 = tpu.vector_load %arg13[%get3A_1931] {strides = array<i32>} : memref<96xf32, #tpu.memory_space<vmem>>, vector<16xf32>,
    %get3A_1933 = vector.shape_cast %get3A_1932 : vector<16xf32> to vector<16xf32>
    %get3A_1934 = arith.constant 18 : index
    %get3A_1935 = tpu.vector_load %arg13[%get3A_1934] {strides = array<i32>} : memref<96xf32, #tpu.memory_space<vmem>>, vector<16xf32>,
    %get3A_1936 = vector.shape_cast %get3A_1935 : vector<16xf32> to vector<16xf32>
    %max3A_1937 = arith.maximumf %max3A_1926, %get3A_1933 : vector<16xf32>
    %max3A_1938 = arith.maximumf %max3A_1937, %get3A_1936 : vector<16xf32>
    %swap3A_1939 = arith.constant 16 : index
    %swap3A_1940 = tpu.vector_load %arg13[%swap3A_1939] {strides = array<i32>} : memref<96xf32, #tpu.memory_space<vmem>>, vector<16xf32>,
    %swap3A_1941 = vector.shape_cast %swap3A_1940 : vector<16xf32> to vector<16xf32>
    %swap3A_1942 = vector.shape_cast %max3A_1938 : vector<16xf32> to vector<16xf32>
    tpu.vector_store %arg13[%swap3A_1939], %swap3A_1942 {strides = array<i32>} : memref<96xf32, #tpu.memory_space<vmem>>, vector<16xf32>,
    %get3A_1943 = arith.constant 12 : index
    %get3A_1944 = tpu.vector_load %arg13[%get3A_1943] {strides = array<i32>} : memref<96xf32, #tpu.memory_space<vmem>>, vector<16xf32>,
    %get3A_1945 = vector.shape_cast %get3A_1944 : vector<16xf32> to vector<16xf32>
    %get3A_1946 = arith.constant 20 : index
    %get3A_1947 = tpu.vector_load %arg13[%get3A_1946] {strides = array<i32>} : memref<96xf32, #tpu.memory_space<vmem>>, vector<16xf32>,
    %get3A_1948 = vector.shape_cast %get3A_1947 : vector<16xf32> to vector<16xf32>
    %max3A_1949 = arith.maximumf %max3A_1938, %get3A_1945 : vector<16xf32>
    %max3A_1950 = arith.maximumf %max3A_1949, %get3A_1948 : vector<16xf32>
    %get3A_1951 = arith.constant 2 : i32
    %get3A_1952 = arith.index_cast %get3A_1951 : i32 to index
    %get3A_1953 = arith.constant 0 : index
    %get3A_1954 = tpu.vector_load %arg9[%get3A_1952, %get3A_1953] {strides = array<i32>} : memref<4x256xf32, #tpu.memory_space<vmem>>, vector<1x16xf32>,
    %get3A_1955 = vector.shape_cast %get3A_1954 : vector<1x16xf32> to vector<16xf32>
    %get3A_1956 = arith.constant 2 : i32
    %get3A_1957 = arith.index_cast %get3A_1956 : i32 to index
    %get3A_1958 = arith.constant 0 : index
    %get3A_1959 = tpu.vector_load %arg10[%get3A_1957, %get3A_1958] {strides = array<i32>} : memref<4x256xf32, #tpu.memory_space<vmem>>, vector<1x16xf32>,
    %get3A_1960 = vector.shape_cast %get3A_1959 : vector<1x16xf32> to vector<16xf32>
    %ge3A_1961 = arith.cmpf oge, %get3A_1955, %max3A_1950 : vector<16xf32>
    %ne3A_1962 = arith.constant 0.000000e+00 : f32
    %ne3A_1963 = vector.broadcast %ne3A_1962 : f32 to vector<16xf32>
    %ne3A_1964 = arith.cmpf one, %get3A_1960, %ne3A_1963 : vector<16xf32>
    %and3A_1965 = arith.andi %ge3A_1961, %ne3A_1964 : vector<16xi1>
    %get3A_1966 = arith.constant 2 : i32
    %get3A_1967 = arith.index_cast %get3A_1966 : i32 to index
    %get3A_1968 = arith.constant 0 : index
    %get3A_1969 = tpu.vector_load %arg11[%get3A_1967, %get3A_1968] {strides = array<i32>} : memref<4x256xi32, #tpu.memory_space<vmem>>, vector<1x16xi32>,
    %get3A_1970 = vector.shape_cast %get3A_1969 : vector<1x16xi32> to vector<16xi32>
    %get3A_1971 = arith.constant 2 : i32
    %get3A_1972 = arith.index_cast %get3A_1971 : i32 to index
    %get3A_1973 = arith.constant 0 : index
    %get3A_1974 = tpu.vector_load %arg12[%get3A_1972, %get3A_1973] {strides = array<i32>} : memref<4x256xi32, #tpu.memory_space<vmem>>, vector<1x16xi32>,
    %get3A_1975 = vector.shape_cast %get3A_1974 : vector<1x16xi32> to vector<16xi32>
    %select_n3A_1976 = arith.select %and3A_1965, %get3A_1970, %get3A_1975 : vector<16xi1>, vector<16xi32>
    %swap3A_1977 = arith.constant 2 : i32
    %swap3A_1978 = arith.index_cast %swap3A_1977 : i32 to index
    %swap3A_1979 = arith.constant 0 : index
    %swap3A_1980 = tpu.vector_load %arg15[%swap3A_1978, %swap3A_1979] {strides = array<i32>} : memref<4x256xi32, #tpu.memory_space<vmem>>, vector<1x16xi32>,
    %swap3A_1981 = vector.shape_cast %swap3A_1980 : vector<1x16xi32> to vector<16xi32>
    %swap3A_1982 = vector.shape_cast %select_n3A_1976 : vector<16xi32> to vector<1x16xi32>
    tpu.vector_store %arg15[%swap3A_1978, %swap3A_1979], %swap3A_1982 {strides = array<i32>} : memref<4x256xi32, #tpu.memory_space<vmem>>, vector<1x16xi32>,
    %eq3A_1983 = arith.constant 0xFF800000 : f32
    %eq3A_1984 = vector.broadcast %eq3A_1983 : f32 to vector<16xf32>
    %eq3A_1985 = arith.cmpf oeq, %scan3A_1901#0, %eq3A_1984 : vector<16xf32>
    %jit3A_1986 = arith.constant 0.000000e+00 : f32
    %broadcast_in_dim3A_1987 = vector.broadcast %jit3A_1986 : f32 to vector<16xf32>
    %select_n3A_1988 = arith.select %eq3A_1985, %broadcast_in_dim3A_1987, %get3A_1960 : vector<16xi1>, vector<16xf32>
    %swap3A_1989 = arith.constant 2 : i32
    %swap3A_1990 = arith.index_cast %swap3A_1989 : i32 to index
    %swap3A_1991 = arith.constant 0 : index
    %swap3A_1992 = tpu.vector_load %arg14[%swap3A_1990, %swap3A_1991] {strides = array<i32>} : memref<4x256xf32, #tpu.memory_space<vmem>>, vector<1x16xf32>,
    %swap3A_1993 = vector.shape_cast %swap3A_1992 : vector<1x16xf32> to vector<16xf32>
    %swap3A_1994 = vector.shape_cast %select_n3A_1988 : vector<16xf32> to vector<1x16xf32>
    tpu.vector_store %arg14[%swap3A_1990, %swap3A_1991], %swap3A_1994 {strides = array<i32>} : memref<4x256xf32, #tpu.memory_space<vmem>>, vector<1x16xf32>,
    %get3A_1995 = arith.constant 2 : i32
    %get3A_1996 = arith.index_cast %get3A_1995 : i32 to index
    %get3A_1997 = arith.constant 16 : index
    %get3A_1998 = tpu.vector_load %arg9[%get3A_1996, %get3A_1997] {strides = array<i32>} : memref<4x256xf32, #tpu.memory_space<vmem>>, vector<1x16xf32>,
    %get3A_1999 = vector.shape_cast %get3A_1998 : vector<1x16xf32> to vector<16xf32>
    %get3A_2000 = arith.constant 2 : i32
    %get3A_2001 = arith.index_cast %get3A_2000 : i32 to index
    %get3A_2002 = arith.constant 16 : index
    %get3A_2003 = tpu.vector_load %arg10[%get3A_2001, %get3A_2002] {strides = array<i32>} : memref<4x256xf32, #tpu.memory_space<vmem>>, vector<1x16xf32>,
    %get3A_2004 = vector.shape_cast %get3A_2003 : vector<1x16xf32> to vector<16xf32>
    %ge3A_2005 = arith.cmpf oge, %get3A_1999, %max3A_1950 : vector<16xf32>
    %ne3A_2006 = arith.constant 0.000000e+00 : f32
    %ne3A_2007 = vector.broadcast %ne3A_2006 : f32 to vector<16xf32>
    %ne3A_2008 = arith.cmpf one, %get3A_2004, %ne3A_2007 : vector<16xf32>
    %and3A_2009 = arith.andi %ge3A_2005, %ne3A_2008 : vector<16xi1>
    %get3A_2010 = arith.constant 2 : i32
    %get3A_2011 = arith.index_cast %get3A_2010 : i32 to index
    %get3A_2012 = arith.constant 16 : index
    %get3A_2013 = tpu.vector_load %arg11[%get3A_2011, %get3A_2012] {strides = array<i32>} : memref<4x256xi32, #tpu.memory_space<vmem>>, vector<1x16xi32>,
    %get3A_2014 = vector.shape_cast %get3A_2013 : vector<1x16xi32> to vector<16xi32>
    %get3A_2015 = arith.constant 2 : i32
    %get3A_2016 = arith.index_cast %get3A_2015 : i32 to index
    %get3A_2017 = arith.constant 16 : index
    %get3A_2018 = tpu.vector_load %arg12[%get3A_2016, %get3A_2017] {strides = array<i32>} : memref<4x256xi32, #tpu.memory_space<vmem>>, vector<1x16xi32>,
    %get3A_2019 = vector.shape_cast %get3A_2018 : vector<1x16xi32> to vector<16xi32>
    %select_n3A_2020 = arith.select %and3A_2009, %get3A_2014, %get3A_2019 : vector<16xi1>, vector<16xi32>
    %swap3A_2021 = arith.constant 2 : i32
    %swap3A_2022 = arith.index_cast %swap3A_2021 : i32 to index
    %swap3A_2023 = arith.constant 16 : index
    %swap3A_2024 = tpu.vector_load %arg15[%swap3A_2022, %swap3A_2023] {strides = array<i32>} : memref<4x256xi32, #tpu.memory_space<vmem>>, vector<1x16xi32>,
    %swap3A_2025 = vector.shape_cast %swap3A_2024 : vector<1x16xi32> to vector<16xi32>
    %swap3A_2026 = vector.shape_cast %select_n3A_2020 : vector<16xi32> to vector<1x16xi32>
    tpu.vector_store %arg15[%swap3A_2022, %swap3A_2023], %swap3A_2026 {strides = array<i32>} : memref<4x256xi32, #tpu.memory_space<vmem>>, vector<1x16xi32>,
    %eq3A_2027 = arith.constant 0xFF800000 : f32
    %eq3A_2028 = vector.broadcast %eq3A_2027 : f32 to vector<16xf32>
    %eq3A_2029 = arith.cmpf oeq, %scan3A_1901#1, %eq3A_2028 : vector<16xf32>
    %jit3A_2030 = arith.constant 0.000000e+00 : f32
    %broadcast_in_dim3A_2031 = vector.broadcast %jit3A_2030 : f32 to vector<16xf32>
    %select_n3A_2032 = arith.select %eq3A_2029, %broadcast_in_dim3A_2031, %get3A_2004 : vector<16xi1>, vector<16xf32>
    %swap3A_2033 = arith.constant 2 : i32
    %swap3A_2034 = arith.index_cast %swap3A_2033 : i32 to index
    %swap3A_2035 = arith.constant 16 : index
    %swap3A_2036 = tpu.vector_load %arg14[%swap3A_2034, %swap3A_2035] {strides = array<i32>} : memref<4x256xf32, #tpu.memory_space<vmem>>, vector<1x16xf32>,
    %swap3A_2037 = vector.shape_cast %swap3A_2036 : vector<1x16xf32> to vector<16xf32>
    %swap3A_2038 = vector.shape_cast %select_n3A_2032 : vector<16xf32> to vector<1x16xf32>
    tpu.vector_store %arg14[%swap3A_2034, %swap3A_2035], %swap3A_2038 {strides = array<i32>} : memref<4x256xf32, #tpu.memory_space<vmem>>, vector<1x16xf32>,
    %get3A_2039 = arith.constant 2 : i32
    %get3A_2040 = arith.index_cast %get3A_2039 : i32 to index
    %get3A_2041 = arith.constant 32 : index
    %get3A_2042 = tpu.vector_load %arg9[%get3A_2040, %get3A_2041] {strides = array<i32>} : memref<4x256xf32, #tpu.memory_space<vmem>>, vector<1x16xf32>,
    %get3A_2043 = vector.shape_cast %get3A_2042 : vector<1x16xf32> to vector<16xf32>
    %get3A_2044 = arith.constant 2 : i32
    %get3A_2045 = arith.index_cast %get3A_2044 : i32 to index
    %get3A_2046 = arith.constant 32 : index
    %get3A_2047 = tpu.vector_load %arg10[%get3A_2045, %get3A_2046] {strides = array<i32>} : memref<4x256xf32, #tpu.memory_space<vmem>>, vector<1x16xf32>,
    %get3A_2048 = vector.shape_cast %get3A_2047 : vector<1x16xf32> to vector<16xf32>
    %ge3A_2049 = arith.cmpf oge, %get3A_2043, %max3A_1950 : vector<16xf32>
    %ne3A_2050 = arith.constant 0.000000e+00 : f32
    %ne3A_2051 = vector.broadcast %ne3A_2050 : f32 to vector<16xf32>
    %ne3A_2052 = arith.cmpf one, %get3A_2048, %ne3A_2051 : vector<16xf32>
    %and3A_2053 = arith.andi %ge3A_2049, %ne3A_2052 : vector<16xi1>
    %get3A_2054 = arith.constant 2 : i32
    %get3A_2055 = arith.index_cast %get3A_2054 : i32 to index
    %get3A_2056 = arith.constant 32 : index
    %get3A_2057 = tpu.vector_load %arg11[%get3A_2055, %get3A_2056] {strides = array<i32>} : memref<4x256xi32, #tpu.memory_space<vmem>>, vector<1x16xi32>,
    %get3A_2058 = vector.shape_cast %get3A_2057 : vector<1x16xi32> to vector<16xi32>
    %get3A_2059 = arith.constant 2 : i32
    %get3A_2060 = arith.index_cast %get3A_2059 : i32 to index
    %get3A_2061 = arith.constant 32 : index
    %get3A_2062 = tpu.vector_load %arg12[%get3A_2060, %get3A_2061] {strides = array<i32>} : memref<4x256xi32, #tpu.memory_space<vmem>>, vector<1x16xi32>,
    %get3A_2063 = vector.shape_cast %get3A_2062 : vector<1x16xi32> to vector<16xi32>
    %select_n3A_2064 = arith.select %and3A_2053, %get3A_2058, %get3A_2063 : vector<16xi1>, vector<16xi32>
    %swap3A_2065 = arith.constant 2 : i32
    %swap3A_2066 = arith.index_cast %swap3A_2065 : i32 to index
    %swap3A_2067 = arith.constant 32 : index
    %swap3A_2068 = tpu.vector_load %arg15[%swap3A_2066, %swap3A_2067] {strides = array<i32>} : memref<4x256xi32, #tpu.memory_space<vmem>>, vector<1x16xi32>,
    %swap3A_2069 = vector.shape_cast %swap3A_2068 : vector<1x16xi32> to vector<16xi32>
    %swap3A_2070 = vector.shape_cast %select_n3A_2064 : vector<16xi32> to vector<1x16xi32>
    tpu.vector_store %arg15[%swap3A_2066, %swap3A_2067], %swap3A_2070 {strides = array<i32>} : memref<4x256xi32, #tpu.memory_space<vmem>>, vector<1x16xi32>,
    %eq3A_2071 = arith.constant 0xFF800000 : f32
    %eq3A_2072 = vector.broadcast %eq3A_2071 : f32 to vector<16xf32>
    %eq3A_2073 = arith.cmpf oeq, %scan3A_1901#2, %eq3A_2072 : vector<16xf32>
    %jit3A_2074 = arith.constant 0.000000e+00 : f32
    %broadcast_in_dim3A_2075 = vector.broadcast %jit3A_2074 : f32 to vector<16xf32>
    %select_n3A_2076 = arith.select %eq3A_2073, %broadcast_in_dim3A_2075, %get3A_2048 : vector<16xi1>, vector<16xf32>
    %swap3A_2077 = arith.constant 2 : i32
    %swap3A_2078 = arith.index_cast %swap3A_2077 : i32 to index
    %swap3A_2079 = arith.constant 32 : index
    %swap3A_2080 = tpu.vector_load %arg14[%swap3A_2078, %swap3A_2079] {strides = array<i32>} : memref<4x256xf32, #tpu.memory_space<vmem>>, vector<1x16xf32>,
    %swap3A_2081 = vector.shape_cast %swap3A_2080 : vector<1x16xf32> to vector<16xf32>
    %swap3A_2082 = vector.shape_cast %select_n3A_2076 : vector<16xf32> to vector<1x16xf32>
    tpu.vector_store %arg14[%swap3A_2078, %swap3A_2079], %swap3A_2082 {strides = array<i32>} : memref<4x256xf32, #tpu.memory_space<vmem>>, vector<1x16xf32>,
    %get3A_2083 = arith.constant 2 : i32
    %get3A_2084 = arith.index_cast %get3A_2083 : i32 to index
    %get3A_2085 = arith.constant 48 : index
    %get3A_2086 = tpu.vector_load %arg9[%get3A_2084, %get3A_2085] {strides = array<i32>} : memref<4x256xf32, #tpu.memory_space<vmem>>, vector<1x16xf32>,
    %get3A_2087 = vector.shape_cast %get3A_2086 : vector<1x16xf32> to vector<16xf32>
    %get3A_2088 = arith.constant 2 : i32
    %get3A_2089 = arith.index_cast %get3A_2088 : i32 to index
    %get3A_2090 = arith.constant 48 : index
    %get3A_2091 = tpu.vector_load %arg10[%get3A_2089, %get3A_2090] {strides = array<i32>} : memref<4x256xf32, #tpu.memory_space<vmem>>, vector<1x16xf32>,
    %get3A_2092 = vector.shape_cast %get3A_2091 : vector<1x16xf32> to vector<16xf32>
    %ge3A_2093 = arith.cmpf oge, %get3A_2087, %max3A_1950 : vector<16xf32>
    %ne3A_2094 = arith.constant 0.000000e+00 : f32
    %ne3A_2095 = vector.broadcast %ne3A_2094 : f32 to vector<16xf32>
    %ne3A_2096 = arith.cmpf one, %get3A_2092, %ne3A_2095 : vector<16xf32>
    %and3A_2097 = arith.andi %ge3A_2093, %ne3A_2096 : vector<16xi1>
    %get3A_2098 = arith.constant 2 : i32
    %get3A_2099 = arith.index_cast %get3A_2098 : i32 to index
    %get3A_2100 = arith.constant 48 : index
    %get3A_2101 = tpu.vector_load %arg11[%get3A_2099, %get3A_2100] {strides = array<i32>} : memref<4x256xi32, #tpu.memory_space<vmem>>, vector<1x16xi32>,
    %get3A_2102 = vector.shape_cast %get3A_2101 : vector<1x16xi32> to vector<16xi32>
    %get3A_2103 = arith.constant 2 : i32
    %get3A_2104 = arith.index_cast %get3A_2103 : i32 to index
    %get3A_2105 = arith.constant 48 : index
    %get3A_2106 = tpu.vector_load %arg12[%get3A_2104, %get3A_2105] {strides = array<i32>} : memref<4x256xi32, #tpu.memory_space<vmem>>, vector<1x16xi32>,
    %get3A_2107 = vector.shape_cast %get3A_2106 : vector<1x16xi32> to vector<16xi32>
    %select_n3A_2108 = arith.select %and3A_2097, %get3A_2102, %get3A_2107 : vector<16xi1>, vector<16xi32>
    %swap3A_2109 = arith.constant 2 : i32
    %swap3A_2110 = arith.index_cast %swap3A_2109 : i32 to index
    %swap3A_2111 = arith.constant 48 : index
    %swap3A_2112 = tpu.vector_load %arg15[%swap3A_2110, %swap3A_2111] {strides = array<i32>} : memref<4x256xi32, #tpu.memory_space<vmem>>, vector<1x16xi32>,
    %swap3A_2113 = vector.shape_cast %swap3A_2112 : vector<1x16xi32> to vector<16xi32>
    %swap3A_2114 = vector.shape_cast %select_n3A_2108 : vector<16xi32> to vector<1x16xi32>
    tpu.vector_store %arg15[%swap3A_2110, %swap3A_2111], %swap3A_2114 {strides = array<i32>} : memref<4x256xi32, #tpu.memory_space<vmem>>, vector<1x16xi32>,
    %eq3A_2115 = arith.constant 0xFF800000 : f32
    %eq3A_2116 = vector.broadcast %eq3A_2115 : f32 to vector<16xf32>
    %eq3A_2117 = arith.cmpf oeq, %scan3A_1901#3, %eq3A_2116 : vector<16xf32>
    %jit3A_2118 = arith.constant 0.000000e+00 : f32
    %broadcast_in_dim3A_2119 = vector.broadcast %jit3A_2118 : f32 to vector<16xf32>
    %select_n3A_2120 = arith.select %eq3A_2117, %broadcast_in_dim3A_2119, %get3A_2092 : vector<16xi1>, vector<16xf32>
    %swap3A_2121 = arith.constant 2 : i32
    %swap3A_2122 = arith.index_cast %swap3A_2121 : i32 to index
    %swap3A_2123 = arith.constant 48 : index
    %swap3A_2124 = tpu.vector_load %arg14[%swap3A_2122, %swap3A_2123] {strides = array<i32>} : memref<4x256xf32, #tpu.memory_space<vmem>>, vector<1x16xf32>,
    %swap3A_2125 = vector.shape_cast %swap3A_2124 : vector<1x16xf32> to vector<16xf32>
    %swap3A_2126 = vector.shape_cast %select_n3A_2120 : vector<16xf32> to vector<1x16xf32>
    tpu.vector_store %arg14[%swap3A_2122, %swap3A_2123], %swap3A_2126 {strides = array<i32>} : memref<4x256xf32, #tpu.memory_space<vmem>>, vector<1x16xf32>,
    %get3A_2127 = arith.constant 2 : i32
    %get3A_2128 = arith.index_cast %get3A_2127 : i32 to index
    %get3A_2129 = arith.constant 64 : index
    %get3A_2130 = tpu.vector_load %arg9[%get3A_2128, %get3A_2129] {strides = array<i32>} : memref<4x256xf32, #tpu.memory_space<vmem>>, vector<1x16xf32>,
    %get3A_2131 = vector.shape_cast %get3A_2130 : vector<1x16xf32> to vector<16xf32>
    %get3A_2132 = arith.constant 2 : i32
    %get3A_2133 = arith.index_cast %get3A_2132 : i32 to index
    %get3A_2134 = arith.constant 64 : index
    %get3A_2135 = tpu.vector_load %arg10[%get3A_2133, %get3A_2134] {strides = array<i32>} : memref<4x256xf32, #tpu.memory_space<vmem>>, vector<1x16xf32>,
    %get3A_2136 = vector.shape_cast %get3A_2135 : vector<1x16xf32> to vector<16xf32>
    %ge3A_2137 = arith.cmpf oge, %get3A_2131, %max3A_1950 : vector<16xf32>
    %ne3A_2138 = arith.constant 0.000000e+00 : f32
    %ne3A_2139 = vector.broadcast %ne3A_2138 : f32 to vector<16xf32>
    %ne3A_2140 = arith.cmpf one, %get3A_2136, %ne3A_2139 : vector<16xf32>
    %and3A_2141 = arith.andi %ge3A_2137, %ne3A_2140 : vector<16xi1>
    %get3A_2142 = arith.constant 2 : i32
    %get3A_2143 = arith.index_cast %get3A_2142 : i32 to index
    %get3A_2144 = arith.constant 64 : index
    %get3A_2145 = tpu.vector_load %arg11[%get3A_2143, %get3A_2144] {strides = array<i32>} : memref<4x256xi32, #tpu.memory_space<vmem>>, vector<1x16xi32>,
    %get3A_2146 = vector.shape_cast %get3A_2145 : vector<1x16xi32> to vector<16xi32>
    %get3A_2147 = arith.constant 2 : i32
    %get3A_2148 = arith.index_cast %get3A_2147 : i32 to index
    %get3A_2149 = arith.constant 64 : index
    %get3A_2150 = tpu.vector_load %arg12[%get3A_2148, %get3A_2149] {strides = array<i32>} : memref<4x256xi32, #tpu.memory_space<vmem>>, vector<1x16xi32>,
    %get3A_2151 = vector.shape_cast %get3A_2150 : vector<1x16xi32> to vector<16xi32>
    %select_n3A_2152 = arith.select %and3A_2141, %get3A_2146, %get3A_2151 : vector<16xi1>, vector<16xi32>
    %swap3A_2153 = arith.constant 2 : i32
    %swap3A_2154 = arith.index_cast %swap3A_2153 : i32 to index
    %swap3A_2155 = arith.constant 64 : index
    %swap3A_2156 = tpu.vector_load %arg15[%swap3A_2154, %swap3A_2155] {strides = array<i32>} : memref<4x256xi32, #tpu.memory_space<vmem>>, vector<1x16xi32>,
    %swap3A_2157 = vector.shape_cast %swap3A_2156 : vector<1x16xi32> to vector<16xi32>
    %swap3A_2158 = vector.shape_cast %select_n3A_2152 : vector<16xi32> to vector<1x16xi32>
    tpu.vector_store %arg15[%swap3A_2154, %swap3A_2155], %swap3A_2158 {strides = array<i32>} : memref<4x256xi32, #tpu.memory_space<vmem>>, vector<1x16xi32>,
    %eq3A_2159 = arith.constant 0xFF800000 : f32
    %eq3A_2160 = vector.broadcast %eq3A_2159 : f32 to vector<16xf32>
    %eq3A_2161 = arith.cmpf oeq, %scan3A_1901#4, %eq3A_2160 : vector<16xf32>
    %jit3A_2162 = arith.constant 0.000000e+00 : f32
    %broadcast_in_dim3A_2163 = vector.broadcast %jit3A_2162 : f32 to vector<16xf32>
    %select_n3A_2164 = arith.select %eq3A_2161, %broadcast_in_dim3A_2163, %get3A_2136 : vector<16xi1>, vector<16xf32>
    %swap3A_2165 = arith.constant 2 : i32
    %swap3A_2166 = arith.index_cast %swap3A_2165 : i32 to index
    %swap3A_2167 = arith.constant 64 : index
    %swap3A_2168 = tpu.vector_load %arg14[%swap3A_2166, %swap3A_2167] {strides = array<i32>} : memref<4x256xf32, #tpu.memory_space<vmem>>, vector<1x16xf32>,
    %swap3A_2169 = vector.shape_cast %swap3A_2168 : vector<1x16xf32> to vector<16xf32>
    %swap3A_2170 = vector.shape_cast %select_n3A_2164 : vector<16xf32> to vector<1x16xf32>
    tpu.vector_store %arg14[%swap3A_2166, %swap3A_2167], %swap3A_2170 {strides = array<i32>} : memref<4x256xf32, #tpu.memory_space<vmem>>, vector<1x16xf32>,
    %get3A_2171 = arith.constant 2 : i32
    %get3A_2172 = arith.index_cast %get3A_2171 : i32 to index
    %get3A_2173 = arith.constant 80 : index
    %get3A_2174 = tpu.vector_load %arg9[%get3A_2172, %get3A_2173] {strides = array<i32>} : memref<4x256xf32, #tpu.memory_space<vmem>>, vector<1x16xf32>,
    %get3A_2175 = vector.shape_cast %get3A_2174 : vector<1x16xf32> to vector<16xf32>
    %get3A_2176 = arith.constant 2 : i32
    %get3A_2177 = arith.index_cast %get3A_2176 : i32 to index
    %get3A_2178 = arith.constant 80 : index
    %get3A_2179 = tpu.vector_load %arg10[%get3A_2177, %get3A_2178] {strides = array<i32>} : memref<4x256xf32, #tpu.memory_space<vmem>>, vector<1x16xf32>,
    %get3A_2180 = vector.shape_cast %get3A_2179 : vector<1x16xf32> to vector<16xf32>
    %ge3A_2181 = arith.cmpf oge, %get3A_2175, %max3A_1950 : vector<16xf32>
    %ne3A_2182 = arith.constant 0.000000e+00 : f32
    %ne3A_2183 = vector.broadcast %ne3A_2182 : f32 to vector<16xf32>
    %ne3A_2184 = arith.cmpf one, %get3A_2180, %ne3A_2183 : vector<16xf32>
    %and3A_2185 = arith.andi %ge3A_2181, %ne3A_2184 : vector<16xi1>
    %get3A_2186 = arith.constant 2 : i32
    %get3A_2187 = arith.index_cast %get3A_2186 : i32 to index
    %get3A_2188 = arith.constant 80 : index
    %get3A_2189 = tpu.vector_load %arg11[%get3A_2187, %get3A_2188] {strides = array<i32>} : memref<4x256xi32, #tpu.memory_space<vmem>>, vector<1x16xi32>,
    %get3A_2190 = vector.shape_cast %get3A_2189 : vector<1x16xi32> to vector<16xi32>
    %get3A_2191 = arith.constant 2 : i32
    %get3A_2192 = arith.index_cast %get3A_2191 : i32 to index
    %get3A_2193 = arith.constant 80 : index
    %get3A_2194 = tpu.vector_load %arg12[%get3A_2192, %get3A_2193] {strides = array<i32>} : memref<4x256xi32, #tpu.memory_space<vmem>>, vector<1x16xi32>,
    %get3A_2195 = vector.shape_cast %get3A_2194 : vector<1x16xi32> to vector<16xi32>
    %select_n3A_2196 = arith.select %and3A_2185, %get3A_2190, %get3A_2195 : vector<16xi1>, vector<16xi32>
    %swap3A_2197 = arith.constant 2 : i32
    %swap3A_2198 = arith.index_cast %swap3A_2197 : i32 to index
    %swap3A_2199 = arith.constant 80 : index
    %swap3A_2200 = tpu.vector_load %arg15[%swap3A_2198, %swap3A_2199] {strides = array<i32>} : memref<4x256xi32, #tpu.memory_space<vmem>>, vector<1x16xi32>,
    %swap3A_2201 = vector.shape_cast %swap3A_2200 : vector<1x16xi32> to vector<16xi32>
    %swap3A_2202 = vector.shape_cast %select_n3A_2196 : vector<16xi32> to vector<1x16xi32>
    tpu.vector_store %arg15[%swap3A_2198, %swap3A_2199], %swap3A_2202 {strides = array<i32>} : memref<4x256xi32, #tpu.memory_space<vmem>>, vector<1x16xi32>,
    %eq3A_2203 = arith.constant 0xFF800000 : f32
    %eq3A_2204 = vector.broadcast %eq3A_2203 : f32 to vector<16xf32>
    %eq3A_2205 = arith.cmpf oeq, %scan3A_1901#5, %eq3A_2204 : vector<16xf32>
    %jit3A_2206 = arith.constant 0.000000e+00 : f32
    %broadcast_in_dim3A_2207 = vector.broadcast %jit3A_2206 : f32 to vector<16xf32>
    %select_n3A_2208 = arith.select %eq3A_2205, %broadcast_in_dim3A_2207, %get3A_2180 : vector<16xi1>, vector<16xf32>
    %swap3A_2209 = arith.constant 2 : i32
    %swap3A_2210 = arith.index_cast %swap3A_2209 : i32 to index
    %swap3A_2211 = arith.constant 80 : index
    %swap3A_2212 = tpu.vector_load %arg14[%swap3A_2210, %swap3A_2211] {strides = array<i32>} : memref<4x256xf32, #tpu.memory_space<vmem>>, vector<1x16xf32>,
    %swap3A_2213 = vector.shape_cast %swap3A_2212 : vector<1x16xf32> to vector<16xf32>
    %swap3A_2214 = vector.shape_cast %select_n3A_2208 : vector<16xf32> to vector<1x16xf32>
    tpu.vector_store %arg14[%swap3A_2210, %swap3A_2211], %swap3A_2214 {strides = array<i32>} : memref<4x256xf32, #tpu.memory_space<vmem>>, vector<1x16xf32>,
    %get3A_2215 = arith.constant 2 : i32
    %get3A_2216 = arith.index_cast %get3A_2215 : i32 to index
    %get3A_2217 = arith.constant 96 : index
    %get3A_2218 = tpu.vector_load %arg9[%get3A_2216, %get3A_2217] {strides = array<i32>} : memref<4x256xf32, #tpu.memory_space<vmem>>, vector<1x16xf32>,
    %get3A_2219 = vector.shape_cast %get3A_2218 : vector<1x16xf32> to vector<16xf32>
    %get3A_2220 = arith.constant 2 : i32
    %get3A_2221 = arith.index_cast %get3A_2220 : i32 to index
    %get3A_2222 = arith.constant 96 : index
    %get3A_2223 = tpu.vector_load %arg10[%get3A_2221, %get3A_2222] {strides = array<i32>} : memref<4x256xf32, #tpu.memory_space<vmem>>, vector<1x16xf32>,
    %get3A_2224 = vector.shape_cast %get3A_2223 : vector<1x16xf32> to vector<16xf32>
    %ge3A_2225 = arith.cmpf oge, %get3A_2219, %max3A_1950 : vector<16xf32>
    %ne3A_2226 = arith.constant 0.000000e+00 : f32
    %ne3A_2227 = vector.broadcast %ne3A_2226 : f32 to vector<16xf32>
    %ne3A_2228 = arith.cmpf one, %get3A_2224, %ne3A_2227 : vector<16xf32>
    %and3A_2229 = arith.andi %ge3A_2225, %ne3A_2228 : vector<16xi1>
    %get3A_2230 = arith.constant 2 : i32
    %get3A_2231 = arith.index_cast %get3A_2230 : i32 to index
    %get3A_2232 = arith.constant 96 : index
    %get3A_2233 = tpu.vector_load %arg11[%get3A_2231, %get3A_2232] {strides = array<i32>} : memref<4x256xi32, #tpu.memory_space<vmem>>, vector<1x16xi32>,
    %get3A_2234 = vector.shape_cast %get3A_2233 : vector<1x16xi32> to vector<16xi32>
    %get3A_2235 = arith.constant 2 : i32
    %get3A_2236 = arith.index_cast %get3A_2235 : i32 to index
    %get3A_2237 = arith.constant 96 : index
    %get3A_2238 = tpu.vector_load %arg12[%get3A_2236, %get3A_2237] {strides = array<i32>} : memref<4x256xi32, #tpu.memory_space<vmem>>, vector<1x16xi32>,
    %get3A_2239 = vector.shape_cast %get3A_2238 : vector<1x16xi32> to vector<16xi32>
    %select_n3A_2240 = arith.select %and3A_2229, %get3A_2234, %get3A_2239 : vector<16xi1>, vector<16xi32>
    %swap3A_2241 = arith.constant 2 : i32
    %swap3A_2242 = arith.index_cast %swap3A_2241 : i32 to index
    %swap3A_2243 = arith.constant 96 : index
    %swap3A_2244 = tpu.vector_load %arg15[%swap3A_2242, %swap3A_2243] {strides = array<i32>} : memref<4x256xi32, #tpu.memory_space<vmem>>, vector<1x16xi32>,
    %swap3A_2245 = vector.shape_cast %swap3A_2244 : vector<1x16xi32> to vector<16xi32>
    %swap3A_2246 = vector.shape_cast %select_n3A_2240 : vector<16xi32> to vector<1x16xi32>
    tpu.vector_store %arg15[%swap3A_2242, %swap3A_2243], %swap3A_2246 {strides = array<i32>} : memref<4x256xi32, #tpu.memory_space<vmem>>, vector<1x16xi32>,
    %eq3A_2247 = arith.constant 0xFF800000 : f32
    %eq3A_2248 = vector.broadcast %eq3A_2247 : f32 to vector<16xf32>
    %eq3A_2249 = arith.cmpf oeq, %scan3A_1901#6, %eq3A_2248 : vector<16xf32>
    %jit3A_2250 = arith.constant 0.000000e+00 : f32
    %broadcast_in_dim3A_2251 = vector.broadcast %jit3A_2250 : f32 to vector<16xf32>
    %select_n3A_2252 = arith.select %eq3A_2249, %broadcast_in_dim3A_2251, %get3A_2224 : vector<16xi1>, vector<16xf32>
    %swap3A_2253 = arith.constant 2 : i32
    %swap3A_2254 = arith.index_cast %swap3A_2253 : i32 to index
    %swap3A_2255 = arith.constant 96 : index
    %swap3A_2256 = tpu.vector_load %arg14[%swap3A_2254, %swap3A_2255] {strides = array<i32>} : memref<4x256xf32, #tpu.memory_space<vmem>>, vector<1x16xf32>,
    %swap3A_2257 = vector.shape_cast %swap3A_2256 : vector<1x16xf32> to vector<16xf32>
    %swap3A_2258 = vector.shape_cast %select_n3A_2252 : vector<16xf32> to vector<1x16xf32>
    tpu.vector_store %arg14[%swap3A_2254, %swap3A_2255], %swap3A_2258 {strides = array<i32>} : memref<4x256xf32, #tpu.memory_space<vmem>>, vector<1x16xf32>,
    %get3A_2259 = arith.constant 2 : i32
    %get3A_2260 = arith.index_cast %get3A_2259 : i32 to index
    %get3A_2261 = arith.constant 112 : index
    %get3A_2262 = tpu.vector_load %arg9[%get3A_2260, %get3A_2261] {strides = array<i32>} : memref<4x256xf32, #tpu.memory_space<vmem>>, vector<1x16xf32>,
    %get3A_2263 = vector.shape_cast %get3A_2262 : vector<1x16xf32> to vector<16xf32>
    %get3A_2264 = arith.constant 2 : i32
    %get3A_2265 = arith.index_cast %get3A_2264 : i32 to index
    %get3A_2266 = arith.constant 112 : index
    %get3A_2267 = tpu.vector_load %arg10[%get3A_2265, %get3A_2266] {strides = array<i32>} : memref<4x256xf32, #tpu.memory_space<vmem>>, vector<1x16xf32>,
    %get3A_2268 = vector.shape_cast %get3A_2267 : vector<1x16xf32> to vector<16xf32>
    %ge3A_2269 = arith.cmpf oge, %get3A_2263, %max3A_1950 : vector<16xf32>
    %ne3A_2270 = arith.constant 0.000000e+00 : f32
    %ne3A_2271 = vector.broadcast %ne3A_2270 : f32 to vector<16xf32>
    %ne3A_2272 = arith.cmpf one, %get3A_2268, %ne3A_2271 : vector<16xf32>
    %and3A_2273 = arith.andi %ge3A_2269, %ne3A_2272 : vector<16xi1>
    %get3A_2274 = arith.constant 2 : i32
    %get3A_2275 = arith.index_cast %get3A_2274 : i32 to index
    %get3A_2276 = arith.constant 112 : index
    %get3A_2277 = tpu.vector_load %arg11[%get3A_2275, %get3A_2276] {strides = array<i32>} : memref<4x256xi32, #tpu.memory_space<vmem>>, vector<1x16xi32>,
    %get3A_2278 = vector.shape_cast %get3A_2277 : vector<1x16xi32> to vector<16xi32>
    %get3A_2279 = arith.constant 2 : i32
    %get3A_2280 = arith.index_cast %get3A_2279 : i32 to index
    %get3A_2281 = arith.constant 112 : index
    %get3A_2282 = tpu.vector_load %arg12[%get3A_2280, %get3A_2281] {strides = array<i32>} : memref<4x256xi32, #tpu.memory_space<vmem>>, vector<1x16xi32>,
    %get3A_2283 = vector.shape_cast %get3A_2282 : vector<1x16xi32> to vector<16xi32>
    %select_n3A_2284 = arith.select %and3A_2273, %get3A_2278, %get3A_2283 : vector<16xi1>, vector<16xi32>
    %swap3A_2285 = arith.constant 2 : i32
    %swap3A_2286 = arith.index_cast %swap3A_2285 : i32 to index
    %swap3A_2287 = arith.constant 112 : index
    %swap3A_2288 = tpu.vector_load %arg15[%swap3A_2286, %swap3A_2287] {strides = array<i32>} : memref<4x256xi32, #tpu.memory_space<vmem>>, vector<1x16xi32>,
    %swap3A_2289 = vector.shape_cast %swap3A_2288 : vector<1x16xi32> to vector<16xi32>
    %swap3A_2290 = vector.shape_cast %select_n3A_2284 : vector<16xi32> to vector<1x16xi32>
    tpu.vector_store %arg15[%swap3A_2286, %swap3A_2287], %swap3A_2290 {strides = array<i32>} : memref<4x256xi32, #tpu.memory_space<vmem>>, vector<1x16xi32>,
    %eq3A_2291 = arith.constant 0xFF800000 : f32
    %eq3A_2292 = vector.broadcast %eq3A_2291 : f32 to vector<16xf32>
    %eq3A_2293 = arith.cmpf oeq, %scan3A_1901#7, %eq3A_2292 : vector<16xf32>
    %jit3A_2294 = arith.constant 0.000000e+00 : f32
    %broadcast_in_dim3A_2295 = vector.broadcast %jit3A_2294 : f32 to vector<16xf32>
    %select_n3A_2296 = arith.select %eq3A_2293, %broadcast_in_dim3A_2295, %get3A_2268 : vector<16xi1>, vector<16xf32>
    %swap3A_2297 = arith.constant 2 : i32
    %swap3A_2298 = arith.index_cast %swap3A_2297 : i32 to index
    %swap3A_2299 = arith.constant 112 : index
    %swap3A_2300 = tpu.vector_load %arg14[%swap3A_2298, %swap3A_2299] {strides = array<i32>} : memref<4x256xf32, #tpu.memory_space<vmem>>, vector<1x16xf32>,
    %swap3A_2301 = vector.shape_cast %swap3A_2300 : vector<1x16xf32> to vector<16xf32>
    %swap3A_2302 = vector.shape_cast %select_n3A_2296 : vector<16xf32> to vector<1x16xf32>
    tpu.vector_store %arg14[%swap3A_2298, %swap3A_2299], %swap3A_2302 {strides = array<i32>} : memref<4x256xf32, #tpu.memory_space<vmem>>, vector<1x16xf32>,
    %get3A_2303 = arith.constant 2 : i32
    %get3A_2304 = arith.index_cast %get3A_2303 : i32 to index
    %get3A_2305 = arith.constant 128 : index
    %get3A_2306 = tpu.vector_load %arg9[%get3A_2304, %get3A_2305] {strides = array<i32>} : memref<4x256xf32, #tpu.memory_space<vmem>>, vector<1x16xf32>,
    %get3A_2307 = vector.shape_cast %get3A_2306 : vector<1x16xf32> to vector<16xf32>
    %get3A_2308 = arith.constant 2 : i32
    %get3A_2309 = arith.index_cast %get3A_2308 : i32 to index
    %get3A_2310 = arith.constant 128 : index
    %get3A_2311 = tpu.vector_load %arg10[%get3A_2309, %get3A_2310] {strides = array<i32>} : memref<4x256xf32, #tpu.memory_space<vmem>>, vector<1x16xf32>,
    %get3A_2312 = vector.shape_cast %get3A_2311 : vector<1x16xf32> to vector<16xf32>
    %ge3A_2313 = arith.cmpf oge, %get3A_2307, %max3A_1950 : vector<16xf32>
    %ne3A_2314 = arith.constant 0.000000e+00 : f32
    %ne3A_2315 = vector.broadcast %ne3A_2314 : f32 to vector<16xf32>
    %ne3A_2316 = arith.cmpf one, %get3A_2312, %ne3A_2315 : vector<16xf32>
    %and3A_2317 = arith.andi %ge3A_2313, %ne3A_2316 : vector<16xi1>
    %get3A_2318 = arith.constant 2 : i32
    %get3A_2319 = arith.index_cast %get3A_2318 : i32 to index
    %get3A_2320 = arith.constant 128 : index
    %get3A_2321 = tpu.vector_load %arg11[%get3A_2319, %get3A_2320] {strides = array<i32>} : memref<4x256xi32, #tpu.memory_space<vmem>>, vector<1x16xi32>,
    %get3A_2322 = vector.shape_cast %get3A_2321 : vector<1x16xi32> to vector<16xi32>
    %get3A_2323 = arith.constant 2 : i32
    %get3A_2324 = arith.index_cast %get3A_2323 : i32 to index
    %get3A_2325 = arith.constant 128 : index
    %get3A_2326 = tpu.vector_load %arg12[%get3A_2324, %get3A_2325] {strides = array<i32>} : memref<4x256xi32, #tpu.memory_space<vmem>>, vector<1x16xi32>,
    %get3A_2327 = vector.shape_cast %get3A_2326 : vector<1x16xi32> to vector<16xi32>
    %select_n3A_2328 = arith.select %and3A_2317, %get3A_2322, %get3A_2327 : vector<16xi1>, vector<16xi32>
    %swap3A_2329 = arith.constant 2 : i32
    %swap3A_2330 = arith.index_cast %swap3A_2329 : i32 to index
    %swap3A_2331 = arith.constant 128 : index
    %swap3A_2332 = tpu.vector_load %arg15[%swap3A_2330, %swap3A_2331] {strides = array<i32>} : memref<4x256xi32, #tpu.memory_space<vmem>>, vector<1x16xi32>,
    %swap3A_2333 = vector.shape_cast %swap3A_2332 : vector<1x16xi32> to vector<16xi32>
    %swap3A_2334 = vector.shape_cast %select_n3A_2328 : vector<16xi32> to vector<1x16xi32>
    tpu.vector_store %arg15[%swap3A_2330, %swap3A_2331], %swap3A_2334 {strides = array<i32>} : memref<4x256xi32, #tpu.memory_space<vmem>>, vector<1x16xi32>,
    %eq3A_2335 = arith.constant 0xFF800000 : f32
    %eq3A_2336 = vector.broadcast %eq3A_2335 : f32 to vector<16xf32>
    %eq3A_2337 = arith.cmpf oeq, %scan3A_1901#8, %eq3A_2336 : vector<16xf32>
    %jit3A_2338 = arith.constant 0.000000e+00 : f32
    %broadcast_in_dim3A_2339 = vector.broadcast %jit3A_2338 : f32 to vector<16xf32>
    %select_n3A_2340 = arith.select %eq3A_2337, %broadcast_in_dim3A_2339, %get3A_2312 : vector<16xi1>, vector<16xf32>
    %swap3A_2341 = arith.constant 2 : i32
    %swap3A_2342 = arith.index_cast %swap3A_2341 : i32 to index
    %swap3A_2343 = arith.constant 128 : index
    %swap3A_2344 = tpu.vector_load %arg14[%swap3A_2342, %swap3A_2343] {strides = array<i32>} : memref<4x256xf32, #tpu.memory_space<vmem>>, vector<1x16xf32>,
    %swap3A_2345 = vector.shape_cast %swap3A_2344 : vector<1x16xf32> to vector<16xf32>
    %swap3A_2346 = vector.shape_cast %select_n3A_2340 : vector<16xf32> to vector<1x16xf32>
    tpu.vector_store %arg14[%swap3A_2342, %swap3A_2343], %swap3A_2346 {strides = array<i32>} : memref<4x256xf32, #tpu.memory_space<vmem>>, vector<1x16xf32>,
    %get3A_2347 = arith.constant 2 : i32
    %get3A_2348 = arith.index_cast %get3A_2347 : i32 to index
    %get3A_2349 = arith.constant 144 : index
    %get3A_2350 = tpu.vector_load %arg9[%get3A_2348, %get3A_2349] {strides = array<i32>} : memref<4x256xf32, #tpu.memory_space<vmem>>, vector<1x16xf32>,
    %get3A_2351 = vector.shape_cast %get3A_2350 : vector<1x16xf32> to vector<16xf32>
    %get3A_2352 = arith.constant 2 : i32
    %get3A_2353 = arith.index_cast %get3A_2352 : i32 to index
    %get3A_2354 = arith.constant 144 : index
    %get3A_2355 = tpu.vector_load %arg10[%get3A_2353, %get3A_2354] {strides = array<i32>} : memref<4x256xf32, #tpu.memory_space<vmem>>, vector<1x16xf32>,
    %get3A_2356 = vector.shape_cast %get3A_2355 : vector<1x16xf32> to vector<16xf32>
    %ge3A_2357 = arith.cmpf oge, %get3A_2351, %max3A_1950 : vector<16xf32>
    %ne3A_2358 = arith.constant 0.000000e+00 : f32
    %ne3A_2359 = vector.broadcast %ne3A_2358 : f32 to vector<16xf32>
    %ne3A_2360 = arith.cmpf one, %get3A_2356, %ne3A_2359 : vector<16xf32>
    %and3A_2361 = arith.andi %ge3A_2357, %ne3A_2360 : vector<16xi1>
    %get3A_2362 = arith.constant 2 : i32
    %get3A_2363 = arith.index_cast %get3A_2362 : i32 to index
    %get3A_2364 = arith.constant 144 : index
    %get3A_2365 = tpu.vector_load %arg11[%get3A_2363, %get3A_2364] {strides = array<i32>} : memref<4x256xi32, #tpu.memory_space<vmem>>, vector<1x16xi32>,
    %get3A_2366 = vector.shape_cast %get3A_2365 : vector<1x16xi32> to vector<16xi32>
    %get3A_2367 = arith.constant 2 : i32
    %get3A_2368 = arith.index_cast %get3A_2367 : i32 to index
    %get3A_2369 = arith.constant 144 : index
    %get3A_2370 = tpu.vector_load %arg12[%get3A_2368, %get3A_2369] {strides = array<i32>} : memref<4x256xi32, #tpu.memory_space<vmem>>, vector<1x16xi32>,
    %get3A_2371 = vector.shape_cast %get3A_2370 : vector<1x16xi32> to vector<16xi32>
    %select_n3A_2372 = arith.select %and3A_2361, %get3A_2366, %get3A_2371 : vector<16xi1>, vector<16xi32>
    %swap3A_2373 = arith.constant 2 : i32
    %swap3A_2374 = arith.index_cast %swap3A_2373 : i32 to index
    %swap3A_2375 = arith.constant 144 : index
    %swap3A_2376 = tpu.vector_load %arg15[%swap3A_2374, %swap3A_2375] {strides = array<i32>} : memref<4x256xi32, #tpu.memory_space<vmem>>, vector<1x16xi32>,
    %swap3A_2377 = vector.shape_cast %swap3A_2376 : vector<1x16xi32> to vector<16xi32>
    %swap3A_2378 = vector.shape_cast %select_n3A_2372 : vector<16xi32> to vector<1x16xi32>
    tpu.vector_store %arg15[%swap3A_2374, %swap3A_2375], %swap3A_2378 {strides = array<i32>} : memref<4x256xi32, #tpu.memory_space<vmem>>, vector<1x16xi32>,
    %eq3A_2379 = arith.constant 0xFF800000 : f32
    %eq3A_2380 = vector.broadcast %eq3A_2379 : f32 to vector<16xf32>
    %eq3A_2381 = arith.cmpf oeq, %scan3A_1901#9, %eq3A_2380 : vector<16xf32>
    %jit3A_2382 = arith.constant 0.000000e+00 : f32
    %broadcast_in_dim3A_2383 = vector.broadcast %jit3A_2382 : f32 to vector<16xf32>
    %select_n3A_2384 = arith.select %eq3A_2381, %broadcast_in_dim3A_2383, %get3A_2356 : vector<16xi1>, vector<16xf32>
    %swap3A_2385 = arith.constant 2 : i32
    %swap3A_2386 = arith.index_cast %swap3A_2385 : i32 to index
    %swap3A_2387 = arith.constant 144 : index
    %swap3A_2388 = tpu.vector_load %arg14[%swap3A_2386, %swap3A_2387] {strides = array<i32>} : memref<4x256xf32, #tpu.memory_space<vmem>>, vector<1x16xf32>,
    %swap3A_2389 = vector.shape_cast %swap3A_2388 : vector<1x16xf32> to vector<16xf32>
    %swap3A_2390 = vector.shape_cast %select_n3A_2384 : vector<16xf32> to vector<1x16xf32>
    tpu.vector_store %arg14[%swap3A_2386, %swap3A_2387], %swap3A_2390 {strides = array<i32>} : memref<4x256xf32, #tpu.memory_space<vmem>>, vector<1x16xf32>,
    %get3A_2391 = arith.constant 2 : i32
    %get3A_2392 = arith.index_cast %get3A_2391 : i32 to index
    %get3A_2393 = arith.constant 160 : index
    %get3A_2394 = tpu.vector_load %arg9[%get3A_2392, %get3A_2393] {strides = array<i32>} : memref<4x256xf32, #tpu.memory_space<vmem>>, vector<1x16xf32>,
    %get3A_2395 = vector.shape_cast %get3A_2394 : vector<1x16xf32> to vector<16xf32>
    %get3A_2396 = arith.constant 2 : i32
    %get3A_2397 = arith.index_cast %get3A_2396 : i32 to index
    %get3A_2398 = arith.constant 160 : index
    %get3A_2399 = tpu.vector_load %arg10[%get3A_2397, %get3A_2398] {strides = array<i32>} : memref<4x256xf32, #tpu.memory_space<vmem>>, vector<1x16xf32>,
    %get3A_2400 = vector.shape_cast %get3A_2399 : vector<1x16xf32> to vector<16xf32>
    %ge3A_2401 = arith.cmpf oge, %get3A_2395, %max3A_1950 : vector<16xf32>
    %ne3A_2402 = arith.constant 0.000000e+00 : f32
    %ne3A_2403 = vector.broadcast %ne3A_2402 : f32 to vector<16xf32>
    %ne3A_2404 = arith.cmpf one, %get3A_2400, %ne3A_2403 : vector<16xf32>
    %and3A_2405 = arith.andi %ge3A_2401, %ne3A_2404 : vector<16xi1>
    %get3A_2406 = arith.constant 2 : i32
    %get3A_2407 = arith.index_cast %get3A_2406 : i32 to index
    %get3A_2408 = arith.constant 160 : index
    %get3A_2409 = tpu.vector_load %arg11[%get3A_2407, %get3A_2408] {strides = array<i32>} : memref<4x256xi32, #tpu.memory_space<vmem>>, vector<1x16xi32>,
    %get3A_2410 = vector.shape_cast %get3A_2409 : vector<1x16xi32> to vector<16xi32>
    %get3A_2411 = arith.constant 2 : i32
    %get3A_2412 = arith.index_cast %get3A_2411 : i32 to index
    %get3A_2413 = arith.constant 160 : index
    %get3A_2414 = tpu.vector_load %arg12[%get3A_2412, %get3A_2413] {strides = array<i32>} : memref<4x256xi32, #tpu.memory_space<vmem>>, vector<1x16xi32>,
    %get3A_2415 = vector.shape_cast %get3A_2414 : vector<1x16xi32> to vector<16xi32>
    %select_n3A_2416 = arith.select %and3A_2405, %get3A_2410, %get3A_2415 : vector<16xi1>, vector<16xi32>
    %swap3A_2417 = arith.constant 2 : i32
    %swap3A_2418 = arith.index_cast %swap3A_2417 : i32 to index
    %swap3A_2419 = arith.constant 160 : index
    %swap3A_2420 = tpu.vector_load %arg15[%swap3A_2418, %swap3A_2419] {strides = array<i32>} : memref<4x256xi32, #tpu.memory_space<vmem>>, vector<1x16xi32>,
    %swap3A_2421 = vector.shape_cast %swap3A_2420 : vector<1x16xi32> to vector<16xi32>
    %swap3A_2422 = vector.shape_cast %select_n3A_2416 : vector<16xi32> to vector<1x16xi32>
    tpu.vector_store %arg15[%swap3A_2418, %swap3A_2419], %swap3A_2422 {strides = array<i32>} : memref<4x256xi32, #tpu.memory_space<vmem>>, vector<1x16xi32>,
    %eq3A_2423 = arith.constant 0xFF800000 : f32
    %eq3A_2424 = vector.broadcast %eq3A_2423 : f32 to vector<16xf32>
    %eq3A_2425 = arith.cmpf oeq, %scan3A_1901#10, %eq3A_2424 : vector<16xf32>
    %jit3A_2426 = arith.constant 0.000000e+00 : f32
    %broadcast_in_dim3A_2427 = vector.broadcast %jit3A_2426 : f32 to vector<16xf32>
    %select_n3A_2428 = arith.select %eq3A_2425, %broadcast_in_dim3A_2427, %get3A_2400 : vector<16xi1>, vector<16xf32>
    %swap3A_2429 = arith.constant 2 : i32
    %swap3A_2430 = arith.index_cast %swap3A_2429 : i32 to index
    %swap3A_2431 = arith.constant 160 : index
    %swap3A_2432 = tpu.vector_load %arg14[%swap3A_2430, %swap3A_2431] {strides = array<i32>} : memref<4x256xf32, #tpu.memory_space<vmem>>, vector<1x16xf32>,
    %swap3A_2433 = vector.shape_cast %swap3A_2432 : vector<1x16xf32> to vector<16xf32>
    %swap3A_2434 = vector.shape_cast %select_n3A_2428 : vector<16xf32> to vector<1x16xf32>
    tpu.vector_store %arg14[%swap3A_2430, %swap3A_2431], %swap3A_2434 {strides = array<i32>} : memref<4x256xf32, #tpu.memory_space<vmem>>, vector<1x16xf32>,
    %get3A_2435 = arith.constant 2 : i32
    %get3A_2436 = arith.index_cast %get3A_2435 : i32 to index
    %get3A_2437 = arith.constant 176 : index
    %get3A_2438 = tpu.vector_load %arg9[%get3A_2436, %get3A_2437] {strides = array<i32>} : memref<4x256xf32, #tpu.memory_space<vmem>>, vector<1x16xf32>,
    %get3A_2439 = vector.shape_cast %get3A_2438 : vector<1x16xf32> to vector<16xf32>
    %get3A_2440 = arith.constant 2 : i32
    %get3A_2441 = arith.index_cast %get3A_2440 : i32 to index
    %get3A_2442 = arith.constant 176 : index
    %get3A_2443 = tpu.vector_load %arg10[%get3A_2441, %get3A_2442] {strides = array<i32>} : memref<4x256xf32, #tpu.memory_space<vmem>>, vector<1x16xf32>,
    %get3A_2444 = vector.shape_cast %get3A_2443 : vector<1x16xf32> to vector<16xf32>
    %ge3A_2445 = arith.cmpf oge, %get3A_2439, %max3A_1950 : vector<16xf32>
    %ne3A_2446 = arith.constant 0.000000e+00 : f32
    %ne3A_2447 = vector.broadcast %ne3A_2446 : f32 to vector<16xf32>
    %ne3A_2448 = arith.cmpf one, %get3A_2444, %ne3A_2447 : vector<16xf32>
    %and3A_2449 = arith.andi %ge3A_2445, %ne3A_2448 : vector<16xi1>
    %get3A_2450 = arith.constant 2 : i32
    %get3A_2451 = arith.index_cast %get3A_2450 : i32 to index
    %get3A_2452 = arith.constant 176 : index
    %get3A_2453 = tpu.vector_load %arg11[%get3A_2451, %get3A_2452] {strides = array<i32>} : memref<4x256xi32, #tpu.memory_space<vmem>>, vector<1x16xi32>,
    %get3A_2454 = vector.shape_cast %get3A_2453 : vector<1x16xi32> to vector<16xi32>
    %get3A_2455 = arith.constant 2 : i32
    %get3A_2456 = arith.index_cast %get3A_2455 : i32 to index
    %get3A_2457 = arith.constant 176 : index
    %get3A_2458 = tpu.vector_load %arg12[%get3A_2456, %get3A_2457] {strides = array<i32>} : memref<4x256xi32, #tpu.memory_space<vmem>>, vector<1x16xi32>,
    %get3A_2459 = vector.shape_cast %get3A_2458 : vector<1x16xi32> to vector<16xi32>
    %select_n3A_2460 = arith.select %and3A_2449, %get3A_2454, %get3A_2459 : vector<16xi1>, vector<16xi32>
    %swap3A_2461 = arith.constant 2 : i32
    %swap3A_2462 = arith.index_cast %swap3A_2461 : i32 to index
    %swap3A_2463 = arith.constant 176 : index
    %swap3A_2464 = tpu.vector_load %arg15[%swap3A_2462, %swap3A_2463] {strides = array<i32>} : memref<4x256xi32, #tpu.memory_space<vmem>>, vector<1x16xi32>,
    %swap3A_2465 = vector.shape_cast %swap3A_2464 : vector<1x16xi32> to vector<16xi32>
    %swap3A_2466 = vector.shape_cast %select_n3A_2460 : vector<16xi32> to vector<1x16xi32>
    tpu.vector_store %arg15[%swap3A_2462, %swap3A_2463], %swap3A_2466 {strides = array<i32>} : memref<4x256xi32, #tpu.memory_space<vmem>>, vector<1x16xi32>,
    %eq3A_2467 = arith.constant 0xFF800000 : f32
    %eq3A_2468 = vector.broadcast %eq3A_2467 : f32 to vector<16xf32>
    %eq3A_2469 = arith.cmpf oeq, %scan3A_1901#11, %eq3A_2468 : vector<16xf32>
    %jit3A_2470 = arith.constant 0.000000e+00 : f32
    %broadcast_in_dim3A_2471 = vector.broadcast %jit3A_2470 : f32 to vector<16xf32>
    %select_n3A_2472 = arith.select %eq3A_2469, %broadcast_in_dim3A_2471, %get3A_2444 : vector<16xi1>, vector<16xf32>
    %swap3A_2473 = arith.constant 2 : i32
    %swap3A_2474 = arith.index_cast %swap3A_2473 : i32 to index
    %swap3A_2475 = arith.constant 176 : index
    %swap3A_2476 = tpu.vector_load %arg14[%swap3A_2474, %swap3A_2475] {strides = array<i32>} : memref<4x256xf32, #tpu.memory_space<vmem>>, vector<1x16xf32>,
    %swap3A_2477 = vector.shape_cast %swap3A_2476 : vector<1x16xf32> to vector<16xf32>
    %swap3A_2478 = vector.shape_cast %select_n3A_2472 : vector<16xf32> to vector<1x16xf32>
    tpu.vector_store %arg14[%swap3A_2474, %swap3A_2475], %swap3A_2478 {strides = array<i32>} : memref<4x256xf32, #tpu.memory_space<vmem>>, vector<1x16xf32>,
    %get3A_2479 = arith.constant 2 : i32
    %get3A_2480 = arith.index_cast %get3A_2479 : i32 to index
    %get3A_2481 = arith.constant 192 : index
    %get3A_2482 = tpu.vector_load %arg9[%get3A_2480, %get3A_2481] {strides = array<i32>} : memref<4x256xf32, #tpu.memory_space<vmem>>, vector<1x16xf32>,
    %get3A_2483 = vector.shape_cast %get3A_2482 : vector<1x16xf32> to vector<16xf32>
    %get3A_2484 = arith.constant 2 : i32
    %get3A_2485 = arith.index_cast %get3A_2484 : i32 to index
    %get3A_2486 = arith.constant 192 : index
    %get3A_2487 = tpu.vector_load %arg10[%get3A_2485, %get3A_2486] {strides = array<i32>} : memref<4x256xf32, #tpu.memory_space<vmem>>, vector<1x16xf32>,
    %get3A_2488 = vector.shape_cast %get3A_2487 : vector<1x16xf32> to vector<16xf32>
    %ge3A_2489 = arith.cmpf oge, %get3A_2483, %max3A_1950 : vector<16xf32>
    %ne3A_2490 = arith.constant 0.000000e+00 : f32
    %ne3A_2491 = vector.broadcast %ne3A_2490 : f32 to vector<16xf32>
    %ne3A_2492 = arith.cmpf one, %get3A_2488, %ne3A_2491 : vector<16xf32>
    %and3A_2493 = arith.andi %ge3A_2489, %ne3A_2492 : vector<16xi1>
    %get3A_2494 = arith.constant 2 : i32
    %get3A_2495 = arith.index_cast %get3A_2494 : i32 to index
    %get3A_2496 = arith.constant 192 : index
    %get3A_2497 = tpu.vector_load %arg11[%get3A_2495, %get3A_2496] {strides = array<i32>} : memref<4x256xi32, #tpu.memory_space<vmem>>, vector<1x16xi32>,
    %get3A_2498 = vector.shape_cast %get3A_2497 : vector<1x16xi32> to vector<16xi32>
    %get3A_2499 = arith.constant 2 : i32
    %get3A_2500 = arith.index_cast %get3A_2499 : i32 to index
    %get3A_2501 = arith.constant 192 : index
    %get3A_2502 = tpu.vector_load %arg12[%get3A_2500, %get3A_2501] {strides = array<i32>} : memref<4x256xi32, #tpu.memory_space<vmem>>, vector<1x16xi32>,
    %get3A_2503 = vector.shape_cast %get3A_2502 : vector<1x16xi32> to vector<16xi32>
    %select_n3A_2504 = arith.select %and3A_2493, %get3A_2498, %get3A_2503 : vector<16xi1>, vector<16xi32>
    %swap3A_2505 = arith.constant 2 : i32
    %swap3A_2506 = arith.index_cast %swap3A_2505 : i32 to index
    %swap3A_2507 = arith.constant 192 : index
    %swap3A_2508 = tpu.vector_load %arg15[%swap3A_2506, %swap3A_2507] {strides = array<i32>} : memref<4x256xi32, #tpu.memory_space<vmem>>, vector<1x16xi32>,
    %swap3A_2509 = vector.shape_cast %swap3A_2508 : vector<1x16xi32> to vector<16xi32>
    %swap3A_2510 = vector.shape_cast %select_n3A_2504 : vector<16xi32> to vector<1x16xi32>
    tpu.vector_store %arg15[%swap3A_2506, %swap3A_2507], %swap3A_2510 {strides = array<i32>} : memref<4x256xi32, #tpu.memory_space<vmem>>, vector<1x16xi32>,
    %eq3A_2511 = arith.constant 0xFF800000 : f32
    %eq3A_2512 = vector.broadcast %eq3A_2511 : f32 to vector<16xf32>
    %eq3A_2513 = arith.cmpf oeq, %scan3A_1901#12, %eq3A_2512 : vector<16xf32>
    %jit3A_2514 = arith.constant 0.000000e+00 : f32
    %broadcast_in_dim3A_2515 = vector.broadcast %jit3A_2514 : f32 to vector<16xf32>
    %select_n3A_2516 = arith.select %eq3A_2513, %broadcast_in_dim3A_2515, %get3A_2488 : vector<16xi1>, vector<16xf32>
    %swap3A_2517 = arith.constant 2 : i32
    %swap3A_2518 = arith.index_cast %swap3A_2517 : i32 to index
    %swap3A_2519 = arith.constant 192 : index
    %swap3A_2520 = tpu.vector_load %arg14[%swap3A_2518, %swap3A_2519] {strides = array<i32>} : memref<4x256xf32, #tpu.memory_space<vmem>>, vector<1x16xf32>,
    %swap3A_2521 = vector.shape_cast %swap3A_2520 : vector<1x16xf32> to vector<16xf32>
    %swap3A_2522 = vector.shape_cast %select_n3A_2516 : vector<16xf32> to vector<1x16xf32>
    tpu.vector_store %arg14[%swap3A_2518, %swap3A_2519], %swap3A_2522 {strides = array<i32>} : memref<4x256xf32, #tpu.memory_space<vmem>>, vector<1x16xf32>,
    %get3A_2523 = arith.constant 2 : i32
    %get3A_2524 = arith.index_cast %get3A_2523 : i32 to index
    %get3A_2525 = arith.constant 208 : index
    %get3A_2526 = tpu.vector_load %arg9[%get3A_2524, %get3A_2525] {strides = array<i32>} : memref<4x256xf32, #tpu.memory_space<vmem>>, vector<1x16xf32>,
    %get3A_2527 = vector.shape_cast %get3A_2526 : vector<1x16xf32> to vector<16xf32>
    %get3A_2528 = arith.constant 2 : i32
    %get3A_2529 = arith.index_cast %get3A_2528 : i32 to index
    %get3A_2530 = arith.constant 208 : index
    %get3A_2531 = tpu.vector_load %arg10[%get3A_2529, %get3A_2530] {strides = array<i32>} : memref<4x256xf32, #tpu.memory_space<vmem>>, vector<1x16xf32>,
    %get3A_2532 = vector.shape_cast %get3A_2531 : vector<1x16xf32> to vector<16xf32>
    %ge3A_2533 = arith.cmpf oge, %get3A_2527, %max3A_1950 : vector<16xf32>
    %ne3A_2534 = arith.constant 0.000000e+00 : f32
    %ne3A_2535 = vector.broadcast %ne3A_2534 : f32 to vector<16xf32>
    %ne3A_2536 = arith.cmpf one, %get3A_2532, %ne3A_2535 : vector<16xf32>
    %and3A_2537 = arith.andi %ge3A_2533, %ne3A_2536 : vector<16xi1>
    %get3A_2538 = arith.constant 2 : i32
    %get3A_2539 = arith.index_cast %get3A_2538 : i32 to index
    %get3A_2540 = arith.constant 208 : index
    %get3A_2541 = tpu.vector_load %arg11[%get3A_2539, %get3A_2540] {strides = array<i32>} : memref<4x256xi32, #tpu.memory_space<vmem>>, vector<1x16xi32>,
    %get3A_2542 = vector.shape_cast %get3A_2541 : vector<1x16xi32> to vector<16xi32>
    %get3A_2543 = arith.constant 2 : i32
    %get3A_2544 = arith.index_cast %get3A_2543 : i32 to index
    %get3A_2545 = arith.constant 208 : index
    %get3A_2546 = tpu.vector_load %arg12[%get3A_2544, %get3A_2545] {strides = array<i32>} : memref<4x256xi32, #tpu.memory_space<vmem>>, vector<1x16xi32>,
    %get3A_2547 = vector.shape_cast %get3A_2546 : vector<1x16xi32> to vector<16xi32>
    %select_n3A_2548 = arith.select %and3A_2537, %get3A_2542, %get3A_2547 : vector<16xi1>, vector<16xi32>
    %swap3A_2549 = arith.constant 2 : i32
    %swap3A_2550 = arith.index_cast %swap3A_2549 : i32 to index
    %swap3A_2551 = arith.constant 208 : index
    %swap3A_2552 = tpu.vector_load %arg15[%swap3A_2550, %swap3A_2551] {strides = array<i32>} : memref<4x256xi32, #tpu.memory_space<vmem>>, vector<1x16xi32>,
    %swap3A_2553 = vector.shape_cast %swap3A_2552 : vector<1x16xi32> to vector<16xi32>
    %swap3A_2554 = vector.shape_cast %select_n3A_2548 : vector<16xi32> to vector<1x16xi32>
    tpu.vector_store %arg15[%swap3A_2550, %swap3A_2551], %swap3A_2554 {strides = array<i32>} : memref<4x256xi32, #tpu.memory_space<vmem>>, vector<1x16xi32>,
    %eq3A_2555 = arith.constant 0xFF800000 : f32
    %eq3A_2556 = vector.broadcast %eq3A_2555 : f32 to vector<16xf32>
    %eq3A_2557 = arith.cmpf oeq, %scan3A_1901#13, %eq3A_2556 : vector<16xf32>
    %jit3A_2558 = arith.constant 0.000000e+00 : f32
    %broadcast_in_dim3A_2559 = vector.broadcast %jit3A_2558 : f32 to vector<16xf32>
    %select_n3A_2560 = arith.select %eq3A_2557, %broadcast_in_dim3A_2559, %get3A_2532 : vector<16xi1>, vector<16xf32>
    %swap3A_2561 = arith.constant 2 : i32
    %swap3A_2562 = arith.index_cast %swap3A_2561 : i32 to index
    %swap3A_2563 = arith.constant 208 : index
    %swap3A_2564 = tpu.vector_load %arg14[%swap3A_2562, %swap3A_2563] {strides = array<i32>} : memref<4x256xf32, #tpu.memory_space<vmem>>, vector<1x16xf32>,
    %swap3A_2565 = vector.shape_cast %swap3A_2564 : vector<1x16xf32> to vector<16xf32>
    %swap3A_2566 = vector.shape_cast %select_n3A_2560 : vector<16xf32> to vector<1x16xf32>
    tpu.vector_store %arg14[%swap3A_2562, %swap3A_2563], %swap3A_2566 {strides = array<i32>} : memref<4x256xf32, #tpu.memory_space<vmem>>, vector<1x16xf32>,
    %get3A_2567 = arith.constant 2 : i32
    %get3A_2568 = arith.index_cast %get3A_2567 : i32 to index
    %get3A_2569 = arith.constant 224 : index
    %get3A_2570 = tpu.vector_load %arg9[%get3A_2568, %get3A_2569] {strides = array<i32>} : memref<4x256xf32, #tpu.memory_space<vmem>>, vector<1x16xf32>,
    %get3A_2571 = vector.shape_cast %get3A_2570 : vector<1x16xf32> to vector<16xf32>
    %get3A_2572 = arith.constant 2 : i32
    %get3A_2573 = arith.index_cast %get3A_2572 : i32 to index
    %get3A_2574 = arith.constant 224 : index
    %get3A_2575 = tpu.vector_load %arg10[%get3A_2573, %get3A_2574] {strides = array<i32>} : memref<4x256xf32, #tpu.memory_space<vmem>>, vector<1x16xf32>,
    %get3A_2576 = vector.shape_cast %get3A_2575 : vector<1x16xf32> to vector<16xf32>
    %ge3A_2577 = arith.cmpf oge, %get3A_2571, %max3A_1950 : vector<16xf32>
    %ne3A_2578 = arith.constant 0.000000e+00 : f32
    %ne3A_2579 = vector.broadcast %ne3A_2578 : f32 to vector<16xf32>
    %ne3A_2580 = arith.cmpf one, %get3A_2576, %ne3A_2579 : vector<16xf32>
    %and3A_2581 = arith.andi %ge3A_2577, %ne3A_2580 : vector<16xi1>
    %get3A_2582 = arith.constant 2 : i32
    %get3A_2583 = arith.index_cast %get3A_2582 : i32 to index
    %get3A_2584 = arith.constant 224 : index
    %get3A_2585 = tpu.vector_load %arg11[%get3A_2583, %get3A_2584] {strides = array<i32>} : memref<4x256xi32, #tpu.memory_space<vmem>>, vector<1x16xi32>,
    %get3A_2586 = vector.shape_cast %get3A_2585 : vector<1x16xi32> to vector<16xi32>
    %get3A_2587 = arith.constant 2 : i32
    %get3A_2588 = arith.index_cast %get3A_2587 : i32 to index
    %get3A_2589 = arith.constant 224 : index
    %get3A_2590 = tpu.vector_load %arg12[%get3A_2588, %get3A_2589] {strides = array<i32>} : memref<4x256xi32, #tpu.memory_space<vmem>>, vector<1x16xi32>,
    %get3A_2591 = vector.shape_cast %get3A_2590 : vector<1x16xi32> to vector<16xi32>
    %select_n3A_2592 = arith.select %and3A_2581, %get3A_2586, %get3A_2591 : vector<16xi1>, vector<16xi32>
    %swap3A_2593 = arith.constant 2 : i32
    %swap3A_2594 = arith.index_cast %swap3A_2593 : i32 to index
    %swap3A_2595 = arith.constant 224 : index
    %swap3A_2596 = tpu.vector_load %arg15[%swap3A_2594, %swap3A_2595] {strides = array<i32>} : memref<4x256xi32, #tpu.memory_space<vmem>>, vector<1x16xi32>,
    %swap3A_2597 = vector.shape_cast %swap3A_2596 : vector<1x16xi32> to vector<16xi32>
    %swap3A_2598 = vector.shape_cast %select_n3A_2592 : vector<16xi32> to vector<1x16xi32>
    tpu.vector_store %arg15[%swap3A_2594, %swap3A_2595], %swap3A_2598 {strides = array<i32>} : memref<4x256xi32, #tpu.memory_space<vmem>>, vector<1x16xi32>,
    %eq3A_2599 = arith.constant 0xFF800000 : f32
    %eq3A_2600 = vector.broadcast %eq3A_2599 : f32 to vector<16xf32>
    %eq3A_2601 = arith.cmpf oeq, %scan3A_1901#14, %eq3A_2600 : vector<16xf32>
    %jit3A_2602 = arith.constant 0.000000e+00 : f32
    %broadcast_in_dim3A_2603 = vector.broadcast %jit3A_2602 : f32 to vector<16xf32>
    %select_n3A_2604 = arith.select %eq3A_2601, %broadcast_in_dim3A_2603, %get3A_2576 : vector<16xi1>, vector<16xf32>
    %swap3A_2605 = arith.constant 2 : i32
    %swap3A_2606 = arith.index_cast %swap3A_2605 : i32 to index
    %swap3A_2607 = arith.constant 224 : index
    %swap3A_2608 = tpu.vector_load %arg14[%swap3A_2606, %swap3A_2607] {strides = array<i32>} : memref<4x256xf32, #tpu.memory_space<vmem>>, vector<1x16xf32>,
    %swap3A_2609 = vector.shape_cast %swap3A_2608 : vector<1x16xf32> to vector<16xf32>
    %swap3A_2610 = vector.shape_cast %select_n3A_2604 : vector<16xf32> to vector<1x16xf32>
    tpu.vector_store %arg14[%swap3A_2606, %swap3A_2607], %swap3A_2610 {strides = array<i32>} : memref<4x256xf32, #tpu.memory_space<vmem>>, vector<1x16xf32>,
    %get3A_2611 = arith.constant 2 : i32
    %get3A_2612 = arith.index_cast %get3A_2611 : i32 to index
    %get3A_2613 = arith.constant 240 : index
    %get3A_2614 = tpu.vector_load %arg9[%get3A_2612, %get3A_2613] {strides = array<i32>} : memref<4x256xf32, #tpu.memory_space<vmem>>, vector<1x16xf32>,
    %get3A_2615 = vector.shape_cast %get3A_2614 : vector<1x16xf32> to vector<16xf32>
    %get3A_2616 = arith.constant 2 : i32
    %get3A_2617 = arith.index_cast %get3A_2616 : i32 to index
    %get3A_2618 = arith.constant 240 : index
    %get3A_2619 = tpu.vector_load %arg10[%get3A_2617, %get3A_2618] {strides = array<i32>} : memref<4x256xf32, #tpu.memory_space<vmem>>, vector<1x16xf32>,
    %get3A_2620 = vector.shape_cast %get3A_2619 : vector<1x16xf32> to vector<16xf32>
    %ge3A_2621 = arith.cmpf oge, %get3A_2615, %max3A_1950 : vector<16xf32>
    %ne3A_2622 = arith.constant 0.000000e+00 : f32
    %ne3A_2623 = vector.broadcast %ne3A_2622 : f32 to vector<16xf32>
    %ne3A_2624 = arith.cmpf one, %get3A_2620, %ne3A_2623 : vector<16xf32>
    %and3A_2625 = arith.andi %ge3A_2621, %ne3A_2624 : vector<16xi1>
    %get3A_2626 = arith.constant 2 : i32
    %get3A_2627 = arith.index_cast %get3A_2626 : i32 to index
    %get3A_2628 = arith.constant 240 : index
    %get3A_2629 = tpu.vector_load %arg11[%get3A_2627, %get3A_2628] {strides = array<i32>} : memref<4x256xi32, #tpu.memory_space<vmem>>, vector<1x16xi32>,
    %get3A_2630 = vector.shape_cast %get3A_2629 : vector<1x16xi32> to vector<16xi32>
    %get3A_2631 = arith.constant 2 : i32
    %get3A_2632 = arith.index_cast %get3A_2631 : i32 to index
    %get3A_2633 = arith.constant 240 : index
    %get3A_2634 = tpu.vector_load %arg12[%get3A_2632, %get3A_2633] {strides = array<i32>} : memref<4x256xi32, #tpu.memory_space<vmem>>, vector<1x16xi32>,
    %get3A_2635 = vector.shape_cast %get3A_2634 : vector<1x16xi32> to vector<16xi32>
    %select_n3A_2636 = arith.select %and3A_2625, %get3A_2630, %get3A_2635 : vector<16xi1>, vector<16xi32>
    %swap3A_2637 = arith.constant 2 : i32
    %swap3A_2638 = arith.index_cast %swap3A_2637 : i32 to index
    %swap3A_2639 = arith.constant 240 : index
    %swap3A_2640 = tpu.vector_load %arg15[%swap3A_2638, %swap3A_2639] {strides = array<i32>} : memref<4x256xi32, #tpu.memory_space<vmem>>, vector<1x16xi32>,
    %swap3A_2641 = vector.shape_cast %swap3A_2640 : vector<1x16xi32> to vector<16xi32>
    %swap3A_2642 = vector.shape_cast %select_n3A_2636 : vector<16xi32> to vector<1x16xi32>
    tpu.vector_store %arg15[%swap3A_2638, %swap3A_2639], %swap3A_2642 {strides = array<i32>} : memref<4x256xi32, #tpu.memory_space<vmem>>, vector<1x16xi32>,
    %eq3A_2643 = arith.constant 0xFF800000 : f32
    %eq3A_2644 = vector.broadcast %eq3A_2643 : f32 to vector<16xf32>
    %eq3A_2645 = arith.cmpf oeq, %scan3A_1901#15, %eq3A_2644 : vector<16xf32>
    %jit3A_2646 = arith.constant 0.000000e+00 : f32
    %broadcast_in_dim3A_2647 = vector.broadcast %jit3A_2646 : f32 to vector<16xf32>
    %select_n3A_2648 = arith.select %eq3A_2645, %broadcast_in_dim3A_2647, %get3A_2620 : vector<16xi1>, vector<16xf32>
    %swap3A_2649 = arith.constant 2 : i32
    %swap3A_2650 = arith.index_cast %swap3A_2649 : i32 to index
    %swap3A_2651 = arith.constant 240 : index
    %swap3A_2652 = tpu.vector_load %arg14[%swap3A_2650, %swap3A_2651] {strides = array<i32>} : memref<4x256xf32, #tpu.memory_space<vmem>>, vector<1x16xf32>,
    %swap3A_2653 = vector.shape_cast %swap3A_2652 : vector<1x16xf32> to vector<16xf32>
    %swap3A_2654 = vector.shape_cast %select_n3A_2648 : vector<16xf32> to vector<1x16xf32>
    tpu.vector_store %arg14[%swap3A_2650, %swap3A_2651], %swap3A_2654 {strides = array<i32>} : memref<4x256xf32, #tpu.memory_space<vmem>>, vector<1x16xf32>,
    %swap3A_2655 = arith.constant 2 : i32
    %swap3A_2656 = arith.index_cast %swap3A_2655 : i32 to index
    %swap3A_2657 = arith.constant 0 : index
    %swap3A_2658 = tpu.vector_load %arg16[%swap3A_2656, %swap3A_2657] {strides = array<i32>} : memref<4x32xf32, #tpu.memory_space<vmem>>, vector<1x16xf32>,
    %swap3A_2659 = vector.shape_cast %swap3A_2658 : vector<1x16xf32> to vector<16xf32>
    %swap3A_2660 = vector.shape_cast %scan3A_1901#32 : vector<16xf32> to vector<1x16xf32>
    tpu.vector_store %arg16[%swap3A_2656, %swap3A_2657], %swap3A_2660 {strides = array<i32>} : memref<4x32xf32, #tpu.memory_space<vmem>>, vector<1x16xf32>,
    %swap3A_2661 = arith.constant 2 : i32
    %swap3A_2662 = arith.index_cast %swap3A_2661 : i32 to index
    %swap3A_2663 = arith.constant 16 : index
    %swap3A_2664 = tpu.vector_load %arg16[%swap3A_2662, %swap3A_2663] {strides = array<i32>} : memref<4x32xf32, #tpu.memory_space<vmem>>, vector<1x16xf32>,
    %swap3A_2665 = vector.shape_cast %swap3A_2664 : vector<1x16xf32> to vector<16xf32>
    %swap3A_2666 = vector.shape_cast %scan3A_1901#33 : vector<16xf32> to vector<1x16xf32>
    tpu.vector_store %arg16[%swap3A_2662, %swap3A_2663], %swap3A_2666 {strides = array<i32>} : memref<4x32xf32, #tpu.memory_space<vmem>>, vector<1x16xf32>,
    %eq3A_2667 = arith.constant 15 : i32
    %eq3A_2668 = vector.broadcast %eq3A_2667 : i32 to vector<16xi32>
    %eq3A_2669 = arith.cmpi eq, %iota3A, %eq3A_2668 : vector<16xi32>
    %jit3A_2670 = arith.constant 0xFF800000 : f32
    %broadcast_in_dim3A_2671 = vector.broadcast %jit3A_2670 : f32 to vector<16xf32>
    %select_n3A_2672 = arith.select %eq3A_2669, %scan3A_1901#35, %broadcast_in_dim3A_2671 : vector<16xi1>, vector<16xf32>
    %rev3A_2673 = arith.constant 15 : i32
    %rev3A_2674 = vector.broadcast %rev3A_2673 : i32 to vector<16xi32>
    %rev3A_2675 = tpu.iota {dimensions = array<i32: 0>} : vector<16xi32>
    %rev3A_2676 = arith.subi %rev3A_2674, %rev3A_2675 : vector<16xi32>
    %rev3A_2677 = tpu.dynamic_gather %select_n3A_2672[%rev3A_2676] in [0] : vector<16xf32>, vector<16xi32> -> vector<16xf32>
    %max3A_2678 = arith.maximumf %select_n3A_2672, %rev3A_2677 : vector<16xf32>
    %swap3A_2679 = arith.constant 16 : index
    %swap3A_2680 = tpu.vector_load %arg13[%swap3A_2679] {strides = array<i32>} : memref<96xf32, #tpu.memory_space<vmem>>, vector<16xf32>,
    %swap3A_2681 = vector.shape_cast %swap3A_2680 : vector<16xf32> to vector<16xf32>
    %swap3A_2682 = vector.shape_cast %max3A_2678 : vector<16xf32> to vector<16xf32>
    tpu.vector_store %arg13[%swap3A_2679], %swap3A_2682 {strides = array<i32>} : memref<96xf32, #tpu.memory_space<vmem>>, vector<16xf32>,
    %get3A_2683 = arith.constant 15 : index
    %get3A_2684 = tpu.vector_load %arg13[%get3A_2683] {strides = array<i32>} : memref<96xf32, #tpu.memory_space<vmem>>, vector<16xf32>,
    %get3A_2685 = vector.shape_cast %get3A_2684 : vector<16xf32> to vector<16xf32>
    %get3A_2686 = arith.constant 17 : index
    %get3A_2687 = tpu.vector_load %arg13[%get3A_2686] {strides = array<i32>} : memref<96xf32, #tpu.memory_space<vmem>>, vector<16xf32>,
    %get3A_2688 = vector.shape_cast %get3A_2687 : vector<16xf32> to vector<16xf32>
    %max3A_2689 = arith.maximumf %max3A_2678, %get3A_2685 : vector<16xf32>
    %max3A_2690 = arith.maximumf %max3A_2689, %get3A_2688 : vector<16xf32>
    %swap3A_2691 = arith.constant 16 : index
    %swap3A_2692 = tpu.vector_load %arg13[%swap3A_2691] {strides = array<i32>} : memref<96xf32, #tpu.memory_space<vmem>>, vector<16xf32>,
    %swap3A_2693 = vector.shape_cast %swap3A_2692 : vector<16xf32> to vector<16xf32>
    %swap3A_2694 = vector.shape_cast %max3A_2690 : vector<16xf32> to vector<16xf32>
    tpu.vector_store %arg13[%swap3A_2691], %swap3A_2694 {strides = array<i32>} : memref<96xf32, #tpu.memory_space<vmem>>, vector<16xf32>,
    %get3A_2695 = arith.constant 14 : index
    %get3A_2696 = tpu.vector_load %arg13[%get3A_2695] {strides = array<i32>} : memref<96xf32, #tpu.memory_space<vmem>>, vector<16xf32>,
    %get3A_2697 = vector.shape_cast %get3A_2696 : vector<16xf32> to vector<16xf32>
    %get3A_2698 = arith.constant 18 : index
    %get3A_2699 = tpu.vector_load %arg13[%get3A_2698] {strides = array<i32>} : memref<96xf32, #tpu.memory_space<vmem>>, vector<16xf32>,
    %get3A_2700 = vector.shape_cast %get3A_2699 : vector<16xf32> to vector<16xf32>
    %max3A_2701 = arith.maximumf %max3A_2690, %get3A_2697 : vector<16xf32>
    %max3A_2702 = arith.maximumf %max3A_2701, %get3A_2700 : vector<16xf32>
    %swap3A_2703 = arith.constant 16 : index
    %swap3A_2704 = tpu.vector_load %arg13[%swap3A_2703] {strides = array<i32>} : memref<96xf32, #tpu.memory_space<vmem>>, vector<16xf32>,
    %swap3A_2705 = vector.shape_cast %swap3A_2704 : vector<16xf32> to vector<16xf32>
    %swap3A_2706 = vector.shape_cast %max3A_2702 : vector<16xf32> to vector<16xf32>
    tpu.vector_store %arg13[%swap3A_2703], %swap3A_2706 {strides = array<i32>} : memref<96xf32, #tpu.memory_space<vmem>>, vector<16xf32>,
    %get3A_2707 = arith.constant 12 : index
    %get3A_2708 = tpu.vector_load %arg13[%get3A_2707] {strides = array<i32>} : memref<96xf32, #tpu.memory_space<vmem>>, vector<16xf32>,
    %get3A_2709 = vector.shape_cast %get3A_2708 : vector<16xf32> to vector<16xf32>
    %get3A_2710 = arith.constant 20 : index
    %get3A_2711 = tpu.vector_load %arg13[%get3A_2710] {strides = array<i32>} : memref<96xf32, #tpu.memory_space<vmem>>, vector<16xf32>,
    %get3A_2712 = vector.shape_cast %get3A_2711 : vector<16xf32> to vector<16xf32>
    %max3A_2713 = arith.maximumf %max3A_2702, %get3A_2709 : vector<16xf32>
    %max3A_2714 = arith.maximumf %max3A_2713, %get3A_2712 : vector<16xf32>
    %get3A_2715 = arith.constant 3 : i32
    %get3A_2716 = arith.index_cast %get3A_2715 : i32 to index
    %get3A_2717 = arith.constant 0 : index
    %get3A_2718 = tpu.vector_load %arg9[%get3A_2716, %get3A_2717] {strides = array<i32>} : memref<4x256xf32, #tpu.memory_space<vmem>>, vector<1x16xf32>,
    %get3A_2719 = vector.shape_cast %get3A_2718 : vector<1x16xf32> to vector<16xf32>
    %get3A_2720 = arith.constant 3 : i32
    %get3A_2721 = arith.index_cast %get3A_2720 : i32 to index
    %get3A_2722 = arith.constant 0 : index
    %get3A_2723 = tpu.vector_load %arg10[%get3A_2721, %get3A_2722] {strides = array<i32>} : memref<4x256xf32, #tpu.memory_space<vmem>>, vector<1x16xf32>,
    %get3A_2724 = vector.shape_cast %get3A_2723 : vector<1x16xf32> to vector<16xf32>
    %ge3A_2725 = arith.cmpf oge, %get3A_2719, %max3A_2714 : vector<16xf32>
    %ne3A_2726 = arith.constant 0.000000e+00 : f32
    %ne3A_2727 = vector.broadcast %ne3A_2726 : f32 to vector<16xf32>
    %ne3A_2728 = arith.cmpf one, %get3A_2724, %ne3A_2727 : vector<16xf32>
    %and3A_2729 = arith.andi %ge3A_2725, %ne3A_2728 : vector<16xi1>
    %get3A_2730 = arith.constant 3 : i32
    %get3A_2731 = arith.index_cast %get3A_2730 : i32 to index
    %get3A_2732 = arith.constant 0 : index
    %get3A_2733 = tpu.vector_load %arg11[%get3A_2731, %get3A_2732] {strides = array<i32>} : memref<4x256xi32, #tpu.memory_space<vmem>>, vector<1x16xi32>,
    %get3A_2734 = vector.shape_cast %get3A_2733 : vector<1x16xi32> to vector<16xi32>
    %get3A_2735 = arith.constant 3 : i32
    %get3A_2736 = arith.index_cast %get3A_2735 : i32 to index
    %get3A_2737 = arith.constant 0 : index
    %get3A_2738 = tpu.vector_load %arg12[%get3A_2736, %get3A_2737] {strides = array<i32>} : memref<4x256xi32, #tpu.memory_space<vmem>>, vector<1x16xi32>,
    %get3A_2739 = vector.shape_cast %get3A_2738 : vector<1x16xi32> to vector<16xi32>
    %select_n3A_2740 = arith.select %and3A_2729, %get3A_2734, %get3A_2739 : vector<16xi1>, vector<16xi32>
    %swap3A_2741 = arith.constant 3 : i32
    %swap3A_2742 = arith.index_cast %swap3A_2741 : i32 to index
    %swap3A_2743 = arith.constant 0 : index
    %swap3A_2744 = tpu.vector_load %arg15[%swap3A_2742, %swap3A_2743] {strides = array<i32>} : memref<4x256xi32, #tpu.memory_space<vmem>>, vector<1x16xi32>,
    %swap3A_2745 = vector.shape_cast %swap3A_2744 : vector<1x16xi32> to vector<16xi32>
    %swap3A_2746 = vector.shape_cast %select_n3A_2740 : vector<16xi32> to vector<1x16xi32>
    tpu.vector_store %arg15[%swap3A_2742, %swap3A_2743], %swap3A_2746 {strides = array<i32>} : memref<4x256xi32, #tpu.memory_space<vmem>>, vector<1x16xi32>,
    %eq3A_2747 = arith.constant 0xFF800000 : f32
    %eq3A_2748 = vector.broadcast %eq3A_2747 : f32 to vector<16xf32>
    %eq3A_2749 = arith.cmpf oeq, %scan3A_1901#16, %eq3A_2748 : vector<16xf32>
    %jit3A_2750 = arith.constant 0.000000e+00 : f32
    %broadcast_in_dim3A_2751 = vector.broadcast %jit3A_2750 : f32 to vector<16xf32>
    %select_n3A_2752 = arith.select %eq3A_2749, %broadcast_in_dim3A_2751, %get3A_2724 : vector<16xi1>, vector<16xf32>
    %swap3A_2753 = arith.constant 3 : i32
    %swap3A_2754 = arith.index_cast %swap3A_2753 : i32 to index
    %swap3A_2755 = arith.constant 0 : index
    %swap3A_2756 = tpu.vector_load %arg14[%swap3A_2754, %swap3A_2755] {strides = array<i32>} : memref<4x256xf32, #tpu.memory_space<vmem>>, vector<1x16xf32>,
    %swap3A_2757 = vector.shape_cast %swap3A_2756 : vector<1x16xf32> to vector<16xf32>
    %swap3A_2758 = vector.shape_cast %select_n3A_2752 : vector<16xf32> to vector<1x16xf32>
    tpu.vector_store %arg14[%swap3A_2754, %swap3A_2755], %swap3A_2758 {strides = array<i32>} : memref<4x256xf32, #tpu.memory_space<vmem>>, vector<1x16xf32>,
    %get3A_2759 = arith.constant 3 : i32
    %get3A_2760 = arith.index_cast %get3A_2759 : i32 to index
    %get3A_2761 = arith.constant 16 : index
    %get3A_2762 = tpu.vector_load %arg9[%get3A_2760, %get3A_2761] {strides = array<i32>} : memref<4x256xf32, #tpu.memory_space<vmem>>, vector<1x16xf32>,
    %get3A_2763 = vector.shape_cast %get3A_2762 : vector<1x16xf32> to vector<16xf32>
    %get3A_2764 = arith.constant 3 : i32
    %get3A_2765 = arith.index_cast %get3A_2764 : i32 to index
    %get3A_2766 = arith.constant 16 : index
    %get3A_2767 = tpu.vector_load %arg10[%get3A_2765, %get3A_2766] {strides = array<i32>} : memref<4x256xf32, #tpu.memory_space<vmem>>, vector<1x16xf32>,
    %get3A_2768 = vector.shape_cast %get3A_2767 : vector<1x16xf32> to vector<16xf32>
    %ge3A_2769 = arith.cmpf oge, %get3A_2763, %max3A_2714 : vector<16xf32>
    %ne3A_2770 = arith.constant 0.000000e+00 : f32
    %ne3A_2771 = vector.broadcast %ne3A_2770 : f32 to vector<16xf32>
    %ne3A_2772 = arith.cmpf one, %get3A_2768, %ne3A_2771 : vector<16xf32>
    %and3A_2773 = arith.andi %ge3A_2769, %ne3A_2772 : vector<16xi1>
    %get3A_2774 = arith.constant 3 : i32
    %get3A_2775 = arith.index_cast %get3A_2774 : i32 to index
    %get3A_2776 = arith.constant 16 : index
    %get3A_2777 = tpu.vector_load %arg11[%get3A_2775, %get3A_2776] {strides = array<i32>} : memref<4x256xi32, #tpu.memory_space<vmem>>, vector<1x16xi32>,
    %get3A_2778 = vector.shape_cast %get3A_2777 : vector<1x16xi32> to vector<16xi32>
    %get3A_2779 = arith.constant 3 : i32
    %get3A_2780 = arith.index_cast %get3A_2779 : i32 to index
    %get3A_2781 = arith.constant 16 : index
    %get3A_2782 = tpu.vector_load %arg12[%get3A_2780, %get3A_2781] {strides = array<i32>} : memref<4x256xi32, #tpu.memory_space<vmem>>, vector<1x16xi32>,
    %get3A_2783 = vector.shape_cast %get3A_2782 : vector<1x16xi32> to vector<16xi32>
    %select_n3A_2784 = arith.select %and3A_2773, %get3A_2778, %get3A_2783 : vector<16xi1>, vector<16xi32>
    %swap3A_2785 = arith.constant 3 : i32
    %swap3A_2786 = arith.index_cast %swap3A_2785 : i32 to index
    %swap3A_2787 = arith.constant 16 : index
    %swap3A_2788 = tpu.vector_load %arg15[%swap3A_2786, %swap3A_2787] {strides = array<i32>} : memref<4x256xi32, #tpu.memory_space<vmem>>, vector<1x16xi32>,
    %swap3A_2789 = vector.shape_cast %swap3A_2788 : vector<1x16xi32> to vector<16xi32>
    %swap3A_2790 = vector.shape_cast %select_n3A_2784 : vector<16xi32> to vector<1x16xi32>
    tpu.vector_store %arg15[%swap3A_2786, %swap3A_2787], %swap3A_2790 {strides = array<i32>} : memref<4x256xi32, #tpu.memory_space<vmem>>, vector<1x16xi32>,
    %eq3A_2791 = arith.constant 0xFF800000 : f32
    %eq3A_2792 = vector.broadcast %eq3A_2791 : f32 to vector<16xf32>
    %eq3A_2793 = arith.cmpf oeq, %scan3A_1901#17, %eq3A_2792 : vector<16xf32>
    %jit3A_2794 = arith.constant 0.000000e+00 : f32
    %broadcast_in_dim3A_2795 = vector.broadcast %jit3A_2794 : f32 to vector<16xf32>
    %select_n3A_2796 = arith.select %eq3A_2793, %broadcast_in_dim3A_2795, %get3A_2768 : vector<16xi1>, vector<16xf32>
    %swap3A_2797 = arith.constant 3 : i32
    %swap3A_2798 = arith.index_cast %swap3A_2797 : i32 to index
    %swap3A_2799 = arith.constant 16 : index
    %swap3A_2800 = tpu.vector_load %arg14[%swap3A_2798, %swap3A_2799] {strides = array<i32>} : memref<4x256xf32, #tpu.memory_space<vmem>>, vector<1x16xf32>,
    %swap3A_2801 = vector.shape_cast %swap3A_2800 : vector<1x16xf32> to vector<16xf32>
    %swap3A_2802 = vector.shape_cast %select_n3A_2796 : vector<16xf32> to vector<1x16xf32>
    tpu.vector_store %arg14[%swap3A_2798, %swap3A_2799], %swap3A_2802 {strides = array<i32>} : memref<4x256xf32, #tpu.memory_space<vmem>>, vector<1x16xf32>,
    %get3A_2803 = arith.constant 3 : i32
    %get3A_2804 = arith.index_cast %get3A_2803 : i32 to index
    %get3A_2805 = arith.constant 32 : index
    %get3A_2806 = tpu.vector_load %arg9[%get3A_2804, %get3A_2805] {strides = array<i32>} : memref<4x256xf32, #tpu.memory_space<vmem>>, vector<1x16xf32>,
    %get3A_2807 = vector.shape_cast %get3A_2806 : vector<1x16xf32> to vector<16xf32>
    %get3A_2808 = arith.constant 3 : i32
    %get3A_2809 = arith.index_cast %get3A_2808 : i32 to index
    %get3A_2810 = arith.constant 32 : index
    %get3A_2811 = tpu.vector_load %arg10[%get3A_2809, %get3A_2810] {strides = array<i32>} : memref<4x256xf32, #tpu.memory_space<vmem>>, vector<1x16xf32>,
    %get3A_2812 = vector.shape_cast %get3A_2811 : vector<1x16xf32> to vector<16xf32>
    %ge3A_2813 = arith.cmpf oge, %get3A_2807, %max3A_2714 : vector<16xf32>
    %ne3A_2814 = arith.constant 0.000000e+00 : f32
    %ne3A_2815 = vector.broadcast %ne3A_2814 : f32 to vector<16xf32>
    %ne3A_2816 = arith.cmpf one, %get3A_2812, %ne3A_2815 : vector<16xf32>
    %and3A_2817 = arith.andi %ge3A_2813, %ne3A_2816 : vector<16xi1>
    %get3A_2818 = arith.constant 3 : i32
    %get3A_2819 = arith.index_cast %get3A_2818 : i32 to index
    %get3A_2820 = arith.constant 32 : index
    %get3A_2821 = tpu.vector_load %arg11[%get3A_2819, %get3A_2820] {strides = array<i32>} : memref<4x256xi32, #tpu.memory_space<vmem>>, vector<1x16xi32>,
    %get3A_2822 = vector.shape_cast %get3A_2821 : vector<1x16xi32> to vector<16xi32>
    %get3A_2823 = arith.constant 3 : i32
    %get3A_2824 = arith.index_cast %get3A_2823 : i32 to index
    %get3A_2825 = arith.constant 32 : index
    %get3A_2826 = tpu.vector_load %arg12[%get3A_2824, %get3A_2825] {strides = array<i32>} : memref<4x256xi32, #tpu.memory_space<vmem>>, vector<1x16xi32>,
    %get3A_2827 = vector.shape_cast %get3A_2826 : vector<1x16xi32> to vector<16xi32>
    %select_n3A_2828 = arith.select %and3A_2817, %get3A_2822, %get3A_2827 : vector<16xi1>, vector<16xi32>
    %swap3A_2829 = arith.constant 3 : i32
    %swap3A_2830 = arith.index_cast %swap3A_2829 : i32 to index
    %swap3A_2831 = arith.constant 32 : index
    %swap3A_2832 = tpu.vector_load %arg15[%swap3A_2830, %swap3A_2831] {strides = array<i32>} : memref<4x256xi32, #tpu.memory_space<vmem>>, vector<1x16xi32>,
    %swap3A_2833 = vector.shape_cast %swap3A_2832 : vector<1x16xi32> to vector<16xi32>
    %swap3A_2834 = vector.shape_cast %select_n3A_2828 : vector<16xi32> to vector<1x16xi32>
    tpu.vector_store %arg15[%swap3A_2830, %swap3A_2831], %swap3A_2834 {strides = array<i32>} : memref<4x256xi32, #tpu.memory_space<vmem>>, vector<1x16xi32>,
    %eq3A_2835 = arith.constant 0xFF800000 : f32
    %eq3A_2836 = vector.broadcast %eq3A_2835 : f32 to vector<16xf32>
    %eq3A_2837 = arith.cmpf oeq, %scan3A_1901#18, %eq3A_2836 : vector<16xf32>
    %jit3A_2838 = arith.constant 0.000000e+00 : f32
    %broadcast_in_dim3A_2839 = vector.broadcast %jit3A_2838 : f32 to vector<16xf32>
    %select_n3A_2840 = arith.select %eq3A_2837, %broadcast_in_dim3A_2839, %get3A_2812 : vector<16xi1>, vector<16xf32>
    %swap3A_2841 = arith.constant 3 : i32
    %swap3A_2842 = arith.index_cast %swap3A_2841 : i32 to index
    %swap3A_2843 = arith.constant 32 : index
    %swap3A_2844 = tpu.vector_load %arg14[%swap3A_2842, %swap3A_2843] {strides = array<i32>} : memref<4x256xf32, #tpu.memory_space<vmem>>, vector<1x16xf32>,
    %swap3A_2845 = vector.shape_cast %swap3A_2844 : vector<1x16xf32> to vector<16xf32>
    %swap3A_2846 = vector.shape_cast %select_n3A_2840 : vector<16xf32> to vector<1x16xf32>
    tpu.vector_store %arg14[%swap3A_2842, %swap3A_2843], %swap3A_2846 {strides = array<i32>} : memref<4x256xf32, #tpu.memory_space<vmem>>, vector<1x16xf32>,
    %get3A_2847 = arith.constant 3 : i32
    %get3A_2848 = arith.index_cast %get3A_2847 : i32 to index
    %get3A_2849 = arith.constant 48 : index
    %get3A_2850 = tpu.vector_load %arg9[%get3A_2848, %get3A_2849] {strides = array<i32>} : memref<4x256xf32, #tpu.memory_space<vmem>>, vector<1x16xf32>,
    %get3A_2851 = vector.shape_cast %get3A_2850 : vector<1x16xf32> to vector<16xf32>
    %get3A_2852 = arith.constant 3 : i32
    %get3A_2853 = arith.index_cast %get3A_2852 : i32 to index
    %get3A_2854 = arith.constant 48 : index
    %get3A_2855 = tpu.vector_load %arg10[%get3A_2853, %get3A_2854] {strides = array<i32>} : memref<4x256xf32, #tpu.memory_space<vmem>>, vector<1x16xf32>,
    %get3A_2856 = vector.shape_cast %get3A_2855 : vector<1x16xf32> to vector<16xf32>
    %ge3A_2857 = arith.cmpf oge, %get3A_2851, %max3A_2714 : vector<16xf32>
    %ne3A_2858 = arith.constant 0.000000e+00 : f32
    %ne3A_2859 = vector.broadcast %ne3A_2858 : f32 to vector<16xf32>
    %ne3A_2860 = arith.cmpf one, %get3A_2856, %ne3A_2859 : vector<16xf32>
    %and3A_2861 = arith.andi %ge3A_2857, %ne3A_2860 : vector<16xi1>
    %get3A_2862 = arith.constant 3 : i32
    %get3A_2863 = arith.index_cast %get3A_2862 : i32 to index
    %get3A_2864 = arith.constant 48 : index
    %get3A_2865 = tpu.vector_load %arg11[%get3A_2863, %get3A_2864] {strides = array<i32>} : memref<4x256xi32, #tpu.memory_space<vmem>>, vector<1x16xi32>,
    %get3A_2866 = vector.shape_cast %get3A_2865 : vector<1x16xi32> to vector<16xi32>
    %get3A_2867 = arith.constant 3 : i32
    %get3A_2868 = arith.index_cast %get3A_2867 : i32 to index
    %get3A_2869 = arith.constant 48 : index
    %get3A_2870 = tpu.vector_load %arg12[%get3A_2868, %get3A_2869] {strides = array<i32>} : memref<4x256xi32, #tpu.memory_space<vmem>>, vector<1x16xi32>,
    %get3A_2871 = vector.shape_cast %get3A_2870 : vector<1x16xi32> to vector<16xi32>
    %select_n3A_2872 = arith.select %and3A_2861, %get3A_2866, %get3A_2871 : vector<16xi1>, vector<16xi32>
    %swap3A_2873 = arith.constant 3 : i32
    %swap3A_2874 = arith.index_cast %swap3A_2873 : i32 to index
    %swap3A_2875 = arith.constant 48 : index
    %swap3A_2876 = tpu.vector_load %arg15[%swap3A_2874, %swap3A_2875] {strides = array<i32>} : memref<4x256xi32, #tpu.memory_space<vmem>>, vector<1x16xi32>,
    %swap3A_2877 = vector.shape_cast %swap3A_2876 : vector<1x16xi32> to vector<16xi32>
    %swap3A_2878 = vector.shape_cast %select_n3A_2872 : vector<16xi32> to vector<1x16xi32>
    tpu.vector_store %arg15[%swap3A_2874, %swap3A_2875], %swap3A_2878 {strides = array<i32>} : memref<4x256xi32, #tpu.memory_space<vmem>>, vector<1x16xi32>,
    %eq3A_2879 = arith.constant 0xFF800000 : f32
    %eq3A_2880 = vector.broadcast %eq3A_2879 : f32 to vector<16xf32>
    %eq3A_2881 = arith.cmpf oeq, %scan3A_1901#19, %eq3A_2880 : vector<16xf32>
    %jit3A_2882 = arith.constant 0.000000e+00 : f32
    %broadcast_in_dim3A_2883 = vector.broadcast %jit3A_2882 : f32 to vector<16xf32>
    %select_n3A_2884 = arith.select %eq3A_2881, %broadcast_in_dim3A_2883, %get3A_2856 : vector<16xi1>, vector<16xf32>
    %swap3A_2885 = arith.constant 3 : i32
    %swap3A_2886 = arith.index_cast %swap3A_2885 : i32 to index
    %swap3A_2887 = arith.constant 48 : index
    %swap3A_2888 = tpu.vector_load %arg14[%swap3A_2886, %swap3A_2887] {strides = array<i32>} : memref<4x256xf32, #tpu.memory_space<vmem>>, vector<1x16xf32>,
    %swap3A_2889 = vector.shape_cast %swap3A_2888 : vector<1x16xf32> to vector<16xf32>
    %swap3A_2890 = vector.shape_cast %select_n3A_2884 : vector<16xf32> to vector<1x16xf32>
    tpu.vector_store %arg14[%swap3A_2886, %swap3A_2887], %swap3A_2890 {strides = array<i32>} : memref<4x256xf32, #tpu.memory_space<vmem>>, vector<1x16xf32>,
    %get3A_2891 = arith.constant 3 : i32
    %get3A_2892 = arith.index_cast %get3A_2891 : i32 to index
    %get3A_2893 = arith.constant 64 : index
    %get3A_2894 = tpu.vector_load %arg9[%get3A_2892, %get3A_2893] {strides = array<i32>} : memref<4x256xf32, #tpu.memory_space<vmem>>, vector<1x16xf32>,
    %get3A_2895 = vector.shape_cast %get3A_2894 : vector<1x16xf32> to vector<16xf32>
    %get3A_2896 = arith.constant 3 : i32
    %get3A_2897 = arith.index_cast %get3A_2896 : i32 to index
    %get3A_2898 = arith.constant 64 : index
    %get3A_2899 = tpu.vector_load %arg10[%get3A_2897, %get3A_2898] {strides = array<i32>} : memref<4x256xf32, #tpu.memory_space<vmem>>, vector<1x16xf32>,
    %get3A_2900 = vector.shape_cast %get3A_2899 : vector<1x16xf32> to vector<16xf32>
    %ge3A_2901 = arith.cmpf oge, %get3A_2895, %max3A_2714 : vector<16xf32>
    %ne3A_2902 = arith.constant 0.000000e+00 : f32
    %ne3A_2903 = vector.broadcast %ne3A_2902 : f32 to vector<16xf32>
    %ne3A_2904 = arith.cmpf one, %get3A_2900, %ne3A_2903 : vector<16xf32>
    %and3A_2905 = arith.andi %ge3A_2901, %ne3A_2904 : vector<16xi1>
    %get3A_2906 = arith.constant 3 : i32
    %get3A_2907 = arith.index_cast %get3A_2906 : i32 to index
    %get3A_2908 = arith.constant 64 : index
    %get3A_2909 = tpu.vector_load %arg11[%get3A_2907, %get3A_2908] {strides = array<i32>} : memref<4x256xi32, #tpu.memory_space<vmem>>, vector<1x16xi32>,
    %get3A_2910 = vector.shape_cast %get3A_2909 : vector<1x16xi32> to vector<16xi32>
    %get3A_2911 = arith.constant 3 : i32
    %get3A_2912 = arith.index_cast %get3A_2911 : i32 to index
    %get3A_2913 = arith.constant 64 : index
    %get3A_2914 = tpu.vector_load %arg12[%get3A_2912, %get3A_2913] {strides = array<i32>} : memref<4x256xi32, #tpu.memory_space<vmem>>, vector<1x16xi32>,
    %get3A_2915 = vector.shape_cast %get3A_2914 : vector<1x16xi32> to vector<16xi32>
    %select_n3A_2916 = arith.select %and3A_2905, %get3A_2910, %get3A_2915 : vector<16xi1>, vector<16xi32>
    %swap3A_2917 = arith.constant 3 : i32
    %swap3A_2918 = arith.index_cast %swap3A_2917 : i32 to index
    %swap3A_2919 = arith.constant 64 : index
    %swap3A_2920 = tpu.vector_load %arg15[%swap3A_2918, %swap3A_2919] {strides = array<i32>} : memref<4x256xi32, #tpu.memory_space<vmem>>, vector<1x16xi32>,
    %swap3A_2921 = vector.shape_cast %swap3A_2920 : vector<1x16xi32> to vector<16xi32>
    %swap3A_2922 = vector.shape_cast %select_n3A_2916 : vector<16xi32> to vector<1x16xi32>
    tpu.vector_store %arg15[%swap3A_2918, %swap3A_2919], %swap3A_2922 {strides = array<i32>} : memref<4x256xi32, #tpu.memory_space<vmem>>, vector<1x16xi32>,
    %eq3A_2923 = arith.constant 0xFF800000 : f32
    %eq3A_2924 = vector.broadcast %eq3A_2923 : f32 to vector<16xf32>
    %eq3A_2925 = arith.cmpf oeq, %scan3A_1901#20, %eq3A_2924 : vector<16xf32>
    %jit3A_2926 = arith.constant 0.000000e+00 : f32
    %broadcast_in_dim3A_2927 = vector.broadcast %jit3A_2926 : f32 to vector<16xf32>
    %select_n3A_2928 = arith.select %eq3A_2925, %broadcast_in_dim3A_2927, %get3A_2900 : vector<16xi1>, vector<16xf32>
    %swap3A_2929 = arith.constant 3 : i32
    %swap3A_2930 = arith.index_cast %swap3A_2929 : i32 to index
    %swap3A_2931 = arith.constant 64 : index
    %swap3A_2932 = tpu.vector_load %arg14[%swap3A_2930, %swap3A_2931] {strides = array<i32>} : memref<4x256xf32, #tpu.memory_space<vmem>>, vector<1x16xf32>,
    %swap3A_2933 = vector.shape_cast %swap3A_2932 : vector<1x16xf32> to vector<16xf32>
    %swap3A_2934 = vector.shape_cast %select_n3A_2928 : vector<16xf32> to vector<1x16xf32>
    tpu.vector_store %arg14[%swap3A_2930, %swap3A_2931], %swap3A_2934 {strides = array<i32>} : memref<4x256xf32, #tpu.memory_space<vmem>>, vector<1x16xf32>,
    %get3A_2935 = arith.constant 3 : i32
    %get3A_2936 = arith.index_cast %get3A_2935 : i32 to index
    %get3A_2937 = arith.constant 80 : index
    %get3A_2938 = tpu.vector_load %arg9[%get3A_2936, %get3A_2937] {strides = array<i32>} : memref<4x256xf32, #tpu.memory_space<vmem>>, vector<1x16xf32>,
    %get3A_2939 = vector.shape_cast %get3A_2938 : vector<1x16xf32> to vector<16xf32>
    %get3A_2940 = arith.constant 3 : i32
    %get3A_2941 = arith.index_cast %get3A_2940 : i32 to index
    %get3A_2942 = arith.constant 80 : index
    %get3A_2943 = tpu.vector_load %arg10[%get3A_2941, %get3A_2942] {strides = array<i32>} : memref<4x256xf32, #tpu.memory_space<vmem>>, vector<1x16xf32>,
    %get3A_2944 = vector.shape_cast %get3A_2943 : vector<1x16xf32> to vector<16xf32>
    %ge3A_2945 = arith.cmpf oge, %get3A_2939, %max3A_2714 : vector<16xf32>
    %ne3A_2946 = arith.constant 0.000000e+00 : f32
    %ne3A_2947 = vector.broadcast %ne3A_2946 : f32 to vector<16xf32>
    %ne3A_2948 = arith.cmpf one, %get3A_2944, %ne3A_2947 : vector<16xf32>
    %and3A_2949 = arith.andi %ge3A_2945, %ne3A_2948 : vector<16xi1>
    %get3A_2950 = arith.constant 3 : i32
    %get3A_2951 = arith.index_cast %get3A_2950 : i32 to index
    %get3A_2952 = arith.constant 80 : index
    %get3A_2953 = tpu.vector_load %arg11[%get3A_2951, %get3A_2952] {strides = array<i32>} : memref<4x256xi32, #tpu.memory_space<vmem>>, vector<1x16xi32>,
    %get3A_2954 = vector.shape_cast %get3A_2953 : vector<1x16xi32> to vector<16xi32>
    %get3A_2955 = arith.constant 3 : i32
    %get3A_2956 = arith.index_cast %get3A_2955 : i32 to index
    %get3A_2957 = arith.constant 80 : index
    %get3A_2958 = tpu.vector_load %arg12[%get3A_2956, %get3A_2957] {strides = array<i32>} : memref<4x256xi32, #tpu.memory_space<vmem>>, vector<1x16xi32>,
    %get3A_2959 = vector.shape_cast %get3A_2958 : vector<1x16xi32> to vector<16xi32>
    %select_n3A_2960 = arith.select %and3A_2949, %get3A_2954, %get3A_2959 : vector<16xi1>, vector<16xi32>
    %swap3A_2961 = arith.constant 3 : i32
    %swap3A_2962 = arith.index_cast %swap3A_2961 : i32 to index
    %swap3A_2963 = arith.constant 80 : index
    %swap3A_2964 = tpu.vector_load %arg15[%swap3A_2962, %swap3A_2963] {strides = array<i32>} : memref<4x256xi32, #tpu.memory_space<vmem>>, vector<1x16xi32>,
    %swap3A_2965 = vector.shape_cast %swap3A_2964 : vector<1x16xi32> to vector<16xi32>
    %swap3A_2966 = vector.shape_cast %select_n3A_2960 : vector<16xi32> to vector<1x16xi32>
    tpu.vector_store %arg15[%swap3A_2962, %swap3A_2963], %swap3A_2966 {strides = array<i32>} : memref<4x256xi32, #tpu.memory_space<vmem>>, vector<1x16xi32>,
    %eq3A_2967 = arith.constant 0xFF800000 : f32
    %eq3A_2968 = vector.broadcast %eq3A_2967 : f32 to vector<16xf32>
    %eq3A_2969 = arith.cmpf oeq, %scan3A_1901#21, %eq3A_2968 : vector<16xf32>
    %jit3A_2970 = arith.constant 0.000000e+00 : f32
    %broadcast_in_dim3A_2971 = vector.broadcast %jit3A_2970 : f32 to vector<16xf32>
    %select_n3A_2972 = arith.select %eq3A_2969, %broadcast_in_dim3A_2971, %get3A_2944 : vector<16xi1>, vector<16xf32>
    %swap3A_2973 = arith.constant 3 : i32
    %swap3A_2974 = arith.index_cast %swap3A_2973 : i32 to index
    %swap3A_2975 = arith.constant 80 : index
    %swap3A_2976 = tpu.vector_load %arg14[%swap3A_2974, %swap3A_2975] {strides = array<i32>} : memref<4x256xf32, #tpu.memory_space<vmem>>, vector<1x16xf32>,
    %swap3A_2977 = vector.shape_cast %swap3A_2976 : vector<1x16xf32> to vector<16xf32>
    %swap3A_2978 = vector.shape_cast %select_n3A_2972 : vector<16xf32> to vector<1x16xf32>
    tpu.vector_store %arg14[%swap3A_2974, %swap3A_2975], %swap3A_2978 {strides = array<i32>} : memref<4x256xf32, #tpu.memory_space<vmem>>, vector<1x16xf32>,
    %get3A_2979 = arith.constant 3 : i32
    %get3A_2980 = arith.index_cast %get3A_2979 : i32 to index
    %get3A_2981 = arith.constant 96 : index
    %get3A_2982 = tpu.vector_load %arg9[%get3A_2980, %get3A_2981] {strides = array<i32>} : memref<4x256xf32, #tpu.memory_space<vmem>>, vector<1x16xf32>,
    %get3A_2983 = vector.shape_cast %get3A_2982 : vector<1x16xf32> to vector<16xf32>
    %get3A_2984 = arith.constant 3 : i32
    %get3A_2985 = arith.index_cast %get3A_2984 : i32 to index
    %get3A_2986 = arith.constant 96 : index
    %get3A_2987 = tpu.vector_load %arg10[%get3A_2985, %get3A_2986] {strides = array<i32>} : memref<4x256xf32, #tpu.memory_space<vmem>>, vector<1x16xf32>,
    %get3A_2988 = vector.shape_cast %get3A_2987 : vector<1x16xf32> to vector<16xf32>
    %ge3A_2989 = arith.cmpf oge, %get3A_2983, %max3A_2714 : vector<16xf32>
    %ne3A_2990 = arith.constant 0.000000e+00 : f32
    %ne3A_2991 = vector.broadcast %ne3A_2990 : f32 to vector<16xf32>
    %ne3A_2992 = arith.cmpf one, %get3A_2988, %ne3A_2991 : vector<16xf32>
    %and3A_2993 = arith.andi %ge3A_2989, %ne3A_2992 : vector<16xi1>
    %get3A_2994 = arith.constant 3 : i32
    %get3A_2995 = arith.index_cast %get3A_2994 : i32 to index
    %get3A_2996 = arith.constant 96 : index
    %get3A_2997 = tpu.vector_load %arg11[%get3A_2995, %get3A_2996] {strides = array<i32>} : memref<4x256xi32, #tpu.memory_space<vmem>>, vector<1x16xi32>,
    %get3A_2998 = vector.shape_cast %get3A_2997 : vector<1x16xi32> to vector<16xi32>
    %get3A_2999 = arith.constant 3 : i32
    %get3A_3000 = arith.index_cast %get3A_2999 : i32 to index
    %get3A_3001 = arith.constant 96 : index
    %get3A_3002 = tpu.vector_load %arg12[%get3A_3000, %get3A_3001] {strides = array<i32>} : memref<4x256xi32, #tpu.memory_space<vmem>>, vector<1x16xi32>,
    %get3A_3003 = vector.shape_cast %get3A_3002 : vector<1x16xi32> to vector<16xi32>
    %select_n3A_3004 = arith.select %and3A_2993, %get3A_2998, %get3A_3003 : vector<16xi1>, vector<16xi32>
    %swap3A_3005 = arith.constant 3 : i32
    %swap3A_3006 = arith.index_cast %swap3A_3005 : i32 to index
    %swap3A_3007 = arith.constant 96 : index
    %swap3A_3008 = tpu.vector_load %arg15[%swap3A_3006, %swap3A_3007] {strides = array<i32>} : memref<4x256xi32, #tpu.memory_space<vmem>>, vector<1x16xi32>,
    %swap3A_3009 = vector.shape_cast %swap3A_3008 : vector<1x16xi32> to vector<16xi32>
    %swap3A_3010 = vector.shape_cast %select_n3A_3004 : vector<16xi32> to vector<1x16xi32>
    tpu.vector_store %arg15[%swap3A_3006, %swap3A_3007], %swap3A_3010 {strides = array<i32>} : memref<4x256xi32, #tpu.memory_space<vmem>>, vector<1x16xi32>,
    %eq3A_3011 = arith.constant 0xFF800000 : f32
    %eq3A_3012 = vector.broadcast %eq3A_3011 : f32 to vector<16xf32>
    %eq3A_3013 = arith.cmpf oeq, %scan3A_1901#22, %eq3A_3012 : vector<16xf32>
    %jit3A_3014 = arith.constant 0.000000e+00 : f32
    %broadcast_in_dim3A_3015 = vector.broadcast %jit3A_3014 : f32 to vector<16xf32>
    %select_n3A_3016 = arith.select %eq3A_3013, %broadcast_in_dim3A_3015, %get3A_2988 : vector<16xi1>, vector<16xf32>
    %swap3A_3017 = arith.constant 3 : i32
    %swap3A_3018 = arith.index_cast %swap3A_3017 : i32 to index
    %swap3A_3019 = arith.constant 96 : index
    %swap3A_3020 = tpu.vector_load %arg14[%swap3A_3018, %swap3A_3019] {strides = array<i32>} : memref<4x256xf32, #tpu.memory_space<vmem>>, vector<1x16xf32>,
    %swap3A_3021 = vector.shape_cast %swap3A_3020 : vector<1x16xf32> to vector<16xf32>
    %swap3A_3022 = vector.shape_cast %select_n3A_3016 : vector<16xf32> to vector<1x16xf32>
    tpu.vector_store %arg14[%swap3A_3018, %swap3A_3019], %swap3A_3022 {strides = array<i32>} : memref<4x256xf32, #tpu.memory_space<vmem>>, vector<1x16xf32>,
    %get3A_3023 = arith.constant 3 : i32
    %get3A_3024 = arith.index_cast %get3A_3023 : i32 to index
    %get3A_3025 = arith.constant 112 : index
    %get3A_3026 = tpu.vector_load %arg9[%get3A_3024, %get3A_3025] {strides = array<i32>} : memref<4x256xf32, #tpu.memory_space<vmem>>, vector<1x16xf32>,
    %get3A_3027 = vector.shape_cast %get3A_3026 : vector<1x16xf32> to vector<16xf32>
    %get3A_3028 = arith.constant 3 : i32
    %get3A_3029 = arith.index_cast %get3A_3028 : i32 to index
    %get3A_3030 = arith.constant 112 : index
    %get3A_3031 = tpu.vector_load %arg10[%get3A_3029, %get3A_3030] {strides = array<i32>} : memref<4x256xf32, #tpu.memory_space<vmem>>, vector<1x16xf32>,
    %get3A_3032 = vector.shape_cast %get3A_3031 : vector<1x16xf32> to vector<16xf32>
    %ge3A_3033 = arith.cmpf oge, %get3A_3027, %max3A_2714 : vector<16xf32>
    %ne3A_3034 = arith.constant 0.000000e+00 : f32
    %ne3A_3035 = vector.broadcast %ne3A_3034 : f32 to vector<16xf32>
    %ne3A_3036 = arith.cmpf one, %get3A_3032, %ne3A_3035 : vector<16xf32>
    %and3A_3037 = arith.andi %ge3A_3033, %ne3A_3036 : vector<16xi1>
    %get3A_3038 = arith.constant 3 : i32
    %get3A_3039 = arith.index_cast %get3A_3038 : i32 to index
    %get3A_3040 = arith.constant 112 : index
    %get3A_3041 = tpu.vector_load %arg11[%get3A_3039, %get3A_3040] {strides = array<i32>} : memref<4x256xi32, #tpu.memory_space<vmem>>, vector<1x16xi32>,
    %get3A_3042 = vector.shape_cast %get3A_3041 : vector<1x16xi32> to vector<16xi32>
    %get3A_3043 = arith.constant 3 : i32
    %get3A_3044 = arith.index_cast %get3A_3043 : i32 to index
    %get3A_3045 = arith.constant 112 : index
    %get3A_3046 = tpu.vector_load %arg12[%get3A_3044, %get3A_3045] {strides = array<i32>} : memref<4x256xi32, #tpu.memory_space<vmem>>, vector<1x16xi32>,
    %get3A_3047 = vector.shape_cast %get3A_3046 : vector<1x16xi32> to vector<16xi32>
    %select_n3A_3048 = arith.select %and3A_3037, %get3A_3042, %get3A_3047 : vector<16xi1>, vector<16xi32>
    %swap3A_3049 = arith.constant 3 : i32
    %swap3A_3050 = arith.index_cast %swap3A_3049 : i32 to index
    %swap3A_3051 = arith.constant 112 : index
    %swap3A_3052 = tpu.vector_load %arg15[%swap3A_3050, %swap3A_3051] {strides = array<i32>} : memref<4x256xi32, #tpu.memory_space<vmem>>, vector<1x16xi32>,
    %swap3A_3053 = vector.shape_cast %swap3A_3052 : vector<1x16xi32> to vector<16xi32>
    %swap3A_3054 = vector.shape_cast %select_n3A_3048 : vector<16xi32> to vector<1x16xi32>
    tpu.vector_store %arg15[%swap3A_3050, %swap3A_3051], %swap3A_3054 {strides = array<i32>} : memref<4x256xi32, #tpu.memory_space<vmem>>, vector<1x16xi32>,
    %eq3A_3055 = arith.constant 0xFF800000 : f32
    %eq3A_3056 = vector.broadcast %eq3A_3055 : f32 to vector<16xf32>
    %eq3A_3057 = arith.cmpf oeq, %scan3A_1901#23, %eq3A_3056 : vector<16xf32>
    %jit3A_3058 = arith.constant 0.000000e+00 : f32
    %broadcast_in_dim3A_3059 = vector.broadcast %jit3A_3058 : f32 to vector<16xf32>
    %select_n3A_3060 = arith.select %eq3A_3057, %broadcast_in_dim3A_3059, %get3A_3032 : vector<16xi1>, vector<16xf32>
    %swap3A_3061 = arith.constant 3 : i32
    %swap3A_3062 = arith.index_cast %swap3A_3061 : i32 to index
    %swap3A_3063 = arith.constant 112 : index
    %swap3A_3064 = tpu.vector_load %arg14[%swap3A_3062, %swap3A_3063] {strides = array<i32>} : memref<4x256xf32, #tpu.memory_space<vmem>>, vector<1x16xf32>,
    %swap3A_3065 = vector.shape_cast %swap3A_3064 : vector<1x16xf32> to vector<16xf32>
    %swap3A_3066 = vector.shape_cast %select_n3A_3060 : vector<16xf32> to vector<1x16xf32>
    tpu.vector_store %arg14[%swap3A_3062, %swap3A_3063], %swap3A_3066 {strides = array<i32>} : memref<4x256xf32, #tpu.memory_space<vmem>>, vector<1x16xf32>,
    %get3A_3067 = arith.constant 3 : i32
    %get3A_3068 = arith.index_cast %get3A_3067 : i32 to index
    %get3A_3069 = arith.constant 128 : index
    %get3A_3070 = tpu.vector_load %arg9[%get3A_3068, %get3A_3069] {strides = array<i32>} : memref<4x256xf32, #tpu.memory_space<vmem>>, vector<1x16xf32>,
    %get3A_3071 = vector.shape_cast %get3A_3070 : vector<1x16xf32> to vector<16xf32>
    %get3A_3072 = arith.constant 3 : i32
    %get3A_3073 = arith.index_cast %get3A_3072 : i32 to index
    %get3A_3074 = arith.constant 128 : index
    %get3A_3075 = tpu.vector_load %arg10[%get3A_3073, %get3A_3074] {strides = array<i32>} : memref<4x256xf32, #tpu.memory_space<vmem>>, vector<1x16xf32>,
    %get3A_3076 = vector.shape_cast %get3A_3075 : vector<1x16xf32> to vector<16xf32>
    %ge3A_3077 = arith.cmpf oge, %get3A_3071, %max3A_2714 : vector<16xf32>
    %ne3A_3078 = arith.constant 0.000000e+00 : f32
    %ne3A_3079 = vector.broadcast %ne3A_3078 : f32 to vector<16xf32>
    %ne3A_3080 = arith.cmpf one, %get3A_3076, %ne3A_3079 : vector<16xf32>
    %and3A_3081 = arith.andi %ge3A_3077, %ne3A_3080 : vector<16xi1>
    %get3A_3082 = arith.constant 3 : i32
    %get3A_3083 = arith.index_cast %get3A_3082 : i32 to index
    %get3A_3084 = arith.constant 128 : index
    %get3A_3085 = tpu.vector_load %arg11[%get3A_3083, %get3A_3084] {strides = array<i32>} : memref<4x256xi32, #tpu.memory_space<vmem>>, vector<1x16xi32>,
    %get3A_3086 = vector.shape_cast %get3A_3085 : vector<1x16xi32> to vector<16xi32>
    %get3A_3087 = arith.constant 3 : i32
    %get3A_3088 = arith.index_cast %get3A_3087 : i32 to index
    %get3A_3089 = arith.constant 128 : index
    %get3A_3090 = tpu.vector_load %arg12[%get3A_3088, %get3A_3089] {strides = array<i32>} : memref<4x256xi32, #tpu.memory_space<vmem>>, vector<1x16xi32>,
    %get3A_3091 = vector.shape_cast %get3A_3090 : vector<1x16xi32> to vector<16xi32>
    %select_n3A_3092 = arith.select %and3A_3081, %get3A_3086, %get3A_3091 : vector<16xi1>, vector<16xi32>
    %swap3A_3093 = arith.constant 3 : i32
    %swap3A_3094 = arith.index_cast %swap3A_3093 : i32 to index
    %swap3A_3095 = arith.constant 128 : index
    %swap3A_3096 = tpu.vector_load %arg15[%swap3A_3094, %swap3A_3095] {strides = array<i32>} : memref<4x256xi32, #tpu.memory_space<vmem>>, vector<1x16xi32>,
    %swap3A_3097 = vector.shape_cast %swap3A_3096 : vector<1x16xi32> to vector<16xi32>
    %swap3A_3098 = vector.shape_cast %select_n3A_3092 : vector<16xi32> to vector<1x16xi32>
    tpu.vector_store %arg15[%swap3A_3094, %swap3A_3095], %swap3A_3098 {strides = array<i32>} : memref<4x256xi32, #tpu.memory_space<vmem>>, vector<1x16xi32>,
    %eq3A_3099 = arith.constant 0xFF800000 : f32
    %eq3A_3100 = vector.broadcast %eq3A_3099 : f32 to vector<16xf32>
    %eq3A_3101 = arith.cmpf oeq, %scan3A_1901#24, %eq3A_3100 : vector<16xf32>
    %jit3A_3102 = arith.constant 0.000000e+00 : f32
    %broadcast_in_dim3A_3103 = vector.broadcast %jit3A_3102 : f32 to vector<16xf32>
    %select_n3A_3104 = arith.select %eq3A_3101, %broadcast_in_dim3A_3103, %get3A_3076 : vector<16xi1>, vector<16xf32>
    %swap3A_3105 = arith.constant 3 : i32
    %swap3A_3106 = arith.index_cast %swap3A_3105 : i32 to index
    %swap3A_3107 = arith.constant 128 : index
    %swap3A_3108 = tpu.vector_load %arg14[%swap3A_3106, %swap3A_3107] {strides = array<i32>} : memref<4x256xf32, #tpu.memory_space<vmem>>, vector<1x16xf32>,
    %swap3A_3109 = vector.shape_cast %swap3A_3108 : vector<1x16xf32> to vector<16xf32>
    %swap3A_3110 = vector.shape_cast %select_n3A_3104 : vector<16xf32> to vector<1x16xf32>
    tpu.vector_store %arg14[%swap3A_3106, %swap3A_3107], %swap3A_3110 {strides = array<i32>} : memref<4x256xf32, #tpu.memory_space<vmem>>, vector<1x16xf32>,
    %get3A_3111 = arith.constant 3 : i32
    %get3A_3112 = arith.index_cast %get3A_3111 : i32 to index
    %get3A_3113 = arith.constant 144 : index
    %get3A_3114 = tpu.vector_load %arg9[%get3A_3112, %get3A_3113] {strides = array<i32>} : memref<4x256xf32, #tpu.memory_space<vmem>>, vector<1x16xf32>,
    %get3A_3115 = vector.shape_cast %get3A_3114 : vector<1x16xf32> to vector<16xf32>
    %get3A_3116 = arith.constant 3 : i32
    %get3A_3117 = arith.index_cast %get3A_3116 : i32 to index
    %get3A_3118 = arith.constant 144 : index
    %get3A_3119 = tpu.vector_load %arg10[%get3A_3117, %get3A_3118] {strides = array<i32>} : memref<4x256xf32, #tpu.memory_space<vmem>>, vector<1x16xf32>,
    %get3A_3120 = vector.shape_cast %get3A_3119 : vector<1x16xf32> to vector<16xf32>
    %ge3A_3121 = arith.cmpf oge, %get3A_3115, %max3A_2714 : vector<16xf32>
    %ne3A_3122 = arith.constant 0.000000e+00 : f32
    %ne3A_3123 = vector.broadcast %ne3A_3122 : f32 to vector<16xf32>
    %ne3A_3124 = arith.cmpf one, %get3A_3120, %ne3A_3123 : vector<16xf32>
    %and3A_3125 = arith.andi %ge3A_3121, %ne3A_3124 : vector<16xi1>
    %get3A_3126 = arith.constant 3 : i32
    %get3A_3127 = arith.index_cast %get3A_3126 : i32 to index
    %get3A_3128 = arith.constant 144 : index
    %get3A_3129 = tpu.vector_load %arg11[%get3A_3127, %get3A_3128] {strides = array<i32>} : memref<4x256xi32, #tpu.memory_space<vmem>>, vector<1x16xi32>,
    %get3A_3130 = vector.shape_cast %get3A_3129 : vector<1x16xi32> to vector<16xi32>
    %get3A_3131 = arith.constant 3 : i32
    %get3A_3132 = arith.index_cast %get3A_3131 : i32 to index
    %get3A_3133 = arith.constant 144 : index
    %get3A_3134 = tpu.vector_load %arg12[%get3A_3132, %get3A_3133] {strides = array<i32>} : memref<4x256xi32, #tpu.memory_space<vmem>>, vector<1x16xi32>,
    %get3A_3135 = vector.shape_cast %get3A_3134 : vector<1x16xi32> to vector<16xi32>
    %select_n3A_3136 = arith.select %and3A_3125, %get3A_3130, %get3A_3135 : vector<16xi1>, vector<16xi32>
    %swap3A_3137 = arith.constant 3 : i32
    %swap3A_3138 = arith.index_cast %swap3A_3137 : i32 to index
    %swap3A_3139 = arith.constant 144 : index
    %swap3A_3140 = tpu.vector_load %arg15[%swap3A_3138, %swap3A_3139] {strides = array<i32>} : memref<4x256xi32, #tpu.memory_space<vmem>>, vector<1x16xi32>,
    %swap3A_3141 = vector.shape_cast %swap3A_3140 : vector<1x16xi32> to vector<16xi32>
    %swap3A_3142 = vector.shape_cast %select_n3A_3136 : vector<16xi32> to vector<1x16xi32>
    tpu.vector_store %arg15[%swap3A_3138, %swap3A_3139], %swap3A_3142 {strides = array<i32>} : memref<4x256xi32, #tpu.memory_space<vmem>>, vector<1x16xi32>,
    %eq3A_3143 = arith.constant 0xFF800000 : f32
    %eq3A_3144 = vector.broadcast %eq3A_3143 : f32 to vector<16xf32>
    %eq3A_3145 = arith.cmpf oeq, %scan3A_1901#25, %eq3A_3144 : vector<16xf32>
    %jit3A_3146 = arith.constant 0.000000e+00 : f32
    %broadcast_in_dim3A_3147 = vector.broadcast %jit3A_3146 : f32 to vector<16xf32>
    %select_n3A_3148 = arith.select %eq3A_3145, %broadcast_in_dim3A_3147, %get3A_3120 : vector<16xi1>, vector<16xf32>
    %swap3A_3149 = arith.constant 3 : i32
    %swap3A_3150 = arith.index_cast %swap3A_3149 : i32 to index
    %swap3A_3151 = arith.constant 144 : index
    %swap3A_3152 = tpu.vector_load %arg14[%swap3A_3150, %swap3A_3151] {strides = array<i32>} : memref<4x256xf32, #tpu.memory_space<vmem>>, vector<1x16xf32>,
    %swap3A_3153 = vector.shape_cast %swap3A_3152 : vector<1x16xf32> to vector<16xf32>
    %swap3A_3154 = vector.shape_cast %select_n3A_3148 : vector<16xf32> to vector<1x16xf32>
    tpu.vector_store %arg14[%swap3A_3150, %swap3A_3151], %swap3A_3154 {strides = array<i32>} : memref<4x256xf32, #tpu.memory_space<vmem>>, vector<1x16xf32>,
    %get3A_3155 = arith.constant 3 : i32
    %get3A_3156 = arith.index_cast %get3A_3155 : i32 to index
    %get3A_3157 = arith.constant 160 : index
    %get3A_3158 = tpu.vector_load %arg9[%get3A_3156, %get3A_3157] {strides = array<i32>} : memref<4x256xf32, #tpu.memory_space<vmem>>, vector<1x16xf32>,
    %get3A_3159 = vector.shape_cast %get3A_3158 : vector<1x16xf32> to vector<16xf32>
    %get3A_3160 = arith.constant 3 : i32
    %get3A_3161 = arith.index_cast %get3A_3160 : i32 to index
    %get3A_3162 = arith.constant 160 : index
    %get3A_3163 = tpu.vector_load %arg10[%get3A_3161, %get3A_3162] {strides = array<i32>} : memref<4x256xf32, #tpu.memory_space<vmem>>, vector<1x16xf32>,
    %get3A_3164 = vector.shape_cast %get3A_3163 : vector<1x16xf32> to vector<16xf32>
    %ge3A_3165 = arith.cmpf oge, %get3A_3159, %max3A_2714 : vector<16xf32>
    %ne3A_3166 = arith.constant 0.000000e+00 : f32
    %ne3A_3167 = vector.broadcast %ne3A_3166 : f32 to vector<16xf32>
    %ne3A_3168 = arith.cmpf one, %get3A_3164, %ne3A_3167 : vector<16xf32>
    %and3A_3169 = arith.andi %ge3A_3165, %ne3A_3168 : vector<16xi1>
    %get3A_3170 = arith.constant 3 : i32
    %get3A_3171 = arith.index_cast %get3A_3170 : i32 to index
    %get3A_3172 = arith.constant 160 : index
    %get3A_3173 = tpu.vector_load %arg11[%get3A_3171, %get3A_3172] {strides = array<i32>} : memref<4x256xi32, #tpu.memory_space<vmem>>, vector<1x16xi32>,
    %get3A_3174 = vector.shape_cast %get3A_3173 : vector<1x16xi32> to vector<16xi32>
    %get3A_3175 = arith.constant 3 : i32
    %get3A_3176 = arith.index_cast %get3A_3175 : i32 to index
    %get3A_3177 = arith.constant 160 : index
    %get3A_3178 = tpu.vector_load %arg12[%get3A_3176, %get3A_3177] {strides = array<i32>} : memref<4x256xi32, #tpu.memory_space<vmem>>, vector<1x16xi32>,
    %get3A_3179 = vector.shape_cast %get3A_3178 : vector<1x16xi32> to vector<16xi32>
    %select_n3A_3180 = arith.select %and3A_3169, %get3A_3174, %get3A_3179 : vector<16xi1>, vector<16xi32>
    %swap3A_3181 = arith.constant 3 : i32
    %swap3A_3182 = arith.index_cast %swap3A_3181 : i32 to index
    %swap3A_3183 = arith.constant 160 : index
    %swap3A_3184 = tpu.vector_load %arg15[%swap3A_3182, %swap3A_3183] {strides = array<i32>} : memref<4x256xi32, #tpu.memory_space<vmem>>, vector<1x16xi32>,
    %swap3A_3185 = vector.shape_cast %swap3A_3184 : vector<1x16xi32> to vector<16xi32>
    %swap3A_3186 = vector.shape_cast %select_n3A_3180 : vector<16xi32> to vector<1x16xi32>
    tpu.vector_store %arg15[%swap3A_3182, %swap3A_3183], %swap3A_3186 {strides = array<i32>} : memref<4x256xi32, #tpu.memory_space<vmem>>, vector<1x16xi32>,
    %eq3A_3187 = arith.constant 0xFF800000 : f32
    %eq3A_3188 = vector.broadcast %eq3A_3187 : f32 to vector<16xf32>
    %eq3A_3189 = arith.cmpf oeq, %scan3A_1901#26, %eq3A_3188 : vector<16xf32>
    %jit3A_3190 = arith.constant 0.000000e+00 : f32
    %broadcast_in_dim3A_3191 = vector.broadcast %jit3A_3190 : f32 to vector<16xf32>
    %select_n3A_3192 = arith.select %eq3A_3189, %broadcast_in_dim3A_3191, %get3A_3164 : vector<16xi1>, vector<16xf32>
    %swap3A_3193 = arith.constant 3 : i32
    %swap3A_3194 = arith.index_cast %swap3A_3193 : i32 to index
    %swap3A_3195 = arith.constant 160 : index
    %swap3A_3196 = tpu.vector_load %arg14[%swap3A_3194, %swap3A_3195] {strides = array<i32>} : memref<4x256xf32, #tpu.memory_space<vmem>>, vector<1x16xf32>,
    %swap3A_3197 = vector.shape_cast %swap3A_3196 : vector<1x16xf32> to vector<16xf32>
    %swap3A_3198 = vector.shape_cast %select_n3A_3192 : vector<16xf32> to vector<1x16xf32>
    tpu.vector_store %arg14[%swap3A_3194, %swap3A_3195], %swap3A_3198 {strides = array<i32>} : memref<4x256xf32, #tpu.memory_space<vmem>>, vector<1x16xf32>,
    %get3A_3199 = arith.constant 3 : i32
    %get3A_3200 = arith.index_cast %get3A_3199 : i32 to index
    %get3A_3201 = arith.constant 176 : index
    %get3A_3202 = tpu.vector_load %arg9[%get3A_3200, %get3A_3201] {strides = array<i32>} : memref<4x256xf32, #tpu.memory_space<vmem>>, vector<1x16xf32>,
    %get3A_3203 = vector.shape_cast %get3A_3202 : vector<1x16xf32> to vector<16xf32>
    %get3A_3204 = arith.constant 3 : i32
    %get3A_3205 = arith.index_cast %get3A_3204 : i32 to index
    %get3A_3206 = arith.constant 176 : index
    %get3A_3207 = tpu.vector_load %arg10[%get3A_3205, %get3A_3206] {strides = array<i32>} : memref<4x256xf32, #tpu.memory_space<vmem>>, vector<1x16xf32>,
    %get3A_3208 = vector.shape_cast %get3A_3207 : vector<1x16xf32> to vector<16xf32>
    %ge3A_3209 = arith.cmpf oge, %get3A_3203, %max3A_2714 : vector<16xf32>
    %ne3A_3210 = arith.constant 0.000000e+00 : f32
    %ne3A_3211 = vector.broadcast %ne3A_3210 : f32 to vector<16xf32>
    %ne3A_3212 = arith.cmpf one, %get3A_3208, %ne3A_3211 : vector<16xf32>
    %and3A_3213 = arith.andi %ge3A_3209, %ne3A_3212 : vector<16xi1>
    %get3A_3214 = arith.constant 3 : i32
    %get3A_3215 = arith.index_cast %get3A_3214 : i32 to index
    %get3A_3216 = arith.constant 176 : index
    %get3A_3217 = tpu.vector_load %arg11[%get3A_3215, %get3A_3216] {strides = array<i32>} : memref<4x256xi32, #tpu.memory_space<vmem>>, vector<1x16xi32>,
    %get3A_3218 = vector.shape_cast %get3A_3217 : vector<1x16xi32> to vector<16xi32>
    %get3A_3219 = arith.constant 3 : i32
    %get3A_3220 = arith.index_cast %get3A_3219 : i32 to index
    %get3A_3221 = arith.constant 176 : index
    %get3A_3222 = tpu.vector_load %arg12[%get3A_3220, %get3A_3221] {strides = array<i32>} : memref<4x256xi32, #tpu.memory_space<vmem>>, vector<1x16xi32>,
    %get3A_3223 = vector.shape_cast %get3A_3222 : vector<1x16xi32> to vector<16xi32>
    %select_n3A_3224 = arith.select %and3A_3213, %get3A_3218, %get3A_3223 : vector<16xi1>, vector<16xi32>
    %swap3A_3225 = arith.constant 3 : i32
    %swap3A_3226 = arith.index_cast %swap3A_3225 : i32 to index
    %swap3A_3227 = arith.constant 176 : index
    %swap3A_3228 = tpu.vector_load %arg15[%swap3A_3226, %swap3A_3227] {strides = array<i32>} : memref<4x256xi32, #tpu.memory_space<vmem>>, vector<1x16xi32>,
    %swap3A_3229 = vector.shape_cast %swap3A_3228 : vector<1x16xi32> to vector<16xi32>
    %swap3A_3230 = vector.shape_cast %select_n3A_3224 : vector<16xi32> to vector<1x16xi32>
    tpu.vector_store %arg15[%swap3A_3226, %swap3A_3227], %swap3A_3230 {strides = array<i32>} : memref<4x256xi32, #tpu.memory_space<vmem>>, vector<1x16xi32>,
    %eq3A_3231 = arith.constant 0xFF800000 : f32
    %eq3A_3232 = vector.broadcast %eq3A_3231 : f32 to vector<16xf32>
    %eq3A_3233 = arith.cmpf oeq, %scan3A_1901#27, %eq3A_3232 : vector<16xf32>
    %jit3A_3234 = arith.constant 0.000000e+00 : f32
    %broadcast_in_dim3A_3235 = vector.broadcast %jit3A_3234 : f32 to vector<16xf32>
    %select_n3A_3236 = arith.select %eq3A_3233, %broadcast_in_dim3A_3235, %get3A_3208 : vector<16xi1>, vector<16xf32>
    %swap3A_3237 = arith.constant 3 : i32
    %swap3A_3238 = arith.index_cast %swap3A_3237 : i32 to index
    %swap3A_3239 = arith.constant 176 : index
    %swap3A_3240 = tpu.vector_load %arg14[%swap3A_3238, %swap3A_3239] {strides = array<i32>} : memref<4x256xf32, #tpu.memory_space<vmem>>, vector<1x16xf32>,
    %swap3A_3241 = vector.shape_cast %swap3A_3240 : vector<1x16xf32> to vector<16xf32>
    %swap3A_3242 = vector.shape_cast %select_n3A_3236 : vector<16xf32> to vector<1x16xf32>
    tpu.vector_store %arg14[%swap3A_3238, %swap3A_3239], %swap3A_3242 {strides = array<i32>} : memref<4x256xf32, #tpu.memory_space<vmem>>, vector<1x16xf32>,
    %get3A_3243 = arith.constant 3 : i32
    %get3A_3244 = arith.index_cast %get3A_3243 : i32 to index
    %get3A_3245 = arith.constant 192 : index
    %get3A_3246 = tpu.vector_load %arg9[%get3A_3244, %get3A_3245] {strides = array<i32>} : memref<4x256xf32, #tpu.memory_space<vmem>>, vector<1x16xf32>,
    %get3A_3247 = vector.shape_cast %get3A_3246 : vector<1x16xf32> to vector<16xf32>
    %get3A_3248 = arith.constant 3 : i32
    %get3A_3249 = arith.index_cast %get3A_3248 : i32 to index
    %get3A_3250 = arith.constant 192 : index
    %get3A_3251 = tpu.vector_load %arg10[%get3A_3249, %get3A_3250] {strides = array<i32>} : memref<4x256xf32, #tpu.memory_space<vmem>>, vector<1x16xf32>,
    %get3A_3252 = vector.shape_cast %get3A_3251 : vector<1x16xf32> to vector<16xf32>
    %ge3A_3253 = arith.cmpf oge, %get3A_3247, %max3A_2714 : vector<16xf32>
    %ne3A_3254 = arith.constant 0.000000e+00 : f32
    %ne3A_3255 = vector.broadcast %ne3A_3254 : f32 to vector<16xf32>
    %ne3A_3256 = arith.cmpf one, %get3A_3252, %ne3A_3255 : vector<16xf32>
    %and3A_3257 = arith.andi %ge3A_3253, %ne3A_3256 : vector<16xi1>
    %get3A_3258 = arith.constant 3 : i32
    %get3A_3259 = arith.index_cast %get3A_3258 : i32 to index
    %get3A_3260 = arith.constant 192 : index
    %get3A_3261 = tpu.vector_load %arg11[%get3A_3259, %get3A_3260] {strides = array<i32>} : memref<4x256xi32, #tpu.memory_space<vmem>>, vector<1x16xi32>,
    %get3A_3262 = vector.shape_cast %get3A_3261 : vector<1x16xi32> to vector<16xi32>
    %get3A_3263 = arith.constant 3 : i32
    %get3A_3264 = arith.index_cast %get3A_3263 : i32 to index
    %get3A_3265 = arith.constant 192 : index
    %get3A_3266 = tpu.vector_load %arg12[%get3A_3264, %get3A_3265] {strides = array<i32>} : memref<4x256xi32, #tpu.memory_space<vmem>>, vector<1x16xi32>,
    %get3A_3267 = vector.shape_cast %get3A_3266 : vector<1x16xi32> to vector<16xi32>
    %select_n3A_3268 = arith.select %and3A_3257, %get3A_3262, %get3A_3267 : vector<16xi1>, vector<16xi32>
    %swap3A_3269 = arith.constant 3 : i32
    %swap3A_3270 = arith.index_cast %swap3A_3269 : i32 to index
    %swap3A_3271 = arith.constant 192 : index
    %swap3A_3272 = tpu.vector_load %arg15[%swap3A_3270, %swap3A_3271] {strides = array<i32>} : memref<4x256xi32, #tpu.memory_space<vmem>>, vector<1x16xi32>,
    %swap3A_3273 = vector.shape_cast %swap3A_3272 : vector<1x16xi32> to vector<16xi32>
    %swap3A_3274 = vector.shape_cast %select_n3A_3268 : vector<16xi32> to vector<1x16xi32>
    tpu.vector_store %arg15[%swap3A_3270, %swap3A_3271], %swap3A_3274 {strides = array<i32>} : memref<4x256xi32, #tpu.memory_space<vmem>>, vector<1x16xi32>,
    %eq3A_3275 = arith.constant 0xFF800000 : f32
    %eq3A_3276 = vector.broadcast %eq3A_3275 : f32 to vector<16xf32>
    %eq3A_3277 = arith.cmpf oeq, %scan3A_1901#28, %eq3A_3276 : vector<16xf32>
    %jit3A_3278 = arith.constant 0.000000e+00 : f32
    %broadcast_in_dim3A_3279 = vector.broadcast %jit3A_3278 : f32 to vector<16xf32>
    %select_n3A_3280 = arith.select %eq3A_3277, %broadcast_in_dim3A_3279, %get3A_3252 : vector<16xi1>, vector<16xf32>
    %swap3A_3281 = arith.constant 3 : i32
    %swap3A_3282 = arith.index_cast %swap3A_3281 : i32 to index
    %swap3A_3283 = arith.constant 192 : index
    %swap3A_3284 = tpu.vector_load %arg14[%swap3A_3282, %swap3A_3283] {strides = array<i32>} : memref<4x256xf32, #tpu.memory_space<vmem>>, vector<1x16xf32>,
    %swap3A_3285 = vector.shape_cast %swap3A_3284 : vector<1x16xf32> to vector<16xf32>
    %swap3A_3286 = vector.shape_cast %select_n3A_3280 : vector<16xf32> to vector<1x16xf32>
    tpu.vector_store %arg14[%swap3A_3282, %swap3A_3283], %swap3A_3286 {strides = array<i32>} : memref<4x256xf32, #tpu.memory_space<vmem>>, vector<1x16xf32>,
    %get3A_3287 = arith.constant 3 : i32
    %get3A_3288 = arith.index_cast %get3A_3287 : i32 to index
    %get3A_3289 = arith.constant 208 : index
    %get3A_3290 = tpu.vector_load %arg9[%get3A_3288, %get3A_3289] {strides = array<i32>} : memref<4x256xf32, #tpu.memory_space<vmem>>, vector<1x16xf32>,
    %get3A_3291 = vector.shape_cast %get3A_3290 : vector<1x16xf32> to vector<16xf32>
    %get3A_3292 = arith.constant 3 : i32
    %get3A_3293 = arith.index_cast %get3A_3292 : i32 to index
    %get3A_3294 = arith.constant 208 : index
    %get3A_3295 = tpu.vector_load %arg10[%get3A_3293, %get3A_3294] {strides = array<i32>} : memref<4x256xf32, #tpu.memory_space<vmem>>, vector<1x16xf32>,
    %get3A_3296 = vector.shape_cast %get3A_3295 : vector<1x16xf32> to vector<16xf32>
    %ge3A_3297 = arith.cmpf oge, %get3A_3291, %max3A_2714 : vector<16xf32>
    %ne3A_3298 = arith.constant 0.000000e+00 : f32
    %ne3A_3299 = vector.broadcast %ne3A_3298 : f32 to vector<16xf32>
    %ne3A_3300 = arith.cmpf one, %get3A_3296, %ne3A_3299 : vector<16xf32>
    %and3A_3301 = arith.andi %ge3A_3297, %ne3A_3300 : vector<16xi1>
    %get3A_3302 = arith.constant 3 : i32
    %get3A_3303 = arith.index_cast %get3A_3302 : i32 to index
    %get3A_3304 = arith.constant 208 : index
    %get3A_3305 = tpu.vector_load %arg11[%get3A_3303, %get3A_3304] {strides = array<i32>} : memref<4x256xi32, #tpu.memory_space<vmem>>, vector<1x16xi32>,
    %get3A_3306 = vector.shape_cast %get3A_3305 : vector<1x16xi32> to vector<16xi32>
    %get3A_3307 = arith.constant 3 : i32
    %get3A_3308 = arith.index_cast %get3A_3307 : i32 to index
    %get3A_3309 = arith.constant 208 : index
    %get3A_3310 = tpu.vector_load %arg12[%get3A_3308, %get3A_3309] {strides = array<i32>} : memref<4x256xi32, #tpu.memory_space<vmem>>, vector<1x16xi32>,
    %get3A_3311 = vector.shape_cast %get3A_3310 : vector<1x16xi32> to vector<16xi32>
    %select_n3A_3312 = arith.select %and3A_3301, %get3A_3306, %get3A_3311 : vector<16xi1>, vector<16xi32>
    %swap3A_3313 = arith.constant 3 : i32
    %swap3A_3314 = arith.index_cast %swap3A_3313 : i32 to index
    %swap3A_3315 = arith.constant 208 : index
    %swap3A_3316 = tpu.vector_load %arg15[%swap3A_3314, %swap3A_3315] {strides = array<i32>} : memref<4x256xi32, #tpu.memory_space<vmem>>, vector<1x16xi32>,
    %swap3A_3317 = vector.shape_cast %swap3A_3316 : vector<1x16xi32> to vector<16xi32>
    %swap3A_3318 = vector.shape_cast %select_n3A_3312 : vector<16xi32> to vector<1x16xi32>
    tpu.vector_store %arg15[%swap3A_3314, %swap3A_3315], %swap3A_3318 {strides = array<i32>} : memref<4x256xi32, #tpu.memory_space<vmem>>, vector<1x16xi32>,
    %eq3A_3319 = arith.constant 0xFF800000 : f32
    %eq3A_3320 = vector.broadcast %eq3A_3319 : f32 to vector<16xf32>
    %eq3A_3321 = arith.cmpf oeq, %scan3A_1901#29, %eq3A_3320 : vector<16xf32>
    %jit3A_3322 = arith.constant 0.000000e+00 : f32
    %broadcast_in_dim3A_3323 = vector.broadcast %jit3A_3322 : f32 to vector<16xf32>
    %select_n3A_3324 = arith.select %eq3A_3321, %broadcast_in_dim3A_3323, %get3A_3296 : vector<16xi1>, vector<16xf32>
    %swap3A_3325 = arith.constant 3 : i32
    %swap3A_3326 = arith.index_cast %swap3A_3325 : i32 to index
    %swap3A_3327 = arith.constant 208 : index
    %swap3A_3328 = tpu.vector_load %arg14[%swap3A_3326, %swap3A_3327] {strides = array<i32>} : memref<4x256xf32, #tpu.memory_space<vmem>>, vector<1x16xf32>,
    %swap3A_3329 = vector.shape_cast %swap3A_3328 : vector<1x16xf32> to vector<16xf32>
    %swap3A_3330 = vector.shape_cast %select_n3A_3324 : vector<16xf32> to vector<1x16xf32>
    tpu.vector_store %arg14[%swap3A_3326, %swap3A_3327], %swap3A_3330 {strides = array<i32>} : memref<4x256xf32, #tpu.memory_space<vmem>>, vector<1x16xf32>,
    %get3A_3331 = arith.constant 3 : i32
    %get3A_3332 = arith.index_cast %get3A_3331 : i32 to index
    %get3A_3333 = arith.constant 224 : index
    %get3A_3334 = tpu.vector_load %arg9[%get3A_3332, %get3A_3333] {strides = array<i32>} : memref<4x256xf32, #tpu.memory_space<vmem>>, vector<1x16xf32>,
    %get3A_3335 = vector.shape_cast %get3A_3334 : vector<1x16xf32> to vector<16xf32>
    %get3A_3336 = arith.constant 3 : i32
    %get3A_3337 = arith.index_cast %get3A_3336 : i32 to index
    %get3A_3338 = arith.constant 224 : index
    %get3A_3339 = tpu.vector_load %arg10[%get3A_3337, %get3A_3338] {strides = array<i32>} : memref<4x256xf32, #tpu.memory_space<vmem>>, vector<1x16xf32>,
    %get3A_3340 = vector.shape_cast %get3A_3339 : vector<1x16xf32> to vector<16xf32>
    %ge3A_3341 = arith.cmpf oge, %get3A_3335, %max3A_2714 : vector<16xf32>
    %ne3A_3342 = arith.constant 0.000000e+00 : f32
    %ne3A_3343 = vector.broadcast %ne3A_3342 : f32 to vector<16xf32>
    %ne3A_3344 = arith.cmpf one, %get3A_3340, %ne3A_3343 : vector<16xf32>
    %and3A_3345 = arith.andi %ge3A_3341, %ne3A_3344 : vector<16xi1>
    %get3A_3346 = arith.constant 3 : i32
    %get3A_3347 = arith.index_cast %get3A_3346 : i32 to index
    %get3A_3348 = arith.constant 224 : index
    %get3A_3349 = tpu.vector_load %arg11[%get3A_3347, %get3A_3348] {strides = array<i32>} : memref<4x256xi32, #tpu.memory_space<vmem>>, vector<1x16xi32>,
    %get3A_3350 = vector.shape_cast %get3A_3349 : vector<1x16xi32> to vector<16xi32>
    %get3A_3351 = arith.constant 3 : i32
    %get3A_3352 = arith.index_cast %get3A_3351 : i32 to index
    %get3A_3353 = arith.constant 224 : index
    %get3A_3354 = tpu.vector_load %arg12[%get3A_3352, %get3A_3353] {strides = array<i32>} : memref<4x256xi32, #tpu.memory_space<vmem>>, vector<1x16xi32>,
    %get3A_3355 = vector.shape_cast %get3A_3354 : vector<1x16xi32> to vector<16xi32>
    %select_n3A_3356 = arith.select %and3A_3345, %get3A_3350, %get3A_3355 : vector<16xi1>, vector<16xi32>
    %swap3A_3357 = arith.constant 3 : i32
    %swap3A_3358 = arith.index_cast %swap3A_3357 : i32 to index
    %swap3A_3359 = arith.constant 224 : index
    %swap3A_3360 = tpu.vector_load %arg15[%swap3A_3358, %swap3A_3359] {strides = array<i32>} : memref<4x256xi32, #tpu.memory_space<vmem>>, vector<1x16xi32>,
    %swap3A_3361 = vector.shape_cast %swap3A_3360 : vector<1x16xi32> to vector<16xi32>
    %swap3A_3362 = vector.shape_cast %select_n3A_3356 : vector<16xi32> to vector<1x16xi32>
    tpu.vector_store %arg15[%swap3A_3358, %swap3A_3359], %swap3A_3362 {strides = array<i32>} : memref<4x256xi32, #tpu.memory_space<vmem>>, vector<1x16xi32>,
    %eq3A_3363 = arith.constant 0xFF800000 : f32
    %eq3A_3364 = vector.broadcast %eq3A_3363 : f32 to vector<16xf32>
    %eq3A_3365 = arith.cmpf oeq, %scan3A_1901#30, %eq3A_3364 : vector<16xf32>
    %jit3A_3366 = arith.constant 0.000000e+00 : f32
    %broadcast_in_dim3A_3367 = vector.broadcast %jit3A_3366 : f32 to vector<16xf32>
    %select_n3A_3368 = arith.select %eq3A_3365, %broadcast_in_dim3A_3367, %get3A_3340 : vector<16xi1>, vector<16xf32>
    %swap3A_3369 = arith.constant 3 : i32
    %swap3A_3370 = arith.index_cast %swap3A_3369 : i32 to index
    %swap3A_3371 = arith.constant 224 : index
    %swap3A_3372 = tpu.vector_load %arg14[%swap3A_3370, %swap3A_3371] {strides = array<i32>} : memref<4x256xf32, #tpu.memory_space<vmem>>, vector<1x16xf32>,
    %swap3A_3373 = vector.shape_cast %swap3A_3372 : vector<1x16xf32> to vector<16xf32>
    %swap3A_3374 = vector.shape_cast %select_n3A_3368 : vector<16xf32> to vector<1x16xf32>
    tpu.vector_store %arg14[%swap3A_3370, %swap3A_3371], %swap3A_3374 {strides = array<i32>} : memref<4x256xf32, #tpu.memory_space<vmem>>, vector<1x16xf32>,
    %get3A_3375 = arith.constant 3 : i32
    %get3A_3376 = arith.index_cast %get3A_3375 : i32 to index
    %get3A_3377 = arith.constant 240 : index
    %get3A_3378 = tpu.vector_load %arg9[%get3A_3376, %get3A_3377] {strides = array<i32>} : memref<4x256xf32, #tpu.memory_space<vmem>>, vector<1x16xf32>,
    %get3A_3379 = vector.shape_cast %get3A_3378 : vector<1x16xf32> to vector<16xf32>
    %get3A_3380 = arith.constant 3 : i32
    %get3A_3381 = arith.index_cast %get3A_3380 : i32 to index
    %get3A_3382 = arith.constant 240 : index
    %get3A_3383 = tpu.vector_load %arg10[%get3A_3381, %get3A_3382] {strides = array<i32>} : memref<4x256xf32, #tpu.memory_space<vmem>>, vector<1x16xf32>,
    %get3A_3384 = vector.shape_cast %get3A_3383 : vector<1x16xf32> to vector<16xf32>
    %ge3A_3385 = arith.cmpf oge, %get3A_3379, %max3A_2714 : vector<16xf32>
    %ne3A_3386 = arith.constant 0.000000e+00 : f32
    %ne3A_3387 = vector.broadcast %ne3A_3386 : f32 to vector<16xf32>
    %ne3A_3388 = arith.cmpf one, %get3A_3384, %ne3A_3387 : vector<16xf32>
    %and3A_3389 = arith.andi %ge3A_3385, %ne3A_3388 : vector<16xi1>
    %get3A_3390 = arith.constant 3 : i32
    %get3A_3391 = arith.index_cast %get3A_3390 : i32 to index
    %get3A_3392 = arith.constant 240 : index
    %get3A_3393 = tpu.vector_load %arg11[%get3A_3391, %get3A_3392] {strides = array<i32>} : memref<4x256xi32, #tpu.memory_space<vmem>>, vector<1x16xi32>,
    %get3A_3394 = vector.shape_cast %get3A_3393 : vector<1x16xi32> to vector<16xi32>
    %get3A_3395 = arith.constant 3 : i32
    %get3A_3396 = arith.index_cast %get3A_3395 : i32 to index
    %get3A_3397 = arith.constant 240 : index
    %get3A_3398 = tpu.vector_load %arg12[%get3A_3396, %get3A_3397] {strides = array<i32>} : memref<4x256xi32, #tpu.memory_space<vmem>>, vector<1x16xi32>,
    %get3A_3399 = vector.shape_cast %get3A_3398 : vector<1x16xi32> to vector<16xi32>
    %select_n3A_3400 = arith.select %and3A_3389, %get3A_3394, %get3A_3399 : vector<16xi1>, vector<16xi32>
    %swap3A_3401 = arith.constant 3 : i32
    %swap3A_3402 = arith.index_cast %swap3A_3401 : i32 to index
    %swap3A_3403 = arith.constant 240 : index
    %swap3A_3404 = tpu.vector_load %arg15[%swap3A_3402, %swap3A_3403] {strides = array<i32>} : memref<4x256xi32, #tpu.memory_space<vmem>>, vector<1x16xi32>,
    %swap3A_3405 = vector.shape_cast %swap3A_3404 : vector<1x16xi32> to vector<16xi32>
    %swap3A_3406 = vector.shape_cast %select_n3A_3400 : vector<16xi32> to vector<1x16xi32>
    tpu.vector_store %arg15[%swap3A_3402, %swap3A_3403], %swap3A_3406 {strides = array<i32>} : memref<4x256xi32, #tpu.memory_space<vmem>>, vector<1x16xi32>,
    %eq3A_3407 = arith.constant 0xFF800000 : f32
    %eq3A_3408 = vector.broadcast %eq3A_3407 : f32 to vector<16xf32>
    %eq3A_3409 = arith.cmpf oeq, %scan3A_1901#31, %eq3A_3408 : vector<16xf32>
    %jit3A_3410 = arith.constant 0.000000e+00 : f32
    %broadcast_in_dim3A_3411 = vector.broadcast %jit3A_3410 : f32 to vector<16xf32>
    %select_n3A_3412 = arith.select %eq3A_3409, %broadcast_in_dim3A_3411, %get3A_3384 : vector<16xi1>, vector<16xf32>
    %swap3A_3413 = arith.constant 3 : i32
    %swap3A_3414 = arith.index_cast %swap3A_3413 : i32 to index
    %swap3A_3415 = arith.constant 240 : index
    %swap3A_3416 = tpu.vector_load %arg14[%swap3A_3414, %swap3A_3415] {strides = array<i32>} : memref<4x256xf32, #tpu.memory_space<vmem>>, vector<1x16xf32>,
    %swap3A_3417 = vector.shape_cast %swap3A_3416 : vector<1x16xf32> to vector<16xf32>
    %swap3A_3418 = vector.shape_cast %select_n3A_3412 : vector<16xf32> to vector<1x16xf32>
    tpu.vector_store %arg14[%swap3A_3414, %swap3A_3415], %swap3A_3418 {strides = array<i32>} : memref<4x256xf32, #tpu.memory_space<vmem>>, vector<1x16xf32>,
    %swap3A_3419 = arith.constant 3 : i32
    %swap3A_3420 = arith.index_cast %swap3A_3419 : i32 to index
    %swap3A_3421 = arith.constant 0 : index
    %swap3A_3422 = tpu.vector_load %arg16[%swap3A_3420, %swap3A_3421] {strides = array<i32>} : memref<4x32xf32, #tpu.memory_space<vmem>>, vector<1x16xf32>,
    %swap3A_3423 = vector.shape_cast %swap3A_3422 : vector<1x16xf32> to vector<16xf32>
    %swap3A_3424 = vector.shape_cast %scan3A_1901#34 : vector<16xf32> to vector<1x16xf32>
    tpu.vector_store %arg16[%swap3A_3420, %swap3A_3421], %swap3A_3424 {strides = array<i32>} : memref<4x32xf32, #tpu.memory_space<vmem>>, vector<1x16xf32>,
    %swap3A_3425 = arith.constant 3 : i32
    %swap3A_3426 = arith.index_cast %swap3A_3425 : i32 to index
    %swap3A_3427 = arith.constant 16 : index
    %swap3A_3428 = tpu.vector_load %arg16[%swap3A_3426, %swap3A_3427] {strides = array<i32>} : memref<4x32xf32, #tpu.memory_space<vmem>>, vector<1x16xf32>,
    %swap3A_3429 = vector.shape_cast %swap3A_3428 : vector<1x16xf32> to vector<16xf32>
    %swap3A_3430 = vector.shape_cast %scan3A_1901#35 : vector<16xf32> to vector<1x16xf32>
    tpu.vector_store %arg16[%swap3A_3426, %swap3A_3427], %swap3A_3430 {strides = array<i32>} : memref<4x32xf32, #tpu.memory_space<vmem>>, vector<1x16xf32>,
    "tpu.region"() ({
      %run_scoped3A = tpu.sem_alloc : memref<!tpu.dma_semaphore, #tpu.memory_space<semaphore_mem>>
      %dma_start3A_3431 = arith.constant 0 : i32
      %dma_start3A_3432 = tpu.memref_slice %arg6[%mul3A_2, %dma_start3A_3431] : memref<128x256xi32, #tpu.memory_space<hbm>> -> memref<4x256xi32, #tpu.memory_space<hbm>>
      %dma_start3A_3433 = arith.constant 0 : i32
      %dma_start3A_3434 = tpu.memref_slice %arg6[%mul3A_2, %dma_start3A_3433] : memref<128x256xi32, #tpu.memory_space<hbm>> -> memref<4x256xi32, #tpu.memory_space<hbm>>
      tpu.enqueue_dma source(%arg15 : memref<4x256xi32, #tpu.memory_space<vmem>>) target(%dma_start3A_3434 : memref<4x256xi32, #tpu.memory_space<hbm>>) target_semaphore(%run_scoped3A : memref<!tpu.dma_semaphore, #tpu.memory_space<semaphore_mem>>)
      %dma_wait3A_3435 = arith.constant 0 : i32
      %dma_wait3A_3436 = tpu.memref_slice %arg6[%mul3A_2, %dma_wait3A_3435] : memref<128x256xi32, #tpu.memory_space<hbm>> -> memref<4x256xi32, #tpu.memory_space<hbm>>
      %dma_wait3A_3437 = arith.constant 0 : i32
      %dma_wait3A_3438 = tpu.memref_slice %arg6[%mul3A_2, %dma_wait3A_3437] : memref<128x256xi32, #tpu.memory_space<hbm>> -> memref<4x256xi32, #tpu.memory_space<hbm>>
      tpu.wait_dma2 semaphore(%run_scoped3A : memref<!tpu.dma_semaphore, #tpu.memory_space<semaphore_mem>>) src(%arg15 : memref<4x256xi32, #tpu.memory_space<vmem>>) dst(%dma_wait3A_3438 : memref<4x256xi32, #tpu.memory_space<hbm>>)
      tpu.yield
    }) : () -> ()
    "tpu.region"() ({
      %run_scoped3A = tpu.sem_alloc : memref<!tpu.dma_semaphore, #tpu.memory_space<semaphore_mem>>
      %dma_start3A_3431 = arith.constant 0 : i32
      %dma_start3A_3432 = tpu.memref_slice %arg7[%mul3A_2, %dma_start3A_3431] : memref<128x256xf32, #tpu.memory_space<hbm>> -> memref<4x256xf32, #tpu.memory_space<hbm>>
      %dma_start3A_3433 = arith.constant 0 : i32
      %dma_start3A_3434 = tpu.memref_slice %arg7[%mul3A_2, %dma_start3A_3433] : memref<128x256xf32, #tpu.memory_space<hbm>> -> memref<4x256xf32, #tpu.memory_space<hbm>>
      tpu.enqueue_dma source(%arg14 : memref<4x256xf32, #tpu.memory_space<vmem>>) target(%dma_start3A_3434 : memref<4x256xf32, #tpu.memory_space<hbm>>) target_semaphore(%run_scoped3A : memref<!tpu.dma_semaphore, #tpu.memory_space<semaphore_mem>>)
      %dma_wait3A_3435 = arith.constant 0 : i32
      %dma_wait3A_3436 = tpu.memref_slice %arg7[%mul3A_2, %dma_wait3A_3435] : memref<128x256xf32, #tpu.memory_space<hbm>> -> memref<4x256xf32, #tpu.memory_space<hbm>>
      %dma_wait3A_3437 = arith.constant 0 : i32
      %dma_wait3A_3438 = tpu.memref_slice %arg7[%mul3A_2, %dma_wait3A_3437] : memref<128x256xf32, #tpu.memory_space<hbm>> -> memref<4x256xf32, #tpu.memory_space<hbm>>
      tpu.wait_dma2 semaphore(%run_scoped3A : memref<!tpu.dma_semaphore, #tpu.memory_space<semaphore_mem>>) src(%arg14 : memref<4x256xf32, #tpu.memory_space<vmem>>) dst(%dma_wait3A_3438 : memref<4x256xf32, #tpu.memory_space<hbm>>)
      tpu.yield
    }) : () -> ()
    "tpu.region"() ({
      %run_scoped3A = tpu.sem_alloc : memref<!tpu.dma_semaphore, #tpu.memory_space<semaphore_mem>>
      %dma_start3A_3431 = arith.constant 0 : i32
      %dma_start3A_3432 = tpu.memref_slice %arg8[%mul3A_2, %dma_start3A_3431] : memref<128x32xf32, #tpu.memory_space<hbm>> -> memref<4x32xf32, #tpu.memory_space<hbm>>
      %dma_start3A_3433 = arith.constant 0 : i32
      %dma_start3A_3434 = tpu.memref_slice %arg8[%mul3A_2, %dma_start3A_3433] : memref<128x32xf32, #tpu.memory_space<hbm>> -> memref<4x32xf32, #tpu.memory_space<hbm>>
      tpu.enqueue_dma source(%arg16 : memref<4x32xf32, #tpu.memory_space<vmem>>) target(%dma_start3A_3434 : memref<4x32xf32, #tpu.memory_space<hbm>>) target_semaphore(%run_scoped3A : memref<!tpu.dma_semaphore, #tpu.memory_space<semaphore_mem>>)
      %dma_wait3A_3435 = arith.constant 0 : i32
      %dma_wait3A_3436 = tpu.memref_slice %arg8[%mul3A_2, %dma_wait3A_3435] : memref<128x32xf32, #tpu.memory_space<hbm>> -> memref<4x32xf32, #tpu.memory_space<hbm>>
      %dma_wait3A_3437 = arith.constant 0 : i32
      %dma_wait3A_3438 = tpu.memref_slice %arg8[%mul3A_2, %dma_wait3A_3437] : memref<128x32xf32, #tpu.memory_space<hbm>> -> memref<4x32xf32, #tpu.memory_space<hbm>>
      tpu.wait_dma2 semaphore(%run_scoped3A : memref<!tpu.dma_semaphore, #tpu.memory_space<semaphore_mem>>) src(%arg16 : memref<4x32xf32, #tpu.memory_space<vmem>>) dst(%dma_wait3A_3438 : memref<4x32xf32, #tpu.memory_space<hbm>>)
      tpu.yield
    }) : () -> ()
    return
  }
}

module attributes {stable_mosaic.version = 14 : i64} {
  func.func @_dense_body(%arg0: i32, %arg1: memref<1024x1024xf32, #tpu.memory_space<vmem>>, %arg2: memref<1x1x1024xf32, #tpu.memory_space<vmem>>, %arg3: memref<1024x1024xf32, #tpu.memory_space<vmem>>, %arg4: memref<1x1x1024xf32, #tpu.memory_space<vmem>>, %arg5: memref<1x1x1024xf32, #tpu.memory_space<vmem>>, %arg6: memref<1x1x1024xi32, #tpu.memory_space<vmem>>) attributes {dimension_semantics = [#tpu.dimension_semantics<parallel>], iteration_bounds = array<i64: 32>, scalar_prefetch = 0 : i64, scratch_operands = 0 : i64, tpu.core_type = #tpu.core_type<tc>, window_params = [{transform_indices = @transform_0, window_bounds = array<i64: 1024, 1024>}, {transform_indices = @transform_1, window_bounds = array<i64: 1, 1, 1024>}, {transform_indices = @transform_2, window_bounds = array<i64: 1024, 1024>}, {transform_indices = @transform_3, window_bounds = array<i64: 1, 1, 1024>}, {transform_indices = @transform_4, window_bounds = array<i64: 1, 1, 1024>}, {transform_indices = @transform_5, window_bounds = array<i64: 1, 1, 1024>}]} {
    %get3A = arith.constant 0 : index
    %get3A_0 = arith.constant 0 : index
    %get3A_1 = vector.load %arg1[%get3A, %get3A_0] : memref<1024x1024xf32, #tpu.memory_space<vmem>>, vector<1024x1024xf32>
    %get3A_2 = arith.constant 0 : index
    %get3A_3 = arith.constant 0 : index
    %get3A_4 = vector.load %arg3[%get3A_2, %get3A_3] : memref<1024x1024xf32, #tpu.memory_space<vmem>>, vector<1024x1024xf32>
    %get3A_5 = arith.constant 0 : index
    %get3A_6 = arith.constant 0 : index
    %get3A_7 = arith.constant 0 : index
    %get3A_8 = vector.load %arg2[%get3A_5, %get3A_6, %get3A_7] : memref<1x1x1024xf32, #tpu.memory_space<vmem>>, vector<1x1x1024xf32>
    %get3A_9 = vector.shape_cast %get3A_8 : vector<1x1x1024xf32> to vector<1x1024xf32>
    %get3A_10 = arith.constant 0 : index
    %get3A_11 = arith.constant 0 : index
    %get3A_12 = arith.constant 0 : index
    %get3A_13 = vector.load %arg4[%get3A_10, %get3A_11, %get3A_12] : memref<1x1x1024xf32, #tpu.memory_space<vmem>>, vector<1x1x1024xf32>
    %get3A_14 = vector.shape_cast %get3A_13 : vector<1x1x1024xf32> to vector<1x1024xf32>
    %reduce_max3A = arith.constant dense<0xFF800000> : vector<1024xf32>
    %reduce_max3A_15 = vector.multi_reduction <maximumf>, %get3A_1, %reduce_max3A [1] : vector<1024x1024xf32> to vector<1024xf32>
    %broadcast_in_dim3A = vector.shape_cast %reduce_max3A_15 : vector<1024xf32> to vector<1024x1xf32>
    %sub3A = vector.broadcast %broadcast_in_dim3A : vector<1024x1xf32> to vector<1024x1024xf32>
    %sub3A_16 = arith.subf %get3A_1, %sub3A : vector<1024x1024xf32>
    %exp3A = math.exp %sub3A_16 : vector<1024x1024xf32>
    %reduce_sum3A = arith.constant dense<0.000000e+00> : vector<1024xf32>
    %reduce_sum3A_17 = vector.multi_reduction <add>, %exp3A, %reduce_sum3A [1] : vector<1024x1024xf32> to vector<1024xf32>
    %broadcast_in_dim3A_18 = vector.shape_cast %reduce_sum3A_17 : vector<1024xf32> to vector<1024x1xf32>
    %add3A = arith.constant 9.99999971E-10 : f32
    %add3A_19 = vector.broadcast %add3A : f32 to vector<1024x1024xf32>
    %add3A_20 = arith.addf %get3A_4, %add3A_19 : vector<1024x1024xf32>
    %log3A = math.log %add3A_20 : vector<1024x1024xf32>
    %neg3A = arith.constant 0.000000e+00 : f32
    %neg3A_21 = vector.broadcast %neg3A : f32 to vector<1024x1024xf32>
    %neg3A_22 = arith.subf %neg3A_21, %log3A : vector<1024x1024xf32>
    %add3A_23 = arith.constant 9.99999971E-10 : f32
    %add3A_24 = vector.broadcast %add3A_23 : f32 to vector<1024x1024xf32>
    %add3A_25 = arith.addf %neg3A_22, %add3A_24 : vector<1024x1024xf32>
    %mul3A = arith.constant 9.99999996E-13 : f32
    %mul3A_26 = vector.broadcast %mul3A : f32 to vector<1024x1xf32>
    %mul3A_27 = arith.mulf %mul3A_26, %broadcast_in_dim3A_18 : vector<1024x1xf32>
    %add3A_28 = vector.broadcast %mul3A_27 : vector<1024x1xf32> to vector<1024x1024xf32>
    %add3A_29 = arith.addf %exp3A, %add3A_28 : vector<1024x1024xf32>
    %div3A = arith.divf %add3A_29, %add3A_25 : vector<1024x1024xf32>
    %argmax3A = tpu.reduce_index %div3A {axis = 1 : i32, kind = #tpu.reduction_kind<arg_max>} : vector<1024x1024xf32> -> vector<1024xi32>
    %iota3A = tpu.iota {dimensions = array<i32: 1>} : vector<1024x1024xi32>
    %broadcast_in_dim3A_30 = vector.shape_cast %argmax3A : vector<1024xi32> to vector<1024x1xi32>
    %eq3A = vector.broadcast %broadcast_in_dim3A_30 : vector<1024x1xi32> to vector<1024x1024xi32>
    %eq3A_31 = arith.cmpi eq, %iota3A, %eq3A : vector<1024x1024xi32>
    %jit3A = arith.constant 0.000000e+00 : f32
    %broadcast_in_dim3A_32 = vector.broadcast %jit3A : f32 to vector<1024x1024xf32>
    %select_n3A = arith.select %eq3A_31, %exp3A, %broadcast_in_dim3A_32 : vector<1024x1024xi1>, vector<1024x1024xf32>
    %reduce_sum3A_33 = arith.constant dense<0.000000e+00> : vector<1024xf32>
    %reduce_sum3A_34 = vector.multi_reduction <add>, %select_n3A, %reduce_sum3A_33 [1] : vector<1024x1024xf32> to vector<1024xf32>
    %squeeze3A = vector.shape_cast %broadcast_in_dim3A_18 : vector<1024x1xf32> to vector<1024xf32>
    %div3A_35 = arith.divf %reduce_sum3A_34, %squeeze3A : vector<1024xf32>
    %add3A_36 = arith.constant 9.99999971E-10 : f32
    %add3A_37 = vector.broadcast %add3A_36 : f32 to vector<1x1024xf32>
    %add3A_38 = arith.addf %get3A_14, %add3A_37 : vector<1x1024xf32>
    %log3A_39 = math.log %add3A_38 : vector<1x1024xf32>
    %neg3A_40 = arith.constant 0.000000e+00 : f32
    %neg3A_41 = vector.broadcast %neg3A_40 : f32 to vector<1x1024xf32>
    %neg3A_42 = arith.subf %neg3A_41, %log3A_39 : vector<1x1024xf32>
    %add3A_43 = arith.constant 9.99999971E-10 : f32
    %add3A_44 = vector.broadcast %add3A_43 : f32 to vector<1x1024xf32>
    %add3A_45 = arith.addf %neg3A_42, %add3A_44 : vector<1x1024xf32>
    %log3A_46 = math.log %add3A_45 : vector<1x1024xf32>
    %neg3A_47 = arith.constant 0.000000e+00 : f32
    %neg3A_48 = vector.broadcast %neg3A_47 : f32 to vector<1x1024xf32>
    %neg3A_49 = arith.subf %neg3A_48, %log3A_46 : vector<1x1024xf32>
    %add3A_50 = arith.constant 9.99999996E-13 : f32
    %add3A_51 = vector.broadcast %add3A_50 : f32 to vector<1024xf32>
    %add3A_52 = arith.addf %div3A_35, %add3A_51 : vector<1024xf32>
    %log3A_53 = math.log %add3A_52 : vector<1024xf32>
    %broadcast_in_dim3A_54 = vector.shape_cast %log3A_53 : vector<1024xf32> to vector<1x1024xf32>
    %mul3A_55 = arith.constant 4.500000e+00 : f32
    %mul3A_56 = vector.broadcast %mul3A_55 : f32 to vector<1x1024xf32>
    %mul3A_57 = arith.mulf %mul3A_56, %neg3A_49 : vector<1x1024xf32>
    %add3A_58 = arith.addf %broadcast_in_dim3A_54, %mul3A_57 : vector<1x1024xf32>
    %ne3A = arith.constant 0.000000e+00 : f32
    %ne3A_59 = vector.broadcast %ne3A : f32 to vector<1x1024xf32>
    %ne3A_60 = arith.cmpf one, %get3A_9, %ne3A_59 : vector<1x1024xf32>
    %jit3A_61 = arith.constant 0xFF800000 : f32
    %broadcast_in_dim3A_62 = vector.broadcast %jit3A_61 : f32 to vector<1x1024xf32>
    %select_n3A_63 = arith.select %ne3A_60, %add3A_58, %broadcast_in_dim3A_62 : vector<1x1024xi1>, vector<1x1024xf32>
    %swap3A = arith.constant 0 : index
    %swap3A_64 = arith.constant 0 : index
    %swap3A_65 = arith.constant 0 : index
    %swap3A_66 = vector.load %arg5[%swap3A, %swap3A_64, %swap3A_65] : memref<1x1x1024xf32, #tpu.memory_space<vmem>>, vector<1x1x1024xf32>
    %swap3A_67 = vector.shape_cast %swap3A_66 : vector<1x1x1024xf32> to vector<1x1024xf32>
    %swap3A_68 = vector.shape_cast %select_n3A_63 : vector<1x1024xf32> to vector<1x1x1024xf32>
    tpu.vector_store %arg5[%swap3A, %swap3A_64, %swap3A_65], %swap3A_68 {strides = array<i32>} : memref<1x1x1024xf32, #tpu.memory_space<vmem>>, vector<1x1x1024xf32>,
    %broadcast_in_dim3A_69 = vector.shape_cast %argmax3A : vector<1024xi32> to vector<1x1024xi32>
    %swap3A_70 = arith.constant 0 : index
    %swap3A_71 = arith.constant 0 : index
    %swap3A_72 = arith.constant 0 : index
    %swap3A_73 = vector.load %arg6[%swap3A_70, %swap3A_71, %swap3A_72] : memref<1x1x1024xi32, #tpu.memory_space<vmem>>, vector<1x1x1024xi32>
    %swap3A_74 = vector.shape_cast %swap3A_73 : vector<1x1x1024xi32> to vector<1x1024xi32>
    %swap3A_75 = vector.shape_cast %broadcast_in_dim3A_69 : vector<1x1024xi32> to vector<1x1x1024xi32>
    tpu.vector_store %arg6[%swap3A_70, %swap3A_71, %swap3A_72], %swap3A_75 {strides = array<i32>} : memref<1x1x1024xi32, #tpu.memory_space<vmem>>, vector<1x1x1024xi32>,
    return
  }
  func.func @transform_0(%arg0: i32) -> (i32, i32) {
    %c0_i32 = arith.constant 0 : i32
    %c0_i32_0 = arith.constant 0 : i32
    return %arg0, %c0_i32 : i32, i32
  }
  func.func @transform_1(%arg0: i32) -> (i32, i32, i32) {
    %c0_i32 = arith.constant 0 : i32
    %c0_i32_0 = arith.constant 0 : i32
    %c0_i32_1 = arith.constant 0 : i32
    return %arg0, %c0_i32, %c0_i32_0 : i32, i32, i32
  }
  func.func @transform_2(%arg0: i32) -> (i32, i32) {
    %c0_i32 = arith.constant 0 : i32
    %c0_i32_0 = arith.constant 0 : i32
    return %arg0, %c0_i32 : i32, i32
  }
  func.func @transform_3(%arg0: i32) -> (i32, i32, i32) {
    %c0_i32 = arith.constant 0 : i32
    %c0_i32_0 = arith.constant 0 : i32
    %c0_i32_1 = arith.constant 0 : i32
    return %arg0, %c0_i32, %c0_i32_0 : i32, i32, i32
  }
  func.func @transform_4(%arg0: i32) -> (i32, i32, i32) {
    %c0_i32 = arith.constant 0 : i32
    %c0_i32_0 = arith.constant 0 : i32
    %c0_i32_1 = arith.constant 0 : i32
    return %arg0, %c0_i32, %c0_i32_0 : i32, i32, i32
  }
  func.func @transform_5(%arg0: i32) -> (i32, i32, i32) {
    %c0_i32 = arith.constant 0 : i32
    %c0_i32_0 = arith.constant 0 : i32
    %c0_i32_1 = arith.constant 0 : i32
    return %arg0, %c0_i32, %c0_i32_0 : i32, i32, i32
  }
}

</mosaic_0001>

<sc_bundles>
// kernel: kernel.4.cloned.1.call-start
scs
__scs_entry_jumppad:
0x0: {  	(pc) =	sbr.rel $0x88, $3  }
0x1: {  	(tag) =	ssettag $0x0;
	lr =	simm.s32 $0x1  }
0x2: {  	[smem:$0x3F9C] =	sst lr;
	_ =	strace $0xD0000000  }
0x3: {  	_ = 	snop  }
0x4: {  	_ = 	snop  }
0x5: {  	_ = 	snop  }
0x6: {  	_ = 	snop  }
0x7: {  	_ = 	snop  }
__scs_overlays_trampoline_lowered:
0x8: {  	[smem:$0x3FAB] =	sst s0  }
0x9: {  	[smem:$0x3FAC] =	sst s1  }
0xa: {  	[smem:$0x3FAD] =	sst s2  }
0xb: {  	[smem:$0x3FAE] =	sst s3  }
0xc: {  	[smem:$0x3FAF] =	sst s4  }
0xd: {  	[smem:$0x3FB0] =	sst s5  }
0xe: {  	[smem:$0x3FB1] =	sst s6  }
0xf: {  	[smem:$0x3FB2] =	sst s7  }
0x10: {  	[smem:$0x3FB3] =	sst s8  }
0x11: {  	[smem:$0x3FB4] =	sst s9;
	s0 =	simm.s32 @!p0 $0x0  }
0x12: {  	s1 =	sld [smem:$0x3F9A];
	s0 =	simm.s32 @p0 $0x1  }
0x13: {  	[smem:$0x3FB5] =	sst s0;
	s0 =	simm.s32 @!p1 $0x0  }
0x14: {  	s2 =	sld [smem:$0x3F99];
	s0 =	simm.s32 @p1 $0x1  }
0x15: {  	[smem:$0x3FB6] =	sst s0;
	s0 =	simm.s32 @!p2 $0x0  }
0x16: {  	s3 =	sld [smem:$0x3FDB];
	s0 =	simm.s32 @p2 $0x1  }
0x17: {  	s4 =	simm.s32 $0x1BF5;
	[smem:$0x3FB8] =	sst s0  }
0x18: {  	s0 =	sld [smem:$0x3F9B];
	_ =	swait.ge [sflag:s4], $0x0  }
0x19: {  	s7 =	sld [smem:$0x3F9C]  }
0x1a: {  	s8 =	sadd.s32 $0xFFFFE003, lr  }
0x1b: {  	s9 =	sadd.s32 $0xFFFFFEF7, lr;
	s5 =	simm.s32 $0xFFFFFFFF;
	p2 =	slt.u32 s8, $0xFFFFF086  }
0x1c: {  	p1 =	slt.u32 s9, $0xF7A;
	s5 =	simm.s32 @!p2 $0x0  }
0x1d: {  	s5 =	simm.s32 @p1 $0x1;
	p0 =	seq.s32 s7, s2  }
0x1e: {  	s7 =	smul.u32 @!p0 $0xF7A, s2;
	p2 =	seq.s32 @!p0 s5, $0x0  }
0x1f: {  	s9 =	smul.u32 $0xF7A, s1;
	s8 =	simm.s32 @!p0 $0x1BF5;
	p2 =	por !p2, p0  }
0x20: {  	[sflag:s8] =	ssyncset.s32 @!p0 $0xFFFFF086;
	s6 =	sadd.s32 @!p0 s3, s7;
	s7 =	simm.s32 @!p0 $0x108  }
0x21: {  	s3 =	sadd.s32 s3, s9;
	s6 =	sadd.s32 @!p0 $0x88, s6;
	s7 =	simm.s32 @p2 $0x1082  }
0x22: {  	[simem:s7], [sflag:s8] =	dma.local @!p0 [hbm:s6], $0xF7A  }
0x23: {  	s9 =	sor.u32 $0xD0000000, s2;
	s6 =	simm.s32 $0x108;
	_ =	swait.ge @!p0 [sflag:s8], $0x0  }
0x24: {  	s3 =	sadd.s32 $0x88, s3;
	s6 =	simm.s32 @!p1 $0x1082;
	[sflag:s4] =	ssyncset.s32 $0xFFFFF086  }
0x25: {  	[simem:s6], [sflag:s4] =	dma.local [hbm:s3], $0xF7A  }
0x26: {  	[smem:$0x3F9C] =	sst s1;
	(tag) =	ssettag s2;
	_ =	strace s9  }
0x27: {  	s1 =	sld [smem:$0x3FAC]  }
0x28: {  	s2 =	sld [smem:$0x3FAD]  }
0x29: {  	s4 =	sld [smem:$0x3FAF]  }
0x2a: {  	p0 =	seq.s32 s5, $0x0;
	s5 =	sld [smem:$0x3FB0]  }
0x2b: {  	s6 =	sld [smem:$0x3FB1]  }
0x2c: {  	s7 =	sld [smem:$0x3FB2]  }
0x2d: {  	s3 =	simm.s32 $0x108;
	s8 =	sld [smem:$0x3FB3]  }
0x2e: {  	s3 =	simm.s32 @!p0 $0x1082;
	s9 =	sld [smem:$0x3FB4]  }
0x2f: {  	lr =	sadd.s32 s0, s3;
	s0 =	sld [smem:$0x3FAB]  }
0x30: {  	s3 =	sld [smem:$0x3FAE]  }
0x31: {  	[smem:$0x3FB7] =	sst s10  }
0x32: {  	s10 =	sld [smem:$0x3FB5];
	_ =	sdelay $0x3  }
0x33: {  	p0 =	seq.s32 s10, $0x1;
	s10 =	sld [smem:$0x3FB7];
	_ =	sdelay $0x3  }
0x34: {  	[smem:$0x3FB7] =	sst s10  }
0x35: {  	s10 =	sld [smem:$0x3FB6];
	_ =	sdelay $0x3  }
0x36: {  	p1 =	seq.s32 s10, $0x1;
	s10 =	sld [smem:$0x3FB7];
	_ =	sdelay $0x3  }
0x37: {  	[smem:$0x3FB7] =	sst s10  }
0x38: {  	s10 =	sld [smem:$0x3FB8]  }
0x39: {  	_ = 	snop;
	(pc) =	sbr.ind lr, $3  }
0x3a: {  	_ = 	snop  }
0x3b: {  	_ = 	snop  }
0x3c: {  	p2 =	seq.s32 s10, $0x1;
	s10 =	sld [smem:$0x3FB7]  }
0x3d: {  	_ =	shalt  }
0x3e: {  	_ =	shalt  }
0x3f: {  	_ =	shalt  }
0x40: {  	_ =	shalt  }
0x41: {  	_ =	shalt  }
0x42: {  	_ =	shalt  }
0x43: {  	_ =	shalt  }
0x44: {  	_ =	shalt  }
0x45: {  	_ =	shalt  }
0x46: {  	_ =	shalt  }
0x47: {  	_ =	shalt  }
0x48: {  	_ =	shalt  }
0x49: {  	_ =	shalt  }
0x4a: {  	_ =	shalt  }
0x4b: {  	_ =	shalt  }
0x4c: {  	_ =	shalt  }
0x4d: {  	_ =	shalt  }
0x4e: {  	_ =	shalt  }
0x4f: {  	_ =	shalt  }
0x50: {  	_ =	shalt  }
0x51: {  	_ =	shalt  }
0x52: {  	_ =	shalt  }
0x53: {  	_ =	shalt  }
0x54: {  	_ =	shalt  }
0x55: {  	_ =	shalt  }
0x56: {  	_ =	shalt  }
0x57: {  	_ =	shalt  }
0x58: {  	_ =	shalt  }
0x59: {  	_ =	shalt  }
0x5a: {  	_ =	shalt  }
0x5b: {  	_ =	shalt  }
0x5c: {  	_ =	shalt  }
0x5d: {  	_ =	shalt  }
0x5e: {  	_ =	shalt  }
0x5f: {  	_ =	shalt  }
0x60: {  	_ =	shalt  }
0x61: {  	_ =	shalt  }
0x62: {  	_ =	shalt  }
0x63: {  	_ =	shalt  }
0x64: {  	_ =	shalt  }
0x65: {  	_ =	shalt  }
0x66: {  	_ =	shalt  }
0x67: {  	_ =	shalt  }
0x68: {  	_ =	shalt  }
0x69: {  	_ =	shalt  }
0x6a: {  	_ =	shalt  }
0x6b: {  	_ =	shalt  }
0x6c: {  	_ =	shalt  }
0x6d: {  	_ =	shalt  }
0x6e: {  	_ =	shalt  }
0x6f: {  	_ =	shalt  }
0x70: {  	_ =	shalt  }
0x71: {  	_ =	shalt  }
0x72: {  	_ =	shalt  }
0x73: {  	_ =	shalt  }
0x74: {  	_ =	shalt  }
0x75: {  	_ =	shalt  }
0x76: {  	_ =	shalt  }
0x77: {  	_ =	shalt  }
0x78: {  	_ =	shalt  }
0x79: {  	_ =	shalt  }
0x7a: {  	_ =	shalt  }
0x7b: {  	_ =	shalt  }
0x7c: {  	_ =	shalt  }
0x7d: {  	_ =	shalt  }
0x7e: {  	_ =	shalt  }
0x7f: {  	_ =	shalt  }
0x80: {  	_ =	shalt  }
0x81: {  	_ =	shalt  }
0x82: {  	_ =	shalt  }
0x83: {  	_ =	shalt  }
0x84: {  	_ =	shalt  }
0x85: {  	_ =	shalt  }
0x86: {  	_ =	shalt  }
0x87: {  	_ =	shalt  }
.Lfunc_end0:
.L_simem_size_0:
called_computation_lowered:
.L_overlay_start_0:
0x88: {  	s2 =	sld [smem:$0x3FD9]  }
0x89: {  	s3 =	sld [smem:$0x3FFE];
	_ =	sdelay $0x1  }
0x8a: {  	s1 =	srdreg.scid  }
0x8b: {  	s0 =	sand.u32 $0x1, s1  }
0x8c: {  	s14 =	sshll.u32 s0, $0xA;
	s2 =	sadd.s32 s3, s2  }
0x8d: {  	s2 =	sadd.s32 s2, s14  }
0x8e: {  	[smem:$0x3FC3] =	sst s2  }
0x8f: {  	_ = 	snop  }
0x90: {  	s2 =	sld [smem:$0x3FD0];
	_ =	sdelay $0x2  }
0x91: {  	s4 =	simm.s32 $0xA;
	s5 =	simm.s32 $0x10;
	s15 =	sld [smem:$0x3FC8]  }
0x92: {  	[smem:s5], [sflag:s4] =	dma.local [hbm:s2], $0x1  }
0x93: {  	_ =	swait.eq [sflag:s4], $0x1  }
0x94: {  	[sflag:s4] =	ssyncset.done $0x0  }
0x95: {  	s16 =	sld [smem:$0x10];
	[sflag:s4] =	ssyncadd.s32 $0xFFFFFFFF  }
0x96: {  	s17 =	sld [smem:$0x11];
	(tm) =	ssettm $0x1  }
0x97: {  	s18 =	sld [smem:$0x3FFB];
	_ =	sdelay $0x3  }
0x98: {  	_ =	strace s18  }
0x99: {  	s5 =	sld [smem:$0x3FFC];
	_ =	sdelay $0x3  }
0x9a: {  	_ =	strace s5  }
0x9b: {  	s5 =	sld [smem:$0x3FFD];
	_ =	sdelay $0x3  }
0x9c: {  	_ =	strace s5  }
0x9d: {  	_ =	strace $0x8FFFFFFF  }
0x9e: {  	s19 =	sld [smem:$0x3FDB];
	_ =	sdelay $0x1  }
0x9f: {  	s6 =	simm.s32 $_scs_section_size  }
0xa0: {  	s7 =	simm.s32 $_size__tile_overlayer_lowered;
	s8 =	simm.s32 $_tile_overlayer_lowered  }
0xa1: {  	s22 =	simm.s32 $0x1BFF;
	s21 =	sshll.u32 s8, $0x1;
	s5 =	sadd.s32 s6, s19  }
0xa2: {  	s9 =	simm.s32 $0x0;
	s20 =	sshll.u32 s7, $0x1;
	s7 =	sadd.s32 s21, s5  }
0xa3: {  	[timem:s9], [sflag:s22] =	dma.local [hbm:s7], s20  }
0xa4: {  	_ =	swait.ge [sflag:s22], s20  }
0xa5: {  	s6 =	ssub.s32 $0x0, s20;
	[sflag:s22] =	ssyncset.done $0x0  }
0xa6: {  	[sflag:s22] =	ssyncadd.s32 s6;
	_ =	sdelay $0x1  }
0xa7: {  	s23 =	simm.s32 $0x1B8B  }
0xa8: {  	_ =	swait.ge [sflag:s23], $0x1  }
0xa9: {  	[sflag:s23] =	ssyncset.done $0x0  }
0xaa: {  	s25 =	simm.s32 $0x1B8E;
	s24 =	sld [smem:$0x3FFE];
	[sflag:s23] =	ssyncadd.s32 $0xFFFFFFFF  }
0xab: {  	s26 =	simm.s32 $execute0_lowered;
	[smem:$0x3FD2] =	sst s25  }
0xac: {  	s7 =	sshll.u32 s26, $0x1;
	_ =	strace $0x80000046;
	[dreg:$0x1] =	wrdreg $0xFFFFFFFF  }
0xad: {  	s28 =	simm.s32 $_size_execute0_lowered;
	s5 =	sadd.s32 s5, s7;
	[dreg:$0x0] =	wrdreg $0x0  }
0xae: {  	s7 =	sshll.u32 s28, $0x1;
	[dreg:$0x2] =	wrdreg s5  }
0xaf: {  	[dreg:$0x3] =	wrdreg s7  }
0xb0: {  	[dreg:$0x4] =	wrdreg $0xC0  }
0xb1: {  	_ =	task [dreg:s9], $0x5FFFF  }
0xb2: {  	[dreg:$0x1] =	wrdreg $0xFFFFFFFF  }
0xb3: {  	[dreg:$0x0] =	wrdreg $0x60  }
0xb4: {  	[dreg:$0x2] =	wrdreg s16  }
0xb5: {  	[dreg:$0x3] =	wrdreg s15  }
0xb6: {  	[dreg:$0x4] =	wrdreg s24  }
0xb7: {  	[dreg:$0x5] =	wrdreg s17  }
0xb8: {  	[dreg:$0x6] =	wrdreg $0x9  }
0xb9: {  	_ =	task.clear_ibuf [dreg:s9], $0x7FFFF;
	_ =	strace $0x90000046  }
0xba: {  	s29 =	simm.s32 $0x9;
	_ =	strace $0x80000048  }
0xbb: {  	_ =	swait.ge [sflag:s29], $0x1  }
0xbc: {  	[sflag:s29] =	ssyncadd.s32 $0xFFFFFFFF  }
0xbd: {  	_ =	strace $0x90000048  }
0xbe: {  	_ =	sfence  }
0xbf: {  	s30 =	sld [smem:$0x0];
	_ =	sdelay $0x2  }
0xc0: {  	s31 =	sshll.u32 s1, $0xD;
	s1 =	sshrl.u32 s1, $0x2  }
0xc1: {  	s3 =	sand.u32 $0x4000, s31;
	s1 =	sadd.s32 s1, s30  }
0xc2: {  	s0 =	sor.u32 s3, s0;
	s1 =	sshll.u32 s1, $0x11  }
0xc3: {  	s0 =	sor.u32 s1, s0  }
0xc4: {  	s0 =	sadd.s32 $0x8F2B, s0  }
0xc5: {  	[sflag:s0] =	ssyncadd.remote.s32 $0x1  }
0xc6: {  	_ =	sfence.sel $0xFFFF  }
0xc7: {  	[dreg:$0x0] =	wrdreg $0xFFFFFFFF;
	(pc) =	sbr.abs _section_cstart, $3  }
0xc8: {  	[dreg:$0x1] =	wrdreg $0xFFFFFFFF  }
0xc9: {  	_ =	task.clear_ibuf [dreg:s9], $0x2FFFF;
	_ =	strace $0x9FFFFFFF  }
0xca: {  	(tm) =	ssettm $0x7FFFFFFF  }
0xcb: {  	_ =	shalt  }
tec
execute0_lowered:
.L_overlay_start_1:
0x0: {  	(tag) =	ssettag $0x1  }
0x1: {  	s3 =	rddreg [dreg:$0x0]  }
0x2: {  	s4 =	rddreg [dreg:$0x1]  }
0x3: {  	s5 =	rddreg [dreg:$0x2]  }
0x4: {  	s8 =	rddreg [dreg:$0x3]  }
0x5: {  	s0 =	rddreg [dreg:$0x4];
	s2 =	simm.s32 $0x0;
	s6 =	srdreg.scid  }
0x6: {  	s1 =	stileid.u32;
	s12 =	simm.s32 $0x400;
	s13 =	simm.s32 $0x800  }
0x7: {  	s14 =	simm.s32 $0xC00;
	s15 =	simm.s32 $0x1;
	s16 =	simm.s32 $0x1480  }
0x8: {  	s17 =	simm.s32 $0x2;
	s18 =	simm.s32 $0x1080;
	s19 =	simm.s32 $0x1880  }
0x9: {  	s20 =	simm.s32 $0x0;
	[smem:$0x7FF] =	sst s2;
	s6 =	sand.u32 $0x1, s6  }
0xa: {  	s9 =	sshll.u32 s1, $0xA;
	s10 =	sshll.u32 s1, $0xB;
	s7 =	sshll.u32 s6, $0x9  }
0xb: {  	_ =	strace $0x80000047;
	s6 =	ssub.s32 $0x2, s6;
	s9 =	sor.u32 s7, s9  }
0xc: {  	s11 =	sshrl.u32 s6, $0x1;
	s7 =	sor.u32 s7, s10;
	s9 =	sshrl.u32 s9, $0x3  }
0xd: {  	v0 =	vlaneseq.u32;
	s30 =	ssub.s32 s6, s11;
	s31 =	sshrl.u32 s7, $0x3;
	s11 =	simm.s32 $0x200  }
0xe: {  	v1 =	vmul.u32 $0xFFFFFFFF, v0;
	s9 =	sadd.s32 s9, s5;
	s3 =	sadd.s32 s3, s31;
	s4 =	sadd.s32 s4, s31  }
0xf: {  	s5 =	sadd.s32 s5, s31;
	s8 =	sadd.s32 s8, s31;
	s10 =	smax.u32 s30, $0x1  }
0x10: {  	v2 =	vadd.s32 $0xF, v1;
	s6 =	sadd.s32 $0x1000, s5;
	s7 =	sadd.s32 $0x2000, s5;
	s9 =	sadd.s32 $0x3000, s9  }
.LBB2_1:
0x11: {  	[tilespmem:s2], [sflag:$0x1] =	stream.strided.gather [hbm4b:s3+s11], $0x400, s12, s11, $0x38;
	[tilespmem:$0x1A80] =	vst v63  }
0x12: {  	_ = 	snop  }
0x13: {  	[tilespmem:s12], [sflag:$0x1] =	stream.strided.gather [hbm4b:s4+s11], $0x400, s12, s11, $0x38;
	[tilespmem:$0x1A80] =	vst v63  }
0x14: {  	_ = 	snop  }
0x15: {  	[tilespmem:s13], [sflag:$0x1] =	stream.strided.gather [hbm4b:s6+s11], $0x400, s12, s11, $0x38;
	[tilespmem:$0x1A80] =	vst v63  }
0x16: {  	_ = 	snop  }
0x17: {  	[tilespmem:s14], [sflag:$0x1] =	stream.strided.gather [hbm4b:s5+s11], $0x400, s12, s11, $0x38;
	[tilespmem:$0x1A80] =	vst v63  }
0x18: {  	_ =	swait.ge [sflag:s15], $0x400  }
0x19: {  	[sflag:s15] =	ssyncset.done $0x0  }
0x1a: {  	[sflag:s15] =	ssyncadd.s32 $0xFFFFFC00  }
0x1b: {  	_ =	swait.ge [sflag:s15], $0x400  }
0x1c: {  	[sflag:s15] =	ssyncset.done $0x0  }
0x1d: {  	[sflag:s15] =	ssyncadd.s32 $0xFFFFFC00  }
0x1e: {  	_ =	swait.ge [sflag:s15], $0x400  }
0x1f: {  	[sflag:s15] =	ssyncset.done $0x0  }
0x20: {  	[sflag:s15] =	ssyncadd.s32 $0xFFFFFC00  }
0x21: {  	_ =	swait.ge [sflag:s15], $0x400  }
0x22: {  	[sflag:s15] =	ssyncset.done $0x0  }
0x23: {  	[sflag:s15] =	ssyncadd.s32 $0xFFFFFC00  }
0x24: {  	v34 =	vld [tilespmem:$0x0]  }
0x25: {  	v32 =	vld [tilespmem:$0x10]  }
0x26: {  	v35 =	vld [tilespmem:$0x20]  }
0x27: {  	v31 =	vld [tilespmem:$0x30]  }
0x28: {  	v29 =	vld [tilespmem:$0x40]  }
0x29: {  	v30 =	vld [tilespmem:$0x50]  }
0x2a: {  	v28 =	vld [tilespmem:$0x60]  }
0x2b: {  	v25 =	vld [tilespmem:$0x70]  }
0x2c: {  	v33 =	vld [tilespmem:$0x200]  }
0x2d: {  	v27 =	vld [tilespmem:$0x210]  }
0x2e: {  	v23 =	vld [tilespmem:$0x220]  }
0x2f: {  	v24 =	vld [tilespmem:$0x230]  }
0x30: {  	v26 =	vld [tilespmem:$0x240]  }
0x31: {  	v22 =	vld [tilespmem:$0x250]  }
0x32: {  	v21 =	vld [tilespmem:$0x260]  }
0x33: {  	v19 =	vld [tilespmem:$0x270]  }
0x34: {  	v20 =	vld [tilespmem:$0x80]  }
0x35: {  	v18 =	vld [tilespmem:$0x90]  }
0x36: {  	v17 =	vld [tilespmem:$0xA0]  }
0x37: {  	v16 =	vld [tilespmem:$0xB0]  }
0x38: {  	v14 =	vld [tilespmem:$0xC0];
	v1 =	vmax.f32 v34, v32  }
0x39: {  	v13 =	vld [tilespmem:$0xD0];
	v1 =	vmax.f32 v1, v35  }
0x3a: {  	v15 =	vld [tilespmem:$0xE0];
	v3 =	vmax.f32 v20, v18;
	v1 =	vmax.f32 v1, v31  }
0x3b: {  	v12 =	vld [tilespmem:$0xF0];
	v3 =	vmax.f32 v3, v17;
	v1 =	vmax.f32 v1, v29  }
0x3c: {  	v11 =	vld [tilespmem:$0x280];
	v3 =	vmax.f32 v3, v16;
	v1 =	vmax.f32 v1, v30  }
0x3d: {  	v10 =	vld [tilespmem:$0x290];
	v3 =	vmax.f32 v3, v14;
	v1 =	vmax.f32 v1, v28  }
0x3e: {  	v4 =	vld [tilespmem:$0x2A0];
	v3 =	vmax.f32 v3, v13;
	v1 =	vmax.f32 v1, v25  }
0x3f: {  	v8 =	vld [tilespmem:$0x2B0];
	v3 =	vmax.f32 v3, v15;
	v1 =	vmax.f32 v1, v33  }
0x40: {  	v9 =	vld [tilespmem:$0x2C0];
	v3 =	vmax.f32 v3, v12;
	v1 =	vmax.f32 v1, v27  }
0x41: {  	v7 =	vld [tilespmem:$0x2D0];
	v3 =	vmax.f32 v3, v11;
	v1 =	vmax.f32 v1, v23  }
0x42: {  	v5 =	vld [tilespmem:$0x2E0];
	v6 =	vmax.f32 v3, v10;
	v1 =	vmax.f32 v1, v24  }
0x43: {  	v3 =	vld [tilespmem:$0x2F0];
	v6 =	vmax.f32 v6, v4;
	v1 =	vmax.f32 v1, v26  }
0x44: {  	v6 =	vmax.f32 v6, v8;
	v1 =	vmax.f32 v1, v22  }
0x45: {  	v6 =	vmax.f32 v6, v9;
	v1 =	vmax.f32 v1, v21  }
0x46: {  	v6 =	vmax.f32 v6, v7;
	v1 =	vmax.f32 v1, v19  }
0x47: {  	v38 =	vimm.f32 $-Inf;
	v6 =	vmax.f32 v6, v5;
	v36 =	vperm.xlane v1, v2  }
0x48: {  	[tilespmem:$0x1000] =	vst v38;
	v6 =	vmax.f32 v6, v3  }
0x49: {  	[tilespmem:$0x1020] =	vst v38;
	v57 =	vperm.xlane v6, v2;
	v1 =	vmax.f32 v1, v36  }
0x4a: {  	[tilespmem:$0x1010] =	vst v1  }
0x4b: {  	[tilespmem:$0x1030] =	vst v38;
	v6 =	vmax.f32 v6, v57;
	v37 =	vld [tilespmem:$0x100F]  }
0x4c: {  	[tilespmem:$0x1040] =	vst v6;
	v58 =	vld [tilespmem:$0x1011]  }
0x4d: {  	[tilespmem:$0x1050] =	vst v38;
	v59 =	vld [tilespmem:$0x103F]  }
0x4e: {  	v39 =	vld [tilespmem:$0x1041];
	_ =	sdelay $0x1  }
0x4f: {  	v1 =	vmax.f32 v1, v37  }
0x50: {  	v1 =	vmax.f32 v1, v58  }
0x51: {  	v6 =	vmax.f32 v6, v59;
	[tilespmem:$0x1010] =	vst v1  }
0x52: {  	v6 =	vmax.f32 v6, v39;
	v60 =	vld [tilespmem:$0x100E]  }
0x53: {  	[tilespmem:$0x1040] =	vst v6;
	v61 =	vld [tilespmem:$0x1012]  }
0x54: {  	v62 =	vld [tilespmem:$0x103E]  }
0x55: {  	v63 =	vld [tilespmem:$0x1042];
	_ =	sdelay $0x1  }
0x56: {  	v1 =	vmax.f32 v1, v60  }
0x57: {  	v41 =	vmax.f32 v1, v61  }
0x58: {  	v1 =	vmax.f32 v6, v62;
	[tilespmem:$0x1010] =	vst v41  }
0x59: {  	v37 =	vmax.f32 v1, v63;
	v43 =	vld [tilespmem:$0x100C]  }
0x5a: {  	v42 =	vld [tilespmem:$0x1014];
	[tilespmem:$0x1040] =	vst v37  }
0x5b: {  	v38 =	vimm.f32 $0.0e+00;
	v40 =	vld [tilespmem:$0x103C]  }
0x5c: {  	s22 =	simm.s32 $0x1;
	s21 =	simm.s32 $0x0;
	v36 =	vimm.f32 $0.0e+00;
	v6 =	vimm.f32 $0.0e+00;
	v1 =	vimm.f32 $0.0e+00;
	v39 =	vld [tilespmem:$0x1044]  }
.LBB2_2:
0x5d: {  	v46 =	vmov s21;
	s23 =	sadd.s32 $0xFFFFFFF0, s21  }
0x5e: {  	v47 =	vimm.s32 $0x0;
	v49 =	vimm.s32 $0x0;
	v48 =	vmov s23  }
0x5f: {  	vm0 =	veq.s32 v46, v0;
	vm1 =	veq.s32 v48, v0;
	v41 =	vmax.f32 v41, v43  }
0x60: {  	v37 =	vmax.f32 v37, v40;
	v40 =	vsel vm1, $0xFFFFFFFF, v49;
	v41 =	vmax.f32 v41, v42  }
0x61: {  	v42 =	vsel vm0, $0xFFFFFFFF, v47;
	v37 =	vmax.f32 v37, v39;
	vm2 =	veq.f32 v35, v41  }
0x62: {  	vm7 =	veq.f32 v32, v41;
	v36 =	vsel vm0, v41, v36;
	vm12 =	veq.f32 v20, v37  }
0x63: {  	v1 =	vsel vm1, v41, v1;
	vm3 =	veq.f32 v34, v41;
	vm5 =	veq.f32 v22, v41  }
0x64: {  	vm9 =	veq.f32 v26, v41;
	vm13 =	veq.f32 v19, v41;
	vm4 =	veq.f32 v17, v37  }
0x65: {  	vm11 =	veq.f32 v31, v41;
	vm6 =	veq.f32 v21, v41;
	vm10 =	veq.f32 v24, v41  }
0x66: {  	vm8 =	veq.f32 v18, v37;
	vm14 =	veq.f32 v27, v41;
	vm15 =	veq.f32 v11, v37  }
0x67: {  	vm0 =	veq.f32 v33, v41;
	vm1 =	veq.f32 v25, v41;
	v35 =	vsel vm2, $0xFF800000, v35  }
0x68: {  	v20 =	vsel vm12, $0xFF800000, v20;
	v19 =	vsel vm13, $0xFF800000, v19;
	v17 =	vsel vm4, $0xFF800000, v17  }
0x69: {  	v34 =	vsel vm3, $0xFF800000, v34;
	vm3 =	veq.f32 v13, v37;
	vm4 =	veq.f32 v16, v37  }
0x6a: {  	vm12 =	veq.f32 v12, v37;
	vm2 =	veq.f32 v23, v41;
	vm13 =	veq.f32 v10, v37  }
0x6b: {  	v32 =	vsel vm7, $0xFF800000, v32;
	vm7 =	veq.f32 v15, v37;
	v33 =	vsel vm0, $0xFF800000, v33  }
0x6c: {  	vm0 =	veq.f32 v14, v37;
	v31 =	vsel vm11, $0xFF800000, v31;
	v27 =	vsel vm14, $0xFF800000, v27  }
0x6d: {  	vm14 =	veq.f32 v28, v41;
	v26 =	vsel vm9, $0xFF800000, v26;
	v11 =	vsel vm15, $0xFF800000, v11  }
0x6e: {  	v25 =	vsel vm1, $0xFF800000, v25;
	v24 =	vsel vm10, $0xFF800000, v24;
	vm15 =	veq.f32 v30, v41  }
0x6f: {  	vm9 =	veq.f32 v8, v37;
	v22 =	vsel vm5, $0xFF800000, v22;
	v18 =	vsel vm8, $0xFF800000, v18  }
0x70: {  	vm10 =	veq.f32 v5, v37;
	vm11 =	veq.f32 v29, v41;
	v10 =	vsel vm13, $0xFF800000, v10  }
0x71: {  	vm13 =	veq.f32 v4, v37;
	v12 =	vsel vm12, $0xFF800000, v12;
	vm12 =	veq.f32 v9, v37  }
0x72: {  	v14 =	vsel vm0, $0xFF800000, v14;
	v28 =	vsel vm14, $0xFF800000, v28;
	v50 =	vmax.f32 v34, v32  }
0x73: {  	v30 =	vsel vm15, $0xFF800000, v30;
	v51 =	vmax.f32 v20, v18;
	v15 =	vsel vm7, $0xFF800000, v15  }
0x74: {  	[tilespmem:$0x1FFE0] =	vst v40;
	v29 =	vsel vm11, $0xFF800000, v29;
	v16 =	vsel vm4, $0xFF800000, v16;
	v39 =	vmax.f32 v50, v35  }
0x75: {  	v52 =	vld [tilespmem:$0x1FFE0];
	v13 =	vsel vm3, $0xFF800000, v13;
	v23 =	vsel vm2, $0xFF800000, v23;
	v39 =	vmax.f32 v39, v31  }
0x76: {  	[tilespmem:$0x1FFF0] =	vst v42;
	v4 =	vsel vm13, $0xFF800000, v4;
	v40 =	vmax.f32 v51, v17;
	v39 =	vmax.f32 v39, v29  }
0x77: {  	v53 =	vld [tilespmem:$0x1FFF0];
	v9 =	vsel vm12, $0xFF800000, v9;
	v40 =	vmax.f32 v40, v16;
	v39 =	vmax.f32 v39, v30  }
0x78: {  	vm12 =	veq.f32 v7, v37;
	v40 =	vmax.f32 v40, v14;
	v39 =	vmax.f32 v39, v28  }
0x79: {  	vm13 =	veq.f32 v3, v37;
	v40 =	vmax.f32 v40, v13;
	v39 =	vmax.f32 v39, v25  }
0x7a: {  	vm14 =	vnez.u8 v52;
	v40 =	vmax.f32 v40, v15;
	v39 =	vmax.f32 v39, v33  }
0x7b: {  	v38 =	vsel vm14, v37, v38;
	v40 =	vmax.f32 v40, v12;
	v39 =	vmax.f32 v39, v27  }
0x7c: {  	vm15 =	vnez.u8 v53;
	v54 =	vmax.f32 v40, v11;
	v39 =	vmax.f32 v39, v23  }
0x7d: {  	v6 =	vsel vm15, v37, v6;
	v37 =	vmax.f32 v54, v10;
	v39 =	vmax.f32 v39, v24  }
0x7e: {  	v8 =	vsel vm9, $0xFF800000, v8;
	v37 =	vmax.f32 v37, v4;
	v39 =	vmax.f32 v39, v26  }
0x7f: {  	v21 =	vsel vm6, $0xFF800000, v21;
	v37 =	vmax.f32 v37, v8;
	v39 =	vmax.f32 v39, v22  }
0x80: {  	v7 =	vsel vm12, $0xFF800000, v7;
	v37 =	vmax.f32 v37, v9;
	v39 =	vmax.f32 v39, v21  }
0x81: {  	v5 =	vsel vm10, $0xFF800000, v5;
	v37 =	vmax.f32 v37, v7;
	v39 =	vmax.f32 v39, v19  }
0x82: {  	v3 =	vsel vm13, $0xFF800000, v3;
	v37 =	vmax.f32 v37, v5;
	v55 =	vperm.xlane v39, v2  }
0x83: {  	v37 =	vmax.f32 v37, v3  }
0x84: {  	v56 =	vperm.xlane v37, v2;
	v39 =	vmax.f32 v39, v55  }
0x85: {  	[tilespmem:$0x1010] =	vst v39  }
0x86: {  	v37 =	vmax.f32 v37, v56;
	v57 =	vld [tilespmem:$0x100F]  }
0x87: {  	[tilespmem:$0x1040] =	vst v37;
	v58 =	vld [tilespmem:$0x1011]  }
0x88: {  	v59 =	vld [tilespmem:$0x103F]  }
0x89: {  	v60 =	vld [tilespmem:$0x1041];
	_ =	sdelay $0x1  }
0x8a: {  	v39 =	vmax.f32 v39, v57  }
0x8b: {  	v39 =	vmax.f32 v39, v58  }
0x8c: {  	v37 =	vmax.f32 v37, v59;
	[tilespmem:$0x1010] =	vst v39  }
0x8d: {  	v37 =	vmax.f32 v37, v60;
	v61 =	vld [tilespmem:$0x100E]  }
0x8e: {  	[tilespmem:$0x1040] =	vst v37;
	v62 =	vld [tilespmem:$0x1012]  }
0x8f: {  	v63 =	vld [tilespmem:$0x103E]  }
0x90: {  	v44 =	vld [tilespmem:$0x1042];
	_ =	sdelay $0x1  }
0x91: {  	v39 =	vmax.f32 v39, v61  }
0x92: {  	p0 =	sne.s32 s22, $0x1F;
	v41 =	vmax.f32 v39, v62  }
.Ltmp0:
0x93: {  	v37 =	vmax.f32 v37, v63;
	[tilespmem:$0x1010] =	vst v41;
	(pc) =	sbr.rel @p0 .LBB2_2-.Ltmp0, $4  }
0x94: {  	v37 =	vmax.f32 v37, v44;
	v43 =	vld [tilespmem:$0x100C]  }
0x95: {  	[tilespmem:$0x1040] =	vst v37;
	v42 =	vld [tilespmem:$0x1014]  }
0x96: {  	v40 =	vld [tilespmem:$0x103C]  }
0x97: {  	s21 =	smov.u32 s22;
	s22 =	sadd.s32 $0x1, s22;
	v39 =	vld [tilespmem:$0x1044]  }
0x98: {  	s22 =	sadd.s32 $0xFFFFFFF0, s21  }
0x99: {  	v41 =	vmax.f32 v41, v43;
	v45 =	vmov s22  }
0x9a: {  	v60 =	vmax.f32 v41, v42;
	vm1 =	veq.s32 v45, v0  }
0x9b: {  	vm0 =	vmmov $0x7fff;
	v1 =	vsel vm1, v60, v1  }
0x9c: {  	[tilespmem:$0x1FF10] =	vst v1;
	v1 =	vsel vm0, $0xFF800000, v1  }
0x9d: {  	v46 =	vperm.xlane v1, v2;
	_ =	sdelay $0x1  }
0x9e: {  	v1 =	vmax.f32 v1, v46  }
0x9f: {  	[tilespmem:$0x1010] =	vst v1  }
0xa0: {  	v47 =	vld [tilespmem:$0x100F]  }
0xa1: {  	v48 =	vld [tilespmem:$0x1011];
	_ =	sdelay $0x3  }
0xa2: {  	v1 =	vmax.f32 v1, v47  }
0xa3: {  	v1 =	vmax.f32 v1, v48  }
0xa4: {  	[tilespmem:$0x1010] =	vst v1  }
0xa5: {  	v49 =	vld [tilespmem:$0x100E]  }
0xa6: {  	v50 =	vld [tilespmem:$0x1012];
	_ =	sdelay $0x3  }
0xa7: {  	v1 =	vmax.f32 v1, v49  }
0xa8: {  	v41 =	vmax.f32 v1, v50;
	v1 =	vld [tilespmem:$0x800];
	_ =	sdelay $0x4  }
0xa9: {  	[tilespmem:$0x1FB50] =	vst v1;
	v1 =	vld [tilespmem:$0x810];
	_ =	sdelay $0x4  }
0xaa: {  	[tilespmem:$0x1FB60] =	vst v1;
	v1 =	vld [tilespmem:$0x430];
	_ =	sdelay $0x4  }
0xab: {  	[tilespmem:$0x1FD20] =	vst v1;
	v1 =	vld [tilespmem:$0x830];
	_ =	sdelay $0x4  }
0xac: {  	[tilespmem:$0x1FB70] =	vst v1;
	v1 =	vld [tilespmem:$0xC30];
	_ =	sdelay $0x4  }
0xad: {  	[tilespmem:$0x1FB80] =	vst v1;
	v1 =	vld [tilespmem:$0x440];
	_ =	sdelay $0x4  }
0xae: {  	[tilespmem:$0x1FD60] =	vst v1;
	v1 =	vld [tilespmem:$0x840];
	_ =	sdelay $0x4  }
0xaf: {  	[tilespmem:$0x1FB90] =	vst v1;
	v1 =	vld [tilespmem:$0xC40];
	_ =	sdelay $0x4  }
0xb0: {  	[tilespmem:$0x1FBA0] =	vst v1;
	v1 =	vld [tilespmem:$0x450];
	_ =	sdelay $0x4  }
0xb1: {  	[tilespmem:$0x1FD80] =	vst v1;
	v1 =	vld [tilespmem:$0x850];
	_ =	sdelay $0x4  }
0xb2: {  	[tilespmem:$0x1FBB0] =	vst v1;
	v1 =	vld [tilespmem:$0xC50];
	_ =	sdelay $0x4  }
0xb3: {  	[tilespmem:$0x1FBC0] =	vst v1;
	v1 =	vld [tilespmem:$0x460];
	_ =	sdelay $0x4  }
0xb4: {  	[tilespmem:$0x1FD90] =	vst v1;
	v1 =	vld [tilespmem:$0x860];
	_ =	sdelay $0x4  }
0xb5: {  	[tilespmem:$0x1FBD0] =	vst v1;
	v1 =	vld [tilespmem:$0xC60];
	_ =	sdelay $0x4  }
0xb6: {  	[tilespmem:$0x1FBE0] =	vst v1;
	v1 =	vld [tilespmem:$0x470];
	_ =	sdelay $0x4  }
0xb7: {  	[tilespmem:$0x1FDA0] =	vst v1;
	v1 =	vld [tilespmem:$0x870];
	_ =	sdelay $0x4  }
0xb8: {  	[tilespmem:$0x1FBF0] =	vst v1;
	v1 =	vld [tilespmem:$0xC70];
	_ =	sdelay $0x4  }
0xb9: {  	[tilespmem:$0x1FC00] =	vst v1;
	v1 =	vld [tilespmem:$0x600];
	_ =	sdelay $0x4  }
0xba: {  	[tilespmem:$0x1FDF0] =	vst v1;
	v1 =	vld [tilespmem:$0xA00];
	_ =	sdelay $0x4  }
0xbb: {  	[tilespmem:$0x1FC10] =	vst v1;
	v1 =	vld [tilespmem:$0xE00];
	_ =	sdelay $0x4  }
0xbc: {  	[tilespmem:$0x1FC20] =	vst v1;
	v1 =	vld [tilespmem:$0x610];
	_ =	sdelay $0x4  }
0xbd: {  	[tilespmem:$0x1FE10] =	vst v1;
	v1 =	vld [tilespmem:$0xA10];
	_ =	sdelay $0x1  }
0xbe: {  	v51 =	vld [tilespmem:$0x400]  }
0xbf: {  	v55 =	vld [tilespmem:$0xC00]  }
0xc0: {  	v52 =	vld [tilespmem:$0x410]  }
0xc1: {  	[tilespmem:$0x1FC30] =	vst v1;
	v1 =	vld [tilespmem:$0xE10]  }
0xc2: {  	v63 =	vld [tilespmem:$0xC10]  }
0xc3: {  	v56 =	vld [tilespmem:$0x20]  }
0xc4: {  	v54 =	vld [tilespmem:$0x820]  }
0xc5: {  	v61 =	vld [tilespmem:$0xC20]  }
0xc6: {  	[tilespmem:$0x1FC40] =	vst v1;
	v1 =	vld [tilespmem:$0x620]  }
0xc7: {  	v62 =	vld [tilespmem:$0x30]  }
0xc8: {  	v59 =	vld [tilespmem:$0x40]  }
0xc9: {  	v58 =	vld [tilespmem:$0x50];
	v37 =	vmax.f32 v37, v40  }
0xca: {  	v40 =	vmax.f32 v37, v39;
	v37 =	vld [tilespmem:$0x630]  }
0xcb: {  	[tilespmem:$0x1FE20] =	vst v1;
	v1 =	vld [tilespmem:$0xA20]  }
0xcc: {  	v57 =	vld [tilespmem:$0x60]  }
0xcd: {  	v53 =	vld [tilespmem:$0x70]  }
0xce: {  	v43 =	vld [tilespmem:$0x220]  }
0xcf: {  	v42 =	vld [tilespmem:$0x230];
	[tilespmem:$0x1FE30] =	vst v37  }
0xd0: {  	v37 =	vimm.s32 $0x0;
	[tilespmem:$0x1FC50] =	vst v1;
	v1 =	vld [tilespmem:$0xE20]  }
0xd1: {  	v39 =	vld [tilespmem:$0x240];
	v37 =	vsel vm0, $0xFFFFFFFF, v37  }
0xd2: {  	[tilespmem:$0x1FB40] =	vst v37;
	v37 =	vld [tilespmem:$0xA30]  }
0xd3: {  	[tilespmem:$0x1FCD0] =	vst v51;
	vm3 =	vlt.f32 v51, $0.0e+00;
	vm4 =	vgt.f32 v51, $0.0e+00;
	v51 =	vld [tilespmem:$0xA50]  }
0xd4: {  	v46 =	vld [tilespmem:$0x210];
	[tilespmem:$0x1010] =	vst v41  }
0xd5: {  	v47 =	vld [tilespmem:$0x10];
	[tilespmem:$0x1FC60] =	vst v1;
	v1 =	vsel vm1, v40, v38  }
0xd6: {  	v44 =	vld [tilespmem:$0x100C];
	[tilespmem:$0x1FFD0] =	vst v1;
	v1 =	vsel vm0, $0xFF800000, v1  }
0xd7: {  	[tilespmem:$0x1FC70] =	vst v37;
	v45 =	vld [tilespmem:$0x1014];
	v37 =	vperm.xlane v1, v2  }
0xd8: {  	v48 =	vld [tilespmem:$0x0]  }
0xd9: {  	v1 =	vmax.f32 v1, v37;
	v37 =	vld [tilespmem:$0x640]  }
0xda: {  	v38 =	vld [tilespmem:$0xE30]  }
0xdb: {  	v49 =	vld [tilespmem:$0x200];
	v41 =	vmax.f32 v41, v44  }
0xdc: {  	v50 =	vld [tilespmem:$0x420];
	v41 =	vmax.f32 v41, v45  }
0xdd: {  	vm14 =	vge.f32 v48, v41;
	v48 =	vld [tilespmem:$0x260];
	[tilespmem:$0x1010] =	vst v1  }
0xde: {  	[tilespmem:$0x1FE90] =	vst v37;
	v37 =	vld [tilespmem:$0x100F]  }
0xdf: {  	[tilespmem:$0x1FC80] =	vst v38;
	v38 =	vld [tilespmem:$0x1011]  }
0xe0: {  	vm15 =	vge.f32 v47, v41;
	v47 =	vld [tilespmem:$0x250]  }
0xe1: {  	vm6 =	vlt.f32 v50, $0.0e+00;
	vm7 =	vgt.f32 v50, $0.0e+00;
	vm2 =	vge.f32 v56, v41;
	v56 =	vld [tilespmem:$0x1FB50]  }
0xe2: {  	vm9 =	vlt.f32 v52, $0.0e+00;
	vm11 =	vmor vm7, vm6;
	v45 =	vld [tilespmem:$0x1FB60]  }
0xe3: {  	vm13 =	vmand vm2, vm11;
	vm2 =	vge.f32 v48, v41;
	v48 =	vld [tilespmem:$0x1FD20];
	v1 =	vmax.f32 v1, v37  }
0xe4: {  	[tilespmem:$0x1FCF0] =	vst v52;
	vm5 =	vgt.f32 v52, $0.0e+00;
	vm3 =	vmor vm4, vm3;
	v52 =	vld [tilespmem:$0x1FB80];
	v1 =	vmax.f32 v1, v38  }
0xe5: {  	vm10 =	vmor vm5, vm9;
	vm9 =	vge.f32 v49, v41;
	v49 =	vld [tilespmem:$0x1FD60];
	vm0 =	vmand vm14, vm3;
	[tilespmem:$0x1010] =	vst v1  }
0xe6: {  	v37 =	vsel vm0, v56, v55;
	v55 =	vld [tilespmem:$0x100E]  }
0xe7: {  	[tilespmem:$0x1FCB0] =	vst v51;
	v51 =	vld [tilespmem:$0x1012]  }
0xe8: {  	vm12 =	vmand vm15, vm10;
	vm10 =	vge.f32 v53, v41;
	v53 =	vld [tilespmem:$0x1FB90]  }
0xe9: {  	[tilespmem:$0x1FD10] =	vst v50;
	v50 =	vsel vm13, v54, v61;
	v54 =	vld [tilespmem:$0x1FBA0]  }
0xea: {  	[tilespmem:$0x1FCC0] =	vst v37;
	v37 =	vsel vm12, v45, v63;
	v63 =	vld [tilespmem:$0x270]  }
0xeb: {  	vm8 =	vge.f32 v46, v41;
	vm7 =	vge.f32 v43, v41;
	[tilespmem:$0x1FD00] =	vst v50;
	v50 =	vld [tilespmem:$0x1FD80];
	v1 =	vmax.f32 v1, v55  }
0xec: {  	vm6 =	vge.f32 v42, v41;
	vm4 =	vge.f32 v39, v41;
	v1 =	vmax.f32 v1, v51;
	v51 =	vld [tilespmem:$0x1FB70]  }
0xed: {  	vm13 =	vgt.f32 v48, $0.0e+00;
	v61 =	vld [tilespmem:$0x1FBB0];
	vm1 =	vge.f32 v59, v41;
	vm3 =	vlt.f32 v48, $0.0e+00  }
0xee: {  	v59 =	vld [tilespmem:$0x1FDA0];
	vm14 =	vgt.f32 v49, $0.0e+00;
	vm3 =	vmor vm13, vm3;
	vm0 =	vge.f32 v62, v41  }
0xef: {  	vm13 =	vlt.f32 v49, $0.0e+00;
	vm0 =	vmand vm0, vm3;
	vm3 =	vge.f32 v63, v41;
	v63 =	vld [tilespmem:$0x1FBC0]  }
0xf0: {  	vm11 =	vge.f32 v57, v41;
	vm5 =	vge.f32 v47, v41;
	vm13 =	vmor vm14, vm13;
	v55 =	vld [tilespmem:$0x1FD90]  }
0xf1: {  	vm1 =	vmand vm1, vm13;
	vm12 =	vge.f32 v58, v41;
	v41 =	vsel vm0, v51, v52;
	v52 =	vld [tilespmem:$0x1FBD0]  }
0xf2: {  	[tilespmem:$0x1FD30] =	vst v41;
	v41 =	vsel vm1, v53, v54;
	v53 =	vld [tilespmem:$0x1FBE0]  }
0xf3: {  	v57 =	vmov s21;
	vm14 =	vgt.f32 v50, $0.0e+00;
	vm13 =	vlt.f32 v50, $0.0e+00;
	v54 =	vld [tilespmem:$0x1FDF0]  }
0xf4: {  	v58 =	vimm.s32 $0x0;
	vm0 =	vmor vm14, vm13;
	vm1 =	veq.s32 v57, v0;
	v57 =	vld [tilespmem:$0x1FBF0]  }
0xf5: {  	vm0 =	vmand vm12, vm0;
	v39 =	vsel vm1, $0xFFFFFFFF, v58;
	v58 =	vld [tilespmem:$0x1FC00]  }
0xf6: {  	vm13 =	vlt.f32 v55, $0.0e+00;
	vm14 =	vgt.f32 v55, $0.0e+00;
	v48 =	vsel vm0, v61, v63;
	v61 =	vld [tilespmem:$0x1FC10]  }
0xf7: {  	vm12 =	vmor vm14, vm13;
	v63 =	vld [tilespmem:$0x1FC20]  }
0xf8: {  	v44 =	vld [tilespmem:$0xA40];
	vm13 =	vgt.f32 v59, $0.0e+00;
	vm11 =	vmand vm11, vm12;
	vm12 =	vlt.f32 v59, $0.0e+00  }
0xf9: {  	v55 =	vld [tilespmem:$0x1FE10];
	vm14 =	vmor vm13, vm12;
	vm15 =	vlt.f32 v54, $0.0e+00;
	vm12 =	vgt.f32 v54, $0.0e+00  }
0xfa: {  	[tilespmem:$0x1FD70] =	vst v48;
	vm0 =	vmand vm10, vm14;
	v48 =	vsel vm11, v52, v53;
	vm10 =	vmor vm12, vm15  }
0xfb: {  	v52 =	vld [tilespmem:$0x1FC30];
	[tilespmem:$0x1FDB0] =	vst v48;
	v48 =	vsel vm0, v57, v58;
	vm0 =	vmand vm9, vm10  }
0xfc: {  	[tilespmem:$0x1FDC0] =	vst v48;
	v48 =	vsel vm0, v61, v63;
	v61 =	vld [tilespmem:$0x1FC40]  }
0xfd: {  	v46 =	vld [tilespmem:$0xE70]  }
0xfe: {  	[tilespmem:$0x1FC90] =	vst v44;
	v44 =	vld [tilespmem:$0xE40];
	vm11 =	vlt.f32 v55, $0.0e+00;
	vm12 =	vgt.f32 v55, $0.0e+00  }
0xff: {  	v59 =	vld [tilespmem:$0x1FE20];
	vm13 =	vmor vm12, vm11  }
0x100: {  	vm8 =	vmand vm8, vm13;
	v63 =	vld [tilespmem:$0x1FE30]  }
0x101: {  	[tilespmem:$0x1FDE0] =	vst v48;
	v48 =	vsel vm8, v52, v61;
	v52 =	vld [tilespmem:$0x1FC50]  }
0x102: {  	v61 =	vld [tilespmem:$0x1FC60]  }
0x103: {  	[tilespmem:$0x1FCA0] =	vst v44;
	v44 =	vld [tilespmem:$0x650]  }
0x104: {  	v42 =	vld [tilespmem:$0x480];
	vm14 =	vlt.f32 v59, $0.0e+00;
	vm15 =	vgt.f32 v59, $0.0e+00  }
0x105: {  	v47 =	vld [tilespmem:$0xA70];
	vm12 =	vmor vm15, vm14  }
0x106: {  	v62 =	vld [tilespmem:$0x660];
	vm0 =	vmand vm7, vm12  }
0x107: {  	v56 =	vld [tilespmem:$0xA60];
	vm13 =	vlt.f32 v63, $0.0e+00;
	vm14 =	vgt.f32 v63, $0.0e+00;
	[tilespmem:$0x1FE00] =	vst v48;
	v48 =	vsel vm0, v52, v61  }
0x108: {  	[tilespmem:$0x1FEB0] =	vst v44;
	vm0 =	vmor vm14, vm13;
	vm13 =	vlt.f32 v44, $0.0e+00;
	vm14 =	vgt.f32 v44, $0.0e+00;
	v44 =	vld [tilespmem:$0x1FC70]  }
0x109: {  	[tilespmem:$0x1010] =	vst v1;
	v52 =	vld [tilespmem:$0x1FC80]  }
0x10a: {  	v43 =	vld [tilespmem:$0x100C]  }
0x10b: {  	[tilespmem:$0x1FD50] =	vst v41;
	v41 =	vld [tilespmem:$0x1014]  }
0x10c: {  	v63 =	vld [tilespmem:$0x1FE90]  }
0x10d: {  	[tilespmem:$0x1FCE0] =	vst v37;
	v37 =	vld [tilespmem:$0x670];
	vm0 =	vmand vm6, vm0  }
0x10e: {  	v44 =	vsel vm0, v44, v52;
	v52 =	vld [tilespmem:$0x1FCA0]  }
0x10f: {  	[tilespmem:$0x1FE50] =	vst v44;
	v44 =	vld [tilespmem:$0x1FC90]  }
0x110: {  	v38 =	vld [tilespmem:$0xE50];
	v1 =	vmax.f32 v1, v43  }
0x111: {  	v45 =	vld [tilespmem:$0xE60];
	v41 =	vmax.f32 v1, v41;
	vm15 =	vlt.f32 v63, $0.0e+00;
	vm12 =	vgt.f32 v63, $0.0e+00  }
0x112: {  	[tilespmem:$0x1FFC0] =	vst v39;
	v39 =	vld [tilespmem:$0x490];
	vm15 =	vmor vm12, vm15;
	vm9 =	vmor vm14, vm13;
	vm12 =	vlt.f32 v62, $0.0e+00  }
0x113: {  	v53 =	vld [tilespmem:$0x90];
	vm13 =	vgt.f32 v62, $0.0e+00;
	vm14 =	vlt.f32 v37, $0.0e+00;
	vm10 =	vmand vm4, vm15  }
0x114: {  	vm11 =	vmand vm5, vm9;
	vm15 =	vgt.f32 v37, $0.0e+00;
	v44 =	vsel vm10, v44, v52;
	v52 =	vld [tilespmem:$0x1FCB0]  }
0x115: {  	vm4 =	veq.f32 v21, v60;
	vm8 =	vmor vm15, vm14;
	vm0 =	vmor vm13, vm12  }
0x116: {  	v21 =	vsel vm4, $0xFF800000, v21;
	vm9 =	vmand vm3, vm8;
	vm0 =	vmand vm2, vm0  }
0x117: {  	vm12 =	vlt.f32 v39, $0.0e+00;
	vm13 =	vgt.f32 v39, $0.0e+00;
	v1 =	vsel vm0, v56, v45  }
0x118: {  	v49 =	vld [tilespmem:$0x880];
	vm2 =	vge.f32 v53, v41;
	[tilespmem:$0x1FEC0] =	vst v1;
	v1 =	vsel vm9, v47, v46;
	vm9 =	vmor vm13, vm12  }
0x119: {  	v50 =	vld [tilespmem:$0x80];
	vm10 =	vlt.f32 v42, $0.0e+00;
	v38 =	vsel vm11, v52, v38;
	vm11 =	vgt.f32 v42, $0.0e+00  }
0x11a: {  	v51 =	vld [tilespmem:$0xC80];
	vm3 =	vmor vm11, vm10;
	vm11 =	vmand vm2, vm9;
	vm2 =	veq.f32 v22, v60  }
0x11b: {  	v22 =	vsel vm2, $0xFF800000, v22;
	vm2 =	veq.f32 v21, $-Inf;
	v21 =	vld [tilespmem:$0x1FD00]  }
0x11c: {  	v59 =	vld [tilespmem:$0x4A0]  }
0x11d: {  	v54 =	vld [tilespmem:$0x890]  }
0x11e: {  	v55 =	vld [tilespmem:$0xC90];
	_ =	sdelay $0x1  }
0x11f: {  	[tilespmem:$0x14A0] =	vst v21;
	v21 =	vld [tilespmem:$0x1FD10]  }
0x120: {  	vm14 =	vlt.f32 v59, $0.0e+00;
	vm0 =	vge.f32 v50, v41  }
0x121: {  	v57 =	vld [tilespmem:$0xA0];
	vm15 =	vgt.f32 v59, $0.0e+00;
	vm13 =	veq.f32 v35, v60;
	vm0 =	vmand vm0, vm3  }
0x122: {  	v50 =	vsel vm0, v49, v51;
	v51 =	vsel vm11, v54, v55;
	v54 =	vsel vm13, $0xFF800000, v35  }
0x123: {  	vm10 =	vmor vm15, vm14;
	vm15 =	veq.f32 v54, $-Inf  }
0x124: {  	v21 =	vsel vm15, $0x0, v21  }
0x125: {  	vm6 =	veq.f32 v31, v60;
	[tilespmem:$0x10A0] =	vst v21;
	v21 =	vld [tilespmem:$0x1FD20]  }
0x126: {  	v58 =	vld [tilespmem:$0x8A0];
	vm5 =	vge.f32 v57, v41;
	v31 =	vsel vm6, $0xFF800000, v31  }
0x127: {  	v63 =	vld [tilespmem:$0xCA0];
	vm9 =	veq.f32 v23, v60;
	vm12 =	vmand vm5, vm10;
	vm5 =	veq.f32 v32, v60  }
0x128: {  	[tilespmem:$0x1FE80] =	vst v44;
	v44 =	vld [tilespmem:$0x8B0];
	vm3 =	veq.f32 v19, v60;
	v23 =	vsel vm9, $0xFF800000, v23;
	v32 =	vsel vm5, $0xFF800000, v32  }
0x129: {  	vm5 =	veq.f32 v31, $-Inf;
	vm9 =	veq.f32 v23, $-Inf;
	v23 =	vld [tilespmem:$0x1FCD0];
	v19 =	vsel vm3, $0xFF800000, v19  }
0x12a: {  	v36 =	vsel vm1, v60, v36;
	v21 =	vsel vm5, $0x0, v21;
	vm5 =	veq.f32 v19, $-Inf;
	v19 =	vld [tilespmem:$0x2B0]  }
0x12b: {  	vm7 =	veq.f32 v26, v60;
	vm8 =	veq.f32 v24, v60;
	vm4 =	veq.f32 v22, $-Inf;
	v22 =	vld [tilespmem:$0x1FCF0]  }
0x12c: {  	v61 =	vld [tilespmem:$0x4B0];
	vm14 =	veq.f32 v34, v60;
	vm10 =	veq.f32 v27, v60;
	v53 =	vsel vm12, v58, v63  }
0x12d: {  	[tilespmem:$0x1FE40] =	vst v48;
	v48 =	vld [tilespmem:$0xB0];
	v55 =	vsel vm14, $0xFF800000, v34;
	vm0 =	veq.f32 v33, v60;
	vm13 =	veq.f32 v25, v60  }
0x12e: {  	[tilespmem:$0x1FD40] =	vst v44;
	v44 =	vld [tilespmem:$0xCB0];
	vm11 =	veq.f32 v28, v60;
	vm12 =	veq.f32 v30, v60;
	vm14 =	veq.f32 v29, v60  }
0x12f: {  	vm1 =	veq.f32 v55, $-Inf;
	v60 =	vsel vm0, $0xFF800000, v33;
	vm0 =	veq.f32 v32, $-Inf;
	[tilespmem:$0x1FF80] =	vst v19;
	v19 =	vld [tilespmem:$0x1FD40]  }
0x130: {  	v23 =	vsel vm1, $0x0, v23;
	v22 =	vsel vm0, $0x0, v22;
	vm0 =	veq.f32 v20, v40  }
0x131: {  	vm1 =	vgt.f32 v61, $0.0e+00;
	v20 =	vsel vm0, $0xFF800000, v20;
	vm0 =	vlt.f32 v61, $0.0e+00  }
0x132: {  	vm0 =	vmor vm1, vm0;
	vm15 =	vge.f32 v48, v41  }
0x133: {  	vm0 =	vmand vm15, vm0  }
0x134: {  	v55 =	vsel vm0, v19, v44;
	v19 =	vld [tilespmem:$0x1FD50];
	_ =	sdelay $0x4  }
0x135: {  	[tilespmem:$0x14C0] =	vst v19;
	v19 =	vld [tilespmem:$0x1FD60];
	_ =	sdelay $0x2  }
0x136: {  	v29 =	vsel vm14, $0xFF800000, v29  }
0x137: {  	vm6 =	veq.f32 v29, $-Inf;
	vm15 =	veq.f32 v18, v40  }
0x138: {  	[tilespmem:$0x1FEE0] =	vst v1;
	v1 =	vld [tilespmem:$0x8C0];
	v18 =	vsel vm15, $0xFF800000, v18;
	v19 =	vsel vm6, $0x0, v19;
	vm6 =	veq.f32 v17, v40  }
0x139: {  	v17 =	vsel vm6, $0xFF800000, v17;
	vm6 =	veq.f32 v18, $-Inf;
	v18 =	vld [tilespmem:$0x1FD70]  }
0x13a: {  	[tilespmem:$0x1FED0] =	vst v62;
	v62 =	vld [tilespmem:$0x4C0]  }
0x13b: {  	[tilespmem:$0x1FEF0] =	vst v37;
	v37 =	vld [tilespmem:$0xC0]  }
0x13c: {  	[tilespmem:$0x10C0] =	vst v19;
	v19 =	vld [tilespmem:$0x1FD90]  }
0x13d: {  	[tilespmem:$0x1FDD0] =	vst v1;
	v1 =	vld [tilespmem:$0x4D0]  }
0x13e: {  	[tilespmem:$0x14D0] =	vst v18;
	v18 =	vld [tilespmem:$0x1FD80]  }
0x13f: {  	v56 =	vmov v42;
	v42 =	vld [tilespmem:$0xD0];
	v29 =	vsel vm11, $0xFF800000, v28;
	vm15 =	veq.f32 v16, v40  }
0x140: {  	v30 =	vsel vm12, $0xFF800000, v30;
	vm12 =	veq.f32 v29, $-Inf;
	v16 =	vsel vm15, $0xFF800000, v16  }
0x141: {  	vm15 =	vlt.f32 v62, $0.0e+00;
	v19 =	vsel vm12, $0x0, v19;
	vm12 =	vgt.f32 v62, $0.0e+00  }
0x142: {  	vm11 =	veq.f32 v30, $-Inf;
	vm0 =	vge.f32 v37, v41;
	vm1 =	vmor vm12, vm15  }
0x143: {  	vm12 =	vgt.f32 v1, $0.0e+00;
	v18 =	vsel vm11, $0x0, v18;
	vm11 =	vlt.f32 v1, $0.0e+00  }
0x144: {  	vm0 =	vmand vm0, vm1;
	vm1 =	vge.f32 v42, v41;
	vm11 =	vmor vm12, vm11  }
0x145: {  	vm1 =	vmand vm1, vm11;
	vm11 =	veq.f32 v16, $-Inf;
	v16 =	vld [tilespmem:$0x2D0];
	_ =	sdelay $0x3  }
0x146: {  	v45 =	vld [tilespmem:$0xCC0]  }
0x147: {  	[tilespmem:$0x1FFB0] =	vst v16;
	v16 =	vld [tilespmem:$0x1FDD0];
	_ =	sdelay $0x3  }
0x148: {  	[tilespmem:$0x10D0] =	vst v18;
	v18 =	vld [tilespmem:$0x1FDA0]  }
0x149: {  	v45 =	vsel vm0, v16, v45;
	v16 =	vld [tilespmem:$0x1FDE0];
	_ =	sdelay $0x1  }
0x14a: {  	v25 =	vsel vm13, $0xFF800000, v25  }
0x14b: {  	vm14 =	veq.f32 v25, $-Inf  }
0x14c: {  	v18 =	vsel vm14, $0x0, v18;
	vm14 =	veq.f32 v14, v40  }
0x14d: {  	[tilespmem:$0x1680] =	vst v16;
	v16 =	vsel vm14, $0xFF800000, v14;
	v14 =	vld [tilespmem:$0x1FDF0];
	_ =	sdelay $0x3  }
0x14e: {  	v57 =	vld [tilespmem:$0x8E0];
	vm13 =	veq.f32 v60, $-Inf  }
0x14f: {  	[tilespmem:$0x10F0] =	vst v18;
	vm0 =	veq.f32 v15, v40;
	v18 =	vsel vm13, $0x0, v14  }
0x150: {  	[tilespmem:$0x1280] =	vst v18;
	v18 =	vsel vm0, $0xFF800000, v15;
	v15 =	vld [tilespmem:$0x1FE00]  }
0x151: {  	v43 =	vld [tilespmem:$0x8D0]  }
0x152: {  	[tilespmem:$0x1FF00] =	vst v36;
	v36 =	vld [tilespmem:$0x4E0]  }
0x153: {  	[tilespmem:$0x1FE60] =	vst v57;
	v57 =	vld [tilespmem:$0x6A0]  }
0x154: {  	[tilespmem:$0x1090] =	vst v22;
	v22 =	vld [tilespmem:$0xAA0]  }
0x155: {  	[tilespmem:$0x1690] =	vst v15;
	v15 =	vld [tilespmem:$0x1FE10]  }
0x156: {  	v46 =	vld [tilespmem:$0x8F0]  }
0x157: {  	v47 =	vld [tilespmem:$0x280]  }
0x158: {  	[tilespmem:$0x1FEA0] =	vst v38;
	v38 =	vld [tilespmem:$0xCD0];
	v30 =	vsel vm10, $0xFF800000, v27  }
0x159: {  	v24 =	vsel vm8, $0xFF800000, v24;
	vm8 =	veq.f32 v30, $-Inf;
	[tilespmem:$0x1FF60] =	vst v22;
	v22 =	vld [tilespmem:$0xEA0]  }
0x15a: {  	[tilespmem:$0x10E0] =	vst v19;
	v19 =	vld [tilespmem:$0x1FDC0];
	vm13 =	veq.f32 v16, $-Inf;
	v16 =	vsel vm8, $0x0, v15  }
0x15b: {  	[tilespmem:$0x1290] =	vst v16;
	v16 =	vld [tilespmem:$0x1FE20]  }
0x15c: {  	v63 =	vld [tilespmem:$0xE0]  }
0x15d: {  	v58 =	vld [tilespmem:$0xCE0]  }
0x15e: {  	v35 =	vld [tilespmem:$0xF0]  }
0x15f: {  	[tilespmem:$0x1FF70] =	vst v22;
	v22 =	vld [tilespmem:$0x1FD30]  }
0x160: {  	[tilespmem:$0x14F0] =	vst v19;
	v19 =	vsel vm9, $0x0, v16;
	v16 =	vld [tilespmem:$0x1FE30]  }
0x161: {  	v34 =	vld [tilespmem:$0x4F0]  }
0x162: {  	v31 =	vld [tilespmem:$0x680]  }
0x163: {  	v49 =	vld [tilespmem:$0x6C0];
	vm15 =	veq.f32 v13, v40  }
0x164: {  	v33 =	vld [tilespmem:$0xCF0];
	vm10 =	veq.f32 v24, $-Inf;
	[tilespmem:$0x1FE70] =	vst v58;
	v13 =	vsel vm15, $0xFF800000, v13  }
0x165: {  	[tilespmem:$0x14B0] =	vst v22;
	vm8 =	veq.f32 v13, $-Inf;
	v13 =	vld [tilespmem:$0x1FE60];
	v22 =	vsel vm10, $0x0, v16  }
0x166: {  	[tilespmem:$0x12B0] =	vst v22;
	v22 =	vld [tilespmem:$0x1FE70]  }
0x167: {  	v32 =	vld [tilespmem:$0x690]  }
0x168: {  	v54 =	vld [tilespmem:$0x6B0];
	vm15 =	vgt.f32 v36, $0.0e+00;
	vm14 =	vlt.f32 v36, $0.0e+00  }
0x169: {  	v52 =	vmovc v39;
	[tilespmem:$0x1FF40] =	vst v53;
	v53 =	vld [tilespmem:$0xEB0];
	v39 =	vsel vm1, v43, v38;
	vm1 =	vmor vm15, vm14;
	vm0 =	vge.f32 v63, v41  }
0x16a: {  	[tilespmem:$0x1FF20] =	vst v50;
	v50 =	vld [tilespmem:$0x2C0];
	vm0 =	vmand vm0, vm1  }
0x16b: {  	v43 =	vsel vm0, v13, v22;
	v13 =	vld [tilespmem:$0x1FE80]  }
0x16c: {  	v28 =	vld [tilespmem:$0xA80]  }
0x16d: {  	v27 =	vld [tilespmem:$0x290]  }
0x16e: {  	vm3 =	veq.f32 v20, $-Inf;
	v20 =	vld [tilespmem:$0xAB0]  }
0x16f: {  	v25 =	vsel vm7, $0xFF800000, v26;
	v26 =	vld [tilespmem:$0x1FCC0]  }
0x170: {  	[tilespmem:$0x16C0] =	vst v13;
	v13 =	vld [tilespmem:$0x1FE90]  }
0x171: {  	v60 =	vld [tilespmem:$0xA90]  }
0x172: {  	v24 =	vld [tilespmem:$0x310]  }
0x173: {  	[tilespmem:$0x1FF90] =	vst v20;
	v20 =	vld [tilespmem:$0x1FDB0]  }
0x174: {  	v29 =	vld [tilespmem:$0xE80];
	vm7 =	veq.f32 v25, $-Inf  }
0x175: {  	v25 =	vld [tilespmem:$0x120];
	v13 =	vsel vm7, $0x0, v13  }
0x176: {  	[tilespmem:$0x12C0] =	vst v13;
	v13 =	vld [tilespmem:$0x1FEA0]  }
0x177: {  	v30 =	vld [tilespmem:$0x300]  }
0x178: {  	[tilespmem:$0x14E0] =	vst v20;
	v20 =	vld [tilespmem:$0xAC0]  }
0x179: {  	[tilespmem:$0x1080] =	vst v23;
	v23 =	vld [tilespmem:$0x1FCE0]  }
0x17a: {  	v58 =	vld [tilespmem:$0xE90]  }
0x17b: {  	[tilespmem:$0x16D0] =	vst v13;
	v13 =	vld [tilespmem:$0x1FEB0]  }
0x17c: {  	[tilespmem:$0x1480] =	vst v26;
	v26 =	vld [tilespmem:$0x320]  }
0x17d: {  	[tilespmem:$0x1FFA0] =	vst v20;
	v20 =	vld [tilespmem:$0x1FE40]  }
0x17e: {  	[tilespmem:$0x1490] =	vst v23;
	v23 =	vld [tilespmem:$0x2A0]  }
0x17f: {  	[tilespmem:$0x10B0] =	vst v21;
	v21 =	vld [tilespmem:$0x150]  }
0x180: {  	v37 =	vld [tilespmem:$0x1F0];
	v13 =	vsel vm4, $0x0, v13  }
0x181: {  	[tilespmem:$0x12D0] =	vst v13;
	v13 =	vld [tilespmem:$0x1FEC0]  }
0x182: {  	[tilespmem:$0x16A0] =	vst v20;
	v20 =	vld [tilespmem:$0x160]  }
0x183: {  	vm12 =	veq.f32 v17, $-Inf;
	v17 =	vld [tilespmem:$0x100]  }
0x184: {  	v38 =	vld [tilespmem:$0x390];
	vm14 =	vge.f32 v35, v41;
	v35 =	vsel vm12, $0x0, v59  }
0x185: {  	[tilespmem:$0x1120] =	vst v35;
	v35 =	vld [tilespmem:$0x3C0];
	vm7 =	veq.f32 v11, v40  }
0x186: {  	vm9 =	vlt.f32 v34, $0.0e+00;
	vm10 =	vgt.f32 v34, $0.0e+00;
	[tilespmem:$0x16E0] =	vst v13;
	v13 =	vsel vm7, $0xFF800000, v11;
	v11 =	vld [tilespmem:$0x1FED0]  }
0x187: {  	v14 =	vld [tilespmem:$0x110];
	vm9 =	vmor vm10, vm9  }
0x188: {  	vm15 =	vlt.f32 v31, $0.0e+00;
	v63 =	vld [tilespmem:$0x1FF40];
	vm10 =	vgt.f32 v31, $0.0e+00;
	vm14 =	vmand vm14, vm9  }
0x189: {  	v15 =	vld [tilespmem:$0x130];
	v44 =	vsel vm14, v46, v33;
	vm14 =	vge.f32 v47, v41;
	vm0 =	vmor vm10, vm15  }
0x18a: {  	[tilespmem:$0x12A0] =	vst v19;
	v19 =	vld [tilespmem:$0x1FE50];
	vm9 =	veq.f32 v18, $-Inf;
	vm10 =	veq.f32 v10, v40;
	vm0 =	vmand vm14, vm0  }
0x18b: {  	vm14 =	veq.f32 v4, v40;
	v18 =	vsel vm2, $0x0, v11;
	vm2 =	veq.f32 v13, $-Inf;
	v13 =	vld [tilespmem:$0x1FEE0]  }
0x18c: {  	v33 =	vsel vm10, $0xFF800000, v10;
	vm10 =	veq.f32 v8, v40;
	v47 =	vsel vm14, $0xFF800000, v4;
	v4 =	vld [tilespmem:$0x1FF00]  }
0x18d: {  	[tilespmem:$0x1FF30] =	vst v51;
	v48 =	vsel vm10, $0xFF800000, v8;
	v8 =	vld [tilespmem:$0x1FF10]  }
0x18e: {  	[tilespmem:$0x1FF50] =	vst v23;
	v16 =	vld [tilespmem:$0x140]  }
0x18f: {  	[tilespmem:$0x16B0] =	vst v19;
	v19 =	vld [tilespmem:$0x170]  }
0x190: {  	[tilespmem:$0x16F0] =	vst v13;
	v13 =	vld [tilespmem:$0x1FEF0]  }
0x191: {  	v59 =	vsel vm9, $0x0, v36;
	v36 =	vld [tilespmem:$0x1FF50];
	[tilespmem:$0x1880] =	vst v4  }
0x192: {  	vm15 =	veq.f32 v12, v40;
	v22 =	vld [tilespmem:$0x330];
	v4 =	vsel vm3, $0x0, v56;
	[tilespmem:$0x1890] =	vst v8  }
0x193: {  	v12 =	vsel vm15, $0xFF800000, v12;
	vm15 =	veq.f32 v9, v40;
	v8 =	vld [tilespmem:$0x1FF20];
	[tilespmem:$0x1100] =	vst v4;
	v4 =	vmax.f32 v17, v14  }
0x194: {  	v46 =	vsel vm0, v28, v29;
	v42 =	vsel vm15, $0xFF800000, v9;
	v9 =	vld [tilespmem:$0x1FF30];
	v4 =	vmax.f32 v4, v25  }
0x195: {  	v28 =	vld [tilespmem:$0x180];
	vm14 =	vgt.f32 v32, $0.0e+00;
	v4 =	vmax.f32 v4, v15;
	v13 =	vsel vm5, $0x0, v13  }
0x196: {  	v56 =	vsel vm13, $0x0, v62;
	vm13 =	vlt.f32 v32, $0.0e+00;
	v4 =	vmax.f32 v4, v16;
	[tilespmem:$0x12F0] =	vst v13;
	v13 =	vld [tilespmem:$0x190]  }
0x197: {  	v29 =	vld [tilespmem:$0x1A0];
	vm15 =	vge.f32 v27, v41;
	vm0 =	vmor vm14, vm13;
	v4 =	vmax.f32 v4, v21  }
0x198: {  	vm0 =	vmand vm15, vm0;
	[tilespmem:$0x1500] =	vst v8;
	v8 =	vld [tilespmem:$0x1B0];
	v4 =	vmax.f32 v4, v20  }
0x199: {  	v27 =	vld [tilespmem:$0x1C0];
	[tilespmem:$0x1510] =	vst v9;
	v58 =	vsel vm0, v60, v58;
	v4 =	vmax.f32 v4, v19  }
0x19a: {  	v9 =	vld [tilespmem:$0x1D0];
	v4 =	vmax.f32 v4, v30;
	vm4 =	veq.f32 v12, $-Inf;
	[tilespmem:$0x12E0] =	vst v18;
	v18 =	vsel vm6, $0x0, v52  }
0x19b: {  	v52 =	vsel vm11, $0x0, v61;
	v61 =	vsel vm4, $0x0, v34;
	[tilespmem:$0x1110] =	vst v18;
	v18 =	vld [tilespmem:$0x1E0];
	v34 =	vmax.f32 v28, v13  }
0x19c: {  	[tilespmem:$0x1140] =	vst v56;
	v56 =	vld [tilespmem:$0x1FF70];
	v4 =	vmax.f32 v4, v24;
	v60 =	vsel vm2, $0x0, v31;
	v31 =	vmax.f32 v34, v29  }
0x19d: {  	v4 =	vmax.f32 v4, v26;
	vm5 =	veq.f32 v33, $-Inf;
	v33 =	vld [tilespmem:$0x380];
	v31 =	vmax.f32 v31, v8  }
0x19e: {  	[tilespmem:$0x1130] =	vst v52;
	v52 =	vmax.f32 v4, v22;
	v4 =	vld [tilespmem:$0x1FF60];
	v31 =	vmax.f32 v31, v27  }
0x19f: {  	v34 =	vld [tilespmem:$0x3A0];
	v31 =	vmax.f32 v31, v9  }
0x1a0: {  	v1 =	vsel vm8, $0x0, v1;
	vm6 =	vge.f32 v36, v41;
	v36 =	vld [tilespmem:$0x3B0];
	v31 =	vmax.f32 v31, v18  }
0x1a1: {  	[tilespmem:$0x1530] =	vst v55;
	vm8 =	vgt.f32 v57, $0.0e+00;
	v62 =	vld [tilespmem:$0x1FF80];
	vm7 =	vlt.f32 v57, $0.0e+00;
	v31 =	vmax.f32 v31, v37  }
0x1a2: {  	[tilespmem:$0x1540] =	vst v45;
	vm1 =	vmor vm8, vm7;
	v55 =	vsel vm5, $0x0, v32;
	v32 =	vld [tilespmem:$0x3D0];
	v45 =	vmax.f32 v31, v33  }
0x1a3: {  	[tilespmem:$0x1150] =	vst v1;
	vm0 =	vmand vm6, vm1;
	v31 =	vld [tilespmem:$0x3E0];
	v1 =	vmax.f32 v45, v38  }
0x1a4: {  	[tilespmem:$0x1560] =	vst v43;
	v43 =	vsel vm0, v4, v56;
	v4 =	vld [tilespmem:$0x3F0];
	v1 =	vmax.f32 v1, v34  }
0x1a5: {  	v12 =	vld [tilespmem:$0x340];
	v1 =	vmax.f32 v1, v36  }
0x1a6: {  	v11 =	vld [tilespmem:$0x350];
	v1 =	vmax.f32 v1, v35  }
0x1a7: {  	[tilespmem:$0x1550] =	vst v39;
	v10 =	vld [tilespmem:$0x360];
	v1 =	vmax.f32 v1, v32  }
0x1a8: {  	v23 =	vld [tilespmem:$0x370];
	[tilespmem:$0x1520] =	vst v63;
	v1 =	vmax.f32 v1, v31  }
0x1a9: {  	v51 =	vld [tilespmem:$0xEC0];
	[tilespmem:$0x1570] =	vst v44;
	v1 =	vmax.f32 v1, v4  }
0x1aa: {  	vm9 =	vge.f32 v62, v41;
	[tilespmem:$0x1170] =	vst v61;
	v61 =	vld [tilespmem:$0x1FF90];
	v39 =	vmax.f32 v52, v12;
	v62 =	vperm.xlane v1, v2  }
0x1ab: {  	v44 =	vld [tilespmem:$0xAD0];
	vm10 =	vlt.f32 v54, $0.0e+00;
	[tilespmem:$0x1700] =	vst v46;
	v39 =	vmax.f32 v39, v11  }
0x1ac: {  	v46 =	vld [tilespmem:$0x2E0];
	vm11 =	vgt.f32 v54, $0.0e+00;
	[tilespmem:$0x1300] =	vst v60;
	v39 =	vmax.f32 v39, v10;
	v1 =	vmax.f32 v1, v62  }
0x1ad: {  	vm1 =	vmor vm11, vm10;
	v60 =	vld [tilespmem:$0x1FFB0];
	v39 =	vmax.f32 v39, v23;
	[tilespmem:$0x1040] =	vst v1  }
0x1ae: {  	[tilespmem:$0x1160] =	vst v59;
	vm0 =	vmand vm9, vm1;
	v63 =	vperm.xlane v39, v2;
	v59 =	vld [tilespmem:$0x103F]  }
0x1af: {  	vm12 =	veq.f32 v47, $-Inf;
	v53 =	vsel vm0, v61, v53;
	v61 =	vld [tilespmem:$0x1041]  }
0x1b0: {  	v39 =	vmax.f32 v39, v63;
	v63 =	vsel vm12, $0x0, v57;
	v57 =	vld [tilespmem:$0x1FFA0]  }
0x1b1: {  	vm13 =	vge.f32 v50, v41;
	vm14 =	vlt.f32 v49, $0.0e+00;
	vm6 =	veq.f32 v7, v40;
	v45 =	vld [tilespmem:$0x6D0]  }
0x1b2: {  	v47 =	vld [tilespmem:$0x6E0];
	vm15 =	vgt.f32 v49, $0.0e+00;
	v7 =	vsel vm6, $0xFF800000, v7;
	vm6 =	veq.f32 v5, v40  }
0x1b3: {  	vm7 =	veq.f32 v48, $-Inf;
	v52 =	vld [tilespmem:$0xED0];
	v5 =	vsel vm6, $0xFF800000, v5;
	[tilespmem:$0x1010] =	vst v39;
	v1 =	vmax.f32 v1, v59  }
0x1b4: {  	vm1 =	vmor vm15, vm14;
	vm10 =	vge.f32 v60, v41;
	[tilespmem:$0x1720] =	vst v43;
	v56 =	vld [tilespmem:$0x100F];
	v1 =	vmax.f32 v1, v61  }
0x1b5: {  	vm0 =	vmand vm13, vm1;
	vm12 =	veq.f32 v7, $-Inf;
	v48 =	vld [tilespmem:$0x1011];
	v62 =	vsel vm7, $0x0, v54;
	[tilespmem:$0x1040] =	vst v1  }
0x1b6: {  	v43 =	vsel vm0, v57, v51;
	vm8 =	vlt.f32 v45, $0.0e+00;
	vm9 =	vgt.f32 v45, $0.0e+00;
	[tilespmem:$0x1330] =	vst v62;
	v62 =	vld [tilespmem:$0x103E]  }
0x1b7: {  	v45 =	vsel vm12, $0x0, v45;
	vm12 =	veq.f32 v5, $-Inf;
	vm0 =	vmor vm9, vm8;
	v5 =	vld [tilespmem:$0x1042]  }
0x1b8: {  	[tilespmem:$0x1320] =	vst v63;
	v63 =	vld [tilespmem:$0x2F0];
	vm0 =	vmand vm10, vm0  }
0x1b9: {  	[tilespmem:$0x1710] =	vst v58;
	v44 =	vsel vm0, v44, v52;
	v52 =	vld [tilespmem:$0x6F0]  }
0x1ba: {  	[tilespmem:$0x1730] =	vst v53;
	v57 =	vld [tilespmem:$0xEF0];
	v7 =	vmax.f32 v39, v56  }
0x1bb: {  	[tilespmem:$0x1310] =	vst v55;
	v7 =	vmax.f32 v7, v48;
	v54 =	vld [tilespmem:$0xAF0];
	v1 =	vmax.f32 v1, v62  }
0x1bc: {  	vm11 =	veq.f32 v42, $-Inf;
	[tilespmem:$0x1010] =	vst v7;
	v5 =	vmax.f32 v1, v5;
	v1 =	vld [tilespmem:$0x1FFC0]  }
0x1bd: {  	vm14 =	vgt.f32 v47, $0.0e+00;
	[tilespmem:$0x1740] =	vst v43;
	v56 =	vsel vm11, $0x0, v49;
	v59 =	vld [tilespmem:$0x100E]  }
0x1be: {  	vm13 =	vlt.f32 v47, $0.0e+00;
	[tilespmem:$0x1340] =	vst v56;
	v60 =	vld [tilespmem:$0x1012];
	vm9 =	vlt.f32 v52, $0.0e+00;
	vm10 =	vgt.f32 v52, $0.0e+00  }
0x1bf: {  	vm11 =	vge.f32 v63, v41;
	[tilespmem:$0x1350] =	vst v45;
	v63 =	vsel vm12, $0x0, v47;
	vm0 =	vmor vm10, vm9  }
0x1c0: {  	v50 =	vld [tilespmem:$0xEE0];
	vm15 =	vmor vm14, vm13;
	[tilespmem:$0x1360] =	vst v63;
	vm7 =	vge.f32 v46, v41;
	vm0 =	vmand vm11, vm0  }
0x1c1: {  	v58 =	vld [tilespmem:$0xAE0];
	[tilespmem:$0x1750] =	vst v44;
	vm8 =	vmand vm7, vm15;
	v39 =	vsel vm0, v54, v57;
	vm15 =	vnez.u8 v1  }
0x1c2: {  	vm13 =	veq.f32 v3, v40;
	[tilespmem:$0x1770] =	vst v39;
	v7 =	vmax.f32 v7, v59;
	v1 =	vsel vm15, v40, v6  }
0x1c3: {  	v3 =	vsel vm13, $0xFF800000, v3;
	v39 =	vmax.f32 v7, v60;
	[tilespmem:$0x1900] =	vst v1;
	v1 =	vld [tilespmem:$0x1FFD0]  }
0x1c4: {  	vm14 =	veq.f32 v3, $-Inf;
	[tilespmem:$0x1010] =	vst v39  }
0x1c5: {  	v3 =	vsel vm14, $0x0, v52;
	v41 =	vld [tilespmem:$0x100C];
	[tilespmem:$0x1040] =	vst v5  }
0x1c6: {  	[tilespmem:$0x1370] =	vst v3;
	v61 =	vsel vm8, v58, v50;
	v46 =	vld [tilespmem:$0x103C]  }
0x1c7: {  	v3 =	vimm.f32 $0.0e+00;
	[tilespmem:$0x1760] =	vst v61;
	v42 =	vld [tilespmem:$0x1044]  }
0x1c8: {  	s22 =	simm.s32 $0x1;
	s21 =	simm.s32 $0x0;
	v7 =	vimm.f32 $0.0e+00;
	v40 =	vld [tilespmem:$0x1014];
	v6 =	vimm.f32 $0.0e+00;
	[tilespmem:$0x1910] =	vst v1;
	v1 =	vimm.f32 $0.0e+00  }
.LBB2_4:
0x1c9: {  	_ = 	snop  }
0x1ca: {  	v44 =	vmov s21;
	s23 =	sadd.s32 $0xFFFFFFF0, s21;
	v45 =	vimm.s32 $0x0  }
0x1cb: {  	v48 =	vimm.s32 $0x0;
	vm1 =	veq.s32 v44, v0;
	v47 =	vmov s23  }
0x1cc: {  	vm5 =	veq.s32 v47, v0;
	v39 =	vmax.f32 v39, v41;
	v5 =	vmax.f32 v5, v46  }
0x1cd: {  	v39 =	vmax.f32 v39, v40;
	v40 =	vsel vm1, $0xFFFFFFFF, v45;
	v5 =	vmax.f32 v5, v42  }
0x1ce: {  	vm0 =	veq.f32 v25, v39;
	vm8 =	veq.f32 v14, v39;
	v7 =	vsel vm1, v39, v7  }
0x1cf: {  	vm14 =	veq.f32 v28, v5;
	v1 =	vsel vm5, v39, v1;
	vm3 =	veq.f32 v17, v39  }
0x1d0: {  	vm6 =	veq.f32 v11, v39;
	vm10 =	veq.f32 v12, v39;
	vm15 =	veq.f32 v23, v39  }
0x1d1: {  	vm4 =	veq.f32 v29, v5;
	vm11 =	veq.f32 v15, v39;
	vm7 =	veq.f32 v10, v39  }
0x1d2: {  	vm2 =	veq.f32 v22, v39;
	vm12 =	veq.f32 v37, v5;
	vm9 =	veq.f32 v26, v39  }
0x1d3: {  	vm13 =	veq.f32 v38, v5;
	vm1 =	veq.f32 v19, v39;
	v6 =	vsel vm5, v5, v6  }
0x1d4: {  	v25 =	vsel vm0, $0xFF800000, v25;
	v28 =	vsel vm14, $0xFF800000, v28;
	v23 =	vsel vm15, $0xFF800000, v23  }
0x1d5: {  	v29 =	vsel vm4, $0xFF800000, v29;
	v17 =	vsel vm3, $0xFF800000, v17;
	vm4 =	veq.f32 v9, v5  }
0x1d6: {  	[tilespmem:$0x1FB30] =	vst v40;
	vm3 =	veq.f32 v8, v5;
	v40 =	vsel vm9, $0xFFFFFFFF, v48;
	vm9 =	veq.f32 v13, v5  }
0x1d7: {  	v14 =	vsel vm8, $0xFF800000, v14;
	vm14 =	veq.f32 v24, v39;
	vm15 =	veq.f32 v33, v5  }
0x1d8: {  	vm0 =	veq.f32 v30, v39;
	vm8 =	veq.f32 v18, v5;
	v38 =	vsel vm13, $0xFF800000, v38  }
0x1d9: {  	vm13 =	veq.f32 v34, v5;
	v37 =	vsel vm12, $0xFF800000, v37;
	vm12 =	veq.f32 v35, v5  }
0x1da: {  	v15 =	vsel vm11, $0xFF800000, v15;
	vm11 =	veq.f32 v20, v39;
	v12 =	vsel vm10, $0xFF800000, v12  }
0x1db: {  	v19 =	vsel vm1, $0xFF800000, v19;
	v22 =	vsel vm2, $0xFF800000, v22;
	vm10 =	veq.f32 v31, v5  }
0x1dc: {  	v30 =	vsel vm0, $0xFF800000, v30;
	vm0 =	veq.f32 v27, v5;
	v24 =	vsel vm14, $0xFF800000, v24  }
0x1dd: {  	v33 =	vsel vm15, $0xFF800000, v33;
	v34 =	vsel vm13, $0xFF800000, v34;
	vm14 =	veq.f32 v21, v39  }
0x1de: {  	v20 =	vsel vm11, $0xFF800000, v20;
	vm15 =	veq.f32 v36, v5;
	v49 =	vmax.f32 v17, v14  }
0x1df: {  	v35 =	vsel vm12, $0xFF800000, v35;
	v13 =	vsel vm9, $0xFF800000, v13;
	vm11 =	veq.f32 v16, v39  }
0x1e0: {  	vm12 =	veq.f32 v32, v5;
	v18 =	vsel vm8, $0xFF800000, v18;
	vm13 =	veq.f32 v4, v5  }
0x1e1: {  	v53 =	vld [tilespmem:$0x1FB30];
	[tilespmem:$0x1FB20] =	vst v40;
	v8 =	vsel vm3, $0xFF800000, v8;
	v9 =	vsel vm4, $0xFF800000, v9;
	v40 =	vmax.f32 v49, v25  }
0x1e2: {  	v50 =	vmax.f32 v28, v13;
	v16 =	vsel vm11, $0xFF800000, v16;
	v52 =	vld [tilespmem:$0x1FB20];
	v40 =	vmax.f32 v40, v15  }
0x1e3: {  	v21 =	vsel vm14, $0xFF800000, v21;
	v51 =	vmax.f32 v50, v29;
	v40 =	vmax.f32 v40, v16  }
0x1e4: {  	v27 =	vsel vm0, $0xFF800000, v27;
	v39 =	vmax.f32 v51, v8;
	v40 =	vmax.f32 v40, v21  }
0x1e5: {  	v36 =	vsel vm15, $0xFF800000, v36;
	v39 =	vmax.f32 v39, v27;
	v40 =	vmax.f32 v40, v20  }
0x1e6: {  	vm15 =	vnez.u8 v53;
	v39 =	vmax.f32 v39, v9;
	v40 =	vmax.f32 v40, v19  }
0x1e7: {  	v39 =	vmax.f32 v39, v18;
	vm14 =	vnez.u8 v52;
	v40 =	vmax.f32 v40, v30  }
0x1e8: {  	v26 =	vsel vm14, $0xFF800000, v26;
	v39 =	vmax.f32 v39, v37;
	v40 =	vmax.f32 v40, v24  }
0x1e9: {  	v3 =	vsel vm15, v5, v3;
	v5 =	vmax.f32 v39, v33;
	v54 =	vmax.f32 v40, v26  }
0x1ea: {  	v5 =	vmax.f32 v5, v38;
	v39 =	vmax.f32 v54, v22  }
0x1eb: {  	v11 =	vsel vm6, $0xFF800000, v11;
	v5 =	vmax.f32 v5, v34;
	v39 =	vmax.f32 v39, v12  }
0x1ec: {  	v10 =	vsel vm7, $0xFF800000, v10;
	v5 =	vmax.f32 v5, v36;
	v39 =	vmax.f32 v39, v11  }
0x1ed: {  	v32 =	vsel vm12, $0xFF800000, v32;
	v5 =	vmax.f32 v5, v35;
	v39 =	vmax.f32 v39, v10  }
0x1ee: {  	v31 =	vsel vm10, $0xFF800000, v31;
	v5 =	vmax.f32 v5, v32;
	v39 =	vmax.f32 v39, v23  }
0x1ef: {  	v4 =	vsel vm13, $0xFF800000, v4;
	v5 =	vmax.f32 v5, v31;
	v55 =	vperm.xlane v39, v2  }
0x1f0: {  	v5 =	vmax.f32 v5, v4  }
0x1f1: {  	v56 =	vperm.xlane v5, v2;
	v39 =	vmax.f32 v39, v55  }
0x1f2: {  	[tilespmem:$0x1010] =	vst v39  }
0x1f3: {  	v5 =	vmax.f32 v5, v56;
	v57 =	vld [tilespmem:$0x100F]  }
0x1f4: {  	v58 =	vld [tilespmem:$0x1011];
	[tilespmem:$0x1040] =	vst v5  }
0x1f5: {  	v59 =	vld [tilespmem:$0x103F]  }
0x1f6: {  	v43 =	vld [tilespmem:$0x1041];
	_ =	sdelay $0x1  }
0x1f7: {  	v39 =	vmax.f32 v39, v57  }
0x1f8: {  	v39 =	vmax.f32 v39, v58  }
0x1f9: {  	v5 =	vmax.f32 v5, v59;
	[tilespmem:$0x1010] =	vst v39  }
0x1fa: {  	v5 =	vmax.f32 v5, v43;
	v60 =	vld [tilespmem:$0x100E]  }
0x1fb: {  	v61 =	vld [tilespmem:$0x1012];
	[tilespmem:$0x1040] =	vst v5  }
0x1fc: {  	v62 =	vld [tilespmem:$0x103E]  }
0x1fd: {  	v63 =	vld [tilespmem:$0x1042];
	_ =	sdelay $0x1  }
0x1fe: {  	v39 =	vmax.f32 v39, v60  }
0x1ff: {  	p0 =	sne.s32 s22, $0x1F;
	v39 =	vmax.f32 v39, v61  }
.Ltmp1:
0x200: {  	v5 =	vmax.f32 v5, v62;
	[tilespmem:$0x1010] =	vst v39;
	(pc) =	sbr.rel @p0 .LBB2_4-.Ltmp1, $4  }
0x201: {  	v5 =	vmax.f32 v5, v63;
	v41 =	vld [tilespmem:$0x100C]  }
0x202: {  	v40 =	vld [tilespmem:$0x1014];
	[tilespmem:$0x1040] =	vst v5  }
0x203: {  	v46 =	vld [tilespmem:$0x103C]  }
0x204: {  	s21 =	smov.u32 s22;
	s22 =	sadd.s32 $0x1, s22;
	v42 =	vld [tilespmem:$0x1044]  }
0x205: {  	_ = 	snop  }
0x206: {  	v39 =	vmax.f32 v39, v41  }
0x207: {  	v52 =	vmax.f32 v39, v40;
	v39 =	vld [tilespmem:$0x550];
	_ =	sdelay $0x3  }
0x208: {  	v58 =	vld [tilespmem:$0x1FB40]  }
0x209: {  	s22 =	sadd.s32 $0xFFFFFFF0, s21;
	[tilespmem:$0x1FA70] =	vst v39;
	v39 =	vld [tilespmem:$0x950]  }
0x20a: {  	v43 =	vmov s22  }
0x20b: {  	v51 =	vld [tilespmem:$0x100];
	vm1 =	veq.s32 v43, v0  }
0x20c: {  	v53 =	vld [tilespmem:$0x900];
	v1 =	vsel vm1, v52, v1  }
0x20d: {  	v54 =	vld [tilespmem:$0xD00];
	[tilespmem:$0x1FAF0] =	vst v1;
	vm4 =	vnez.u8 v58  }
0x20e: {  	v1 =	vsel vm4, $0xFF800000, v1;
	[tilespmem:$0x1F980] =	vst v39;
	v39 =	vld [tilespmem:$0xD50]  }
0x20f: {  	v55 =	vld [tilespmem:$0x110];
	v59 =	vperm.xlane v1, v2  }
0x210: {  	v47 =	vld [tilespmem:$0x510]  }
0x211: {  	v57 =	vld [tilespmem:$0xD10];
	v1 =	vmax.f32 v1, v59  }
0x212: {  	v45 =	vld [tilespmem:$0x520];
	[tilespmem:$0x1010] =	vst v1  }
0x213: {  	[tilespmem:$0x1F990] =	vst v39;
	v39 =	vld [tilespmem:$0x560]  }
0x214: {  	v60 =	vld [tilespmem:$0x100F]  }
0x215: {  	v61 =	vld [tilespmem:$0x1011]  }
0x216: {  	v44 =	vld [tilespmem:$0x930]  }
0x217: {  	v56 =	vld [tilespmem:$0xD30]  }
0x218: {  	[tilespmem:$0x1FAA0] =	vst v39;
	v39 =	vld [tilespmem:$0x960]  }
0x219: {  	v41 =	vld [tilespmem:$0x160];
	v1 =	vmax.f32 v1, v60  }
0x21a: {  	v43 =	vld [tilespmem:$0x940];
	v1 =	vmax.f32 v1, v61  }
0x21b: {  	v40 =	vld [tilespmem:$0x170];
	[tilespmem:$0x1010] =	vst v1  }
0x21c: {  	v62 =	vld [tilespmem:$0x100E]  }
0x21d: {  	[tilespmem:$0x1F9A0] =	vst v39;
	v39 =	vld [tilespmem:$0xD60]  }
0x21e: {  	v63 =	vld [tilespmem:$0x1012]  }
0x21f: {  	v5 =	vmax.f32 v5, v46;
	v46 =	vld [tilespmem:$0x340]  }
0x220: {  	v58 =	vld [tilespmem:$0x120]  }
0x221: {  	[tilespmem:$0x1F940] =	vst v44;
	v44 =	vld [tilespmem:$0x140]  }
0x222: {  	v1 =	vmax.f32 v1, v62;
	[tilespmem:$0x1F9B0] =	vst v39;
	v39 =	vld [tilespmem:$0x570]  }
0x223: {  	[tilespmem:$0x1F960] =	vst v43;
	v43 =	vld [tilespmem:$0xD40];
	v1 =	vmax.f32 v1, v63  }
0x224: {  	v62 =	vld [tilespmem:$0x500];
	[tilespmem:$0x1010] =	vst v1  }
0x225: {  	v48 =	vld [tilespmem:$0x100C]  }
0x226: {  	v50 =	vld [tilespmem:$0x1014]  }
0x227: {  	[tilespmem:$0x1FAC0] =	vst v39;
	v39 =	vld [tilespmem:$0x970]  }
0x228: {  	[tilespmem:$0x1F970] =	vst v43;
	v43 =	vld [tilespmem:$0x150]  }
0x229: {  	v61 =	vld [tilespmem:$0x130]  }
0x22a: {  	v1 =	vmax.f32 v1, v48;
	v48 =	vld [tilespmem:$0x310]  }
0x22b: {  	v1 =	vmax.f32 v1, v50;
	v50 =	vld [tilespmem:$0x320]  }
0x22c: {  	vm0 =	vlt.f32 v62, $0.0e+00;
	vm2 =	vgt.f32 v62, $0.0e+00;
	[tilespmem:$0x1F9C0] =	vst v39;
	v39 =	vld [tilespmem:$0xD70]  }
0x22d: {  	v42 =	vmax.f32 v5, v42;
	vm0 =	vmor vm2, vm0;
	vm3 =	vge.f32 v51, v1;
	v51 =	vld [tilespmem:$0x330]  }
0x22e: {  	vm15 =	vgt.f32 v47, $0.0e+00;
	vm14 =	vge.f32 v58, v1;
	v58 =	vld [tilespmem:$0x370];
	vm0 =	vmand vm3, vm0  }
0x22f: {  	vm13 =	vge.f32 v61, v1;
	vm12 =	vge.f32 v44, v1;
	v54 =	vsel vm0, v53, v54;
	v53 =	vld [tilespmem:$0x350]  }
0x230: {  	vm11 =	vge.f32 v43, v1;
	vm10 =	vge.f32 v41, v1;
	vm0 =	vge.f32 v55, v1;
	v55 =	vld [tilespmem:$0x360]  }
0x231: {  	vm9 =	vge.f32 v40, v1;
	v61 =	vsel vm1, v42, v6;
	vm1 =	vlt.f32 v47, $0.0e+00;
	[tilespmem:$0x1F9D0] =	vst v39;
	v39 =	vld [tilespmem:$0x300]  }
0x232: {  	v49 =	vld [tilespmem:$0x530];
	vm1 =	vmor vm15, vm1;
	vm3 =	vlt.f32 v45, $0.0e+00;
	vm15 =	vgt.f32 v45, $0.0e+00  }
0x233: {  	v59 =	vld [tilespmem:$0x920];
	vm2 =	vge.f32 v46, v1;
	vm15 =	vmor vm15, vm3;
	vm7 =	vge.f32 v48, v1  }
0x234: {  	v63 =	vld [tilespmem:$0x910];
	vm0 =	vmand vm0, vm1;
	vm14 =	vmand vm14, vm15;
	vm6 =	vge.f32 v50, v1  }
0x235: {  	v60 =	vld [tilespmem:$0xD20];
	vm5 =	vge.f32 v51, v1;
	vm15 =	vge.f32 v58, v1;
	vm1 =	vge.f32 v53, v1  }
0x236: {  	[tilespmem:$0x1F950] =	vst v56;
	v56 =	vld [tilespmem:$0x540];
	vm3 =	vge.f32 v55, v1;
	vm8 =	vge.f32 v39, v1;
	v1 =	vimm.s32 $0x0  }
0x237: {  	[tilespmem:$0x1FA00] =	vst v54;
	v1 =	vsel vm15, $0xFFFFFFFF, v1  }
0x238: {  	v54 =	vsel vm4, $0xFF800000, v61;
	[tilespmem:$0x1FA10] =	vst v1;
	v1 =	vld [tilespmem:$0x1FA70]  }
0x239: {  	vm4 =	vlt.f32 v49, $0.0e+00;
	v57 =	vsel vm0, v63, v57;
	v53 =	vimm.s32 $0x0  }
0x23a: {  	v59 =	vsel vm14, v59, v60;
	v6 =	vsel vm1, $0xFFFFFFFF, v53;
	vm1 =	vgt.f32 v49, $0.0e+00  }
0x23b: {  	vm14 =	vlt.f32 v56, $0.0e+00;
	vm0 =	vmor vm1, vm4;
	vm4 =	vgt.f32 v56, $0.0e+00  }
0x23c: {  	v58 =	vld [tilespmem:$0x1F950];
	vm1 =	vmor vm4, vm14  }
0x23d: {  	vm12 =	vmand vm12, vm1;
	vm4 =	vlt.f32 v1, $0.0e+00;
	vm1 =	vgt.f32 v1, $0.0e+00;
	v1 =	vld [tilespmem:$0x1F940];
	_ =	sdelay $0x3  }
0x23e: {  	v63 =	vld [tilespmem:$0x1F970];
	vm0 =	vmand vm13, vm0  }
0x23f: {  	v53 =	vsel vm0, v1, v58;
	v1 =	vld [tilespmem:$0x1F960];
	_ =	sdelay $0x2  }
0x240: {  	[tilespmem:$0x1F9F0] =	vst v62;
	v62 =	vld [tilespmem:$0x700]  }
0x241: {  	v40 =	vld [tilespmem:$0xB00]  }
0x242: {  	v43 =	vld [tilespmem:$0xF00];
	v1 =	vsel vm12, v1, v63  }
0x243: {  	[tilespmem:$0x1FA50] =	vst v1;
	v1 =	vld [tilespmem:$0x1FAA0]  }
0x244: {  	v46 =	vld [tilespmem:$0x710]  }
0x245: {  	v44 =	vld [tilespmem:$0xB10]  }
0x246: {  	v5 =	vmov s21;
	v41 =	vld [tilespmem:$0xB20]  }
0x247: {  	[tilespmem:$0x1FA30] =	vst v45;
	v45 =	vld [tilespmem:$0xF30];
	vm0 =	veq.s32 v5, v0;
	vm12 =	vmor vm1, vm4  }
0x248: {  	v48 =	vld [tilespmem:$0x720];
	vm13 =	vlt.f32 v1, $0.0e+00;
	vm4 =	vgt.f32 v1, $0.0e+00;
	v1 =	vimm.s32 $0x0  }
0x249: {  	[tilespmem:$0x1FB10] =	vst v61;
	v61 =	vld [tilespmem:$0xF20];
	v1 =	vsel vm0, $0xFFFFFFFF, v1  }
0x24a: {  	v55 =	vperm.xlane v54, v2;
	[tilespmem:$0x1FB00] =	vst v1;
	v1 =	vld [tilespmem:$0x1FAC0]  }
0x24b: {  	v50 =	vld [tilespmem:$0x730]  }
0x24c: {  	[tilespmem:$0x1FA40] =	vst v49;
	v60 =	vld [tilespmem:$0xB30];
	v39 =	vmax.f32 v54, v55  }
0x24d: {  	v49 =	vld [tilespmem:$0x1F990];
	[tilespmem:$0x1010] =	vst v39  }
0x24e: {  	v54 =	vld [tilespmem:$0x100F];
	vm4 =	vmor vm4, vm13  }
0x24f: {  	vm10 =	vmand vm10, vm4;
	vm1 =	vlt.f32 v1, $0.0e+00;
	vm4 =	vgt.f32 v1, $0.0e+00;
	v1 =	vld [tilespmem:$0x1F980]  }
0x250: {  	[tilespmem:$0x1FA20] =	vst v47;
	v47 =	vld [tilespmem:$0x1011]  }
0x251: {  	[tilespmem:$0x1FA60] =	vst v56;
	v51 =	vld [tilespmem:$0x740]  }
0x252: {  	[tilespmem:$0x1590] =	vst v57;
	v57 =	vld [tilespmem:$0x1FA60]  }
0x253: {  	v55 =	vld [tilespmem:$0x1F9B0];
	vm11 =	vmand vm11, vm12  }
0x254: {  	vm14 =	vlt.f32 v46, $0.0e+00;
	v5 =	vmax.f32 v39, v54;
	v58 =	vsel vm11, v1, v49;
	v1 =	vld [tilespmem:$0x1F9A0]  }
0x255: {  	[tilespmem:$0x1F9E0] =	vst v6;
	v6 =	vld [tilespmem:$0xF10];
	vm15 =	vgt.f32 v46, $0.0e+00;
	v47 =	vmax.f32 v5, v47;
	v7 =	vsel vm0, v52, v7  }
0x256: {  	v56 =	vld [tilespmem:$0x1F9D0];
	vm12 =	vgt.f32 v62, $0.0e+00;
	vm1 =	vmor vm4, vm1;
	vm4 =	vlt.f32 v62, $0.0e+00  }
0x257: {  	v54 =	vld [tilespmem:$0x750];
	vm0 =	veq.f32 v20, v52;
	vm9 =	vmand vm9, vm1;
	vm13 =	vmor vm12, vm4  }
0x258: {  	v39 =	vld [tilespmem:$0xB50];
	vm1 =	vmor vm15, vm14;
	vm4 =	vlt.f32 v48, $0.0e+00;
	vm12 =	vgt.f32 v48, $0.0e+00  }
0x259: {  	v5 =	vld [tilespmem:$0xB60];
	vm14 =	vgt.f32 v50, $0.0e+00;
	vm8 =	vmand vm8, vm13;
	v1 =	vsel vm10, v1, v55  }
0x25a: {  	vm7 =	vmand vm7, vm1;
	vm13 =	vlt.f32 v50, $0.0e+00;
	vm1 =	vlt.f32 v51, $0.0e+00;
	[tilespmem:$0x1FA90] =	vst v1;
	v1 =	vld [tilespmem:$0x1F9C0]  }
0x25b: {  	v63 =	vmovc v62;
	v62 =	vld [tilespmem:$0xF40];
	v43 =	vsel vm8, v40, v43;
	vm8 =	vmor vm12, vm4;
	v44 =	vsel vm7, v44, v6  }
0x25c: {  	vm15 =	vmor vm14, vm13;
	vm4 =	vgt.f32 v51, $0.0e+00;
	vm12 =	vlt.f32 v54, $0.0e+00;
	v49 =	vld [tilespmem:$0xB40]  }
0x25d: {  	[tilespmem:$0x15B0] =	vst v53;
	v53 =	vld [tilespmem:$0x1FA50];
	vm13 =	vgt.f32 v54, $0.0e+00;
	vm7 =	veq.f32 v22, v52;
	vm6 =	vmand vm6, vm8  }
0x25e: {  	vm5 =	vmand vm5, vm15;
	vm11 =	vmor vm4, vm1;
	v41 =	vsel vm6, v41, v61;
	v55 =	vld [tilespmem:$0x760]  }
0x25f: {  	[tilespmem:$0x1010] =	vst v47;
	v45 =	vsel vm5, v60, v45;
	vm2 =	vmand vm2, vm11;
	v1 =	vsel vm9, v1, v56;
	v56 =	vld [tilespmem:$0x1F9E0]  }
0x260: {  	v40 =	vld [tilespmem:$0xF50];
	vm5 =	vmor vm13, vm12;
	vm11 =	veq.f32 v25, v52;
	vm13 =	veq.f32 v14, v52;
	[tilespmem:$0x1FAD0] =	vst v45  }
0x261: {  	vm6 =	veq.f32 v15, v52;
	vm12 =	veq.f32 v21, v52;
	v49 =	vsel vm2, v49, v62;
	[tilespmem:$0x1FAB0] =	vst v1;
	v1 =	vld [tilespmem:$0x100E]  }
0x262: {  	v45 =	vld [tilespmem:$0x1012];
	v60 =	vsel vm11, $0xFF800000, v25;
	vm11 =	veq.f32 v23, v52;
	[tilespmem:$0x1FAE0] =	vst v49;
	v49 =	vsel vm6, $0xFF800000, v15  }
0x263: {  	v6 =	vld [tilespmem:$0xF60];
	v14 =	vsel vm13, $0xFF800000, v14;
	vm2 =	veq.f32 v19, v52;
	vm13 =	veq.f32 v49, $-Inf  }
0x264: {  	[tilespmem:$0x15D0] =	vst v58;
	v58 =	vld [tilespmem:$0x1FA70];
	vm14 =	vlt.f32 v55, $0.0e+00;
	vm15 =	vgt.f32 v55, $0.0e+00;
	vm4 =	vnez.u8 v56  }
0x265: {  	v25 =	vld [tilespmem:$0x770];
	v49 =	vsel vm2, $0xFF800000, v19;
	vm9 =	vmor vm15, vm14;
	vm8 =	vmand vm4, vm5  }
0x266: {  	vm14 =	veq.f32 v17, v52;
	v1 =	vmax.f32 v47, v1;
	v62 =	vsel vm8, v39, v40;
	v39 =	vld [tilespmem:$0xF70]  }
0x267: {  	vm15 =	veq.f32 v10, v52;
	v47 =	vimm.s32 $0x0;
	v1 =	vmax.f32 v1, v45;
	v40 =	vld [tilespmem:$0x180]  }
0x268: {  	v45 =	vsel vm14, $0xFF800000, v17;
	vm14 =	veq.f32 v60, $-Inf;
	v60 =	vsel vm0, $0xFF800000, v20;
	v20 =	vld [tilespmem:$0x580]  }
0x269: {  	vm10 =	vmand vm3, vm9;
	vm3 =	veq.f32 v11, v52;
	v17 =	vsel vm15, $0xFFFFFFFF, v47;
	v47 =	vld [tilespmem:$0xD80]  }
0x26a: {  	v61 =	vsel vm10, v5, v6;
	vm10 =	veq.f32 v30, v52;
	vm15 =	veq.f32 v14, $-Inf;
	v14 =	vld [tilespmem:$0x1FA10]  }
0x26b: {  	vm9 =	veq.f32 v24, v52;
	v6 =	vsel vm10, $0xFF800000, v30;
	vm5 =	veq.f32 v16, v52;
	[tilespmem:$0x1FA80] =	vst v17;
	v17 =	vld [tilespmem:$0xB70]  }
0x26c: {  	vm4 =	veq.f32 v12, v52;
	v56 =	vsel vm5, $0xFF800000, v16;
	vm1 =	veq.f32 v45, $-Inf;
	v45 =	vld [tilespmem:$0x980]  }
0x26d: {  	vm8 =	veq.f32 v26, v52;
	v52 =	vsel vm12, $0xFF800000, v21;
	vm12 =	veq.f32 v56, $-Inf;
	v56 =	vld [tilespmem:$0x1F9F0]  }
0x26e: {  	vm10 =	veq.f32 v52, $-Inf;
	v52 =	vsel vm8, $0xFF800000, v26;
	vm8 =	veq.f32 v49, $-Inf;
	v49 =	vld [tilespmem:$0x190]  }
0x26f: {  	v24 =	vsel vm9, $0xFF800000, v24;
	vm9 =	veq.f32 v60, $-Inf;
	v60 =	vld [tilespmem:$0x1FA00]  }
0x270: {  	[tilespmem:$0x1010] =	vst v1;
	v26 =	vld [tilespmem:$0x1FA30]  }
0x271: {  	[tilespmem:$0x17D0] =	vst v62;
	v62 =	vld [tilespmem:$0x3B0]  }
0x272: {  	v30 =	vld [tilespmem:$0x100C]  }
0x273: {  	vm0 =	vlt.f32 v25, $0.0e+00;
	vm5 =	vgt.f32 v25, $0.0e+00;
	v5 =	vld [tilespmem:$0x1014]  }
0x274: {  	[tilespmem:$0x15A0] =	vst v59;
	vm0 =	vmor vm5, vm0;
	v59 =	vld [tilespmem:$0x1FA80]  }
0x275: {  	vm6 =	vnez.u8 v14;
	v19 =	vsel vm1, $0x0, v56;
	vm1 =	veq.f32 v24, $-Inf;
	v24 =	vld [tilespmem:$0x590]  }
0x276: {  	vm0 =	vmand vm6, vm0;
	vm6 =	veq.f32 v52, $-Inf;
	v52 =	vld [tilespmem:$0xD90]  }
0x277: {  	[tilespmem:$0x1580] =	vst v60;
	v60 =	vld [tilespmem:$0x1A0]  }
0x278: {  	v56 =	vsel vm11, $0xFF800000, v23;
	v23 =	vld [tilespmem:$0x5B0]  }
0x279: {  	v21 =	vsel vm0, v17, v39;
	v39 =	vld [tilespmem:$0x990]  }
0x27a: {  	vm2 =	veq.f32 v37, v42;
	[tilespmem:$0x1180] =	vst v19;
	v19 =	vsel vm7, $0xFF800000, v22;
	v22 =	vld [tilespmem:$0x1FA20]  }
0x27b: {  	v17 =	vsel vm2, $0xFF800000, v37;
	v37 =	vld [tilespmem:$0xDA0]  }
0x27c: {  	v1 =	vmax.f32 v1, v30;
	v30 =	vld [tilespmem:$0x9D0]  }
0x27d: {  	[tilespmem:$0x1780] =	vst v43;
	v43 =	vsel vm1, $0x0, v46;
	v46 =	vsel vm6, $0x0, v48;
	v48 =	vld [tilespmem:$0x5F0]  }
0x27e: {  	vm7 =	veq.f32 v19, $-Inf;
	v19 =	vld [tilespmem:$0x5A0]  }
0x27f: {  	vm5 =	veq.f32 v6, $-Inf;
	[tilespmem:$0x1390] =	vst v43;
	v43 =	vld [tilespmem:$0x9E0]  }
0x280: {  	v63 =	vsel vm5, $0x0, v63;
	vm11 =	veq.f32 v34, v42;
	vm0 =	veq.f32 v29, v42;
	[tilespmem:$0x17F0] =	vst v21;
	v21 =	vld [tilespmem:$0xF80]  }
0x281: {  	v15 =	vsel vm11, $0xFF800000, v34;
	v34 =	vsel vm3, $0xFF800000, v11;
	vm11 =	veq.f32 v32, v42;
	[tilespmem:$0x13A0] =	vst v46;
	v46 =	vld [tilespmem:$0x390]  }
0x282: {  	[tilespmem:$0x1380] =	vst v63;
	v63 =	vsel vm7, $0x0, v50;
	v50 =	vld [tilespmem:$0x790];
	v6 =	vsel vm15, $0x0, v22;
	vm15 =	veq.f32 v28, v42  }
0x283: {  	vm7 =	vlt.f32 v20, $0.0e+00;
	[tilespmem:$0x13B0] =	vst v63;
	v63 =	vld [tilespmem:$0x1FAE0];
	v28 =	vsel vm15, $0xFF800000, v28;
	vm15 =	veq.f32 v38, v42  }
0x284: {  	[tilespmem:$0x1190] =	vst v6;
	v6 =	vsel vm14, $0x0, v26;
	vm14 =	veq.f32 v33, v42;
	v14 =	vsel vm15, $0xFF800000, v38;
	v38 =	vld [tilespmem:$0x1FA40]  }
0x285: {  	v26 =	vsel vm0, $0xFF800000, v29;
	v29 =	vld [tilespmem:$0x9A0];
	vm15 =	veq.f32 v27, v42;
	v16 =	vsel vm14, $0xFF800000, v33  }
0x286: {  	v22 =	vsel vm15, $0xFF800000, v27;
	v27 =	vsel vm4, $0xFF800000, v12;
	vm4 =	vnez.u8 v59;
	v59 =	vld [tilespmem:$0x1FAC0]  }
0x287: {  	[tilespmem:$0x15C0] =	vst v53;
	vm14 =	veq.f32 v13, v42;
	vm15 =	veq.f32 v35, v42;
	v53 =	vsel vm4, $0xFF800000, v10;
	v10 =	vld [tilespmem:$0x1FA90]  }
0x288: {  	vm6 =	vlt.f32 v19, $0.0e+00;
	[tilespmem:$0x11A0] =	vst v6;
	v33 =	vld [tilespmem:$0x1B0];
	v11 =	vsel vm15, $0xFF800000, v35;
	v35 =	vsel vm14, $0xFF800000, v13  }
0x289: {  	[tilespmem:$0x17C0] =	vst v63;
	v13 =	vld [tilespmem:$0x1FAA0];
	vm14 =	veq.f32 v31, v42;
	v6 =	vsel vm13, $0x0, v38;
	vm13 =	veq.f32 v36, v42  }
0x28a: {  	v63 =	vld [tilespmem:$0x7B0];
	vm15 =	veq.f32 v27, $-Inf;
	[tilespmem:$0x11B0] =	vst v6;
	v6 =	vsel vm12, $0x0, v57;
	v12 =	vsel vm13, $0xFF800000, v36  }
0x28b: {  	v27 =	vld [tilespmem:$0x5D0];
	vm12 =	veq.f32 v9, v42;
	vm13 =	veq.f32 v8, v42;
	[tilespmem:$0x11C0] =	vst v6;
	v6 =	vsel vm10, $0x0, v58  }
0x28c: {  	v38 =	vld [tilespmem:$0xDB0];
	[tilespmem:$0x15E0] =	vst v10;
	vm10 =	veq.f32 v18, v42;
	v10 =	vsel vm8, $0x0, v59;
	v59 =	vsel vm13, $0xFF800000, v8  }
0x28d: {  	v36 =	vld [tilespmem:$0x9B0];
	v9 =	vsel vm12, $0xFF800000, v9;
	v8 =	vmax.f32 v1, v5;
	vm8 =	vgt.f32 v20, $0.0e+00  }
0x28e: {  	v57 =	vld [tilespmem:$0x1C0];
	vm12 =	vlt.f32 v24, $0.0e+00;
	vm13 =	vgt.f32 v24, $0.0e+00;
	[tilespmem:$0x11D0] =	vst v6;
	v6 =	vsel vm9, $0x0, v13  }
0x28f: {  	v58 =	vld [tilespmem:$0x5C0];
	v13 =	vsel vm10, $0xFF800000, v18;
	[tilespmem:$0x11F0] =	vst v10;
	v10 =	vsel vm14, $0xFF800000, v31;
	vm9 =	veq.f32 v34, $-Inf  }
0x290: {  	v1 =	vld [tilespmem:$0xDD0];
	vm1 =	vmor vm8, vm7;
	vm10 =	vge.f32 v40, v8;
	v34 =	vsel vm15, $0x0, v51  }
0x291: {  	v5 =	vld [tilespmem:$0x1E0];
	vm14 =	vge.f32 v49, v8;
	vm15 =	veq.f32 v56, $-Inf;
	vm7 =	vgt.f32 v19, $0.0e+00  }
0x292: {  	v18 =	vld [tilespmem:$0x9C0];
	vm8 =	veq.f32 v28, $-Inf;
	[tilespmem:$0x11E0] =	vst v6;
	v6 =	vsel vm11, $0xFF800000, v32;
	vm11 =	veq.f32 v53, $-Inf  }
0x293: {  	[tilespmem:$0x1980] =	vst v7;
	v31 =	vld [tilespmem:$0x1D0];
	vm1 =	vmand vm10, vm1;
	v54 =	vsel vm9, $0x0, v54;
	vm9 =	vge.f32 v60, v8  }
0x294: {  	[tilespmem:$0x1790] =	vst v44;
	v40 =	vld [tilespmem:$0x5E0];
	v25 =	vsel vm15, $0x0, v25;
	vm10 =	veq.f32 v35, $-Inf;
	v20 =	vsel vm8, $0x0, v20  }
0x295: {  	[tilespmem:$0x17A0] =	vst v41;
	v28 =	vld [tilespmem:$0x9F0];
	v41 =	vsel vm1, v45, v47;
	vm1 =	vmor vm13, vm12;
	v55 =	vsel vm11, $0x0, v55  }
0x296: {  	[tilespmem:$0x17E0] =	vst v61;
	v51 =	vld [tilespmem:$0x1FAF0];
	v24 =	vsel vm10, $0x0, v24;
	vm11 =	vge.f32 v33, v8;
	vm12 =	vlt.f32 v23, $0.0e+00  }
0x297: {  	v56 =	vld [tilespmem:$0x3A0];
	[tilespmem:$0x13C0] =	vst v34;
	vm13 =	vgt.f32 v23, $0.0e+00;
	vm10 =	vgt.f32 v27, $0.0e+00;
	vm1 =	vmand vm14, vm1  }
0x298: {  	v32 =	vld [tilespmem:$0x1FAB0];
	[tilespmem:$0x13D0] =	vst v54;
	v39 =	vsel vm1, v39, v52;
	vm1 =	vmor vm7, vm6;
	vm14 =	vlt.f32 v58, $0.0e+00  }
0x299: {  	v53 =	vld [tilespmem:$0x1FAD0];
	[tilespmem:$0x13F0] =	vst v25;
	vm15 =	vgt.f32 v58, $0.0e+00;
	vm6 =	vge.f32 v57, v8;
	vm7 =	veq.f32 v26, $-Inf  }
0x29a: {  	v34 =	vld [tilespmem:$0xDF0];
	[tilespmem:$0x1200] =	vst v20;
	vm5 =	vge.f32 v5, v8;
	vm1 =	vmand vm9, vm1;
	vm2 =	vmor vm15, vm14  }
0x29b: {  	v33 =	vld [tilespmem:$0x780];
	[tilespmem:$0x13E0] =	vst v55;
	vm9 =	vlt.f32 v27, $0.0e+00;
	v19 =	vsel vm7, $0x0, v19;
	vm14 =	veq.f32 v9, $-Inf  }
0x29c: {  	v35 =	vld [tilespmem:$0x380];
	[tilespmem:$0x1600] =	vst v41;
	vm15 =	vlt.f32 v40, $0.0e+00;
	vm4 =	vgt.f32 v40, $0.0e+00;
	vm7 =	vgt.f32 v48, $0.0e+00  }
0x29d: {  	v60 =	vld [tilespmem:$0xFA0];
	[tilespmem:$0x1210] =	vst v24;
	v29 =	vsel vm1, v29, v37;
	vm1 =	vmor vm13, vm12;
	vm8 =	vmand vm6, vm2  }
0x29e: {  	v45 =	vld [tilespmem:$0xDE0];
	[tilespmem:$0x1990] =	vst v51;
	vm12 =	vge.f32 v31, v8;
	vm13 =	veq.f32 v22, $-Inf;
	vm6 =	vlt.f32 v48, $0.0e+00  }
0x29f: {  	v47 =	vld [tilespmem:$0x1F0];
	[tilespmem:$0x1610] =	vst v39;
	vm0 =	vmand vm11, vm1;
	vm11 =	veq.f32 v59, $-Inf;
	v55 =	vsel vm13, $0x0, v58  }
0x2a0: {  	v57 =	vld [tilespmem:$0x7A0];
	[tilespmem:$0x15F0] =	vst v32;
	v58 =	vsel vm14, $0x0, v27;
	vm1 =	vmor vm4, vm15;
	vm13 =	vgt.f32 v33, $0.0e+00  }
0x2a1: {  	v41 =	vld [tilespmem:$0x3C0];
	[tilespmem:$0x17B0] =	vst v53;
	vm14 =	vlt.f32 v50, $0.0e+00;
	vm15 =	vgt.f32 v50, $0.0e+00;
	v44 =	vsel vm0, v36, v38  }
0x2a2: {  	v52 =	vld [tilespmem:$0xB90];
	[tilespmem:$0x1220] =	vst v19;
	vm0 =	vmor vm10, vm9;
	v54 =	vsel vm11, $0x0, v23;
	vm9 =	veq.f32 v13, $-Inf  }
0x2a3: {  	v32 =	vld [tilespmem:$0xDC0];
	[tilespmem:$0x1620] =	vst v29;
	vm10 =	veq.f32 v17, $-Inf;
	vm11 =	vge.f32 v35, v8;
	vm2 =	vmor vm15, vm14  }
0x2a4: {  	v39 =	vld [tilespmem:$0xBB0];
	[tilespmem:$0x1240] =	vst v55;
	vm14 =	vge.f32 v62, v8;
	vm15 =	veq.f32 v15, $-Inf;
	vm0 =	vmand vm12, vm0  }
0x2a5: {  	v51 =	vld [tilespmem:$0x3E0];
	[tilespmem:$0x1250] =	vst v58;
	v38 =	vsel vm10, $0x0, v48;
	vm12 =	vlt.f32 v33, $0.0e+00;
	vm10 =	vgt.f32 v57, $0.0e+00  }
0x2a6: {  	v37 =	vld [tilespmem:$0xB80];
	[tilespmem:$0x1630] =	vst v44;
	v9 =	vsel vm15, $0x0, v57;
	v1 =	vsel vm0, v30, v1;
	vm0 =	vmand vm5, vm1  }
0x2a7: {  	v53 =	vld [tilespmem:$0xF90];
	[tilespmem:$0x1230] =	vst v54;
	vm1 =	vmor vm7, vm6;
	vm6 =	vge.f32 v46, v8;
	vm7 =	veq.f32 v16, $-Inf  }
0x2a8: {  	v59 =	vld [tilespmem:$0xBA0];
	[tilespmem:$0x1270] =	vst v38;
	v49 =	vsel vm8, v18, v32;
	v61 =	vsel vm0, v43, v45;
	vm8 =	vge.f32 v47, v8  }
0x2a9: {  	v55 =	vld [tilespmem:$0x7F0];
	[tilespmem:$0x1420] =	vst v9;
	v32 =	vsel vm9, $0x0, v40;
	v44 =	vsel vm7, $0x0, v33;
	vm9 =	vlt.f32 v57, $0.0e+00  }
0x2aa: {  	v48 =	vld [tilespmem:$0x7D0];
	[tilespmem:$0x1650] =	vst v1;
	vm0 =	vmand vm8, vm1;
	vm1 =	vmor vm13, vm12;
	vm8 =	veq.f32 v14, $-Inf  }
0x2ab: {  	v40 =	vld [tilespmem:$0xFB0];
	[tilespmem:$0x1640] =	vst v49;
	vm12 =	vgt.f32 v63, $0.0e+00;
	vm13 =	vge.f32 v56, v8;
	v36 =	vsel vm0, v28, v34  }
0x2ac: {  	v1 =	vld [tilespmem:$0x7C0];
	[tilespmem:$0x1660] =	vst v61;
	vm0 =	vmand vm11, vm1;
	vm1 =	vmand vm6, vm2;
	v46 =	vsel vm8, $0x0, v50  }
0x2ad: {  	v47 =	vld [tilespmem:$0x3D0];
	[tilespmem:$0x1260] =	vst v32;
	vm11 =	vlt.f32 v63, $0.0e+00;
	vm6 =	veq.f32 v12, $-Inf;
	v21 =	vsel vm0, v37, v21  }
0x2ae: {  	v54 =	vld [tilespmem:$0xFE0];
	[tilespmem:$0x1400] =	vst v44;
	v22 =	vsel vm1, v52, v53;
	vm0 =	vmor vm10, vm9;
	vm1 =	vmor vm12, vm11  }
0x2af: {  	v43 =	vld [tilespmem:$0xBC0];
	[tilespmem:$0x1670] =	vst v36;
	v13 =	vsel vm6, $0x0, v63;
	vm9 =	vge.f32 v41, v8;
	vm10 =	vlt.f32 v48, $0.0e+00  }
0x2b0: {  	v45 =	vld [tilespmem:$0xFC0];
	[tilespmem:$0x1410] =	vst v46;
	vm11 =	vgt.f32 v48, $0.0e+00;
	vm0 =	vmand vm13, vm0;
	vm1 =	vmand vm14, vm1  }
0x2b1: {  	v49 =	vld [tilespmem:$0xBD0];
	vm12 =	veq.f32 v11, $-Inf;
	[tilespmem:$0x1800] =	vst v21;
	v5 =	vsel vm0, v59, v60;
	v7 =	vsel vm1, v39, v40  }
0x2b2: {  	v52 =	vld [tilespmem:$0x7E0];
	[tilespmem:$0x1810] =	vst v22;
	vm7 =	vlt.f32 v1, $0.0e+00;
	vm8 =	vgt.f32 v1, $0.0e+00;
	vm13 =	vge.f32 v47, v8  }
0x2b3: {  	v50 =	vld [tilespmem:$0xFD0];
	[tilespmem:$0x1430] =	vst v13;
	v1 =	vsel vm12, $0x0, v1;
	vm12 =	veq.f32 v10, $-Inf;
	vm1 =	vmor vm8, vm7  }
0x2b4: {  	v57 =	vld [tilespmem:$0x3F0];
	[tilespmem:$0x1820] =	vst v5;
	vm7 =	veq.f32 v6, $-Inf;
	vm8 =	vge.f32 v51, v8;
	vm0 =	vmand vm9, vm1  }
0x2b5: {  	v63 =	vld [tilespmem:$0x1FB00];
	[tilespmem:$0x1440] =	vst v1;
	vm1 =	vmor vm11, vm10;
	vm9 =	veq.f32 v4, v42;
	v1 =	vsel vm7, $0x0, v48  }
0x2b6: {  	v53 =	vld [tilespmem:$0xBE0];
	[tilespmem:$0x1830] =	vst v7;
	vm10 =	vlt.f32 v55, $0.0e+00;
	v56 =	vsel vm0, v43, v45;
	vm14 =	vmand vm13, vm1  }
0x2b7: {  	v59 =	vld [tilespmem:$0xBF0];
	vm15 =	vlt.f32 v52, $0.0e+00;
	vm6 =	vgt.f32 v52, $0.0e+00;
	[tilespmem:$0x1450] =	vst v1;
	v1 =	vsel vm9, $0xFF800000, v4  }
0x2b8: {  	v60 =	vld [tilespmem:$0xFF0];
	v61 =	vsel vm12, $0x0, v52;
	v58 =	vsel vm14, v49, v50;
	[tilespmem:$0x1840] =	vst v56;
	vm14 =	veq.f32 v1, $-Inf  }
0x2b9: {  	vm11 =	vgt.f32 v55, $0.0e+00;
	vm0 =	vmor vm6, vm15;
	[tilespmem:$0x1460] =	vst v61;
	v1 =	vsel vm14, $0x0, v55  }
0x2ba: {  	vm13 =	vge.f32 v57, v8;
	vm15 =	vnez.u8 v63;
	vm0 =	vmand vm8, vm0;
	[tilespmem:$0x1470] =	vst v1;
	v1 =	vld [tilespmem:$0x1FB10]  }
0x2bb: {  	[tilespmem:$0x1850] =	vst v58;
	v3 =	vsel vm15, v42, v3;
	v5 =	vsel vm0, v53, v54;
	vm0 =	vmor vm11, vm10  }
0x2bc: {  	[tilespmem:$0x1A00] =	vst v3;
	vm0 =	vmand vm13, vm0  }
0x2bd: {  	[tilespmem:$0x1860] =	vst v5;
	v62 =	vsel vm0, v59, v60  }
0x2be: {  	[tilespmem:$0x1870] =	vst v62  }
0x2bf: {  	[tilespmem:$0x1A10] =	vst v1  }
0x2c0: {  	[hbm4b:s7+s11] =	stream.strided.scatter [tilespmem:s16], [sflag:$0x2], $0x400, s12, s11, $0x38;
	[tilespmem:$0x1A80] =	vst v63  }
0x2c1: {  	_ =	swait.ge [sflag:s17], $0x400  }
0x2c2: {  	[sflag:s17] =	ssyncset.done $0x0  }
0x2c3: {  	[sflag:s17] =	ssyncadd.s32 $0xFFFFFC00  }
0x2c4: {  	[hbm4b:s8+s11] =	stream.strided.scatter [tilespmem:s18], [sflag:$0x2], $0x400, s12, s11, $0x38;
	[tilespmem:$0x1A80] =	vst v63  }
0x2c5: {  	s20 =	sadd.s32 $0x1, s20;
	_ =	swait.ge [sflag:s17], $0x400  }
0x2c6: {  	p0 =	sne.s32 s20, s10;
	[sflag:s17] =	ssyncset.done $0x0  }
.Ltmp2:
0x2c7: {  	[sflag:s17] =	ssyncadd.s32 $0xFFFFFC00;
	(pc) =	sbr.rel @p0 .LBB2_1-.Ltmp2, $4  }
0x2c8: {  	[hbm4b:s9+s2] =	stream.linear.scatter [tilespmem:s19], [sflag:$0x2], $0x200, $0x38;
	[tilespmem:$0x1A80] =	vst v63  }
0x2c9: {  	_ =	swait.ge [sflag:s17], $0x200  }
0x2ca: {  	[sflag:s17] =	ssyncset.done $0x0  }
0x2cb: {  	[sflag:s17] =	ssyncadd.s32 $0xFFFFFE00  }
0x2cc: {  	_ =	sfence.sel $0x180000  }
0x2cd: {  	[bflag:$0x0] =	sbarrier.arrive $0xFFFF  }
0x2ce: {  	p0 =	sne.s32 s1, $0x0;
	_ =	strace $0x90000047  }
0x2cf: {  	s0 =	sadd.s32 @!p0 $0x100000, s0;
	[bflag:$0x2] =	sbarrier.arrive $0xFFFF  }
0x2d0: {  	[sflag:s0] =	ssyncadd.tile.s32 @!p0 $0x1;
	_ =	shalt  }
.Lfunc_end2:
_tile_overlayer_lowered:
.L_overlay_start_2:
0x2d1: {  	(tag) =	ssettag $0x2  }
0x2d2: {  	s0 =	rddreg [dreg:$0x0];
	s2 =	stileid.u32  }
0x2d3: {  	s1 =	rddreg [dreg:$0x1];
	p0 =	sne.s32 s2, $0x0  }
0x2d4: {  	s3 =	rddreg [dreg:$0x2];
	[bflag:$0x3] =	sbarrier.arrive $0xFFFF;
	s2 =	simm.s32 @!p0 $0x1C02  }
0x2d5: {  	[timem:s3], [sflag:s2] =	dma.local @!p0 [hbm:s0], s1  }
0x2d6: {  	s0 =	simm.s32 @!p0 $0x2  }
0x2d7: {  	_ =	swait.ge @!p0 [sflag:s0], s1  }
0x2d8: {  	s1 =	ssub.s32 @!p0 $0x0, s1;
	[sflag:s0] =	ssyncset.done @!p0 $0x0  }
0x2d9: {  	[sflag:s0] =	ssyncadd.s32 @!p0 s1  }
0x2da: {  	[bflag:$0x3] =	sbarrier.arrive $0xFFFF  }
0x2db: {  	_ =	shalt  }

</sc_bundles>
